<compile_context>
chip_gen: v7x
topology: tpu7x:2x2x1
jax: 0.10.2.dev20260603
libtpu: 0.0.44.dev20260713+nightly
codegen_flags: <defaults>
</compile_context>

<pallas_src>
import functools

import jax
import jax.numpy as jnp
from jax import lax
from jax.experimental import pallas as pl
from jax.experimental.pallas import tpu as pltpu
from jax.experimental.pallas import tpu_sc as plsc

N = 10000
E = 320000
IN_DIM = 128
HID = 256
OUT = 256
NC_CLS = 10
L = 4

D = HID // 2
NSUB = 16
B = 128
NCHUNK = E // B
ITERS = -(-NCHUNK // NSUB)
NP = 10112
STRIPE = NP // NSUB
DW = 128


HALF_CH = NCHUNK // 2
DITERS = 80
CPAD = 2 * NSUB * DITERS


def _sc_degs_body(dstp_hbm, ones_hbm, zeros_hbm, out2_hbm, dst_v, ones_v,
                  ssem, acc):
    c = lax.axis_index("c")
    s = lax.axis_index("s")
    row0 = pl.multiple_of((c * NSUB + s) * DITERS, 8)
    pltpu.async_copy(dstp_hbm.at[pl.ds(row0, DITERS)], dst_v, ssem)
    pltpu.sync_copy(zeros_hbm, acc.at[pl.ds(s * STRIPE, STRIPE)])
    pltpu.sync_copy(ones_hbm, ones_v)
    pltpu.make_async_copy(
        dstp_hbm.at[pl.ds(row0, DITERS)], dst_v, ssem).wait()
    plsc.subcore_barrier()

    nvalid = jnp.minimum(jnp.maximum(HALF_CH - s * DITERS, 0), DITERS)

    def fire(j, carry):
        @pl.when(j < nvalid)
        def _():
            pltpu.async_copy(ones_v, acc.at[dst_v.at[j]], ssem, add=True)
        return carry

    lax.fori_loop(0, DITERS, fire, None)

    def drain(j, carry):
        @pl.when(j < nvalid)
        def _():
            pltpu.make_async_copy(
                ones_v, acc.at[dst_v.at[0]], ssem).wait()
        return carry

    lax.fori_loop(0, DITERS, drain, None)
    plsc.subcore_barrier()
    out_base = pl.multiple_of(c * NP + s * STRIPE, 8)
    pltpu.sync_copy(acc.at[pl.ds(s * STRIPE, STRIPE)],
                    out2_hbm.at[pl.ds(out_base, STRIPE)])


def _sc_agg_body(hn2_hbm, idx4_hbm, zeros_hbm, out2_hbm,
                 idx_v0, idx_v1, idx_v2, rows_v0, rows_v1, rows_v2,
                 gsem0, gsem1, gsem2, acc):
    c = lax.axis_index("c")
    s = lax.axis_index("s")
    pltpu.sync_copy(zeros_hbm, acc.at[pl.ds(s * STRIPE, STRIPE)])
    plsc.subcore_barrier()

    def cid_of(k):
        return k * NSUB + s

    def launch(k, idx_v, rows_v, gsem):
        @pl.when(cid_of(k) < NCHUNK)
        def _():
            pltpu.sync_copy(idx4_hbm.at[cid_of(k), pl.ds(2 * c, 2)], idx_v)
            pltpu.async_copy(hn2_hbm.at[idx_v.at[0]], rows_v, gsem)

    launch(0, idx_v0, rows_v0, gsem0)
    launch(1, idx_v1, rows_v1, gsem1)

    def stage(k, idx_a, rows_a, gsem_a, idx_c, rows_c, gsem_c):
        launch(k + 2, idx_c, rows_c, gsem_c)

        @pl.when(cid_of(k) < NCHUNK)
        def _():
            pltpu.make_async_copy(
                hn2_hbm.at[idx_a.at[0]], rows_a, gsem_a).wait()
            pltpu.sync_copy(rows_a, acc.at[idx_a.at[1]], add=True)

    def triple(j, carry):
        stage(3 * j, idx_v0, rows_v0, gsem0, idx_v2, rows_v2, gsem2)
        stage(3 * j + 1, idx_v1, rows_v1, gsem1, idx_v0, rows_v0, gsem0)
        stage(3 * j + 2, idx_v2, rows_v2, gsem2, idx_v1, rows_v1, gsem1)
        return carry

    lax.fori_loop(0, (ITERS + 2) // 3, triple, None)
    plsc.subcore_barrier()
    out_base = pl.multiple_of(c * NP + s * STRIPE, 8)
    pltpu.sync_copy(acc.at[pl.ds(s * STRIPE, STRIPE)],
                    out2_hbm.at[pl.ds(out_base, STRIPE)])


@functools.lru_cache(maxsize=1)
def _build_sc_kernels():
    mesh = plsc.VectorSubcoreMesh(
        core_axis_name="c", subcore_axis_name="s",
        num_cores=2, num_subcores=NSUB)
    degs_k = pl.kernel(
        _sc_degs_body,
        out_type=jax.ShapeDtypeStruct((2 * NP, DW), jnp.float32),
        mesh=mesh,
        scratch_types=[
            pltpu.VMEM((DITERS, B), jnp.int32),
            pltpu.VMEM((B, DW), jnp.float32),
            pltpu.SemaphoreType.DMA,
            pltpu.VMEM_SHARED((NP, DW), jnp.float32),
        ],
    )
    agg_k = pl.kernel(
        _sc_agg_body,
        out_type=jax.ShapeDtypeStruct((2 * NP, D), jnp.float32),
        mesh=mesh,
        scratch_types=[
            pltpu.VMEM((2, B), jnp.int32),
            pltpu.VMEM((2, B), jnp.int32),
            pltpu.VMEM((2, B), jnp.int32),
            pltpu.VMEM((B, D), jnp.float32),
            pltpu.VMEM((B, D), jnp.float32),
            pltpu.VMEM((B, D), jnp.float32),
            pltpu.SemaphoreType.DMA,
            pltpu.SemaphoreType.DMA,
            pltpu.SemaphoreType.DMA,
            pltpu.VMEM_SHARED((NP, D), jnp.float32),
        ],
    )
    return degs_k, agg_k


R = 1000
G = N // R


def _norm_col(degs_blk):
    d = degs_blk[0, :, 0:1] + degs_blk[1, :, 0:1]
    return lax.rsqrt(jnp.maximum(d, 1.0))


def _enc_body(h_ref, w_ref, b_ref, wp_ref, degs_ref,
              hcur_ref, hn2_ref, score_ref):
    hc = jnp.dot(h_ref[...], w_ref[...], preferred_element_type=jnp.float32)
    hc = hc + b_ref[...]
    hcur_ref[...] = hc
    hn = hc * _norm_col(degs_ref[...])
    hn2_ref[0] = hn[:, :D]
    hn2_ref[1] = hn[:, D:]
    score_ref[...] = jnp.dot(hc, wp_ref[...], preferred_element_type=jnp.float32)


_enc = pl.pallas_call(
    _enc_body,
    grid=(G,),
    in_specs=[
        pl.BlockSpec((R, IN_DIM), lambda i: (i, 0)),
        pl.BlockSpec((IN_DIM, HID), lambda i: (0, 0)),
        pl.BlockSpec((1, HID), lambda i: (0, 0)),
        pl.BlockSpec((OUT, 128), lambda i: (0, 0)),
        pl.BlockSpec((2, R, DW), lambda i: (0, i, 0)),
    ],
    out_specs=[
        pl.BlockSpec((R, HID), lambda i: (i, 0)),
        pl.BlockSpec((2, R, D), lambda i: (0, i, 0)),
        pl.BlockSpec((R, 128), lambda i: (i, 0)),
    ],
    out_shape=[
        jax.ShapeDtypeStruct((N, HID), jnp.float32),
        jax.ShapeDtypeStruct((2, N, D), jnp.float32),
        jax.ShapeDtypeStruct((N, 128), jnp.float32),
    ],
)


def _stats_body(hcur_ref, agg_ref, degs_ref, epsr_ref,
                rstp_ref, mom_ref):
    i = pl.program_id(0)
    hc = hcur_ref[...]
    agg = jnp.concatenate([agg_ref[0], agg_ref[1]], axis=1)
    r = hc * epsr_ref[...] + agg * _norm_col(degs_ref[...])
    rstp_ref[...] = r
    m = jnp.stack([jnp.sum(r, axis=0), jnp.sum(r * r, axis=0)])

    @pl.when(i == 0)
    def _():
        mom_ref[...] = m

    @pl.when(i > 0)
    def _():
        mom_ref[...] += m


_stats = pl.pallas_call(
    _stats_body,
    grid=(G,),
    in_specs=[
        pl.BlockSpec((R, HID), lambda i: (i, 0)),
        pl.BlockSpec((2, R, D), lambda i: (0, i, 0)),
        pl.BlockSpec((2, R, DW), lambda i: (0, i, 0)),
        pl.BlockSpec((1, HID), lambda i: (0, 0)),
    ],
    out_specs=[
        pl.BlockSpec((R, HID), lambda i: (i, 0)),
        pl.BlockSpec((2, HID), lambda i: (0, 0)),
    ],
    out_shape=[
        jax.ShapeDtypeStruct((N, HID), jnp.float32),
        jax.ShapeDtypeStruct((2, HID), jnp.float32),
    ],
)


def _layer_body(rstp_ref, hcur_ref, sc_ref, sh_ref, wl_ref, bl_ref, wp_ref,
                degs_ref, score_ref,
                hn_ref, hn2_ref, sco_ref):
    r = jnp.maximum(rstp_ref[...] * sc_ref[...] + sh_ref[...], 0.0)
    r = r + hcur_ref[...]
    hn = jnp.dot(r, wl_ref[...], preferred_element_type=jnp.float32)
    hn = hn + bl_ref[...]
    hn_ref[...] = hn
    hnn = hn * _norm_col(degs_ref[...])
    hn2_ref[0] = hnn[:, :D]
    hn2_ref[1] = hnn[:, D:]
    sco_ref[...] = score_ref[...] + jnp.dot(
        hn, wp_ref[...], preferred_element_type=jnp.float32)


_layer = pl.pallas_call(
    _layer_body,
    grid=(G,),
    in_specs=[
        pl.BlockSpec((R, HID), lambda i: (i, 0)),
        pl.BlockSpec((R, HID), lambda i: (i, 0)),
        pl.BlockSpec((1, HID), lambda i: (0, 0)),
        pl.BlockSpec((1, HID), lambda i: (0, 0)),
        pl.BlockSpec((HID, OUT), lambda i: (0, 0)),
        pl.BlockSpec((1, OUT), lambda i: (0, 0)),
        pl.BlockSpec((OUT, 128), lambda i: (0, 0)),
        pl.BlockSpec((2, R, DW), lambda i: (0, i, 0)),
        pl.BlockSpec((R, 128), lambda i: (i, 0)),
    ],
    out_specs=[
        pl.BlockSpec((R, OUT), lambda i: (i, 0)),
        pl.BlockSpec((2, R, D), lambda i: (0, i, 0)),
        pl.BlockSpec((R, 128), lambda i: (i, 0)),
    ],
    out_shape=[
        jax.ShapeDtypeStruct((N, OUT), jnp.float32),
        jax.ShapeDtypeStruct((2, N, D), jnp.float32),
        jax.ShapeDtypeStruct((N, 128), jnp.float32),
    ],
    input_output_aliases={8: 2},
)


@jax.jit
def kernel(h, edge_index, e, W_enc, b_enc, eps, gamma, beta,
           W_lin, b_lin, W_pred, b_pred):
    src = edge_index[0]
    dst = edge_index[1]
    idx4 = jnp.stack([src, dst, src + N, dst]).reshape(
        4, NCHUNK, B).transpose(1, 0, 2)

    ones_dw = jnp.ones((B, DW), jnp.float32)
    zeros_dw = jnp.zeros((STRIPE, DW), jnp.float32)
    zeros_d = jnp.zeros((STRIPE, D), jnp.float32)
    wp_pad = jnp.pad(W_pred, ((0, 0), (0, 0), (0, 128 - NC_CLS)))
    b_total = jnp.sum(b_pred, axis=0)

    dstc = dst.reshape(NCHUNK, B)
    pad = jnp.zeros((NSUB * DITERS - HALF_CH, B), jnp.int32)
    dstp = jnp.concatenate([dstc[:HALF_CH], pad, dstc[HALF_CH:], pad])

    sc_degs, sc_agg = _build_sc_kernels()
    degs = sc_degs(dstp, ones_dw, zeros_dw).reshape(2, NP, DW)

    hcur, hn2, score = _enc(h, W_enc, b_enc.reshape(1, HID), wp_pad[0], degs)

    for i in range(L):
        agg2 = sc_agg(hn2.reshape(2 * N, D), idx4, zeros_d)
        agg2 = agg2.reshape(2, NP, D)
        epsr = jnp.full((1, HID), 1.0, jnp.float32) + eps[i]
        rstp, mom = _stats(hcur, agg2, degs, epsr)
        mean = mom[0] / N
        var = mom[1] / N - mean * mean
        ginv = gamma[i] * lax.rsqrt(var + 1e-5)
        scale = ginv.reshape(1, HID)
        shift = (beta[i] - mean * ginv).reshape(1, HID)
        hcur, hn2, score = _layer(
            rstp, hcur, scale, shift, W_lin[i], b_lin[i].reshape(1, OUT),
            wp_pad[i + 1], degs, score)

    return score[:, :NC_CLS] + b_total

# --- scband reference (transcript-rebuilt; emitter-appended) ---
"""Pipeline reference for scband-simple-ginnet-58480274702622 (READ-ONLY COPY).

The authoritative reference and input builder live on the scoring server;
editing this copy changes nothing except your own understanding.
"""

import jax, jax.numpy as jnp
import numpy as np

N = 10000
E = 320000
IN_DIM = 128
HID = 256
OUT = 256
NC = 10
L = 4

def setup_inputs(seed: int = 0):
    key = jax.random.key(seed)
    ks = jax.random.split(key, 8)
    h = jax.random.normal(ks[0], (N, IN_DIM), dtype=jnp.float32)
    edge_index = jax.random.randint(ks[1], (2, E), 0, N, dtype=jnp.int32)
    e = jax.random.normal(ks[2], (E, 4), dtype=jnp.float32)
    W_enc = jax.random.normal(ks[3], (IN_DIM, HID), dtype=jnp.float32) * (1.0 / np.sqrt(IN_DIM))
    b_enc = jnp.zeros((HID,), dtype=jnp.float32)
    eps = jnp.zeros((L,), dtype=jnp.float32)
    gamma = jnp.ones((L, HID), dtype=jnp.float32)
    beta = jnp.zeros((L, HID), dtype=jnp.float32)
    W_lin = jax.random.normal(ks[4], (L, HID, OUT), dtype=jnp.float32) * (1.0 / np.sqrt(HID))
    b_lin = jnp.zeros((L, OUT), dtype=jnp.float32)
    W_pred = jax.random.normal(ks[5], (L + 1, OUT, NC), dtype=jnp.float32) * (1.0 / np.sqrt(OUT))
    b_pred = jnp.zeros((L + 1, NC), dtype=jnp.float32)
    return {"h": h, "edge_index": edge_index, "e": e, "W_enc": W_enc, "b_enc": b_enc, "eps": eps, "gamma": gamma, "beta": beta, "W_lin": W_lin, "b_lin": b_lin, "W_pred": W_pred, "b_pred": b_pred}

def reference(h, edge_index, e, W_enc, b_enc, eps, gamma, beta, W_lin, b_lin, W_pred, b_pred):
    src = edge_index[0]
    dst = edge_index[1]
    # node encoder (dropout p=0 -> identity)
    hcur = h @ W_enc + b_enc
    # in-degrees and symmetric norm
    degs = jax.ops.segment_sum(jnp.ones((E,), dtype=jnp.float32), dst, num_segments=N)
    degs = jnp.clip(degs, 1.0, None)
    norm = (degs ** -0.5)[:, None]
    hidden = [hcur]
    for i in range(L):
        h_in = hcur
        # normalized sum aggregation (GIN layer with norm)
        msg = (hcur * norm)[src]
        agg = jax.ops.segment_sum(msg, dst, num_segments=N) * norm
        rst = (1.0 + eps[i]) * hcur + agg
        # batch norm (training-mode batch statistics)
        mean = jnp.mean(rst, axis=0)
        var = jnp.var(rst, axis=0)
        rst = (rst - mean) / jnp.sqrt(var + 1e-5) * gamma[i] + beta[i]
        rst = jax.nn.relu(rst)
        # residual
        rst = h_in + rst
        hcur = rst @ W_lin[i] + b_lin[i]
        hidden.append(hcur)
    score = jnp.zeros((N, NC), dtype=jnp.float32)
    for i in range(L + 1):
        score = score + hidden[i] @ W_pred[i] + b_pred[i]
    return score

if __name__ == "__main__":
    import jax
    _d = setup_inputs()
    print(jax.jit(kernel)(*tuple(_d.values())))

</pallas_src>

<mosaic_0001>
#map = affine_map<(d0, d1) -> (0, 0)>
module attributes {stable_mosaic.version = 14 : i64} {
  func.func @_sc_degs_body(%arg0: i32, %arg1: i32, %arg2: memref<2560x128xi32, #tpu.memory_space<hbm>>, %arg3: memref<128x128xf32, #tpu.memory_space<hbm>>, %arg4: memref<632x128xf32, #tpu.memory_space<hbm>>, %arg5: memref<20224x128xf32, #tpu.memory_space<hbm>>, %arg6: memref<80x128xi32, #tpu.memory_space<vmem>>, %arg7: memref<128x128xf32, #tpu.memory_space<vmem>>, %arg8: memref<!tpu.dma_semaphore, #tpu.memory_space<semaphore_mem>>, %arg9: memref<10112x128xf32, #tpu.memory_space<vmem_shared>>) attributes {dimension_semantics = [#tpu.dimension_semantics<core_parallel>, #tpu.dimension_semantics<subcore_parallel>], iteration_bounds = array<i64: 2, 16>, scalar_prefetch = 0 : i64, scratch_operands = 4 : i64, tpu.core_type = #tpu.core_type<sc_vector_subcore>, window_params = [{transform_indices = #map}, {transform_indices = #map}, {transform_indices = #map}, {transform_indices = #map}]} {
    %mul3A = arith.constant 16 : i32
    %mul3A_0 = arith.muli %arg0, %mul3A : i32
    %add3A = arith.addi %mul3A_0, %arg1 : i32
    %mul3A_1 = arith.constant 80 : i32
    %mul3A_2 = arith.muli %add3A, %mul3A_1 : i32
    %multiple_of3A = tpu.assume_multiple %mul3A_2, 8 : i32
    %dma_start3A = arith.constant 0 : i32
    %dma_start3A_3 = tpu.memref_slice %arg2[%multiple_of3A, %dma_start3A] : memref<2560x128xi32, #tpu.memory_space<hbm>> -> memref<80x128xi32, #tpu.memory_space<hbm>>
    %dma_start3A_4 = arith.constant 0 : i32
    %dma_start3A_5 = tpu.memref_slice %arg2[%multiple_of3A, %dma_start3A_4] : memref<2560x128xi32, #tpu.memory_space<hbm>> -> memref<80x128xi32, #tpu.memory_space<hbm>>
    tpu.enqueue_dma source(%dma_start3A_5 : memref<80x128xi32, #tpu.memory_space<hbm>>) target(%arg6 : memref<80x128xi32, #tpu.memory_space<vmem>>) target_semaphore(%arg8 : memref<!tpu.dma_semaphore, #tpu.memory_space<semaphore_mem>>)
    %mul3A_6 = arith.constant 632 : i32
    %mul3A_7 = arith.muli %arg1, %mul3A_6 : i32
    "tpu.region"() ({
      %run_scoped3A = tpu.sem_alloc : memref<!tpu.dma_semaphore, #tpu.memory_space<semaphore_mem>>
      %dma_start3A_34 = arith.constant 0 : i32
      %dma_start3A_35 = tpu.memref_slice %arg9[%mul3A_7, %dma_start3A_34] : memref<10112x128xf32, #tpu.memory_space<vmem_shared>> -> memref<632x128xf32, #tpu.memory_space<vmem_shared>>
      tpu.enqueue_dma source(%arg4 : memref<632x128xf32, #tpu.memory_space<hbm>>) target(%dma_start3A_35 : memref<632x128xf32, #tpu.memory_space<vmem_shared>>) target_semaphore(%run_scoped3A : memref<!tpu.dma_semaphore, #tpu.memory_space<semaphore_mem>>)
      %dma_wait3A_36 = arith.constant 0 : i32
      %dma_wait3A_37 = tpu.memref_slice %arg9[%mul3A_7, %dma_wait3A_36] : memref<10112x128xf32, #tpu.memory_space<vmem_shared>> -> memref<632x128xf32, #tpu.memory_space<vmem_shared>>
      tpu.wait_dma2 semaphore(%run_scoped3A : memref<!tpu.dma_semaphore, #tpu.memory_space<semaphore_mem>>) src(%arg4 : memref<632x128xf32, #tpu.memory_space<hbm>>) dst(%dma_wait3A_37 : memref<632x128xf32, #tpu.memory_space<vmem_shared>>)
      tpu.yield
    }) : () -> ()
    "tpu.region"() ({
      %run_scoped3A = tpu.sem_alloc : memref<!tpu.dma_semaphore, #tpu.memory_space<semaphore_mem>>
      tpu.enqueue_dma source(%arg3 : memref<128x128xf32, #tpu.memory_space<hbm>>) target(%arg7 : memref<128x128xf32, #tpu.memory_space<vmem>>) target_semaphore(%run_scoped3A : memref<!tpu.dma_semaphore, #tpu.memory_space<semaphore_mem>>)
      tpu.wait_dma2 semaphore(%run_scoped3A : memref<!tpu.dma_semaphore, #tpu.memory_space<semaphore_mem>>) src(%arg3 : memref<128x128xf32, #tpu.memory_space<hbm>>) dst(%arg7 : memref<128x128xf32, #tpu.memory_space<vmem>>)
      tpu.yield
    }) : () -> ()
    %dma_wait3A = arith.constant 0 : i32
    %dma_wait3A_8 = tpu.memref_slice %arg2[%multiple_of3A, %dma_wait3A] : memref<2560x128xi32, #tpu.memory_space<hbm>> -> memref<80x128xi32, #tpu.memory_space<hbm>>
    %dma_wait3A_9 = arith.constant 0 : i32
    %dma_wait3A_10 = tpu.memref_slice %arg2[%multiple_of3A, %dma_wait3A_9] : memref<2560x128xi32, #tpu.memory_space<hbm>> -> memref<80x128xi32, #tpu.memory_space<hbm>>
    tpu.wait_dma2 semaphore(%arg8 : memref<!tpu.dma_semaphore, #tpu.memory_space<semaphore_mem>>) src(%dma_wait3A_10 : memref<80x128xi32, #tpu.memory_space<hbm>>) dst(%arg6 : memref<80x128xi32, #tpu.memory_space<vmem>>)
    %barrier3A = arith.constant 0 : index
    tpu.barrier barrier_id(%barrier3A)
    %mul3A_11 = arith.constant 80 : i32
    %mul3A_12 = arith.muli %arg1, %mul3A_11 : i32
    %sub3A = arith.constant 1250 : i32
    %sub3A_13 = arith.subi %sub3A, %mul3A_12 : i32
    %max3A = arith.constant 0 : i32
    %max3A_14 = arith.maxsi %sub3A_13, %max3A : i32
    %min3A = arith.constant 80 : i32
    %min3A_15 = arith.minsi %max3A_14, %min3A : i32
    %scan3A = arith.constant 0 : i32
    %scan3A_16 = arith.constant 80 : i32
    %scan3A_17 = arith.addi %scan3A, %scan3A_16 : i32
    %scan3A_18 = arith.constant 1 : i32
    scf.for %scan3A_34 = %scan3A to %scan3A_17 step %scan3A_18  : i32 {
      %lt3A = arith.cmpi slt, %scan3A_34, %min3A_15 : i32
      %convert_element_type3A = arith.extui %lt3A : i1 to i32
      %cond3A = arith.constant 0 : i32
      %cond3A_35 = arith.cmpi ne, %convert_element_type3A, %cond3A : i32
      scf.if %cond3A_35 {
        %dma_start3A_36 = arith.constant 0 : i32
        %dma_start3A_37 = tpu.memref_slice %arg6[%scan3A_34, %dma_start3A_36] : memref<80x128xi32, #tpu.memory_space<vmem>> -> memref<1x128xi32, #tpu.memory_space<vmem>>
        %dma_start3A_38 = tpu.memref_squeeze %dma_start3A_37 : memref<1x128xi32, #tpu.memory_space<vmem>> -> memref<128xi32, #tpu.memory_space<vmem>>
        %dma_start3A_39 = arith.constant 0 : i32
        %dma_start3A_40 = arith.constant 0 : i32
        %dma_start3A_41 = tpu.memref_slice %arg9[%dma_start3A_39, %dma_start3A_40] : memref<10112x128xf32, #tpu.memory_space<vmem_shared>> -> memref<10112x128xf32, #tpu.memory_space<vmem_shared>>
        tpu.enqueue_indirect_dma source(%arg7 : memref<128x128xf32, #tpu.memory_space<vmem>>) target(%dma_start3A_41 : memref<10112x128xf32, #tpu.memory_space<vmem_shared>>) offsets(%dma_start3A_38 : memref<128xi32, #tpu.memory_space<vmem>>) semaphore(%arg8 : memref<!tpu.dma_semaphore, #tpu.memory_space<semaphore_mem>>) {add = true}
      } else {
      }
    }
    %scan3A_19 = arith.constant 80 : i32
    %scan3A_20 = arith.constant 0 : i32
    %scan3A_21 = arith.constant 80 : i32
    %scan3A_22 = arith.addi %scan3A_20, %scan3A_21 : i32
    %scan3A_23 = arith.constant 1 : i32
    scf.for %scan3A_34 = %scan3A_20 to %scan3A_22 step %scan3A_23  : i32 {
      %lt3A = arith.cmpi slt, %scan3A_34, %min3A_15 : i32
      %convert_element_type3A = arith.extui %lt3A : i1 to i32
      %cond3A = arith.constant 0 : i32
      %cond3A_35 = arith.cmpi ne, %convert_element_type3A, %cond3A : i32
      scf.if %cond3A_35 {
        %dma_wait3A_36 = arith.constant 0 : i32
        %dma_wait3A_37 = arith.constant 0 : i32
        %dma_wait3A_38 = tpu.memref_slice %arg6[%dma_wait3A_36, %dma_wait3A_37] : memref<80x128xi32, #tpu.memory_space<vmem>> -> memref<1x128xi32, #tpu.memory_space<vmem>>
        %dma_wait3A_39 = tpu.memref_squeeze %dma_wait3A_38 : memref<1x128xi32, #tpu.memory_space<vmem>> -> memref<128xi32, #tpu.memory_space<vmem>>
        %dma_wait3A_40 = arith.constant 0 : i32
        %dma_wait3A_41 = arith.constant 0 : i32
        %dma_wait3A_42 = tpu.memref_slice %arg9[%dma_wait3A_40, %dma_wait3A_41] : memref<10112x128xf32, #tpu.memory_space<vmem_shared>> -> memref<10112x128xf32, #tpu.memory_space<vmem_shared>>
        tpu.wait_indirect_dma semaphore(%arg8 : memref<!tpu.dma_semaphore, #tpu.memory_space<semaphore_mem>>) src(%arg7 : memref<128x128xf32, #tpu.memory_space<vmem>>) dst(%dma_wait3A_42 : memref<10112x128xf32, #tpu.memory_space<vmem_shared>>)
      } else {
      }
    }
    %scan3A_24 = arith.constant 80 : i32
    %barrier3A_25 = arith.constant 0 : index
    tpu.barrier barrier_id(%barrier3A_25)
    %mul3A_26 = arith.constant 10112 : i32
    %mul3A_27 = arith.muli %arg0, %mul3A_26 : i32
    %mul3A_28 = arith.constant 632 : i32
    %mul3A_29 = arith.muli %arg1, %mul3A_28 : i32
    %add3A_30 = arith.addi %mul3A_27, %mul3A_29 : i32
    %multiple_of3A_31 = tpu.assume_multiple %add3A_30, 8 : i32
    %mul3A_32 = arith.constant 632 : i32
    %mul3A_33 = arith.muli %arg1, %mul3A_32 : i32
    "tpu.region"() ({
      %run_scoped3A = tpu.sem_alloc : memref<!tpu.dma_semaphore, #tpu.memory_space<semaphore_mem>>
      %dma_start3A_34 = arith.constant 0 : i32
      %dma_start3A_35 = tpu.memref_slice %arg5[%multiple_of3A_31, %dma_start3A_34] : memref<20224x128xf32, #tpu.memory_space<hbm>> -> memref<632x128xf32, #tpu.memory_space<hbm>>
      %dma_start3A_36 = arith.constant 0 : i32
      %dma_start3A_37 = tpu.memref_slice %arg9[%mul3A_33, %dma_start3A_36] : memref<10112x128xf32, #tpu.memory_space<vmem_shared>> -> memref<632x128xf32, #tpu.memory_space<vmem_shared>>
      tpu.enqueue_dma source(%dma_start3A_37 : memref<632x128xf32, #tpu.memory_space<vmem_shared>>) target(%dma_start3A_35 : memref<632x128xf32, #tpu.memory_space<hbm>>) target_semaphore(%run_scoped3A : memref<!tpu.dma_semaphore, #tpu.memory_space<semaphore_mem>>)
      %dma_wait3A_38 = arith.constant 0 : i32
      %dma_wait3A_39 = tpu.memref_slice %arg5[%multiple_of3A_31, %dma_wait3A_38] : memref<20224x128xf32, #tpu.memory_space<hbm>> -> memref<632x128xf32, #tpu.memory_space<hbm>>
      %dma_wait3A_40 = arith.constant 0 : i32
      %dma_wait3A_41 = tpu.memref_slice %arg9[%mul3A_33, %dma_wait3A_40] : memref<10112x128xf32, #tpu.memory_space<vmem_shared>> -> memref<632x128xf32, #tpu.memory_space<vmem_shared>>
      tpu.wait_dma2 semaphore(%run_scoped3A : memref<!tpu.dma_semaphore, #tpu.memory_space<semaphore_mem>>) src(%dma_wait3A_41 : memref<632x128xf32, #tpu.memory_space<vmem_shared>>) dst(%dma_wait3A_39 : memref<632x128xf32, #tpu.memory_space<hbm>>)
      tpu.yield
    }) : () -> ()
    return
  }
}

#map = affine_map<(d0, d1) -> (0, 0)>
#map1 = affine_map<(d0, d1) -> (0, 0, 0)>
module attributes {stable_mosaic.version = 14 : i64} {
  func.func @_sc_agg_body(%arg0: i32, %arg1: i32, %arg2: memref<20000x128xf32, #tpu.memory_space<hbm>>, %arg3: memref<2500x4x128xi32, #tpu.memory_space<hbm>>, %arg4: memref<632x128xf32, #tpu.memory_space<hbm>>, %arg5: memref<20224x128xf32, #tpu.memory_space<hbm>>, %arg6: memref<2x128xi32, #tpu.memory_space<vmem>>, %arg7: memref<2x128xi32, #tpu.memory_space<vmem>>, %arg8: memref<2x128xi32, #tpu.memory_space<vmem>>, %arg9: memref<128x128xf32, #tpu.memory_space<vmem>>, %arg10: memref<128x128xf32, #tpu.memory_space<vmem>>, %arg11: memref<128x128xf32, #tpu.memory_space<vmem>>, %arg12: memref<!tpu.dma_semaphore, #tpu.memory_space<semaphore_mem>>, %arg13: memref<!tpu.dma_semaphore, #tpu.memory_space<semaphore_mem>>, %arg14: memref<!tpu.dma_semaphore, #tpu.memory_space<semaphore_mem>>, %arg15: memref<10112x128xf32, #tpu.memory_space<vmem_shared>>) attributes {dimension_semantics = [#tpu.dimension_semantics<core_parallel>, #tpu.dimension_semantics<subcore_parallel>], iteration_bounds = array<i64: 2, 16>, scalar_prefetch = 0 : i64, scratch_operands = 10 : i64, tpu.core_type = #tpu.core_type<sc_vector_subcore>, window_params = [{transform_indices = #map}, {transform_indices = #map1}, {transform_indices = #map}, {transform_indices = #map}]} {
    %mul3A = arith.constant 632 : i32
    %mul3A_0 = arith.muli %arg1, %mul3A : i32
    "tpu.region"() ({
      %run_scoped3A = tpu.sem_alloc : memref<!tpu.dma_semaphore, #tpu.memory_space<semaphore_mem>>
      %dma_start3A = arith.constant 0 : i32
      %dma_start3A_23 = tpu.memref_slice %arg15[%mul3A_0, %dma_start3A] : memref<10112x128xf32, #tpu.memory_space<vmem_shared>> -> memref<632x128xf32, #tpu.memory_space<vmem_shared>>
      tpu.enqueue_dma source(%arg4 : memref<632x128xf32, #tpu.memory_space<hbm>>) target(%dma_start3A_23 : memref<632x128xf32, #tpu.memory_space<vmem_shared>>) target_semaphore(%run_scoped3A : memref<!tpu.dma_semaphore, #tpu.memory_space<semaphore_mem>>)
      %dma_wait3A = arith.constant 0 : i32
      %dma_wait3A_24 = tpu.memref_slice %arg15[%mul3A_0, %dma_wait3A] : memref<10112x128xf32, #tpu.memory_space<vmem_shared>> -> memref<632x128xf32, #tpu.memory_space<vmem_shared>>
      tpu.wait_dma2 semaphore(%run_scoped3A : memref<!tpu.dma_semaphore, #tpu.memory_space<semaphore_mem>>) src(%arg4 : memref<632x128xf32, #tpu.memory_space<hbm>>) dst(%dma_wait3A_24 : memref<632x128xf32, #tpu.memory_space<vmem_shared>>)
      tpu.yield
    }) : () -> ()
    %barrier3A = arith.constant 0 : index
    tpu.barrier barrier_id(%barrier3A)
    %add3A = arith.constant 0 : i32
    %add3A_1 = arith.addi %add3A, %arg1 : i32
    %lt3A = arith.constant 2500 : i32
    %lt3A_2 = arith.cmpi slt, %add3A_1, %lt3A : i32
    %convert_element_type3A = arith.extui %lt3A_2 : i1 to i32
    %cond3A = arith.constant 0 : i32
    %cond3A_3 = arith.cmpi ne, %convert_element_type3A, %cond3A : i32
    scf.if %cond3A_3 {
      %add3A_23 = arith.constant 0 : i32
      %add3A_24 = arith.addi %add3A_23, %arg1 : i32
      %mul3A_25 = arith.constant 2 : i32
      %mul3A_26 = arith.muli %mul3A_25, %arg0 : i32
      "tpu.region"() ({
        %run_scoped3A = tpu.sem_alloc : memref<!tpu.dma_semaphore, #tpu.memory_space<semaphore_mem>>
        %dma_start3A_33 = arith.constant 0 : i32
        %dma_start3A_34 = tpu.memref_slice %arg3[%add3A_24, %mul3A_26, %dma_start3A_33] : memref<2500x4x128xi32, #tpu.memory_space<hbm>> -> memref<1x2x128xi32, #tpu.memory_space<hbm>>
        %dma_start3A_35 = tpu.memref_squeeze %dma_start3A_34 : memref<1x2x128xi32, #tpu.memory_space<hbm>> -> memref<2x128xi32, #tpu.memory_space<hbm>>
        %dma_start3A_36 = arith.constant 0 : i32
        %dma_start3A_37 = tpu.memref_slice %arg3[%add3A_24, %mul3A_26, %dma_start3A_36] : memref<2500x4x128xi32, #tpu.memory_space<hbm>> -> memref<1x2x128xi32, #tpu.memory_space<hbm>>
        %dma_start3A_38 = tpu.memref_squeeze %dma_start3A_37 : memref<1x2x128xi32, #tpu.memory_space<hbm>> -> memref<2x128xi32, #tpu.memory_space<hbm>>
        tpu.enqueue_dma source(%dma_start3A_38 : memref<2x128xi32, #tpu.memory_space<hbm>>) target(%arg6 : memref<2x128xi32, #tpu.memory_space<vmem>>) target_semaphore(%run_scoped3A : memref<!tpu.dma_semaphore, #tpu.memory_space<semaphore_mem>>)
        %dma_wait3A = arith.constant 0 : i32
        %dma_wait3A_39 = tpu.memref_slice %arg3[%add3A_24, %mul3A_26, %dma_wait3A] : memref<2500x4x128xi32, #tpu.memory_space<hbm>> -> memref<1x2x128xi32, #tpu.memory_space<hbm>>
        %dma_wait3A_40 = tpu.memref_squeeze %dma_wait3A_39 : memref<1x2x128xi32, #tpu.memory_space<hbm>> -> memref<2x128xi32, #tpu.memory_space<hbm>>
        %dma_wait3A_41 = arith.constant 0 : i32
        %dma_wait3A_42 = tpu.memref_slice %arg3[%add3A_24, %mul3A_26, %dma_wait3A_41] : memref<2500x4x128xi32, #tpu.memory_space<hbm>> -> memref<1x2x128xi32, #tpu.memory_space<hbm>>
        %dma_wait3A_43 = tpu.memref_squeeze %dma_wait3A_42 : memref<1x2x128xi32, #tpu.memory_space<hbm>> -> memref<2x128xi32, #tpu.memory_space<hbm>>
        tpu.wait_dma2 semaphore(%run_scoped3A : memref<!tpu.dma_semaphore, #tpu.memory_space<semaphore_mem>>) src(%dma_wait3A_43 : memref<2x128xi32, #tpu.memory_space<hbm>>) dst(%arg6 : memref<2x128xi32, #tpu.memory_space<vmem>>)
        tpu.yield
      }) : () -> ()
      %dma_start3A = arith.constant 0 : i32
      %dma_start3A_27 = arith.constant 0 : i32
      %dma_start3A_28 = tpu.memref_slice %arg6[%dma_start3A, %dma_start3A_27] : memref<2x128xi32, #tpu.memory_space<vmem>> -> memref<1x128xi32, #tpu.memory_space<vmem>>
      %dma_start3A_29 = tpu.memref_squeeze %dma_start3A_28 : memref<1x128xi32, #tpu.memory_space<vmem>> -> memref<128xi32, #tpu.memory_space<vmem>>
      %dma_start3A_30 = arith.constant 0 : i32
      %dma_start3A_31 = arith.constant 0 : i32
      %dma_start3A_32 = tpu.memref_slice %arg2[%dma_start3A_30, %dma_start3A_31] : memref<20000x128xf32, #tpu.memory_space<hbm>> -> memref<20000x128xf32, #tpu.memory_space<hbm>>
      tpu.enqueue_indirect_dma source(%dma_start3A_32 : memref<20000x128xf32, #tpu.memory_space<hbm>>) target(%arg9 : memref<128x128xf32, #tpu.memory_space<vmem>>) offsets(%dma_start3A_29 : memref<128xi32, #tpu.memory_space<vmem>>) semaphore(%arg12 : memref<!tpu.dma_semaphore, #tpu.memory_space<semaphore_mem>>)
    } else {
    }
    %add3A_4 = arith.constant 16 : i32
    %add3A_5 = arith.addi %add3A_4, %arg1 : i32
    %lt3A_6 = arith.constant 2500 : i32
    %lt3A_7 = arith.cmpi slt, %add3A_5, %lt3A_6 : i32
    %convert_element_type3A_8 = arith.extui %lt3A_7 : i1 to i32
    %cond3A_9 = arith.constant 0 : i32
    %cond3A_10 = arith.cmpi ne, %convert_element_type3A_8, %cond3A_9 : i32
    scf.if %cond3A_10 {
      %add3A_23 = arith.constant 16 : i32
      %add3A_24 = arith.addi %add3A_23, %arg1 : i32
      %mul3A_25 = arith.constant 2 : i32
      %mul3A_26 = arith.muli %mul3A_25, %arg0 : i32
      "tpu.region"() ({
        %run_scoped3A = tpu.sem_alloc : memref<!tpu.dma_semaphore, #tpu.memory_space<semaphore_mem>>
        %dma_start3A_33 = arith.constant 0 : i32
        %dma_start3A_34 = tpu.memref_slice %arg3[%add3A_24, %mul3A_26, %dma_start3A_33] : memref<2500x4x128xi32, #tpu.memory_space<hbm>> -> memref<1x2x128xi32, #tpu.memory_space<hbm>>
        %dma_start3A_35 = tpu.memref_squeeze %dma_start3A_34 : memref<1x2x128xi32, #tpu.memory_space<hbm>> -> memref<2x128xi32, #tpu.memory_space<hbm>>
        %dma_start3A_36 = arith.constant 0 : i32
        %dma_start3A_37 = tpu.memref_slice %arg3[%add3A_24, %mul3A_26, %dma_start3A_36] : memref<2500x4x128xi32, #tpu.memory_space<hbm>> -> memref<1x2x128xi32, #tpu.memory_space<hbm>>
        %dma_start3A_38 = tpu.memref_squeeze %dma_start3A_37 : memref<1x2x128xi32, #tpu.memory_space<hbm>> -> memref<2x128xi32, #tpu.memory_space<hbm>>
        tpu.enqueue_dma source(%dma_start3A_38 : memref<2x128xi32, #tpu.memory_space<hbm>>) target(%arg7 : memref<2x128xi32, #tpu.memory_space<vmem>>) target_semaphore(%run_scoped3A : memref<!tpu.dma_semaphore, #tpu.memory_space<semaphore_mem>>)
        %dma_wait3A = arith.constant 0 : i32
        %dma_wait3A_39 = tpu.memref_slice %arg3[%add3A_24, %mul3A_26, %dma_wait3A] : memref<2500x4x128xi32, #tpu.memory_space<hbm>> -> memref<1x2x128xi32, #tpu.memory_space<hbm>>
        %dma_wait3A_40 = tpu.memref_squeeze %dma_wait3A_39 : memref<1x2x128xi32, #tpu.memory_space<hbm>> -> memref<2x128xi32, #tpu.memory_space<hbm>>
        %dma_wait3A_41 = arith.constant 0 : i32
        %dma_wait3A_42 = tpu.memref_slice %arg3[%add3A_24, %mul3A_26, %dma_wait3A_41] : memref<2500x4x128xi32, #tpu.memory_space<hbm>> -> memref<1x2x128xi32, #tpu.memory_space<hbm>>
        %dma_wait3A_43 = tpu.memref_squeeze %dma_wait3A_42 : memref<1x2x128xi32, #tpu.memory_space<hbm>> -> memref<2x128xi32, #tpu.memory_space<hbm>>
        tpu.wait_dma2 semaphore(%run_scoped3A : memref<!tpu.dma_semaphore, #tpu.memory_space<semaphore_mem>>) src(%dma_wait3A_43 : memref<2x128xi32, #tpu.memory_space<hbm>>) dst(%arg7 : memref<2x128xi32, #tpu.memory_space<vmem>>)
        tpu.yield
      }) : () -> ()
      %dma_start3A = arith.constant 0 : i32
      %dma_start3A_27 = arith.constant 0 : i32
      %dma_start3A_28 = tpu.memref_slice %arg7[%dma_start3A, %dma_start3A_27] : memref<2x128xi32, #tpu.memory_space<vmem>> -> memref<1x128xi32, #tpu.memory_space<vmem>>
      %dma_start3A_29 = tpu.memref_squeeze %dma_start3A_28 : memref<1x128xi32, #tpu.memory_space<vmem>> -> memref<128xi32, #tpu.memory_space<vmem>>
      %dma_start3A_30 = arith.constant 0 : i32
      %dma_start3A_31 = arith.constant 0 : i32
      %dma_start3A_32 = tpu.memref_slice %arg2[%dma_start3A_30, %dma_start3A_31] : memref<20000x128xf32, #tpu.memory_space<hbm>> -> memref<20000x128xf32, #tpu.memory_space<hbm>>
      tpu.enqueue_indirect_dma source(%dma_start3A_32 : memref<20000x128xf32, #tpu.memory_space<hbm>>) target(%arg10 : memref<128x128xf32, #tpu.memory_space<vmem>>) offsets(%dma_start3A_29 : memref<128xi32, #tpu.memory_space<vmem>>) semaphore(%arg13 : memref<!tpu.dma_semaphore, #tpu.memory_space<semaphore_mem>>)
    } else {
    }
    %scan3A = arith.constant 0 : i32
    %scan3A_11 = arith.constant 53 : i32
    %scan3A_12 = arith.addi %scan3A, %scan3A_11 : i32
    %scan3A_13 = arith.constant 1 : i32
    scf.for %scan3A_23 = %scan3A to %scan3A_12 step %scan3A_13  : i32 {
      %mul3A_24 = arith.constant 3 : i32
      %mul3A_25 = arith.muli %mul3A_24, %scan3A_23 : i32
      %add3A_26 = arith.constant 2 : i32
      %add3A_27 = arith.addi %mul3A_25, %add3A_26 : i32
      %mul3A_28 = arith.constant 16 : i32
      %mul3A_29 = arith.muli %add3A_27, %mul3A_28 : i32
      %add3A_30 = arith.addi %mul3A_29, %arg1 : i32
      %lt3A_31 = arith.constant 2500 : i32
      %lt3A_32 = arith.cmpi slt, %add3A_30, %lt3A_31 : i32
      %convert_element_type3A_33 = arith.extui %lt3A_32 : i1 to i32
      %cond3A_34 = arith.constant 0 : i32
      %cond3A_35 = arith.cmpi ne, %convert_element_type3A_33, %cond3A_34 : i32
      scf.if %cond3A_35 {
        %mul3A_88 = arith.constant 16 : i32
        %mul3A_89 = arith.muli %add3A_27, %mul3A_88 : i32
        %add3A_90 = arith.addi %mul3A_89, %arg1 : i32
        %mul3A_91 = arith.constant 2 : i32
        %mul3A_92 = arith.muli %mul3A_91, %arg0 : i32
        "tpu.region"() ({
          %run_scoped3A = tpu.sem_alloc : memref<!tpu.dma_semaphore, #tpu.memory_space<semaphore_mem>>
          %dma_start3A_99 = arith.constant 0 : i32
          %dma_start3A_100 = tpu.memref_slice %arg3[%add3A_90, %mul3A_92, %dma_start3A_99] : memref<2500x4x128xi32, #tpu.memory_space<hbm>> -> memref<1x2x128xi32, #tpu.memory_space<hbm>>
          %dma_start3A_101 = tpu.memref_squeeze %dma_start3A_100 : memref<1x2x128xi32, #tpu.memory_space<hbm>> -> memref<2x128xi32, #tpu.memory_space<hbm>>
          %dma_start3A_102 = arith.constant 0 : i32
          %dma_start3A_103 = tpu.memref_slice %arg3[%add3A_90, %mul3A_92, %dma_start3A_102] : memref<2500x4x128xi32, #tpu.memory_space<hbm>> -> memref<1x2x128xi32, #tpu.memory_space<hbm>>
          %dma_start3A_104 = tpu.memref_squeeze %dma_start3A_103 : memref<1x2x128xi32, #tpu.memory_space<hbm>> -> memref<2x128xi32, #tpu.memory_space<hbm>>
          tpu.enqueue_dma source(%dma_start3A_104 : memref<2x128xi32, #tpu.memory_space<hbm>>) target(%arg8 : memref<2x128xi32, #tpu.memory_space<vmem>>) target_semaphore(%run_scoped3A : memref<!tpu.dma_semaphore, #tpu.memory_space<semaphore_mem>>)
          %dma_wait3A = arith.constant 0 : i32
          %dma_wait3A_105 = tpu.memref_slice %arg3[%add3A_90, %mul3A_92, %dma_wait3A] : memref<2500x4x128xi32, #tpu.memory_space<hbm>> -> memref<1x2x128xi32, #tpu.memory_space<hbm>>
          %dma_wait3A_106 = tpu.memref_squeeze %dma_wait3A_105 : memref<1x2x128xi32, #tpu.memory_space<hbm>> -> memref<2x128xi32, #tpu.memory_space<hbm>>
          %dma_wait3A_107 = arith.constant 0 : i32
          %dma_wait3A_108 = tpu.memref_slice %arg3[%add3A_90, %mul3A_92, %dma_wait3A_107] : memref<2500x4x128xi32, #tpu.memory_space<hbm>> -> memref<1x2x128xi32, #tpu.memory_space<hbm>>
          %dma_wait3A_109 = tpu.memref_squeeze %dma_wait3A_108 : memref<1x2x128xi32, #tpu.memory_space<hbm>> -> memref<2x128xi32, #tpu.memory_space<hbm>>
          tpu.wait_dma2 semaphore(%run_scoped3A : memref<!tpu.dma_semaphore, #tpu.memory_space<semaphore_mem>>) src(%dma_wait3A_109 : memref<2x128xi32, #tpu.memory_space<hbm>>) dst(%arg8 : memref<2x128xi32, #tpu.memory_space<vmem>>)
          tpu.yield
        }) : () -> ()
        %dma_start3A = arith.constant 0 : i32
        %dma_start3A_93 = arith.constant 0 : i32
        %dma_start3A_94 = tpu.memref_slice %arg8[%dma_start3A, %dma_start3A_93] : memref<2x128xi32, #tpu.memory_space<vmem>> -> memref<1x128xi32, #tpu.memory_space<vmem>>
        %dma_start3A_95 = tpu.memref_squeeze %dma_start3A_94 : memref<1x128xi32, #tpu.memory_space<vmem>> -> memref<128xi32, #tpu.memory_space<vmem>>
        %dma_start3A_96 = arith.constant 0 : i32
        %dma_start3A_97 = arith.constant 0 : i32
        %dma_start3A_98 = tpu.memref_slice %arg2[%dma_start3A_96, %dma_start3A_97] : memref<20000x128xf32, #tpu.memory_space<hbm>> -> memref<20000x128xf32, #tpu.memory_space<hbm>>
        tpu.enqueue_indirect_dma source(%dma_start3A_98 : memref<20000x128xf32, #tpu.memory_space<hbm>>) target(%arg11 : memref<128x128xf32, #tpu.memory_space<vmem>>) offsets(%dma_start3A_95 : memref<128xi32, #tpu.memory_space<vmem>>) semaphore(%arg14 : memref<!tpu.dma_semaphore, #tpu.memory_space<semaphore_mem>>)
      } else {
      }
      %mul3A_36 = arith.constant 16 : i32
      %mul3A_37 = arith.muli %mul3A_25, %mul3A_36 : i32
      %add3A_38 = arith.addi %mul3A_37, %arg1 : i32
      %lt3A_39 = arith.constant 2500 : i32
      %lt3A_40 = arith.cmpi slt, %add3A_38, %lt3A_39 : i32
      %convert_element_type3A_41 = arith.extui %lt3A_40 : i1 to i32
      %cond3A_42 = arith.constant 0 : i32
      %cond3A_43 = arith.cmpi ne, %convert_element_type3A_41, %cond3A_42 : i32
      scf.if %cond3A_43 {
        %dma_wait3A = arith.constant 0 : i32
        %dma_wait3A_88 = arith.constant 0 : i32
        %dma_wait3A_89 = tpu.memref_slice %arg6[%dma_wait3A, %dma_wait3A_88] : memref<2x128xi32, #tpu.memory_space<vmem>> -> memref<1x128xi32, #tpu.memory_space<vmem>>
        %dma_wait3A_90 = tpu.memref_squeeze %dma_wait3A_89 : memref<1x128xi32, #tpu.memory_space<vmem>> -> memref<128xi32, #tpu.memory_space<vmem>>
        %dma_wait3A_91 = arith.constant 0 : i32
        %dma_wait3A_92 = arith.constant 0 : i32
        %dma_wait3A_93 = tpu.memref_slice %arg2[%dma_wait3A_91, %dma_wait3A_92] : memref<20000x128xf32, #tpu.memory_space<hbm>> -> memref<20000x128xf32, #tpu.memory_space<hbm>>
        tpu.wait_indirect_dma semaphore(%arg12 : memref<!tpu.dma_semaphore, #tpu.memory_space<semaphore_mem>>) src(%dma_wait3A_93 : memref<20000x128xf32, #tpu.memory_space<hbm>>) dst(%arg9 : memref<128x128xf32, #tpu.memory_space<vmem>>)
        %run_scoped3A = arith.constant 1 : i32
        "tpu.region"() ({
          %run_scoped3A_94 = tpu.sem_alloc : memref<!tpu.dma_semaphore, #tpu.memory_space<semaphore_mem>>
          %dma_start3A = arith.constant 0 : i32
          %dma_start3A_95 = tpu.memref_slice %arg6[%run_scoped3A, %dma_start3A] : memref<2x128xi32, #tpu.memory_space<vmem>> -> memref<1x128xi32, #tpu.memory_space<vmem>>
          %dma_start3A_96 = tpu.memref_squeeze %dma_start3A_95 : memref<1x128xi32, #tpu.memory_space<vmem>> -> memref<128xi32, #tpu.memory_space<vmem>>
          %dma_start3A_97 = arith.constant 0 : i32
          %dma_start3A_98 = arith.constant 0 : i32
          %dma_start3A_99 = tpu.memref_slice %arg15[%dma_start3A_97, %dma_start3A_98] : memref<10112x128xf32, #tpu.memory_space<vmem_shared>> -> memref<10112x128xf32, #tpu.memory_space<vmem_shared>>
          tpu.enqueue_indirect_dma source(%arg9 : memref<128x128xf32, #tpu.memory_space<vmem>>) target(%dma_start3A_99 : memref<10112x128xf32, #tpu.memory_space<vmem_shared>>) offsets(%dma_start3A_96 : memref<128xi32, #tpu.memory_space<vmem>>) semaphore(%run_scoped3A_94 : memref<!tpu.dma_semaphore, #tpu.memory_space<semaphore_mem>>) {add = true}
          %dma_wait3A_100 = arith.constant 0 : i32
          %dma_wait3A_101 = tpu.memref_slice %arg6[%run_scoped3A, %dma_wait3A_100] : memref<2x128xi32, #tpu.memory_space<vmem>> -> memref<1x128xi32, #tpu.memory_space<vmem>>
          %dma_wait3A_102 = tpu.memref_squeeze %dma_wait3A_101 : memref<1x128xi32, #tpu.memory_space<vmem>> -> memref<128xi32, #tpu.memory_space<vmem>>
          %dma_wait3A_103 = arith.constant 0 : i32
          %dma_wait3A_104 = arith.constant 0 : i32
          %dma_wait3A_105 = tpu.memref_slice %arg15[%dma_wait3A_103, %dma_wait3A_104] : memref<10112x128xf32, #tpu.memory_space<vmem_shared>> -> memref<10112x128xf32, #tpu.memory_space<vmem_shared>>
          tpu.wait_indirect_dma semaphore(%run_scoped3A_94 : memref<!tpu.dma_semaphore, #tpu.memory_space<semaphore_mem>>) src(%arg9 : memref<128x128xf32, #tpu.memory_space<vmem>>) dst(%dma_wait3A_105 : memref<10112x128xf32, #tpu.memory_space<vmem_shared>>)
          tpu.yield
        }) : () -> ()
      } else {
      }
      %mul3A_44 = arith.constant 3 : i32
      %mul3A_45 = arith.muli %mul3A_44, %scan3A_23 : i32
      %add3A_46 = arith.constant 1 : i32
      %add3A_47 = arith.addi %mul3A_45, %add3A_46 : i32
      %add3A_48 = arith.constant 2 : i32
      %add3A_49 = arith.addi %add3A_47, %add3A_48 : i32
      %mul3A_50 = arith.constant 16 : i32
      %mul3A_51 = arith.muli %add3A_49, %mul3A_50 : i32
      %add3A_52 = arith.addi %mul3A_51, %arg1 : i32
      %lt3A_53 = arith.constant 2500 : i32
      %lt3A_54 = arith.cmpi slt, %add3A_52, %lt3A_53 : i32
      %convert_element_type3A_55 = arith.extui %lt3A_54 : i1 to i32
      %cond3A_56 = arith.constant 0 : i32
      %cond3A_57 = arith.cmpi ne, %convert_element_type3A_55, %cond3A_56 : i32
      scf.if %cond3A_57 {
        %mul3A_88 = arith.constant 16 : i32
        %mul3A_89 = arith.muli %add3A_49, %mul3A_88 : i32
        %add3A_90 = arith.addi %mul3A_89, %arg1 : i32
        %mul3A_91 = arith.constant 2 : i32
        %mul3A_92 = arith.muli %mul3A_91, %arg0 : i32
        "tpu.region"() ({
          %run_scoped3A = tpu.sem_alloc : memref<!tpu.dma_semaphore, #tpu.memory_space<semaphore_mem>>
          %dma_start3A_99 = arith.constant 0 : i32
          %dma_start3A_100 = tpu.memref_slice %arg3[%add3A_90, %mul3A_92, %dma_start3A_99] : memref<2500x4x128xi32, #tpu.memory_space<hbm>> -> memref<1x2x128xi32, #tpu.memory_space<hbm>>
          %dma_start3A_101 = tpu.memref_squeeze %dma_start3A_100 : memref<1x2x128xi32, #tpu.memory_space<hbm>> -> memref<2x128xi32, #tpu.memory_space<hbm>>
          %dma_start3A_102 = arith.constant 0 : i32
          %dma_start3A_103 = tpu.memref_slice %arg3[%add3A_90, %mul3A_92, %dma_start3A_102] : memref<2500x4x128xi32, #tpu.memory_space<hbm>> -> memref<1x2x128xi32, #tpu.memory_space<hbm>>
          %dma_start3A_104 = tpu.memref_squeeze %dma_start3A_103 : memref<1x2x128xi32, #tpu.memory_space<hbm>> -> memref<2x128xi32, #tpu.memory_space<hbm>>
          tpu.enqueue_dma source(%dma_start3A_104 : memref<2x128xi32, #tpu.memory_space<hbm>>) target(%arg6 : memref<2x128xi32, #tpu.memory_space<vmem>>) target_semaphore(%run_scoped3A : memref<!tpu.dma_semaphore, #tpu.memory_space<semaphore_mem>>)
          %dma_wait3A = arith.constant 0 : i32
          %dma_wait3A_105 = tpu.memref_slice %arg3[%add3A_90, %mul3A_92, %dma_wait3A] : memref<2500x4x128xi32, #tpu.memory_space<hbm>> -> memref<1x2x128xi32, #tpu.memory_space<hbm>>
          %dma_wait3A_106 = tpu.memref_squeeze %dma_wait3A_105 : memref<1x2x128xi32, #tpu.memory_space<hbm>> -> memref<2x128xi32, #tpu.memory_space<hbm>>
          %dma_wait3A_107 = arith.constant 0 : i32
          %dma_wait3A_108 = tpu.memref_slice %arg3[%add3A_90, %mul3A_92, %dma_wait3A_107] : memref<2500x4x128xi32, #tpu.memory_space<hbm>> -> memref<1x2x128xi32, #tpu.memory_space<hbm>>
          %dma_wait3A_109 = tpu.memref_squeeze %dma_wait3A_108 : memref<1x2x128xi32, #tpu.memory_space<hbm>> -> memref<2x128xi32, #tpu.memory_space<hbm>>
          tpu.wait_dma2 semaphore(%run_scoped3A : memref<!tpu.dma_semaphore, #tpu.memory_space<semaphore_mem>>) src(%dma_wait3A_109 : memref<2x128xi32, #tpu.memory_space<hbm>>) dst(%arg6 : memref<2x128xi32, #tpu.memory_space<vmem>>)
          tpu.yield
        }) : () -> ()
        %dma_start3A = arith.constant 0 : i32
        %dma_start3A_93 = arith.constant 0 : i32
        %dma_start3A_94 = tpu.memref_slice %arg6[%dma_start3A, %dma_start3A_93] : memref<2x128xi32, #tpu.memory_space<vmem>> -> memref<1x128xi32, #tpu.memory_space<vmem>>
        %dma_start3A_95 = tpu.memref_squeeze %dma_start3A_94 : memref<1x128xi32, #tpu.memory_space<vmem>> -> memref<128xi32, #tpu.memory_space<vmem>>
        %dma_start3A_96 = arith.constant 0 : i32
        %dma_start3A_97 = arith.constant 0 : i32
        %dma_start3A_98 = tpu.memref_slice %arg2[%dma_start3A_96, %dma_start3A_97] : memref<20000x128xf32, #tpu.memory_space<hbm>> -> memref<20000x128xf32, #tpu.memory_space<hbm>>
        tpu.enqueue_indirect_dma source(%dma_start3A_98 : memref<20000x128xf32, #tpu.memory_space<hbm>>) target(%arg9 : memref<128x128xf32, #tpu.memory_space<vmem>>) offsets(%dma_start3A_95 : memref<128xi32, #tpu.memory_space<vmem>>) semaphore(%arg12 : memref<!tpu.dma_semaphore, #tpu.memory_space<semaphore_mem>>)
      } else {
      }
      %mul3A_58 = arith.constant 16 : i32
      %mul3A_59 = arith.muli %add3A_47, %mul3A_58 : i32
      %add3A_60 = arith.addi %mul3A_59, %arg1 : i32
      %lt3A_61 = arith.constant 2500 : i32
      %lt3A_62 = arith.cmpi slt, %add3A_60, %lt3A_61 : i32
      %convert_element_type3A_63 = arith.extui %lt3A_62 : i1 to i32
      %cond3A_64 = arith.constant 0 : i32
      %cond3A_65 = arith.cmpi ne, %convert_element_type3A_63, %cond3A_64 : i32
      scf.if %cond3A_65 {
        %dma_wait3A = arith.constant 0 : i32
        %dma_wait3A_88 = arith.constant 0 : i32
        %dma_wait3A_89 = tpu.memref_slice %arg7[%dma_wait3A, %dma_wait3A_88] : memref<2x128xi32, #tpu.memory_space<vmem>> -> memref<1x128xi32, #tpu.memory_space<vmem>>
        %dma_wait3A_90 = tpu.memref_squeeze %dma_wait3A_89 : memref<1x128xi32, #tpu.memory_space<vmem>> -> memref<128xi32, #tpu.memory_space<vmem>>
        %dma_wait3A_91 = arith.constant 0 : i32
        %dma_wait3A_92 = arith.constant 0 : i32
        %dma_wait3A_93 = tpu.memref_slice %arg2[%dma_wait3A_91, %dma_wait3A_92] : memref<20000x128xf32, #tpu.memory_space<hbm>> -> memref<20000x128xf32, #tpu.memory_space<hbm>>
        tpu.wait_indirect_dma semaphore(%arg13 : memref<!tpu.dma_semaphore, #tpu.memory_space<semaphore_mem>>) src(%dma_wait3A_93 : memref<20000x128xf32, #tpu.memory_space<hbm>>) dst(%arg10 : memref<128x128xf32, #tpu.memory_space<vmem>>)
        %run_scoped3A = arith.constant 1 : i32
        "tpu.region"() ({
          %run_scoped3A_94 = tpu.sem_alloc : memref<!tpu.dma_semaphore, #tpu.memory_space<semaphore_mem>>
          %dma_start3A = arith.constant 0 : i32
          %dma_start3A_95 = tpu.memref_slice %arg7[%run_scoped3A, %dma_start3A] : memref<2x128xi32, #tpu.memory_space<vmem>> -> memref<1x128xi32, #tpu.memory_space<vmem>>
          %dma_start3A_96 = tpu.memref_squeeze %dma_start3A_95 : memref<1x128xi32, #tpu.memory_space<vmem>> -> memref<128xi32, #tpu.memory_space<vmem>>
          %dma_start3A_97 = arith.constant 0 : i32
          %dma_start3A_98 = arith.constant 0 : i32
          %dma_start3A_99 = tpu.memref_slice %arg15[%dma_start3A_97, %dma_start3A_98] : memref<10112x128xf32, #tpu.memory_space<vmem_shared>> -> memref<10112x128xf32, #tpu.memory_space<vmem_shared>>
          tpu.enqueue_indirect_dma source(%arg10 : memref<128x128xf32, #tpu.memory_space<vmem>>) target(%dma_start3A_99 : memref<10112x128xf32, #tpu.memory_space<vmem_shared>>) offsets(%dma_start3A_96 : memref<128xi32, #tpu.memory_space<vmem>>) semaphore(%run_scoped3A_94 : memref<!tpu.dma_semaphore, #tpu.memory_space<semaphore_mem>>) {add = true}
          %dma_wait3A_100 = arith.constant 0 : i32
          %dma_wait3A_101 = tpu.memref_slice %arg7[%run_scoped3A, %dma_wait3A_100] : memref<2x128xi32, #tpu.memory_space<vmem>> -> memref<1x128xi32, #tpu.memory_space<vmem>>
          %dma_wait3A_102 = tpu.memref_squeeze %dma_wait3A_101 : memref<1x128xi32, #tpu.memory_space<vmem>> -> memref<128xi32, #tpu.memory_space<vmem>>
          %dma_wait3A_103 = arith.constant 0 : i32
          %dma_wait3A_104 = arith.constant 0 : i32
          %dma_wait3A_105 = tpu.memref_slice %arg15[%dma_wait3A_103, %dma_wait3A_104] : memref<10112x128xf32, #tpu.memory_space<vmem_shared>> -> memref<10112x128xf32, #tpu.memory_space<vmem_shared>>
          tpu.wait_indirect_dma semaphore(%run_scoped3A_94 : memref<!tpu.dma_semaphore, #tpu.memory_space<semaphore_mem>>) src(%arg10 : memref<128x128xf32, #tpu.memory_space<vmem>>) dst(%dma_wait3A_105 : memref<10112x128xf32, #tpu.memory_space<vmem_shared>>)
          tpu.yield
        }) : () -> ()
      } else {
      }
      %mul3A_66 = arith.constant 3 : i32
      %mul3A_67 = arith.muli %mul3A_66, %scan3A_23 : i32
      %add3A_68 = arith.constant 2 : i32
      %add3A_69 = arith.addi %mul3A_67, %add3A_68 : i32
      %add3A_70 = arith.constant 2 : i32
      %add3A_71 = arith.addi %add3A_69, %add3A_70 : i32
      %mul3A_72 = arith.constant 16 : i32
      %mul3A_73 = arith.muli %add3A_71, %mul3A_72 : i32
      %add3A_74 = arith.addi %mul3A_73, %arg1 : i32
      %lt3A_75 = arith.constant 2500 : i32
      %lt3A_76 = arith.cmpi slt, %add3A_74, %lt3A_75 : i32
      %convert_element_type3A_77 = arith.extui %lt3A_76 : i1 to i32
      %cond3A_78 = arith.constant 0 : i32
      %cond3A_79 = arith.cmpi ne, %convert_element_type3A_77, %cond3A_78 : i32
      scf.if %cond3A_79 {
        %mul3A_88 = arith.constant 16 : i32
        %mul3A_89 = arith.muli %add3A_71, %mul3A_88 : i32
        %add3A_90 = arith.addi %mul3A_89, %arg1 : i32
        %mul3A_91 = arith.constant 2 : i32
        %mul3A_92 = arith.muli %mul3A_91, %arg0 : i32
        "tpu.region"() ({
          %run_scoped3A = tpu.sem_alloc : memref<!tpu.dma_semaphore, #tpu.memory_space<semaphore_mem>>
          %dma_start3A_99 = arith.constant 0 : i32
          %dma_start3A_100 = tpu.memref_slice %arg3[%add3A_90, %mul3A_92, %dma_start3A_99] : memref<2500x4x128xi32, #tpu.memory_space<hbm>> -> memref<1x2x128xi32, #tpu.memory_space<hbm>>
          %dma_start3A_101 = tpu.memref_squeeze %dma_start3A_100 : memref<1x2x128xi32, #tpu.memory_space<hbm>> -> memref<2x128xi32, #tpu.memory_space<hbm>>
          %dma_start3A_102 = arith.constant 0 : i32
          %dma_start3A_103 = tpu.memref_slice %arg3[%add3A_90, %mul3A_92, %dma_start3A_102] : memref<2500x4x128xi32, #tpu.memory_space<hbm>> -> memref<1x2x128xi32, #tpu.memory_space<hbm>>
          %dma_start3A_104 = tpu.memref_squeeze %dma_start3A_103 : memref<1x2x128xi32, #tpu.memory_space<hbm>> -> memref<2x128xi32, #tpu.memory_space<hbm>>
          tpu.enqueue_dma source(%dma_start3A_104 : memref<2x128xi32, #tpu.memory_space<hbm>>) target(%arg7 : memref<2x128xi32, #tpu.memory_space<vmem>>) target_semaphore(%run_scoped3A : memref<!tpu.dma_semaphore, #tpu.memory_space<semaphore_mem>>)
          %dma_wait3A = arith.constant 0 : i32
          %dma_wait3A_105 = tpu.memref_slice %arg3[%add3A_90, %mul3A_92, %dma_wait3A] : memref<2500x4x128xi32, #tpu.memory_space<hbm>> -> memref<1x2x128xi32, #tpu.memory_space<hbm>>
          %dma_wait3A_106 = tpu.memref_squeeze %dma_wait3A_105 : memref<1x2x128xi32, #tpu.memory_space<hbm>> -> memref<2x128xi32, #tpu.memory_space<hbm>>
          %dma_wait3A_107 = arith.constant 0 : i32
          %dma_wait3A_108 = tpu.memref_slice %arg3[%add3A_90, %mul3A_92, %dma_wait3A_107] : memref<2500x4x128xi32, #tpu.memory_space<hbm>> -> memref<1x2x128xi32, #tpu.memory_space<hbm>>
          %dma_wait3A_109 = tpu.memref_squeeze %dma_wait3A_108 : memref<1x2x128xi32, #tpu.memory_space<hbm>> -> memref<2x128xi32, #tpu.memory_space<hbm>>
          tpu.wait_dma2 semaphore(%run_scoped3A : memref<!tpu.dma_semaphore, #tpu.memory_space<semaphore_mem>>) src(%dma_wait3A_109 : memref<2x128xi32, #tpu.memory_space<hbm>>) dst(%arg7 : memref<2x128xi32, #tpu.memory_space<vmem>>)
          tpu.yield
        }) : () -> ()
        %dma_start3A = arith.constant 0 : i32
        %dma_start3A_93 = arith.constant 0 : i32
        %dma_start3A_94 = tpu.memref_slice %arg7[%dma_start3A, %dma_start3A_93] : memref<2x128xi32, #tpu.memory_space<vmem>> -> memref<1x128xi32, #tpu.memory_space<vmem>>
        %dma_start3A_95 = tpu.memref_squeeze %dma_start3A_94 : memref<1x128xi32, #tpu.memory_space<vmem>> -> memref<128xi32, #tpu.memory_space<vmem>>
        %dma_start3A_96 = arith.constant 0 : i32
        %dma_start3A_97 = arith.constant 0 : i32
        %dma_start3A_98 = tpu.memref_slice %arg2[%dma_start3A_96, %dma_start3A_97] : memref<20000x128xf32, #tpu.memory_space<hbm>> -> memref<20000x128xf32, #tpu.memory_space<hbm>>
        tpu.enqueue_indirect_dma source(%dma_start3A_98 : memref<20000x128xf32, #tpu.memory_space<hbm>>) target(%arg10 : memref<128x128xf32, #tpu.memory_space<vmem>>) offsets(%dma_start3A_95 : memref<128xi32, #tpu.memory_space<vmem>>) semaphore(%arg13 : memref<!tpu.dma_semaphore, #tpu.memory_space<semaphore_mem>>)
      } else {
      }
      %mul3A_80 = arith.constant 16 : i32
      %mul3A_81 = arith.muli %add3A_69, %mul3A_80 : i32
      %add3A_82 = arith.addi %mul3A_81, %arg1 : i32
      %lt3A_83 = arith.constant 2500 : i32
      %lt3A_84 = arith.cmpi slt, %add3A_82, %lt3A_83 : i32
      %convert_element_type3A_85 = arith.extui %lt3A_84 : i1 to i32
      %cond3A_86 = arith.constant 0 : i32
      %cond3A_87 = arith.cmpi ne, %convert_element_type3A_85, %cond3A_86 : i32
      scf.if %cond3A_87 {
        %dma_wait3A = arith.constant 0 : i32
        %dma_wait3A_88 = arith.constant 0 : i32
        %dma_wait3A_89 = tpu.memref_slice %arg8[%dma_wait3A, %dma_wait3A_88] : memref<2x128xi32, #tpu.memory_space<vmem>> -> memref<1x128xi32, #tpu.memory_space<vmem>>
        %dma_wait3A_90 = tpu.memref_squeeze %dma_wait3A_89 : memref<1x128xi32, #tpu.memory_space<vmem>> -> memref<128xi32, #tpu.memory_space<vmem>>
        %dma_wait3A_91 = arith.constant 0 : i32
        %dma_wait3A_92 = arith.constant 0 : i32
        %dma_wait3A_93 = tpu.memref_slice %arg2[%dma_wait3A_91, %dma_wait3A_92] : memref<20000x128xf32, #tpu.memory_space<hbm>> -> memref<20000x128xf32, #tpu.memory_space<hbm>>
        tpu.wait_indirect_dma semaphore(%arg14 : memref<!tpu.dma_semaphore, #tpu.memory_space<semaphore_mem>>) src(%dma_wait3A_93 : memref<20000x128xf32, #tpu.memory_space<hbm>>) dst(%arg11 : memref<128x128xf32, #tpu.memory_space<vmem>>)
        %run_scoped3A = arith.constant 1 : i32
        "tpu.region"() ({
          %run_scoped3A_94 = tpu.sem_alloc : memref<!tpu.dma_semaphore, #tpu.memory_space<semaphore_mem>>
          %dma_start3A = arith.constant 0 : i32
          %dma_start3A_95 = tpu.memref_slice %arg8[%run_scoped3A, %dma_start3A] : memref<2x128xi32, #tpu.memory_space<vmem>> -> memref<1x128xi32, #tpu.memory_space<vmem>>
          %dma_start3A_96 = tpu.memref_squeeze %dma_start3A_95 : memref<1x128xi32, #tpu.memory_space<vmem>> -> memref<128xi32, #tpu.memory_space<vmem>>
          %dma_start3A_97 = arith.constant 0 : i32
          %dma_start3A_98 = arith.constant 0 : i32
          %dma_start3A_99 = tpu.memref_slice %arg15[%dma_start3A_97, %dma_start3A_98] : memref<10112x128xf32, #tpu.memory_space<vmem_shared>> -> memref<10112x128xf32, #tpu.memory_space<vmem_shared>>
          tpu.enqueue_indirect_dma source(%arg11 : memref<128x128xf32, #tpu.memory_space<vmem>>) target(%dma_start3A_99 : memref<10112x128xf32, #tpu.memory_space<vmem_shared>>) offsets(%dma_start3A_96 : memref<128xi32, #tpu.memory_space<vmem>>) semaphore(%run_scoped3A_94 : memref<!tpu.dma_semaphore, #tpu.memory_space<semaphore_mem>>) {add = true}
          %dma_wait3A_100 = arith.constant 0 : i32
          %dma_wait3A_101 = tpu.memref_slice %arg8[%run_scoped3A, %dma_wait3A_100] : memref<2x128xi32, #tpu.memory_space<vmem>> -> memref<1x128xi32, #tpu.memory_space<vmem>>
          %dma_wait3A_102 = tpu.memref_squeeze %dma_wait3A_101 : memref<1x128xi32, #tpu.memory_space<vmem>> -> memref<128xi32, #tpu.memory_space<vmem>>
          %dma_wait3A_103 = arith.constant 0 : i32
          %dma_wait3A_104 = arith.constant 0 : i32
          %dma_wait3A_105 = tpu.memref_slice %arg15[%dma_wait3A_103, %dma_wait3A_104] : memref<10112x128xf32, #tpu.memory_space<vmem_shared>> -> memref<10112x128xf32, #tpu.memory_space<vmem_shared>>
          tpu.wait_indirect_dma semaphore(%run_scoped3A_94 : memref<!tpu.dma_semaphore, #tpu.memory_space<semaphore_mem>>) src(%arg11 : memref<128x128xf32, #tpu.memory_space<vmem>>) dst(%dma_wait3A_105 : memref<10112x128xf32, #tpu.memory_space<vmem_shared>>)
          tpu.yield
        }) : () -> ()
      } else {
      }
    }
    %scan3A_14 = arith.constant 53 : i32
    %barrier3A_15 = arith.constant 0 : index
    tpu.barrier barrier_id(%barrier3A_15)
    %mul3A_16 = arith.constant 10112 : i32
    %mul3A_17 = arith.muli %arg0, %mul3A_16 : i32
    %mul3A_18 = arith.constant 632 : i32
    %mul3A_19 = arith.muli %arg1, %mul3A_18 : i32
    %add3A_20 = arith.addi %mul3A_17, %mul3A_19 : i32
    %multiple_of3A = tpu.assume_multiple %add3A_20, 8 : i32
    %mul3A_21 = arith.constant 632 : i32
    %mul3A_22 = arith.muli %arg1, %mul3A_21 : i32
    "tpu.region"() ({
      %run_scoped3A = tpu.sem_alloc : memref<!tpu.dma_semaphore, #tpu.memory_space<semaphore_mem>>
      %dma_start3A = arith.constant 0 : i32
      %dma_start3A_23 = tpu.memref_slice %arg5[%multiple_of3A, %dma_start3A] : memref<20224x128xf32, #tpu.memory_space<hbm>> -> memref<632x128xf32, #tpu.memory_space<hbm>>
      %dma_start3A_24 = arith.constant 0 : i32
      %dma_start3A_25 = tpu.memref_slice %arg15[%mul3A_22, %dma_start3A_24] : memref<10112x128xf32, #tpu.memory_space<vmem_shared>> -> memref<632x128xf32, #tpu.memory_space<vmem_shared>>
      tpu.enqueue_dma source(%dma_start3A_25 : memref<632x128xf32, #tpu.memory_space<vmem_shared>>) target(%dma_start3A_23 : memref<632x128xf32, #tpu.memory_space<hbm>>) target_semaphore(%run_scoped3A : memref<!tpu.dma_semaphore, #tpu.memory_space<semaphore_mem>>)
      %dma_wait3A = arith.constant 0 : i32
      %dma_wait3A_26 = tpu.memref_slice %arg5[%multiple_of3A, %dma_wait3A] : memref<20224x128xf32, #tpu.memory_space<hbm>> -> memref<632x128xf32, #tpu.memory_space<hbm>>
      %dma_wait3A_27 = arith.constant 0 : i32
      %dma_wait3A_28 = tpu.memref_slice %arg15[%mul3A_22, %dma_wait3A_27] : memref<10112x128xf32, #tpu.memory_space<vmem_shared>> -> memref<632x128xf32, #tpu.memory_space<vmem_shared>>
      tpu.wait_dma2 semaphore(%run_scoped3A : memref<!tpu.dma_semaphore, #tpu.memory_space<semaphore_mem>>) src(%dma_wait3A_28 : memref<632x128xf32, #tpu.memory_space<vmem_shared>>) dst(%dma_wait3A_26 : memref<632x128xf32, #tpu.memory_space<hbm>>)
      tpu.yield
    }) : () -> ()
    return
  }
}

#map = affine_map<(d0, d1) -> (0, 0)>
#map1 = affine_map<(d0, d1) -> (0, 0, 0)>
module attributes {stable_mosaic.version = 14 : i64} {
  func.func @_sc_agg_body(%arg0: i32, %arg1: i32, %arg2: memref<20000x128xf32, #tpu.memory_space<hbm>>, %arg3: memref<2500x4x128xi32, #tpu.memory_space<hbm>>, %arg4: memref<632x128xf32, #tpu.memory_space<hbm>>, %arg5: memref<20224x128xf32, #tpu.memory_space<hbm>>, %arg6: memref<2x128xi32, #tpu.memory_space<vmem>>, %arg7: memref<2x128xi32, #tpu.memory_space<vmem>>, %arg8: memref<2x128xi32, #tpu.memory_space<vmem>>, %arg9: memref<128x128xf32, #tpu.memory_space<vmem>>, %arg10: memref<128x128xf32, #tpu.memory_space<vmem>>, %arg11: memref<128x128xf32, #tpu.memory_space<vmem>>, %arg12: memref<!tpu.dma_semaphore, #tpu.memory_space<semaphore_mem>>, %arg13: memref<!tpu.dma_semaphore, #tpu.memory_space<semaphore_mem>>, %arg14: memref<!tpu.dma_semaphore, #tpu.memory_space<semaphore_mem>>, %arg15: memref<10112x128xf32, #tpu.memory_space<vmem_shared>>) attributes {dimension_semantics = [#tpu.dimension_semantics<core_parallel>, #tpu.dimension_semantics<subcore_parallel>], iteration_bounds = array<i64: 2, 16>, scalar_prefetch = 0 : i64, scratch_operands = 10 : i64, tpu.core_type = #tpu.core_type<sc_vector_subcore>, window_params = [{transform_indices = #map}, {transform_indices = #map1}, {transform_indices = #map}, {transform_indices = #map}]} {
    %mul3A = arith.constant 632 : i32
    %mul3A_0 = arith.muli %arg1, %mul3A : i32
    "tpu.region"() ({
      %run_scoped3A = tpu.sem_alloc : memref<!tpu.dma_semaphore, #tpu.memory_space<semaphore_mem>>
      %dma_start3A = arith.constant 0 : i32
      %dma_start3A_23 = tpu.memref_slice %arg15[%mul3A_0, %dma_start3A] : memref<10112x128xf32, #tpu.memory_space<vmem_shared>> -> memref<632x128xf32, #tpu.memory_space<vmem_shared>>
      tpu.enqueue_dma source(%arg4 : memref<632x128xf32, #tpu.memory_space<hbm>>) target(%dma_start3A_23 : memref<632x128xf32, #tpu.memory_space<vmem_shared>>) target_semaphore(%run_scoped3A : memref<!tpu.dma_semaphore, #tpu.memory_space<semaphore_mem>>)
      %dma_wait3A = arith.constant 0 : i32
      %dma_wait3A_24 = tpu.memref_slice %arg15[%mul3A_0, %dma_wait3A] : memref<10112x128xf32, #tpu.memory_space<vmem_shared>> -> memref<632x128xf32, #tpu.memory_space<vmem_shared>>
      tpu.wait_dma2 semaphore(%run_scoped3A : memref<!tpu.dma_semaphore, #tpu.memory_space<semaphore_mem>>) src(%arg4 : memref<632x128xf32, #tpu.memory_space<hbm>>) dst(%dma_wait3A_24 : memref<632x128xf32, #tpu.memory_space<vmem_shared>>)
      tpu.yield
    }) : () -> ()
    %barrier3A = arith.constant 0 : index
    tpu.barrier barrier_id(%barrier3A)
    %add3A = arith.constant 0 : i32
    %add3A_1 = arith.addi %add3A, %arg1 : i32
    %lt3A = arith.constant 2500 : i32
    %lt3A_2 = arith.cmpi slt, %add3A_1, %lt3A : i32
    %convert_element_type3A = arith.extui %lt3A_2 : i1 to i32
    %cond3A = arith.constant 0 : i32
    %cond3A_3 = arith.cmpi ne, %convert_element_type3A, %cond3A : i32
    scf.if %cond3A_3 {
      %add3A_23 = arith.constant 0 : i32
      %add3A_24 = arith.addi %add3A_23, %arg1 : i32
      %mul3A_25 = arith.constant 2 : i32
      %mul3A_26 = arith.muli %mul3A_25, %arg0 : i32
      "tpu.region"() ({
        %run_scoped3A = tpu.sem_alloc : memref<!tpu.dma_semaphore, #tpu.memory_space<semaphore_mem>>
        %dma_start3A_33 = arith.constant 0 : i32
        %dma_start3A_34 = tpu.memref_slice %arg3[%add3A_24, %mul3A_26, %dma_start3A_33] : memref<2500x4x128xi32, #tpu.memory_space<hbm>> -> memref<1x2x128xi32, #tpu.memory_space<hbm>>
        %dma_start3A_35 = tpu.memref_squeeze %dma_start3A_34 : memref<1x2x128xi32, #tpu.memory_space<hbm>> -> memref<2x128xi32, #tpu.memory_space<hbm>>
        %dma_start3A_36 = arith.constant 0 : i32
        %dma_start3A_37 = tpu.memref_slice %arg3[%add3A_24, %mul3A_26, %dma_start3A_36] : memref<2500x4x128xi32, #tpu.memory_space<hbm>> -> memref<1x2x128xi32, #tpu.memory_space<hbm>>
        %dma_start3A_38 = tpu.memref_squeeze %dma_start3A_37 : memref<1x2x128xi32, #tpu.memory_space<hbm>> -> memref<2x128xi32, #tpu.memory_space<hbm>>
        tpu.enqueue_dma source(%dma_start3A_38 : memref<2x128xi32, #tpu.memory_space<hbm>>) target(%arg6 : memref<2x128xi32, #tpu.memory_space<vmem>>) target_semaphore(%run_scoped3A : memref<!tpu.dma_semaphore, #tpu.memory_space<semaphore_mem>>)
        %dma_wait3A = arith.constant 0 : i32
        %dma_wait3A_39 = tpu.memref_slice %arg3[%add3A_24, %mul3A_26, %dma_wait3A] : memref<2500x4x128xi32, #tpu.memory_space<hbm>> -> memref<1x2x128xi32, #tpu.memory_space<hbm>>
        %dma_wait3A_40 = tpu.memref_squeeze %dma_wait3A_39 : memref<1x2x128xi32, #tpu.memory_space<hbm>> -> memref<2x128xi32, #tpu.memory_space<hbm>>
        %dma_wait3A_41 = arith.constant 0 : i32
        %dma_wait3A_42 = tpu.memref_slice %arg3[%add3A_24, %mul3A_26, %dma_wait3A_41] : memref<2500x4x128xi32, #tpu.memory_space<hbm>> -> memref<1x2x128xi32, #tpu.memory_space<hbm>>
        %dma_wait3A_43 = tpu.memref_squeeze %dma_wait3A_42 : memref<1x2x128xi32, #tpu.memory_space<hbm>> -> memref<2x128xi32, #tpu.memory_space<hbm>>
        tpu.wait_dma2 semaphore(%run_scoped3A : memref<!tpu.dma_semaphore, #tpu.memory_space<semaphore_mem>>) src(%dma_wait3A_43 : memref<2x128xi32, #tpu.memory_space<hbm>>) dst(%arg6 : memref<2x128xi32, #tpu.memory_space<vmem>>)
        tpu.yield
      }) : () -> ()
      %dma_start3A = arith.constant 0 : i32
      %dma_start3A_27 = arith.constant 0 : i32
      %dma_start3A_28 = tpu.memref_slice %arg6[%dma_start3A, %dma_start3A_27] : memref<2x128xi32, #tpu.memory_space<vmem>> -> memref<1x128xi32, #tpu.memory_space<vmem>>
      %dma_start3A_29 = tpu.memref_squeeze %dma_start3A_28 : memref<1x128xi32, #tpu.memory_space<vmem>> -> memref<128xi32, #tpu.memory_space<vmem>>
      %dma_start3A_30 = arith.constant 0 : i32
      %dma_start3A_31 = arith.constant 0 : i32
      %dma_start3A_32 = tpu.memref_slice %arg2[%dma_start3A_30, %dma_start3A_31] : memref<20000x128xf32, #tpu.memory_space<hbm>> -> memref<20000x128xf32, #tpu.memory_space<hbm>>
      tpu.enqueue_indirect_dma source(%dma_start3A_32 : memref<20000x128xf32, #tpu.memory_space<hbm>>) target(%arg9 : memref<128x128xf32, #tpu.memory_space<vmem>>) offsets(%dma_start3A_29 : memref<128xi32, #tpu.memory_space<vmem>>) semaphore(%arg12 : memref<!tpu.dma_semaphore, #tpu.memory_space<semaphore_mem>>)
    } else {
    }
    %add3A_4 = arith.constant 16 : i32
    %add3A_5 = arith.addi %add3A_4, %arg1 : i32
    %lt3A_6 = arith.constant 2500 : i32
    %lt3A_7 = arith.cmpi slt, %add3A_5, %lt3A_6 : i32
    %convert_element_type3A_8 = arith.extui %lt3A_7 : i1 to i32
    %cond3A_9 = arith.constant 0 : i32
    %cond3A_10 = arith.cmpi ne, %convert_element_type3A_8, %cond3A_9 : i32
    scf.if %cond3A_10 {
      %add3A_23 = arith.constant 16 : i32
      %add3A_24 = arith.addi %add3A_23, %arg1 : i32
      %mul3A_25 = arith.constant 2 : i32
      %mul3A_26 = arith.muli %mul3A_25, %arg0 : i32
      "tpu.region"() ({
        %run_scoped3A = tpu.sem_alloc : memref<!tpu.dma_semaphore, #tpu.memory_space<semaphore_mem>>
        %dma_start3A_33 = arith.constant 0 : i32
        %dma_start3A_34 = tpu.memref_slice %arg3[%add3A_24, %mul3A_26, %dma_start3A_33] : memref<2500x4x128xi32, #tpu.memory_space<hbm>> -> memref<1x2x128xi32, #tpu.memory_space<hbm>>
        %dma_start3A_35 = tpu.memref_squeeze %dma_start3A_34 : memref<1x2x128xi32, #tpu.memory_space<hbm>> -> memref<2x128xi32, #tpu.memory_space<hbm>>
        %dma_start3A_36 = arith.constant 0 : i32
        %dma_start3A_37 = tpu.memref_slice %arg3[%add3A_24, %mul3A_26, %dma_start3A_36] : memref<2500x4x128xi32, #tpu.memory_space<hbm>> -> memref<1x2x128xi32, #tpu.memory_space<hbm>>
        %dma_start3A_38 = tpu.memref_squeeze %dma_start3A_37 : memref<1x2x128xi32, #tpu.memory_space<hbm>> -> memref<2x128xi32, #tpu.memory_space<hbm>>
        tpu.enqueue_dma source(%dma_start3A_38 : memref<2x128xi32, #tpu.memory_space<hbm>>) target(%arg7 : memref<2x128xi32, #tpu.memory_space<vmem>>) target_semaphore(%run_scoped3A : memref<!tpu.dma_semaphore, #tpu.memory_space<semaphore_mem>>)
        %dma_wait3A = arith.constant 0 : i32
        %dma_wait3A_39 = tpu.memref_slice %arg3[%add3A_24, %mul3A_26, %dma_wait3A] : memref<2500x4x128xi32, #tpu.memory_space<hbm>> -> memref<1x2x128xi32, #tpu.memory_space<hbm>>
        %dma_wait3A_40 = tpu.memref_squeeze %dma_wait3A_39 : memref<1x2x128xi32, #tpu.memory_space<hbm>> -> memref<2x128xi32, #tpu.memory_space<hbm>>
        %dma_wait3A_41 = arith.constant 0 : i32
        %dma_wait3A_42 = tpu.memref_slice %arg3[%add3A_24, %mul3A_26, %dma_wait3A_41] : memref<2500x4x128xi32, #tpu.memory_space<hbm>> -> memref<1x2x128xi32, #tpu.memory_space<hbm>>
        %dma_wait3A_43 = tpu.memref_squeeze %dma_wait3A_42 : memref<1x2x128xi32, #tpu.memory_space<hbm>> -> memref<2x128xi32, #tpu.memory_space<hbm>>
        tpu.wait_dma2 semaphore(%run_scoped3A : memref<!tpu.dma_semaphore, #tpu.memory_space<semaphore_mem>>) src(%dma_wait3A_43 : memref<2x128xi32, #tpu.memory_space<hbm>>) dst(%arg7 : memref<2x128xi32, #tpu.memory_space<vmem>>)
        tpu.yield
      }) : () -> ()
      %dma_start3A = arith.constant 0 : i32
      %dma_start3A_27 = arith.constant 0 : i32
      %dma_start3A_28 = tpu.memref_slice %arg7[%dma_start3A, %dma_start3A_27] : memref<2x128xi32, #tpu.memory_space<vmem>> -> memref<1x128xi32, #tpu.memory_space<vmem>>
      %dma_start3A_29 = tpu.memref_squeeze %dma_start3A_28 : memref<1x128xi32, #tpu.memory_space<vmem>> -> memref<128xi32, #tpu.memory_space<vmem>>
      %dma_start3A_30 = arith.constant 0 : i32
      %dma_start3A_31 = arith.constant 0 : i32
      %dma_start3A_32 = tpu.memref_slice %arg2[%dma_start3A_30, %dma_start3A_31] : memref<20000x128xf32, #tpu.memory_space<hbm>> -> memref<20000x128xf32, #tpu.memory_space<hbm>>
      tpu.enqueue_indirect_dma source(%dma_start3A_32 : memref<20000x128xf32, #tpu.memory_space<hbm>>) target(%arg10 : memref<128x128xf32, #tpu.memory_space<vmem>>) offsets(%dma_start3A_29 : memref<128xi32, #tpu.memory_space<vmem>>) semaphore(%arg13 : memref<!tpu.dma_semaphore, #tpu.memory_space<semaphore_mem>>)
    } else {
    }
    %scan3A = arith.constant 0 : i32
    %scan3A_11 = arith.constant 53 : i32
    %scan3A_12 = arith.addi %scan3A, %scan3A_11 : i32
    %scan3A_13 = arith.constant 1 : i32
    scf.for %scan3A_23 = %scan3A to %scan3A_12 step %scan3A_13  : i32 {
      %mul3A_24 = arith.constant 3 : i32
      %mul3A_25 = arith.muli %mul3A_24, %scan3A_23 : i32
      %add3A_26 = arith.constant 2 : i32
      %add3A_27 = arith.addi %mul3A_25, %add3A_26 : i32
      %mul3A_28 = arith.constant 16 : i32
      %mul3A_29 = arith.muli %add3A_27, %mul3A_28 : i32
      %add3A_30 = arith.addi %mul3A_29, %arg1 : i32
      %lt3A_31 = arith.constant 2500 : i32
      %lt3A_32 = arith.cmpi slt, %add3A_30, %lt3A_31 : i32
      %convert_element_type3A_33 = arith.extui %lt3A_32 : i1 to i32
      %cond3A_34 = arith.constant 0 : i32
      %cond3A_35 = arith.cmpi ne, %convert_element_type3A_33, %cond3A_34 : i32
      scf.if %cond3A_35 {
        %mul3A_88 = arith.constant 16 : i32
        %mul3A_89 = arith.muli %add3A_27, %mul3A_88 : i32
        %add3A_90 = arith.addi %mul3A_89, %arg1 : i32
        %mul3A_91 = arith.constant 2 : i32
        %mul3A_92 = arith.muli %mul3A_91, %arg0 : i32
        "tpu.region"() ({
          %run_scoped3A = tpu.sem_alloc : memref<!tpu.dma_semaphore, #tpu.memory_space<semaphore_mem>>
          %dma_start3A_99 = arith.constant 0 : i32
          %dma_start3A_100 = tpu.memref_slice %arg3[%add3A_90, %mul3A_92, %dma_start3A_99] : memref<2500x4x128xi32, #tpu.memory_space<hbm>> -> memref<1x2x128xi32, #tpu.memory_space<hbm>>
          %dma_start3A_101 = tpu.memref_squeeze %dma_start3A_100 : memref<1x2x128xi32, #tpu.memory_space<hbm>> -> memref<2x128xi32, #tpu.memory_space<hbm>>
          %dma_start3A_102 = arith.constant 0 : i32
          %dma_start3A_103 = tpu.memref_slice %arg3[%add3A_90, %mul3A_92, %dma_start3A_102] : memref<2500x4x128xi32, #tpu.memory_space<hbm>> -> memref<1x2x128xi32, #tpu.memory_space<hbm>>
          %dma_start3A_104 = tpu.memref_squeeze %dma_start3A_103 : memref<1x2x128xi32, #tpu.memory_space<hbm>> -> memref<2x128xi32, #tpu.memory_space<hbm>>
          tpu.enqueue_dma source(%dma_start3A_104 : memref<2x128xi32, #tpu.memory_space<hbm>>) target(%arg8 : memref<2x128xi32, #tpu.memory_space<vmem>>) target_semaphore(%run_scoped3A : memref<!tpu.dma_semaphore, #tpu.memory_space<semaphore_mem>>)
          %dma_wait3A = arith.constant 0 : i32
          %dma_wait3A_105 = tpu.memref_slice %arg3[%add3A_90, %mul3A_92, %dma_wait3A] : memref<2500x4x128xi32, #tpu.memory_space<hbm>> -> memref<1x2x128xi32, #tpu.memory_space<hbm>>
          %dma_wait3A_106 = tpu.memref_squeeze %dma_wait3A_105 : memref<1x2x128xi32, #tpu.memory_space<hbm>> -> memref<2x128xi32, #tpu.memory_space<hbm>>
          %dma_wait3A_107 = arith.constant 0 : i32
          %dma_wait3A_108 = tpu.memref_slice %arg3[%add3A_90, %mul3A_92, %dma_wait3A_107] : memref<2500x4x128xi32, #tpu.memory_space<hbm>> -> memref<1x2x128xi32, #tpu.memory_space<hbm>>
          %dma_wait3A_109 = tpu.memref_squeeze %dma_wait3A_108 : memref<1x2x128xi32, #tpu.memory_space<hbm>> -> memref<2x128xi32, #tpu.memory_space<hbm>>
          tpu.wait_dma2 semaphore(%run_scoped3A : memref<!tpu.dma_semaphore, #tpu.memory_space<semaphore_mem>>) src(%dma_wait3A_109 : memref<2x128xi32, #tpu.memory_space<hbm>>) dst(%arg8 : memref<2x128xi32, #tpu.memory_space<vmem>>)
          tpu.yield
        }) : () -> ()
        %dma_start3A = arith.constant 0 : i32
        %dma_start3A_93 = arith.constant 0 : i32
        %dma_start3A_94 = tpu.memref_slice %arg8[%dma_start3A, %dma_start3A_93] : memref<2x128xi32, #tpu.memory_space<vmem>> -> memref<1x128xi32, #tpu.memory_space<vmem>>
        %dma_start3A_95 = tpu.memref_squeeze %dma_start3A_94 : memref<1x128xi32, #tpu.memory_space<vmem>> -> memref<128xi32, #tpu.memory_space<vmem>>
        %dma_start3A_96 = arith.constant 0 : i32
        %dma_start3A_97 = arith.constant 0 : i32
        %dma_start3A_98 = tpu.memref_slice %arg2[%dma_start3A_96, %dma_start3A_97] : memref<20000x128xf32, #tpu.memory_space<hbm>> -> memref<20000x128xf32, #tpu.memory_space<hbm>>
        tpu.enqueue_indirect_dma source(%dma_start3A_98 : memref<20000x128xf32, #tpu.memory_space<hbm>>) target(%arg11 : memref<128x128xf32, #tpu.memory_space<vmem>>) offsets(%dma_start3A_95 : memref<128xi32, #tpu.memory_space<vmem>>) semaphore(%arg14 : memref<!tpu.dma_semaphore, #tpu.memory_space<semaphore_mem>>)
      } else {
      }
      %mul3A_36 = arith.constant 16 : i32
      %mul3A_37 = arith.muli %mul3A_25, %mul3A_36 : i32
      %add3A_38 = arith.addi %mul3A_37, %arg1 : i32
      %lt3A_39 = arith.constant 2500 : i32
      %lt3A_40 = arith.cmpi slt, %add3A_38, %lt3A_39 : i32
      %convert_element_type3A_41 = arith.extui %lt3A_40 : i1 to i32
      %cond3A_42 = arith.constant 0 : i32
      %cond3A_43 = arith.cmpi ne, %convert_element_type3A_41, %cond3A_42 : i32
      scf.if %cond3A_43 {
        %dma_wait3A = arith.constant 0 : i32
        %dma_wait3A_88 = arith.constant 0 : i32
        %dma_wait3A_89 = tpu.memref_slice %arg6[%dma_wait3A, %dma_wait3A_88] : memref<2x128xi32, #tpu.memory_space<vmem>> -> memref<1x128xi32, #tpu.memory_space<vmem>>
        %dma_wait3A_90 = tpu.memref_squeeze %dma_wait3A_89 : memref<1x128xi32, #tpu.memory_space<vmem>> -> memref<128xi32, #tpu.memory_space<vmem>>
        %dma_wait3A_91 = arith.constant 0 : i32
        %dma_wait3A_92 = arith.constant 0 : i32
        %dma_wait3A_93 = tpu.memref_slice %arg2[%dma_wait3A_91, %dma_wait3A_92] : memref<20000x128xf32, #tpu.memory_space<hbm>> -> memref<20000x128xf32, #tpu.memory_space<hbm>>
        tpu.wait_indirect_dma semaphore(%arg12 : memref<!tpu.dma_semaphore, #tpu.memory_space<semaphore_mem>>) src(%dma_wait3A_93 : memref<20000x128xf32, #tpu.memory_space<hbm>>) dst(%arg9 : memref<128x128xf32, #tpu.memory_space<vmem>>)
        %run_scoped3A = arith.constant 1 : i32
        "tpu.region"() ({
          %run_scoped3A_94 = tpu.sem_alloc : memref<!tpu.dma_semaphore, #tpu.memory_space<semaphore_mem>>
          %dma_start3A = arith.constant 0 : i32
          %dma_start3A_95 = tpu.memref_slice %arg6[%run_scoped3A, %dma_start3A] : memref<2x128xi32, #tpu.memory_space<vmem>> -> memref<1x128xi32, #tpu.memory_space<vmem>>
          %dma_start3A_96 = tpu.memref_squeeze %dma_start3A_95 : memref<1x128xi32, #tpu.memory_space<vmem>> -> memref<128xi32, #tpu.memory_space<vmem>>
          %dma_start3A_97 = arith.constant 0 : i32
          %dma_start3A_98 = arith.constant 0 : i32
          %dma_start3A_99 = tpu.memref_slice %arg15[%dma_start3A_97, %dma_start3A_98] : memref<10112x128xf32, #tpu.memory_space<vmem_shared>> -> memref<10112x128xf32, #tpu.memory_space<vmem_shared>>
          tpu.enqueue_indirect_dma source(%arg9 : memref<128x128xf32, #tpu.memory_space<vmem>>) target(%dma_start3A_99 : memref<10112x128xf32, #tpu.memory_space<vmem_shared>>) offsets(%dma_start3A_96 : memref<128xi32, #tpu.memory_space<vmem>>) semaphore(%run_scoped3A_94 : memref<!tpu.dma_semaphore, #tpu.memory_space<semaphore_mem>>) {add = true}
          %dma_wait3A_100 = arith.constant 0 : i32
          %dma_wait3A_101 = tpu.memref_slice %arg6[%run_scoped3A, %dma_wait3A_100] : memref<2x128xi32, #tpu.memory_space<vmem>> -> memref<1x128xi32, #tpu.memory_space<vmem>>
          %dma_wait3A_102 = tpu.memref_squeeze %dma_wait3A_101 : memref<1x128xi32, #tpu.memory_space<vmem>> -> memref<128xi32, #tpu.memory_space<vmem>>
          %dma_wait3A_103 = arith.constant 0 : i32
          %dma_wait3A_104 = arith.constant 0 : i32
          %dma_wait3A_105 = tpu.memref_slice %arg15[%dma_wait3A_103, %dma_wait3A_104] : memref<10112x128xf32, #tpu.memory_space<vmem_shared>> -> memref<10112x128xf32, #tpu.memory_space<vmem_shared>>
          tpu.wait_indirect_dma semaphore(%run_scoped3A_94 : memref<!tpu.dma_semaphore, #tpu.memory_space<semaphore_mem>>) src(%arg9 : memref<128x128xf32, #tpu.memory_space<vmem>>) dst(%dma_wait3A_105 : memref<10112x128xf32, #tpu.memory_space<vmem_shared>>)
          tpu.yield
        }) : () -> ()
      } else {
      }
      %mul3A_44 = arith.constant 3 : i32
      %mul3A_45 = arith.muli %mul3A_44, %scan3A_23 : i32
      %add3A_46 = arith.constant 1 : i32
      %add3A_47 = arith.addi %mul3A_45, %add3A_46 : i32
      %add3A_48 = arith.constant 2 : i32
      %add3A_49 = arith.addi %add3A_47, %add3A_48 : i32
      %mul3A_50 = arith.constant 16 : i32
      %mul3A_51 = arith.muli %add3A_49, %mul3A_50 : i32
      %add3A_52 = arith.addi %mul3A_51, %arg1 : i32
      %lt3A_53 = arith.constant 2500 : i32
      %lt3A_54 = arith.cmpi slt, %add3A_52, %lt3A_53 : i32
      %convert_element_type3A_55 = arith.extui %lt3A_54 : i1 to i32
      %cond3A_56 = arith.constant 0 : i32
      %cond3A_57 = arith.cmpi ne, %convert_element_type3A_55, %cond3A_56 : i32
      scf.if %cond3A_57 {
        %mul3A_88 = arith.constant 16 : i32
        %mul3A_89 = arith.muli %add3A_49, %mul3A_88 : i32
        %add3A_90 = arith.addi %mul3A_89, %arg1 : i32
        %mul3A_91 = arith.constant 2 : i32
        %mul3A_92 = arith.muli %mul3A_91, %arg0 : i32
        "tpu.region"() ({
          %run_scoped3A = tpu.sem_alloc : memref<!tpu.dma_semaphore, #tpu.memory_space<semaphore_mem>>
          %dma_start3A_99 = arith.constant 0 : i32
          %dma_start3A_100 = tpu.memref_slice %arg3[%add3A_90, %mul3A_92, %dma_start3A_99] : memref<2500x4x128xi32, #tpu.memory_space<hbm>> -> memref<1x2x128xi32, #tpu.memory_space<hbm>>
          %dma_start3A_101 = tpu.memref_squeeze %dma_start3A_100 : memref<1x2x128xi32, #tpu.memory_space<hbm>> -> memref<2x128xi32, #tpu.memory_space<hbm>>
          %dma_start3A_102 = arith.constant 0 : i32
          %dma_start3A_103 = tpu.memref_slice %arg3[%add3A_90, %mul3A_92, %dma_start3A_102] : memref<2500x4x128xi32, #tpu.memory_space<hbm>> -> memref<1x2x128xi32, #tpu.memory_space<hbm>>
          %dma_start3A_104 = tpu.memref_squeeze %dma_start3A_103 : memref<1x2x128xi32, #tpu.memory_space<hbm>> -> memref<2x128xi32, #tpu.memory_space<hbm>>
          tpu.enqueue_dma source(%dma_start3A_104 : memref<2x128xi32, #tpu.memory_space<hbm>>) target(%arg6 : memref<2x128xi32, #tpu.memory_space<vmem>>) target_semaphore(%run_scoped3A : memref<!tpu.dma_semaphore, #tpu.memory_space<semaphore_mem>>)
          %dma_wait3A = arith.constant 0 : i32
          %dma_wait3A_105 = tpu.memref_slice %arg3[%add3A_90, %mul3A_92, %dma_wait3A] : memref<2500x4x128xi32, #tpu.memory_space<hbm>> -> memref<1x2x128xi32, #tpu.memory_space<hbm>>
          %dma_wait3A_106 = tpu.memref_squeeze %dma_wait3A_105 : memref<1x2x128xi32, #tpu.memory_space<hbm>> -> memref<2x128xi32, #tpu.memory_space<hbm>>
          %dma_wait3A_107 = arith.constant 0 : i32
          %dma_wait3A_108 = tpu.memref_slice %arg3[%add3A_90, %mul3A_92, %dma_wait3A_107] : memref<2500x4x128xi32, #tpu.memory_space<hbm>> -> memref<1x2x128xi32, #tpu.memory_space<hbm>>
          %dma_wait3A_109 = tpu.memref_squeeze %dma_wait3A_108 : memref<1x2x128xi32, #tpu.memory_space<hbm>> -> memref<2x128xi32, #tpu.memory_space<hbm>>
          tpu.wait_dma2 semaphore(%run_scoped3A : memref<!tpu.dma_semaphore, #tpu.memory_space<semaphore_mem>>) src(%dma_wait3A_109 : memref<2x128xi32, #tpu.memory_space<hbm>>) dst(%arg6 : memref<2x128xi32, #tpu.memory_space<vmem>>)
          tpu.yield
        }) : () -> ()
        %dma_start3A = arith.constant 0 : i32
        %dma_start3A_93 = arith.constant 0 : i32
        %dma_start3A_94 = tpu.memref_slice %arg6[%dma_start3A, %dma_start3A_93] : memref<2x128xi32, #tpu.memory_space<vmem>> -> memref<1x128xi32, #tpu.memory_space<vmem>>
        %dma_start3A_95 = tpu.memref_squeeze %dma_start3A_94 : memref<1x128xi32, #tpu.memory_space<vmem>> -> memref<128xi32, #tpu.memory_space<vmem>>
        %dma_start3A_96 = arith.constant 0 : i32
        %dma_start3A_97 = arith.constant 0 : i32
        %dma_start3A_98 = tpu.memref_slice %arg2[%dma_start3A_96, %dma_start3A_97] : memref<20000x128xf32, #tpu.memory_space<hbm>> -> memref<20000x128xf32, #tpu.memory_space<hbm>>
        tpu.enqueue_indirect_dma source(%dma_start3A_98 : memref<20000x128xf32, #tpu.memory_space<hbm>>) target(%arg9 : memref<128x128xf32, #tpu.memory_space<vmem>>) offsets(%dma_start3A_95 : memref<128xi32, #tpu.memory_space<vmem>>) semaphore(%arg12 : memref<!tpu.dma_semaphore, #tpu.memory_space<semaphore_mem>>)
      } else {
      }
      %mul3A_58 = arith.constant 16 : i32
      %mul3A_59 = arith.muli %add3A_47, %mul3A_58 : i32
      %add3A_60 = arith.addi %mul3A_59, %arg1 : i32
      %lt3A_61 = arith.constant 2500 : i32
      %lt3A_62 = arith.cmpi slt, %add3A_60, %lt3A_61 : i32
      %convert_element_type3A_63 = arith.extui %lt3A_62 : i1 to i32
      %cond3A_64 = arith.constant 0 : i32
      %cond3A_65 = arith.cmpi ne, %convert_element_type3A_63, %cond3A_64 : i32
      scf.if %cond3A_65 {
        %dma_wait3A = arith.constant 0 : i32
        %dma_wait3A_88 = arith.constant 0 : i32
        %dma_wait3A_89 = tpu.memref_slice %arg7[%dma_wait3A, %dma_wait3A_88] : memref<2x128xi32, #tpu.memory_space<vmem>> -> memref<1x128xi32, #tpu.memory_space<vmem>>
        %dma_wait3A_90 = tpu.memref_squeeze %dma_wait3A_89 : memref<1x128xi32, #tpu.memory_space<vmem>> -> memref<128xi32, #tpu.memory_space<vmem>>
        %dma_wait3A_91 = arith.constant 0 : i32
        %dma_wait3A_92 = arith.constant 0 : i32
        %dma_wait3A_93 = tpu.memref_slice %arg2[%dma_wait3A_91, %dma_wait3A_92] : memref<20000x128xf32, #tpu.memory_space<hbm>> -> memref<20000x128xf32, #tpu.memory_space<hbm>>
        tpu.wait_indirect_dma semaphore(%arg13 : memref<!tpu.dma_semaphore, #tpu.memory_space<semaphore_mem>>) src(%dma_wait3A_93 : memref<20000x128xf32, #tpu.memory_space<hbm>>) dst(%arg10 : memref<128x128xf32, #tpu.memory_space<vmem>>)
        %run_scoped3A = arith.constant 1 : i32
        "tpu.region"() ({
          %run_scoped3A_94 = tpu.sem_alloc : memref<!tpu.dma_semaphore, #tpu.memory_space<semaphore_mem>>
          %dma_start3A = arith.constant 0 : i32
          %dma_start3A_95 = tpu.memref_slice %arg7[%run_scoped3A, %dma_start3A] : memref<2x128xi32, #tpu.memory_space<vmem>> -> memref<1x128xi32, #tpu.memory_space<vmem>>
          %dma_start3A_96 = tpu.memref_squeeze %dma_start3A_95 : memref<1x128xi32, #tpu.memory_space<vmem>> -> memref<128xi32, #tpu.memory_space<vmem>>
          %dma_start3A_97 = arith.constant 0 : i32
          %dma_start3A_98 = arith.constant 0 : i32
          %dma_start3A_99 = tpu.memref_slice %arg15[%dma_start3A_97, %dma_start3A_98] : memref<10112x128xf32, #tpu.memory_space<vmem_shared>> -> memref<10112x128xf32, #tpu.memory_space<vmem_shared>>
          tpu.enqueue_indirect_dma source(%arg10 : memref<128x128xf32, #tpu.memory_space<vmem>>) target(%dma_start3A_99 : memref<10112x128xf32, #tpu.memory_space<vmem_shared>>) offsets(%dma_start3A_96 : memref<128xi32, #tpu.memory_space<vmem>>) semaphore(%run_scoped3A_94 : memref<!tpu.dma_semaphore, #tpu.memory_space<semaphore_mem>>) {add = true}
          %dma_wait3A_100 = arith.constant 0 : i32
          %dma_wait3A_101 = tpu.memref_slice %arg7[%run_scoped3A, %dma_wait3A_100] : memref<2x128xi32, #tpu.memory_space<vmem>> -> memref<1x128xi32, #tpu.memory_space<vmem>>
          %dma_wait3A_102 = tpu.memref_squeeze %dma_wait3A_101 : memref<1x128xi32, #tpu.memory_space<vmem>> -> memref<128xi32, #tpu.memory_space<vmem>>
          %dma_wait3A_103 = arith.constant 0 : i32
          %dma_wait3A_104 = arith.constant 0 : i32
          %dma_wait3A_105 = tpu.memref_slice %arg15[%dma_wait3A_103, %dma_wait3A_104] : memref<10112x128xf32, #tpu.memory_space<vmem_shared>> -> memref<10112x128xf32, #tpu.memory_space<vmem_shared>>
          tpu.wait_indirect_dma semaphore(%run_scoped3A_94 : memref<!tpu.dma_semaphore, #tpu.memory_space<semaphore_mem>>) src(%arg10 : memref<128x128xf32, #tpu.memory_space<vmem>>) dst(%dma_wait3A_105 : memref<10112x128xf32, #tpu.memory_space<vmem_shared>>)
          tpu.yield
        }) : () -> ()
      } else {
      }
      %mul3A_66 = arith.constant 3 : i32
      %mul3A_67 = arith.muli %mul3A_66, %scan3A_23 : i32
      %add3A_68 = arith.constant 2 : i32
      %add3A_69 = arith.addi %mul3A_67, %add3A_68 : i32
      %add3A_70 = arith.constant 2 : i32
      %add3A_71 = arith.addi %add3A_69, %add3A_70 : i32
      %mul3A_72 = arith.constant 16 : i32
      %mul3A_73 = arith.muli %add3A_71, %mul3A_72 : i32
      %add3A_74 = arith.addi %mul3A_73, %arg1 : i32
      %lt3A_75 = arith.constant 2500 : i32
      %lt3A_76 = arith.cmpi slt, %add3A_74, %lt3A_75 : i32
      %convert_element_type3A_77 = arith.extui %lt3A_76 : i1 to i32
      %cond3A_78 = arith.constant 0 : i32
      %cond3A_79 = arith.cmpi ne, %convert_element_type3A_77, %cond3A_78 : i32
      scf.if %cond3A_79 {
        %mul3A_88 = arith.constant 16 : i32
        %mul3A_89 = arith.muli %add3A_71, %mul3A_88 : i32
        %add3A_90 = arith.addi %mul3A_89, %arg1 : i32
        %mul3A_91 = arith.constant 2 : i32
        %mul3A_92 = arith.muli %mul3A_91, %arg0 : i32
        "tpu.region"() ({
          %run_scoped3A = tpu.sem_alloc : memref<!tpu.dma_semaphore, #tpu.memory_space<semaphore_mem>>
          %dma_start3A_99 = arith.constant 0 : i32
          %dma_start3A_100 = tpu.memref_slice %arg3[%add3A_90, %mul3A_92, %dma_start3A_99] : memref<2500x4x128xi32, #tpu.memory_space<hbm>> -> memref<1x2x128xi32, #tpu.memory_space<hbm>>
          %dma_start3A_101 = tpu.memref_squeeze %dma_start3A_100 : memref<1x2x128xi32, #tpu.memory_space<hbm>> -> memref<2x128xi32, #tpu.memory_space<hbm>>
          %dma_start3A_102 = arith.constant 0 : i32
          %dma_start3A_103 = tpu.memref_slice %arg3[%add3A_90, %mul3A_92, %dma_start3A_102] : memref<2500x4x128xi32, #tpu.memory_space<hbm>> -> memref<1x2x128xi32, #tpu.memory_space<hbm>>
          %dma_start3A_104 = tpu.memref_squeeze %dma_start3A_103 : memref<1x2x128xi32, #tpu.memory_space<hbm>> -> memref<2x128xi32, #tpu.memory_space<hbm>>
          tpu.enqueue_dma source(%dma_start3A_104 : memref<2x128xi32, #tpu.memory_space<hbm>>) target(%arg7 : memref<2x128xi32, #tpu.memory_space<vmem>>) target_semaphore(%run_scoped3A : memref<!tpu.dma_semaphore, #tpu.memory_space<semaphore_mem>>)
          %dma_wait3A = arith.constant 0 : i32
          %dma_wait3A_105 = tpu.memref_slice %arg3[%add3A_90, %mul3A_92, %dma_wait3A] : memref<2500x4x128xi32, #tpu.memory_space<hbm>> -> memref<1x2x128xi32, #tpu.memory_space<hbm>>
          %dma_wait3A_106 = tpu.memref_squeeze %dma_wait3A_105 : memref<1x2x128xi32, #tpu.memory_space<hbm>> -> memref<2x128xi32, #tpu.memory_space<hbm>>
          %dma_wait3A_107 = arith.constant 0 : i32
          %dma_wait3A_108 = tpu.memref_slice %arg3[%add3A_90, %mul3A_92, %dma_wait3A_107] : memref<2500x4x128xi32, #tpu.memory_space<hbm>> -> memref<1x2x128xi32, #tpu.memory_space<hbm>>
          %dma_wait3A_109 = tpu.memref_squeeze %dma_wait3A_108 : memref<1x2x128xi32, #tpu.memory_space<hbm>> -> memref<2x128xi32, #tpu.memory_space<hbm>>
          tpu.wait_dma2 semaphore(%run_scoped3A : memref<!tpu.dma_semaphore, #tpu.memory_space<semaphore_mem>>) src(%dma_wait3A_109 : memref<2x128xi32, #tpu.memory_space<hbm>>) dst(%arg7 : memref<2x128xi32, #tpu.memory_space<vmem>>)
          tpu.yield
        }) : () -> ()
        %dma_start3A = arith.constant 0 : i32
        %dma_start3A_93 = arith.constant 0 : i32
        %dma_start3A_94 = tpu.memref_slice %arg7[%dma_start3A, %dma_start3A_93] : memref<2x128xi32, #tpu.memory_space<vmem>> -> memref<1x128xi32, #tpu.memory_space<vmem>>
        %dma_start3A_95 = tpu.memref_squeeze %dma_start3A_94 : memref<1x128xi32, #tpu.memory_space<vmem>> -> memref<128xi32, #tpu.memory_space<vmem>>
        %dma_start3A_96 = arith.constant 0 : i32
        %dma_start3A_97 = arith.constant 0 : i32
        %dma_start3A_98 = tpu.memref_slice %arg2[%dma_start3A_96, %dma_start3A_97] : memref<20000x128xf32, #tpu.memory_space<hbm>> -> memref<20000x128xf32, #tpu.memory_space<hbm>>
        tpu.enqueue_indirect_dma source(%dma_start3A_98 : memref<20000x128xf32, #tpu.memory_space<hbm>>) target(%arg10 : memref<128x128xf32, #tpu.memory_space<vmem>>) offsets(%dma_start3A_95 : memref<128xi32, #tpu.memory_space<vmem>>) semaphore(%arg13 : memref<!tpu.dma_semaphore, #tpu.memory_space<semaphore_mem>>)
      } else {
      }
      %mul3A_80 = arith.constant 16 : i32
      %mul3A_81 = arith.muli %add3A_69, %mul3A_80 : i32
      %add3A_82 = arith.addi %mul3A_81, %arg1 : i32
      %lt3A_83 = arith.constant 2500 : i32
      %lt3A_84 = arith.cmpi slt, %add3A_82, %lt3A_83 : i32
      %convert_element_type3A_85 = arith.extui %lt3A_84 : i1 to i32
      %cond3A_86 = arith.constant 0 : i32
      %cond3A_87 = arith.cmpi ne, %convert_element_type3A_85, %cond3A_86 : i32
      scf.if %cond3A_87 {
        %dma_wait3A = arith.constant 0 : i32
        %dma_wait3A_88 = arith.constant 0 : i32
        %dma_wait3A_89 = tpu.memref_slice %arg8[%dma_wait3A, %dma_wait3A_88] : memref<2x128xi32, #tpu.memory_space<vmem>> -> memref<1x128xi32, #tpu.memory_space<vmem>>
        %dma_wait3A_90 = tpu.memref_squeeze %dma_wait3A_89 : memref<1x128xi32, #tpu.memory_space<vmem>> -> memref<128xi32, #tpu.memory_space<vmem>>
        %dma_wait3A_91 = arith.constant 0 : i32
        %dma_wait3A_92 = arith.constant 0 : i32
        %dma_wait3A_93 = tpu.memref_slice %arg2[%dma_wait3A_91, %dma_wait3A_92] : memref<20000x128xf32, #tpu.memory_space<hbm>> -> memref<20000x128xf32, #tpu.memory_space<hbm>>
        tpu.wait_indirect_dma semaphore(%arg14 : memref<!tpu.dma_semaphore, #tpu.memory_space<semaphore_mem>>) src(%dma_wait3A_93 : memref<20000x128xf32, #tpu.memory_space<hbm>>) dst(%arg11 : memref<128x128xf32, #tpu.memory_space<vmem>>)
        %run_scoped3A = arith.constant 1 : i32
        "tpu.region"() ({
          %run_scoped3A_94 = tpu.sem_alloc : memref<!tpu.dma_semaphore, #tpu.memory_space<semaphore_mem>>
          %dma_start3A = arith.constant 0 : i32
          %dma_start3A_95 = tpu.memref_slice %arg8[%run_scoped3A, %dma_start3A] : memref<2x128xi32, #tpu.memory_space<vmem>> -> memref<1x128xi32, #tpu.memory_space<vmem>>
          %dma_start3A_96 = tpu.memref_squeeze %dma_start3A_95 : memref<1x128xi32, #tpu.memory_space<vmem>> -> memref<128xi32, #tpu.memory_space<vmem>>
          %dma_start3A_97 = arith.constant 0 : i32
          %dma_start3A_98 = arith.constant 0 : i32
          %dma_start3A_99 = tpu.memref_slice %arg15[%dma_start3A_97, %dma_start3A_98] : memref<10112x128xf32, #tpu.memory_space<vmem_shared>> -> memref<10112x128xf32, #tpu.memory_space<vmem_shared>>
          tpu.enqueue_indirect_dma source(%arg11 : memref<128x128xf32, #tpu.memory_space<vmem>>) target(%dma_start3A_99 : memref<10112x128xf32, #tpu.memory_space<vmem_shared>>) offsets(%dma_start3A_96 : memref<128xi32, #tpu.memory_space<vmem>>) semaphore(%run_scoped3A_94 : memref<!tpu.dma_semaphore, #tpu.memory_space<semaphore_mem>>) {add = true}
          %dma_wait3A_100 = arith.constant 0 : i32
          %dma_wait3A_101 = tpu.memref_slice %arg8[%run_scoped3A, %dma_wait3A_100] : memref<2x128xi32, #tpu.memory_space<vmem>> -> memref<1x128xi32, #tpu.memory_space<vmem>>
          %dma_wait3A_102 = tpu.memref_squeeze %dma_wait3A_101 : memref<1x128xi32, #tpu.memory_space<vmem>> -> memref<128xi32, #tpu.memory_space<vmem>>
          %dma_wait3A_103 = arith.constant 0 : i32
          %dma_wait3A_104 = arith.constant 0 : i32
          %dma_wait3A_105 = tpu.memref_slice %arg15[%dma_wait3A_103, %dma_wait3A_104] : memref<10112x128xf32, #tpu.memory_space<vmem_shared>> -> memref<10112x128xf32, #tpu.memory_space<vmem_shared>>
          tpu.wait_indirect_dma semaphore(%run_scoped3A_94 : memref<!tpu.dma_semaphore, #tpu.memory_space<semaphore_mem>>) src(%arg11 : memref<128x128xf32, #tpu.memory_space<vmem>>) dst(%dma_wait3A_105 : memref<10112x128xf32, #tpu.memory_space<vmem_shared>>)
          tpu.yield
        }) : () -> ()
      } else {
      }
    }
    %scan3A_14 = arith.constant 53 : i32
    %barrier3A_15 = arith.constant 0 : index
    tpu.barrier barrier_id(%barrier3A_15)
    %mul3A_16 = arith.constant 10112 : i32
    %mul3A_17 = arith.muli %arg0, %mul3A_16 : i32
    %mul3A_18 = arith.constant 632 : i32
    %mul3A_19 = arith.muli %arg1, %mul3A_18 : i32
    %add3A_20 = arith.addi %mul3A_17, %mul3A_19 : i32
    %multiple_of3A = tpu.assume_multiple %add3A_20, 8 : i32
    %mul3A_21 = arith.constant 632 : i32
    %mul3A_22 = arith.muli %arg1, %mul3A_21 : i32
    "tpu.region"() ({
      %run_scoped3A = tpu.sem_alloc : memref<!tpu.dma_semaphore, #tpu.memory_space<semaphore_mem>>
      %dma_start3A = arith.constant 0 : i32
      %dma_start3A_23 = tpu.memref_slice %arg5[%multiple_of3A, %dma_start3A] : memref<20224x128xf32, #tpu.memory_space<hbm>> -> memref<632x128xf32, #tpu.memory_space<hbm>>
      %dma_start3A_24 = arith.constant 0 : i32
      %dma_start3A_25 = tpu.memref_slice %arg15[%mul3A_22, %dma_start3A_24] : memref<10112x128xf32, #tpu.memory_space<vmem_shared>> -> memref<632x128xf32, #tpu.memory_space<vmem_shared>>
      tpu.enqueue_dma source(%dma_start3A_25 : memref<632x128xf32, #tpu.memory_space<vmem_shared>>) target(%dma_start3A_23 : memref<632x128xf32, #tpu.memory_space<hbm>>) target_semaphore(%run_scoped3A : memref<!tpu.dma_semaphore, #tpu.memory_space<semaphore_mem>>)
      %dma_wait3A = arith.constant 0 : i32
      %dma_wait3A_26 = tpu.memref_slice %arg5[%multiple_of3A, %dma_wait3A] : memref<20224x128xf32, #tpu.memory_space<hbm>> -> memref<632x128xf32, #tpu.memory_space<hbm>>
      %dma_wait3A_27 = arith.constant 0 : i32
      %dma_wait3A_28 = tpu.memref_slice %arg15[%mul3A_22, %dma_wait3A_27] : memref<10112x128xf32, #tpu.memory_space<vmem_shared>> -> memref<632x128xf32, #tpu.memory_space<vmem_shared>>
      tpu.wait_dma2 semaphore(%run_scoped3A : memref<!tpu.dma_semaphore, #tpu.memory_space<semaphore_mem>>) src(%dma_wait3A_28 : memref<632x128xf32, #tpu.memory_space<vmem_shared>>) dst(%dma_wait3A_26 : memref<632x128xf32, #tpu.memory_space<hbm>>)
      tpu.yield
    }) : () -> ()
    return
  }
}

#map = affine_map<(d0, d1) -> (0, 0)>
#map1 = affine_map<(d0, d1) -> (0, 0, 0)>
module attributes {stable_mosaic.version = 14 : i64} {
  func.func @_sc_agg_body(%arg0: i32, %arg1: i32, %arg2: memref<20000x128xf32, #tpu.memory_space<hbm>>, %arg3: memref<2500x4x128xi32, #tpu.memory_space<hbm>>, %arg4: memref<632x128xf32, #tpu.memory_space<hbm>>, %arg5: memref<20224x128xf32, #tpu.memory_space<hbm>>, %arg6: memref<2x128xi32, #tpu.memory_space<vmem>>, %arg7: memref<2x128xi32, #tpu.memory_space<vmem>>, %arg8: memref<2x128xi32, #tpu.memory_space<vmem>>, %arg9: memref<128x128xf32, #tpu.memory_space<vmem>>, %arg10: memref<128x128xf32, #tpu.memory_space<vmem>>, %arg11: memref<128x128xf32, #tpu.memory_space<vmem>>, %arg12: memref<!tpu.dma_semaphore, #tpu.memory_space<semaphore_mem>>, %arg13: memref<!tpu.dma_semaphore, #tpu.memory_space<semaphore_mem>>, %arg14: memref<!tpu.dma_semaphore, #tpu.memory_space<semaphore_mem>>, %arg15: memref<10112x128xf32, #tpu.memory_space<vmem_shared>>) attributes {dimension_semantics = [#tpu.dimension_semantics<core_parallel>, #tpu.dimension_semantics<subcore_parallel>], iteration_bounds = array<i64: 2, 16>, scalar_prefetch = 0 : i64, scratch_operands = 10 : i64, tpu.core_type = #tpu.core_type<sc_vector_subcore>, window_params = [{transform_indices = #map}, {transform_indices = #map1}, {transform_indices = #map}, {transform_indices = #map}]} {
    %mul3A = arith.constant 632 : i32
    %mul3A_0 = arith.muli %arg1, %mul3A : i32
    "tpu.region"() ({
      %run_scoped3A = tpu.sem_alloc : memref<!tpu.dma_semaphore, #tpu.memory_space<semaphore_mem>>
      %dma_start3A = arith.constant 0 : i32
      %dma_start3A_23 = tpu.memref_slice %arg15[%mul3A_0, %dma_start3A] : memref<10112x128xf32, #tpu.memory_space<vmem_shared>> -> memref<632x128xf32, #tpu.memory_space<vmem_shared>>
      tpu.enqueue_dma source(%arg4 : memref<632x128xf32, #tpu.memory_space<hbm>>) target(%dma_start3A_23 : memref<632x128xf32, #tpu.memory_space<vmem_shared>>) target_semaphore(%run_scoped3A : memref<!tpu.dma_semaphore, #tpu.memory_space<semaphore_mem>>)
      %dma_wait3A = arith.constant 0 : i32
      %dma_wait3A_24 = tpu.memref_slice %arg15[%mul3A_0, %dma_wait3A] : memref<10112x128xf32, #tpu.memory_space<vmem_shared>> -> memref<632x128xf32, #tpu.memory_space<vmem_shared>>
      tpu.wait_dma2 semaphore(%run_scoped3A : memref<!tpu.dma_semaphore, #tpu.memory_space<semaphore_mem>>) src(%arg4 : memref<632x128xf32, #tpu.memory_space<hbm>>) dst(%dma_wait3A_24 : memref<632x128xf32, #tpu.memory_space<vmem_shared>>)
      tpu.yield
    }) : () -> ()
    %barrier3A = arith.constant 0 : index
    tpu.barrier barrier_id(%barrier3A)
    %add3A = arith.constant 0 : i32
    %add3A_1 = arith.addi %add3A, %arg1 : i32
    %lt3A = arith.constant 2500 : i32
    %lt3A_2 = arith.cmpi slt, %add3A_1, %lt3A : i32
    %convert_element_type3A = arith.extui %lt3A_2 : i1 to i32
    %cond3A = arith.constant 0 : i32
    %cond3A_3 = arith.cmpi ne, %convert_element_type3A, %cond3A : i32
    scf.if %cond3A_3 {
      %add3A_23 = arith.constant 0 : i32
      %add3A_24 = arith.addi %add3A_23, %arg1 : i32
      %mul3A_25 = arith.constant 2 : i32
      %mul3A_26 = arith.muli %mul3A_25, %arg0 : i32
      "tpu.region"() ({
        %run_scoped3A = tpu.sem_alloc : memref<!tpu.dma_semaphore, #tpu.memory_space<semaphore_mem>>
        %dma_start3A_33 = arith.constant 0 : i32
        %dma_start3A_34 = tpu.memref_slice %arg3[%add3A_24, %mul3A_26, %dma_start3A_33] : memref<2500x4x128xi32, #tpu.memory_space<hbm>> -> memref<1x2x128xi32, #tpu.memory_space<hbm>>
        %dma_start3A_35 = tpu.memref_squeeze %dma_start3A_34 : memref<1x2x128xi32, #tpu.memory_space<hbm>> -> memref<2x128xi32, #tpu.memory_space<hbm>>
        %dma_start3A_36 = arith.constant 0 : i32
        %dma_start3A_37 = tpu.memref_slice %arg3[%add3A_24, %mul3A_26, %dma_start3A_36] : memref<2500x4x128xi32, #tpu.memory_space<hbm>> -> memref<1x2x128xi32, #tpu.memory_space<hbm>>
        %dma_start3A_38 = tpu.memref_squeeze %dma_start3A_37 : memref<1x2x128xi32, #tpu.memory_space<hbm>> -> memref<2x128xi32, #tpu.memory_space<hbm>>
        tpu.enqueue_dma source(%dma_start3A_38 : memref<2x128xi32, #tpu.memory_space<hbm>>) target(%arg6 : memref<2x128xi32, #tpu.memory_space<vmem>>) target_semaphore(%run_scoped3A : memref<!tpu.dma_semaphore, #tpu.memory_space<semaphore_mem>>)
        %dma_wait3A = arith.constant 0 : i32
        %dma_wait3A_39 = tpu.memref_slice %arg3[%add3A_24, %mul3A_26, %dma_wait3A] : memref<2500x4x128xi32, #tpu.memory_space<hbm>> -> memref<1x2x128xi32, #tpu.memory_space<hbm>>
        %dma_wait3A_40 = tpu.memref_squeeze %dma_wait3A_39 : memref<1x2x128xi32, #tpu.memory_space<hbm>> -> memref<2x128xi32, #tpu.memory_space<hbm>>
        %dma_wait3A_41 = arith.constant 0 : i32
        %dma_wait3A_42 = tpu.memref_slice %arg3[%add3A_24, %mul3A_26, %dma_wait3A_41] : memref<2500x4x128xi32, #tpu.memory_space<hbm>> -> memref<1x2x128xi32, #tpu.memory_space<hbm>>
        %dma_wait3A_43 = tpu.memref_squeeze %dma_wait3A_42 : memref<1x2x128xi32, #tpu.memory_space<hbm>> -> memref<2x128xi32, #tpu.memory_space<hbm>>
        tpu.wait_dma2 semaphore(%run_scoped3A : memref<!tpu.dma_semaphore, #tpu.memory_space<semaphore_mem>>) src(%dma_wait3A_43 : memref<2x128xi32, #tpu.memory_space<hbm>>) dst(%arg6 : memref<2x128xi32, #tpu.memory_space<vmem>>)
        tpu.yield
      }) : () -> ()
      %dma_start3A = arith.constant 0 : i32
      %dma_start3A_27 = arith.constant 0 : i32
      %dma_start3A_28 = tpu.memref_slice %arg6[%dma_start3A, %dma_start3A_27] : memref<2x128xi32, #tpu.memory_space<vmem>> -> memref<1x128xi32, #tpu.memory_space<vmem>>
      %dma_start3A_29 = tpu.memref_squeeze %dma_start3A_28 : memref<1x128xi32, #tpu.memory_space<vmem>> -> memref<128xi32, #tpu.memory_space<vmem>>
      %dma_start3A_30 = arith.constant 0 : i32
      %dma_start3A_31 = arith.constant 0 : i32
      %dma_start3A_32 = tpu.memref_slice %arg2[%dma_start3A_30, %dma_start3A_31] : memref<20000x128xf32, #tpu.memory_space<hbm>> -> memref<20000x128xf32, #tpu.memory_space<hbm>>
      tpu.enqueue_indirect_dma source(%dma_start3A_32 : memref<20000x128xf32, #tpu.memory_space<hbm>>) target(%arg9 : memref<128x128xf32, #tpu.memory_space<vmem>>) offsets(%dma_start3A_29 : memref<128xi32, #tpu.memory_space<vmem>>) semaphore(%arg12 : memref<!tpu.dma_semaphore, #tpu.memory_space<semaphore_mem>>)
    } else {
    }
    %add3A_4 = arith.constant 16 : i32
    %add3A_5 = arith.addi %add3A_4, %arg1 : i32
    %lt3A_6 = arith.constant 2500 : i32
    %lt3A_7 = arith.cmpi slt, %add3A_5, %lt3A_6 : i32
    %convert_element_type3A_8 = arith.extui %lt3A_7 : i1 to i32
    %cond3A_9 = arith.constant 0 : i32
    %cond3A_10 = arith.cmpi ne, %convert_element_type3A_8, %cond3A_9 : i32
    scf.if %cond3A_10 {
      %add3A_23 = arith.constant 16 : i32
      %add3A_24 = arith.addi %add3A_23, %arg1 : i32
      %mul3A_25 = arith.constant 2 : i32
      %mul3A_26 = arith.muli %mul3A_25, %arg0 : i32
      "tpu.region"() ({
        %run_scoped3A = tpu.sem_alloc : memref<!tpu.dma_semaphore, #tpu.memory_space<semaphore_mem>>
        %dma_start3A_33 = arith.constant 0 : i32
        %dma_start3A_34 = tpu.memref_slice %arg3[%add3A_24, %mul3A_26, %dma_start3A_33] : memref<2500x4x128xi32, #tpu.memory_space<hbm>> -> memref<1x2x128xi32, #tpu.memory_space<hbm>>
        %dma_start3A_35 = tpu.memref_squeeze %dma_start3A_34 : memref<1x2x128xi32, #tpu.memory_space<hbm>> -> memref<2x128xi32, #tpu.memory_space<hbm>>
        %dma_start3A_36 = arith.constant 0 : i32
        %dma_start3A_37 = tpu.memref_slice %arg3[%add3A_24, %mul3A_26, %dma_start3A_36] : memref<2500x4x128xi32, #tpu.memory_space<hbm>> -> memref<1x2x128xi32, #tpu.memory_space<hbm>>
        %dma_start3A_38 = tpu.memref_squeeze %dma_start3A_37 : memref<1x2x128xi32, #tpu.memory_space<hbm>> -> memref<2x128xi32, #tpu.memory_space<hbm>>
        tpu.enqueue_dma source(%dma_start3A_38 : memref<2x128xi32, #tpu.memory_space<hbm>>) target(%arg7 : memref<2x128xi32, #tpu.memory_space<vmem>>) target_semaphore(%run_scoped3A : memref<!tpu.dma_semaphore, #tpu.memory_space<semaphore_mem>>)
        %dma_wait3A = arith.constant 0 : i32
        %dma_wait3A_39 = tpu.memref_slice %arg3[%add3A_24, %mul3A_26, %dma_wait3A] : memref<2500x4x128xi32, #tpu.memory_space<hbm>> -> memref<1x2x128xi32, #tpu.memory_space<hbm>>
        %dma_wait3A_40 = tpu.memref_squeeze %dma_wait3A_39 : memref<1x2x128xi32, #tpu.memory_space<hbm>> -> memref<2x128xi32, #tpu.memory_space<hbm>>
        %dma_wait3A_41 = arith.constant 0 : i32
        %dma_wait3A_42 = tpu.memref_slice %arg3[%add3A_24, %mul3A_26, %dma_wait3A_41] : memref<2500x4x128xi32, #tpu.memory_space<hbm>> -> memref<1x2x128xi32, #tpu.memory_space<hbm>>
        %dma_wait3A_43 = tpu.memref_squeeze %dma_wait3A_42 : memref<1x2x128xi32, #tpu.memory_space<hbm>> -> memref<2x128xi32, #tpu.memory_space<hbm>>
        tpu.wait_dma2 semaphore(%run_scoped3A : memref<!tpu.dma_semaphore, #tpu.memory_space<semaphore_mem>>) src(%dma_wait3A_43 : memref<2x128xi32, #tpu.memory_space<hbm>>) dst(%arg7 : memref<2x128xi32, #tpu.memory_space<vmem>>)
        tpu.yield
      }) : () -> ()
      %dma_start3A = arith.constant 0 : i32
      %dma_start3A_27 = arith.constant 0 : i32
      %dma_start3A_28 = tpu.memref_slice %arg7[%dma_start3A, %dma_start3A_27] : memref<2x128xi32, #tpu.memory_space<vmem>> -> memref<1x128xi32, #tpu.memory_space<vmem>>
      %dma_start3A_29 = tpu.memref_squeeze %dma_start3A_28 : memref<1x128xi32, #tpu.memory_space<vmem>> -> memref<128xi32, #tpu.memory_space<vmem>>
      %dma_start3A_30 = arith.constant 0 : i32
      %dma_start3A_31 = arith.constant 0 : i32
      %dma_start3A_32 = tpu.memref_slice %arg2[%dma_start3A_30, %dma_start3A_31] : memref<20000x128xf32, #tpu.memory_space<hbm>> -> memref<20000x128xf32, #tpu.memory_space<hbm>>
      tpu.enqueue_indirect_dma source(%dma_start3A_32 : memref<20000x128xf32, #tpu.memory_space<hbm>>) target(%arg10 : memref<128x128xf32, #tpu.memory_space<vmem>>) offsets(%dma_start3A_29 : memref<128xi32, #tpu.memory_space<vmem>>) semaphore(%arg13 : memref<!tpu.dma_semaphore, #tpu.memory_space<semaphore_mem>>)
    } else {
    }
    %scan3A = arith.constant 0 : i32
    %scan3A_11 = arith.constant 53 : i32
    %scan3A_12 = arith.addi %scan3A, %scan3A_11 : i32
    %scan3A_13 = arith.constant 1 : i32
    scf.for %scan3A_23 = %scan3A to %scan3A_12 step %scan3A_13  : i32 {
      %mul3A_24 = arith.constant 3 : i32
      %mul3A_25 = arith.muli %mul3A_24, %scan3A_23 : i32
      %add3A_26 = arith.constant 2 : i32
      %add3A_27 = arith.addi %mul3A_25, %add3A_26 : i32
      %mul3A_28 = arith.constant 16 : i32
      %mul3A_29 = arith.muli %add3A_27, %mul3A_28 : i32
      %add3A_30 = arith.addi %mul3A_29, %arg1 : i32
      %lt3A_31 = arith.constant 2500 : i32
      %lt3A_32 = arith.cmpi slt, %add3A_30, %lt3A_31 : i32
      %convert_element_type3A_33 = arith.extui %lt3A_32 : i1 to i32
      %cond3A_34 = arith.constant 0 : i32
      %cond3A_35 = arith.cmpi ne, %convert_element_type3A_33, %cond3A_34 : i32
      scf.if %cond3A_35 {
        %mul3A_88 = arith.constant 16 : i32
        %mul3A_89 = arith.muli %add3A_27, %mul3A_88 : i32
        %add3A_90 = arith.addi %mul3A_89, %arg1 : i32
        %mul3A_91 = arith.constant 2 : i32
        %mul3A_92 = arith.muli %mul3A_91, %arg0 : i32
        "tpu.region"() ({
          %run_scoped3A = tpu.sem_alloc : memref<!tpu.dma_semaphore, #tpu.memory_space<semaphore_mem>>
          %dma_start3A_99 = arith.constant 0 : i32
          %dma_start3A_100 = tpu.memref_slice %arg3[%add3A_90, %mul3A_92, %dma_start3A_99] : memref<2500x4x128xi32, #tpu.memory_space<hbm>> -> memref<1x2x128xi32, #tpu.memory_space<hbm>>
          %dma_start3A_101 = tpu.memref_squeeze %dma_start3A_100 : memref<1x2x128xi32, #tpu.memory_space<hbm>> -> memref<2x128xi32, #tpu.memory_space<hbm>>
          %dma_start3A_102 = arith.constant 0 : i32
          %dma_start3A_103 = tpu.memref_slice %arg3[%add3A_90, %mul3A_92, %dma_start3A_102] : memref<2500x4x128xi32, #tpu.memory_space<hbm>> -> memref<1x2x128xi32, #tpu.memory_space<hbm>>
          %dma_start3A_104 = tpu.memref_squeeze %dma_start3A_103 : memref<1x2x128xi32, #tpu.memory_space<hbm>> -> memref<2x128xi32, #tpu.memory_space<hbm>>
          tpu.enqueue_dma source(%dma_start3A_104 : memref<2x128xi32, #tpu.memory_space<hbm>>) target(%arg8 : memref<2x128xi32, #tpu.memory_space<vmem>>) target_semaphore(%run_scoped3A : memref<!tpu.dma_semaphore, #tpu.memory_space<semaphore_mem>>)
          %dma_wait3A = arith.constant 0 : i32
          %dma_wait3A_105 = tpu.memref_slice %arg3[%add3A_90, %mul3A_92, %dma_wait3A] : memref<2500x4x128xi32, #tpu.memory_space<hbm>> -> memref<1x2x128xi32, #tpu.memory_space<hbm>>
          %dma_wait3A_106 = tpu.memref_squeeze %dma_wait3A_105 : memref<1x2x128xi32, #tpu.memory_space<hbm>> -> memref<2x128xi32, #tpu.memory_space<hbm>>
          %dma_wait3A_107 = arith.constant 0 : i32
          %dma_wait3A_108 = tpu.memref_slice %arg3[%add3A_90, %mul3A_92, %dma_wait3A_107] : memref<2500x4x128xi32, #tpu.memory_space<hbm>> -> memref<1x2x128xi32, #tpu.memory_space<hbm>>
          %dma_wait3A_109 = tpu.memref_squeeze %dma_wait3A_108 : memref<1x2x128xi32, #tpu.memory_space<hbm>> -> memref<2x128xi32, #tpu.memory_space<hbm>>
          tpu.wait_dma2 semaphore(%run_scoped3A : memref<!tpu.dma_semaphore, #tpu.memory_space<semaphore_mem>>) src(%dma_wait3A_109 : memref<2x128xi32, #tpu.memory_space<hbm>>) dst(%arg8 : memref<2x128xi32, #tpu.memory_space<vmem>>)
          tpu.yield
        }) : () -> ()
        %dma_start3A = arith.constant 0 : i32
        %dma_start3A_93 = arith.constant 0 : i32
        %dma_start3A_94 = tpu.memref_slice %arg8[%dma_start3A, %dma_start3A_93] : memref<2x128xi32, #tpu.memory_space<vmem>> -> memref<1x128xi32, #tpu.memory_space<vmem>>
        %dma_start3A_95 = tpu.memref_squeeze %dma_start3A_94 : memref<1x128xi32, #tpu.memory_space<vmem>> -> memref<128xi32, #tpu.memory_space<vmem>>
        %dma_start3A_96 = arith.constant 0 : i32
        %dma_start3A_97 = arith.constant 0 : i32
        %dma_start3A_98 = tpu.memref_slice %arg2[%dma_start3A_96, %dma_start3A_97] : memref<20000x128xf32, #tpu.memory_space<hbm>> -> memref<20000x128xf32, #tpu.memory_space<hbm>>
        tpu.enqueue_indirect_dma source(%dma_start3A_98 : memref<20000x128xf32, #tpu.memory_space<hbm>>) target(%arg11 : memref<128x128xf32, #tpu.memory_space<vmem>>) offsets(%dma_start3A_95 : memref<128xi32, #tpu.memory_space<vmem>>) semaphore(%arg14 : memref<!tpu.dma_semaphore, #tpu.memory_space<semaphore_mem>>)
      } else {
      }
      %mul3A_36 = arith.constant 16 : i32
      %mul3A_37 = arith.muli %mul3A_25, %mul3A_36 : i32
      %add3A_38 = arith.addi %mul3A_37, %arg1 : i32
      %lt3A_39 = arith.constant 2500 : i32
      %lt3A_40 = arith.cmpi slt, %add3A_38, %lt3A_39 : i32
      %convert_element_type3A_41 = arith.extui %lt3A_40 : i1 to i32
      %cond3A_42 = arith.constant 0 : i32
      %cond3A_43 = arith.cmpi ne, %convert_element_type3A_41, %cond3A_42 : i32
      scf.if %cond3A_43 {
        %dma_wait3A = arith.constant 0 : i32
        %dma_wait3A_88 = arith.constant 0 : i32
        %dma_wait3A_89 = tpu.memref_slice %arg6[%dma_wait3A, %dma_wait3A_88] : memref<2x128xi32, #tpu.memory_space<vmem>> -> memref<1x128xi32, #tpu.memory_space<vmem>>
        %dma_wait3A_90 = tpu.memref_squeeze %dma_wait3A_89 : memref<1x128xi32, #tpu.memory_space<vmem>> -> memref<128xi32, #tpu.memory_space<vmem>>
        %dma_wait3A_91 = arith.constant 0 : i32
        %dma_wait3A_92 = arith.constant 0 : i32
        %dma_wait3A_93 = tpu.memref_slice %arg2[%dma_wait3A_91, %dma_wait3A_92] : memref<20000x128xf32, #tpu.memory_space<hbm>> -> memref<20000x128xf32, #tpu.memory_space<hbm>>
        tpu.wait_indirect_dma semaphore(%arg12 : memref<!tpu.dma_semaphore, #tpu.memory_space<semaphore_mem>>) src(%dma_wait3A_93 : memref<20000x128xf32, #tpu.memory_space<hbm>>) dst(%arg9 : memref<128x128xf32, #tpu.memory_space<vmem>>)
        %run_scoped3A = arith.constant 1 : i32
        "tpu.region"() ({
          %run_scoped3A_94 = tpu.sem_alloc : memref<!tpu.dma_semaphore, #tpu.memory_space<semaphore_mem>>
          %dma_start3A = arith.constant 0 : i32
          %dma_start3A_95 = tpu.memref_slice %arg6[%run_scoped3A, %dma_start3A] : memref<2x128xi32, #tpu.memory_space<vmem>> -> memref<1x128xi32, #tpu.memory_space<vmem>>
          %dma_start3A_96 = tpu.memref_squeeze %dma_start3A_95 : memref<1x128xi32, #tpu.memory_space<vmem>> -> memref<128xi32, #tpu.memory_space<vmem>>
          %dma_start3A_97 = arith.constant 0 : i32
          %dma_start3A_98 = arith.constant 0 : i32
          %dma_start3A_99 = tpu.memref_slice %arg15[%dma_start3A_97, %dma_start3A_98] : memref<10112x128xf32, #tpu.memory_space<vmem_shared>> -> memref<10112x128xf32, #tpu.memory_space<vmem_shared>>
          tpu.enqueue_indirect_dma source(%arg9 : memref<128x128xf32, #tpu.memory_space<vmem>>) target(%dma_start3A_99 : memref<10112x128xf32, #tpu.memory_space<vmem_shared>>) offsets(%dma_start3A_96 : memref<128xi32, #tpu.memory_space<vmem>>) semaphore(%run_scoped3A_94 : memref<!tpu.dma_semaphore, #tpu.memory_space<semaphore_mem>>) {add = true}
          %dma_wait3A_100 = arith.constant 0 : i32
          %dma_wait3A_101 = tpu.memref_slice %arg6[%run_scoped3A, %dma_wait3A_100] : memref<2x128xi32, #tpu.memory_space<vmem>> -> memref<1x128xi32, #tpu.memory_space<vmem>>
          %dma_wait3A_102 = tpu.memref_squeeze %dma_wait3A_101 : memref<1x128xi32, #tpu.memory_space<vmem>> -> memref<128xi32, #tpu.memory_space<vmem>>
          %dma_wait3A_103 = arith.constant 0 : i32
          %dma_wait3A_104 = arith.constant 0 : i32
          %dma_wait3A_105 = tpu.memref_slice %arg15[%dma_wait3A_103, %dma_wait3A_104] : memref<10112x128xf32, #tpu.memory_space<vmem_shared>> -> memref<10112x128xf32, #tpu.memory_space<vmem_shared>>
          tpu.wait_indirect_dma semaphore(%run_scoped3A_94 : memref<!tpu.dma_semaphore, #tpu.memory_space<semaphore_mem>>) src(%arg9 : memref<128x128xf32, #tpu.memory_space<vmem>>) dst(%dma_wait3A_105 : memref<10112x128xf32, #tpu.memory_space<vmem_shared>>)
          tpu.yield
        }) : () -> ()
      } else {
      }
      %mul3A_44 = arith.constant 3 : i32
      %mul3A_45 = arith.muli %mul3A_44, %scan3A_23 : i32
      %add3A_46 = arith.constant 1 : i32
      %add3A_47 = arith.addi %mul3A_45, %add3A_46 : i32
      %add3A_48 = arith.constant 2 : i32
      %add3A_49 = arith.addi %add3A_47, %add3A_48 : i32
      %mul3A_50 = arith.constant 16 : i32
      %mul3A_51 = arith.muli %add3A_49, %mul3A_50 : i32
      %add3A_52 = arith.addi %mul3A_51, %arg1 : i32
      %lt3A_53 = arith.constant 2500 : i32
      %lt3A_54 = arith.cmpi slt, %add3A_52, %lt3A_53 : i32
      %convert_element_type3A_55 = arith.extui %lt3A_54 : i1 to i32
      %cond3A_56 = arith.constant 0 : i32
      %cond3A_57 = arith.cmpi ne, %convert_element_type3A_55, %cond3A_56 : i32
      scf.if %cond3A_57 {
        %mul3A_88 = arith.constant 16 : i32
        %mul3A_89 = arith.muli %add3A_49, %mul3A_88 : i32
        %add3A_90 = arith.addi %mul3A_89, %arg1 : i32
        %mul3A_91 = arith.constant 2 : i32
        %mul3A_92 = arith.muli %mul3A_91, %arg0 : i32
        "tpu.region"() ({
          %run_scoped3A = tpu.sem_alloc : memref<!tpu.dma_semaphore, #tpu.memory_space<semaphore_mem>>
          %dma_start3A_99 = arith.constant 0 : i32
          %dma_start3A_100 = tpu.memref_slice %arg3[%add3A_90, %mul3A_92, %dma_start3A_99] : memref<2500x4x128xi32, #tpu.memory_space<hbm>> -> memref<1x2x128xi32, #tpu.memory_space<hbm>>
          %dma_start3A_101 = tpu.memref_squeeze %dma_start3A_100 : memref<1x2x128xi32, #tpu.memory_space<hbm>> -> memref<2x128xi32, #tpu.memory_space<hbm>>
          %dma_start3A_102 = arith.constant 0 : i32
          %dma_start3A_103 = tpu.memref_slice %arg3[%add3A_90, %mul3A_92, %dma_start3A_102] : memref<2500x4x128xi32, #tpu.memory_space<hbm>> -> memref<1x2x128xi32, #tpu.memory_space<hbm>>
          %dma_start3A_104 = tpu.memref_squeeze %dma_start3A_103 : memref<1x2x128xi32, #tpu.memory_space<hbm>> -> memref<2x128xi32, #tpu.memory_space<hbm>>
          tpu.enqueue_dma source(%dma_start3A_104 : memref<2x128xi32, #tpu.memory_space<hbm>>) target(%arg6 : memref<2x128xi32, #tpu.memory_space<vmem>>) target_semaphore(%run_scoped3A : memref<!tpu.dma_semaphore, #tpu.memory_space<semaphore_mem>>)
          %dma_wait3A = arith.constant 0 : i32
          %dma_wait3A_105 = tpu.memref_slice %arg3[%add3A_90, %mul3A_92, %dma_wait3A] : memref<2500x4x128xi32, #tpu.memory_space<hbm>> -> memref<1x2x128xi32, #tpu.memory_space<hbm>>
          %dma_wait3A_106 = tpu.memref_squeeze %dma_wait3A_105 : memref<1x2x128xi32, #tpu.memory_space<hbm>> -> memref<2x128xi32, #tpu.memory_space<hbm>>
          %dma_wait3A_107 = arith.constant 0 : i32
          %dma_wait3A_108 = tpu.memref_slice %arg3[%add3A_90, %mul3A_92, %dma_wait3A_107] : memref<2500x4x128xi32, #tpu.memory_space<hbm>> -> memref<1x2x128xi32, #tpu.memory_space<hbm>>
          %dma_wait3A_109 = tpu.memref_squeeze %dma_wait3A_108 : memref<1x2x128xi32, #tpu.memory_space<hbm>> -> memref<2x128xi32, #tpu.memory_space<hbm>>
          tpu.wait_dma2 semaphore(%run_scoped3A : memref<!tpu.dma_semaphore, #tpu.memory_space<semaphore_mem>>) src(%dma_wait3A_109 : memref<2x128xi32, #tpu.memory_space<hbm>>) dst(%arg6 : memref<2x128xi32, #tpu.memory_space<vmem>>)
          tpu.yield
        }) : () -> ()
        %dma_start3A = arith.constant 0 : i32
        %dma_start3A_93 = arith.constant 0 : i32
        %dma_start3A_94 = tpu.memref_slice %arg6[%dma_start3A, %dma_start3A_93] : memref<2x128xi32, #tpu.memory_space<vmem>> -> memref<1x128xi32, #tpu.memory_space<vmem>>
        %dma_start3A_95 = tpu.memref_squeeze %dma_start3A_94 : memref<1x128xi32, #tpu.memory_space<vmem>> -> memref<128xi32, #tpu.memory_space<vmem>>
        %dma_start3A_96 = arith.constant 0 : i32
        %dma_start3A_97 = arith.constant 0 : i32
        %dma_start3A_98 = tpu.memref_slice %arg2[%dma_start3A_96, %dma_start3A_97] : memref<20000x128xf32, #tpu.memory_space<hbm>> -> memref<20000x128xf32, #tpu.memory_space<hbm>>
        tpu.enqueue_indirect_dma source(%dma_start3A_98 : memref<20000x128xf32, #tpu.memory_space<hbm>>) target(%arg9 : memref<128x128xf32, #tpu.memory_space<vmem>>) offsets(%dma_start3A_95 : memref<128xi32, #tpu.memory_space<vmem>>) semaphore(%arg12 : memref<!tpu.dma_semaphore, #tpu.memory_space<semaphore_mem>>)
      } else {
      }
      %mul3A_58 = arith.constant 16 : i32
      %mul3A_59 = arith.muli %add3A_47, %mul3A_58 : i32
      %add3A_60 = arith.addi %mul3A_59, %arg1 : i32
      %lt3A_61 = arith.constant 2500 : i32
      %lt3A_62 = arith.cmpi slt, %add3A_60, %lt3A_61 : i32
      %convert_element_type3A_63 = arith.extui %lt3A_62 : i1 to i32
      %cond3A_64 = arith.constant 0 : i32
      %cond3A_65 = arith.cmpi ne, %convert_element_type3A_63, %cond3A_64 : i32
      scf.if %cond3A_65 {
        %dma_wait3A = arith.constant 0 : i32
        %dma_wait3A_88 = arith.constant 0 : i32
        %dma_wait3A_89 = tpu.memref_slice %arg7[%dma_wait3A, %dma_wait3A_88] : memref<2x128xi32, #tpu.memory_space<vmem>> -> memref<1x128xi32, #tpu.memory_space<vmem>>
        %dma_wait3A_90 = tpu.memref_squeeze %dma_wait3A_89 : memref<1x128xi32, #tpu.memory_space<vmem>> -> memref<128xi32, #tpu.memory_space<vmem>>
        %dma_wait3A_91 = arith.constant 0 : i32
        %dma_wait3A_92 = arith.constant 0 : i32
        %dma_wait3A_93 = tpu.memref_slice %arg2[%dma_wait3A_91, %dma_wait3A_92] : memref<20000x128xf32, #tpu.memory_space<hbm>> -> memref<20000x128xf32, #tpu.memory_space<hbm>>
        tpu.wait_indirect_dma semaphore(%arg13 : memref<!tpu.dma_semaphore, #tpu.memory_space<semaphore_mem>>) src(%dma_wait3A_93 : memref<20000x128xf32, #tpu.memory_space<hbm>>) dst(%arg10 : memref<128x128xf32, #tpu.memory_space<vmem>>)
        %run_scoped3A = arith.constant 1 : i32
        "tpu.region"() ({
          %run_scoped3A_94 = tpu.sem_alloc : memref<!tpu.dma_semaphore, #tpu.memory_space<semaphore_mem>>
          %dma_start3A = arith.constant 0 : i32
          %dma_start3A_95 = tpu.memref_slice %arg7[%run_scoped3A, %dma_start3A] : memref<2x128xi32, #tpu.memory_space<vmem>> -> memref<1x128xi32, #tpu.memory_space<vmem>>
          %dma_start3A_96 = tpu.memref_squeeze %dma_start3A_95 : memref<1x128xi32, #tpu.memory_space<vmem>> -> memref<128xi32, #tpu.memory_space<vmem>>
          %dma_start3A_97 = arith.constant 0 : i32
          %dma_start3A_98 = arith.constant 0 : i32
          %dma_start3A_99 = tpu.memref_slice %arg15[%dma_start3A_97, %dma_start3A_98] : memref<10112x128xf32, #tpu.memory_space<vmem_shared>> -> memref<10112x128xf32, #tpu.memory_space<vmem_shared>>
          tpu.enqueue_indirect_dma source(%arg10 : memref<128x128xf32, #tpu.memory_space<vmem>>) target(%dma_start3A_99 : memref<10112x128xf32, #tpu.memory_space<vmem_shared>>) offsets(%dma_start3A_96 : memref<128xi32, #tpu.memory_space<vmem>>) semaphore(%run_scoped3A_94 : memref<!tpu.dma_semaphore, #tpu.memory_space<semaphore_mem>>) {add = true}
          %dma_wait3A_100 = arith.constant 0 : i32
          %dma_wait3A_101 = tpu.memref_slice %arg7[%run_scoped3A, %dma_wait3A_100] : memref<2x128xi32, #tpu.memory_space<vmem>> -> memref<1x128xi32, #tpu.memory_space<vmem>>
          %dma_wait3A_102 = tpu.memref_squeeze %dma_wait3A_101 : memref<1x128xi32, #tpu.memory_space<vmem>> -> memref<128xi32, #tpu.memory_space<vmem>>
          %dma_wait3A_103 = arith.constant 0 : i32
          %dma_wait3A_104 = arith.constant 0 : i32
          %dma_wait3A_105 = tpu.memref_slice %arg15[%dma_wait3A_103, %dma_wait3A_104] : memref<10112x128xf32, #tpu.memory_space<vmem_shared>> -> memref<10112x128xf32, #tpu.memory_space<vmem_shared>>
          tpu.wait_indirect_dma semaphore(%run_scoped3A_94 : memref<!tpu.dma_semaphore, #tpu.memory_space<semaphore_mem>>) src(%arg10 : memref<128x128xf32, #tpu.memory_space<vmem>>) dst(%dma_wait3A_105 : memref<10112x128xf32, #tpu.memory_space<vmem_shared>>)
          tpu.yield
        }) : () -> ()
      } else {
      }
      %mul3A_66 = arith.constant 3 : i32
      %mul3A_67 = arith.muli %mul3A_66, %scan3A_23 : i32
      %add3A_68 = arith.constant 2 : i32
      %add3A_69 = arith.addi %mul3A_67, %add3A_68 : i32
      %add3A_70 = arith.constant 2 : i32
      %add3A_71 = arith.addi %add3A_69, %add3A_70 : i32
      %mul3A_72 = arith.constant 16 : i32
      %mul3A_73 = arith.muli %add3A_71, %mul3A_72 : i32
      %add3A_74 = arith.addi %mul3A_73, %arg1 : i32
      %lt3A_75 = arith.constant 2500 : i32
      %lt3A_76 = arith.cmpi slt, %add3A_74, %lt3A_75 : i32
      %convert_element_type3A_77 = arith.extui %lt3A_76 : i1 to i32
      %cond3A_78 = arith.constant 0 : i32
      %cond3A_79 = arith.cmpi ne, %convert_element_type3A_77, %cond3A_78 : i32
      scf.if %cond3A_79 {
        %mul3A_88 = arith.constant 16 : i32
        %mul3A_89 = arith.muli %add3A_71, %mul3A_88 : i32
        %add3A_90 = arith.addi %mul3A_89, %arg1 : i32
        %mul3A_91 = arith.constant 2 : i32
        %mul3A_92 = arith.muli %mul3A_91, %arg0 : i32
        "tpu.region"() ({
          %run_scoped3A = tpu.sem_alloc : memref<!tpu.dma_semaphore, #tpu.memory_space<semaphore_mem>>
          %dma_start3A_99 = arith.constant 0 : i32
          %dma_start3A_100 = tpu.memref_slice %arg3[%add3A_90, %mul3A_92, %dma_start3A_99] : memref<2500x4x128xi32, #tpu.memory_space<hbm>> -> memref<1x2x128xi32, #tpu.memory_space<hbm>>
          %dma_start3A_101 = tpu.memref_squeeze %dma_start3A_100 : memref<1x2x128xi32, #tpu.memory_space<hbm>> -> memref<2x128xi32, #tpu.memory_space<hbm>>
          %dma_start3A_102 = arith.constant 0 : i32
          %dma_start3A_103 = tpu.memref_slice %arg3[%add3A_90, %mul3A_92, %dma_start3A_102] : memref<2500x4x128xi32, #tpu.memory_space<hbm>> -> memref<1x2x128xi32, #tpu.memory_space<hbm>>
          %dma_start3A_104 = tpu.memref_squeeze %dma_start3A_103 : memref<1x2x128xi32, #tpu.memory_space<hbm>> -> memref<2x128xi32, #tpu.memory_space<hbm>>
          tpu.enqueue_dma source(%dma_start3A_104 : memref<2x128xi32, #tpu.memory_space<hbm>>) target(%arg7 : memref<2x128xi32, #tpu.memory_space<vmem>>) target_semaphore(%run_scoped3A : memref<!tpu.dma_semaphore, #tpu.memory_space<semaphore_mem>>)
          %dma_wait3A = arith.constant 0 : i32
          %dma_wait3A_105 = tpu.memref_slice %arg3[%add3A_90, %mul3A_92, %dma_wait3A] : memref<2500x4x128xi32, #tpu.memory_space<hbm>> -> memref<1x2x128xi32, #tpu.memory_space<hbm>>
          %dma_wait3A_106 = tpu.memref_squeeze %dma_wait3A_105 : memref<1x2x128xi32, #tpu.memory_space<hbm>> -> memref<2x128xi32, #tpu.memory_space<hbm>>
          %dma_wait3A_107 = arith.constant 0 : i32
          %dma_wait3A_108 = tpu.memref_slice %arg3[%add3A_90, %mul3A_92, %dma_wait3A_107] : memref<2500x4x128xi32, #tpu.memory_space<hbm>> -> memref<1x2x128xi32, #tpu.memory_space<hbm>>
          %dma_wait3A_109 = tpu.memref_squeeze %dma_wait3A_108 : memref<1x2x128xi32, #tpu.memory_space<hbm>> -> memref<2x128xi32, #tpu.memory_space<hbm>>
          tpu.wait_dma2 semaphore(%run_scoped3A : memref<!tpu.dma_semaphore, #tpu.memory_space<semaphore_mem>>) src(%dma_wait3A_109 : memref<2x128xi32, #tpu.memory_space<hbm>>) dst(%arg7 : memref<2x128xi32, #tpu.memory_space<vmem>>)
          tpu.yield
        }) : () -> ()
        %dma_start3A = arith.constant 0 : i32
        %dma_start3A_93 = arith.constant 0 : i32
        %dma_start3A_94 = tpu.memref_slice %arg7[%dma_start3A, %dma_start3A_93] : memref<2x128xi32, #tpu.memory_space<vmem>> -> memref<1x128xi32, #tpu.memory_space<vmem>>
        %dma_start3A_95 = tpu.memref_squeeze %dma_start3A_94 : memref<1x128xi32, #tpu.memory_space<vmem>> -> memref<128xi32, #tpu.memory_space<vmem>>
        %dma_start3A_96 = arith.constant 0 : i32
        %dma_start3A_97 = arith.constant 0 : i32
        %dma_start3A_98 = tpu.memref_slice %arg2[%dma_start3A_96, %dma_start3A_97] : memref<20000x128xf32, #tpu.memory_space<hbm>> -> memref<20000x128xf32, #tpu.memory_space<hbm>>
        tpu.enqueue_indirect_dma source(%dma_start3A_98 : memref<20000x128xf32, #tpu.memory_space<hbm>>) target(%arg10 : memref<128x128xf32, #tpu.memory_space<vmem>>) offsets(%dma_start3A_95 : memref<128xi32, #tpu.memory_space<vmem>>) semaphore(%arg13 : memref<!tpu.dma_semaphore, #tpu.memory_space<semaphore_mem>>)
      } else {
      }
      %mul3A_80 = arith.constant 16 : i32
      %mul3A_81 = arith.muli %add3A_69, %mul3A_80 : i32
      %add3A_82 = arith.addi %mul3A_81, %arg1 : i32
      %lt3A_83 = arith.constant 2500 : i32
      %lt3A_84 = arith.cmpi slt, %add3A_82, %lt3A_83 : i32
      %convert_element_type3A_85 = arith.extui %lt3A_84 : i1 to i32
      %cond3A_86 = arith.constant 0 : i32
      %cond3A_87 = arith.cmpi ne, %convert_element_type3A_85, %cond3A_86 : i32
      scf.if %cond3A_87 {
        %dma_wait3A = arith.constant 0 : i32
        %dma_wait3A_88 = arith.constant 0 : i32
        %dma_wait3A_89 = tpu.memref_slice %arg8[%dma_wait3A, %dma_wait3A_88] : memref<2x128xi32, #tpu.memory_space<vmem>> -> memref<1x128xi32, #tpu.memory_space<vmem>>
        %dma_wait3A_90 = tpu.memref_squeeze %dma_wait3A_89 : memref<1x128xi32, #tpu.memory_space<vmem>> -> memref<128xi32, #tpu.memory_space<vmem>>
        %dma_wait3A_91 = arith.constant 0 : i32
        %dma_wait3A_92 = arith.constant 0 : i32
        %dma_wait3A_93 = tpu.memref_slice %arg2[%dma_wait3A_91, %dma_wait3A_92] : memref<20000x128xf32, #tpu.memory_space<hbm>> -> memref<20000x128xf32, #tpu.memory_space<hbm>>
        tpu.wait_indirect_dma semaphore(%arg14 : memref<!tpu.dma_semaphore, #tpu.memory_space<semaphore_mem>>) src(%dma_wait3A_93 : memref<20000x128xf32, #tpu.memory_space<hbm>>) dst(%arg11 : memref<128x128xf32, #tpu.memory_space<vmem>>)
        %run_scoped3A = arith.constant 1 : i32
        "tpu.region"() ({
          %run_scoped3A_94 = tpu.sem_alloc : memref<!tpu.dma_semaphore, #tpu.memory_space<semaphore_mem>>
          %dma_start3A = arith.constant 0 : i32
          %dma_start3A_95 = tpu.memref_slice %arg8[%run_scoped3A, %dma_start3A] : memref<2x128xi32, #tpu.memory_space<vmem>> -> memref<1x128xi32, #tpu.memory_space<vmem>>
          %dma_start3A_96 = tpu.memref_squeeze %dma_start3A_95 : memref<1x128xi32, #tpu.memory_space<vmem>> -> memref<128xi32, #tpu.memory_space<vmem>>
          %dma_start3A_97 = arith.constant 0 : i32
          %dma_start3A_98 = arith.constant 0 : i32
          %dma_start3A_99 = tpu.memref_slice %arg15[%dma_start3A_97, %dma_start3A_98] : memref<10112x128xf32, #tpu.memory_space<vmem_shared>> -> memref<10112x128xf32, #tpu.memory_space<vmem_shared>>
          tpu.enqueue_indirect_dma source(%arg11 : memref<128x128xf32, #tpu.memory_space<vmem>>) target(%dma_start3A_99 : memref<10112x128xf32, #tpu.memory_space<vmem_shared>>) offsets(%dma_start3A_96 : memref<128xi32, #tpu.memory_space<vmem>>) semaphore(%run_scoped3A_94 : memref<!tpu.dma_semaphore, #tpu.memory_space<semaphore_mem>>) {add = true}
          %dma_wait3A_100 = arith.constant 0 : i32
          %dma_wait3A_101 = tpu.memref_slice %arg8[%run_scoped3A, %dma_wait3A_100] : memref<2x128xi32, #tpu.memory_space<vmem>> -> memref<1x128xi32, #tpu.memory_space<vmem>>
          %dma_wait3A_102 = tpu.memref_squeeze %dma_wait3A_101 : memref<1x128xi32, #tpu.memory_space<vmem>> -> memref<128xi32, #tpu.memory_space<vmem>>
          %dma_wait3A_103 = arith.constant 0 : i32
          %dma_wait3A_104 = arith.constant 0 : i32
          %dma_wait3A_105 = tpu.memref_slice %arg15[%dma_wait3A_103, %dma_wait3A_104] : memref<10112x128xf32, #tpu.memory_space<vmem_shared>> -> memref<10112x128xf32, #tpu.memory_space<vmem_shared>>
          tpu.wait_indirect_dma semaphore(%run_scoped3A_94 : memref<!tpu.dma_semaphore, #tpu.memory_space<semaphore_mem>>) src(%arg11 : memref<128x128xf32, #tpu.memory_space<vmem>>) dst(%dma_wait3A_105 : memref<10112x128xf32, #tpu.memory_space<vmem_shared>>)
          tpu.yield
        }) : () -> ()
      } else {
      }
    }
    %scan3A_14 = arith.constant 53 : i32
    %barrier3A_15 = arith.constant 0 : index
    tpu.barrier barrier_id(%barrier3A_15)
    %mul3A_16 = arith.constant 10112 : i32
    %mul3A_17 = arith.muli %arg0, %mul3A_16 : i32
    %mul3A_18 = arith.constant 632 : i32
    %mul3A_19 = arith.muli %arg1, %mul3A_18 : i32
    %add3A_20 = arith.addi %mul3A_17, %mul3A_19 : i32
    %multiple_of3A = tpu.assume_multiple %add3A_20, 8 : i32
    %mul3A_21 = arith.constant 632 : i32
    %mul3A_22 = arith.muli %arg1, %mul3A_21 : i32
    "tpu.region"() ({
      %run_scoped3A = tpu.sem_alloc : memref<!tpu.dma_semaphore, #tpu.memory_space<semaphore_mem>>
      %dma_start3A = arith.constant 0 : i32
      %dma_start3A_23 = tpu.memref_slice %arg5[%multiple_of3A, %dma_start3A] : memref<20224x128xf32, #tpu.memory_space<hbm>> -> memref<632x128xf32, #tpu.memory_space<hbm>>
      %dma_start3A_24 = arith.constant 0 : i32
      %dma_start3A_25 = tpu.memref_slice %arg15[%mul3A_22, %dma_start3A_24] : memref<10112x128xf32, #tpu.memory_space<vmem_shared>> -> memref<632x128xf32, #tpu.memory_space<vmem_shared>>
      tpu.enqueue_dma source(%dma_start3A_25 : memref<632x128xf32, #tpu.memory_space<vmem_shared>>) target(%dma_start3A_23 : memref<632x128xf32, #tpu.memory_space<hbm>>) target_semaphore(%run_scoped3A : memref<!tpu.dma_semaphore, #tpu.memory_space<semaphore_mem>>)
      %dma_wait3A = arith.constant 0 : i32
      %dma_wait3A_26 = tpu.memref_slice %arg5[%multiple_of3A, %dma_wait3A] : memref<20224x128xf32, #tpu.memory_space<hbm>> -> memref<632x128xf32, #tpu.memory_space<hbm>>
      %dma_wait3A_27 = arith.constant 0 : i32
      %dma_wait3A_28 = tpu.memref_slice %arg15[%mul3A_22, %dma_wait3A_27] : memref<10112x128xf32, #tpu.memory_space<vmem_shared>> -> memref<632x128xf32, #tpu.memory_space<vmem_shared>>
      tpu.wait_dma2 semaphore(%run_scoped3A : memref<!tpu.dma_semaphore, #tpu.memory_space<semaphore_mem>>) src(%dma_wait3A_28 : memref<632x128xf32, #tpu.memory_space<vmem_shared>>) dst(%dma_wait3A_26 : memref<632x128xf32, #tpu.memory_space<hbm>>)
      tpu.yield
    }) : () -> ()
    return
  }
}

#map = affine_map<(d0, d1) -> (0, 0)>
#map1 = affine_map<(d0, d1) -> (0, 0, 0)>
module attributes {stable_mosaic.version = 14 : i64} {
  func.func @_sc_agg_body(%arg0: i32, %arg1: i32, %arg2: memref<20000x128xf32, #tpu.memory_space<hbm>>, %arg3: memref<2500x4x128xi32, #tpu.memory_space<hbm>>, %arg4: memref<632x128xf32, #tpu.memory_space<hbm>>, %arg5: memref<20224x128xf32, #tpu.memory_space<hbm>>, %arg6: memref<2x128xi32, #tpu.memory_space<vmem>>, %arg7: memref<2x128xi32, #tpu.memory_space<vmem>>, %arg8: memref<2x128xi32, #tpu.memory_space<vmem>>, %arg9: memref<128x128xf32, #tpu.memory_space<vmem>>, %arg10: memref<128x128xf32, #tpu.memory_space<vmem>>, %arg11: memref<128x128xf32, #tpu.memory_space<vmem>>, %arg12: memref<!tpu.dma_semaphore, #tpu.memory_space<semaphore_mem>>, %arg13: memref<!tpu.dma_semaphore, #tpu.memory_space<semaphore_mem>>, %arg14: memref<!tpu.dma_semaphore, #tpu.memory_space<semaphore_mem>>, %arg15: memref<10112x128xf32, #tpu.memory_space<vmem_shared>>) attributes {dimension_semantics = [#tpu.dimension_semantics<core_parallel>, #tpu.dimension_semantics<subcore_parallel>], iteration_bounds = array<i64: 2, 16>, scalar_prefetch = 0 : i64, scratch_operands = 10 : i64, tpu.core_type = #tpu.core_type<sc_vector_subcore>, window_params = [{transform_indices = #map}, {transform_indices = #map1}, {transform_indices = #map}, {transform_indices = #map}]} {
    %mul3A = arith.constant 632 : i32
    %mul3A_0 = arith.muli %arg1, %mul3A : i32
    "tpu.region"() ({
      %run_scoped3A = tpu.sem_alloc : memref<!tpu.dma_semaphore, #tpu.memory_space<semaphore_mem>>
      %dma_start3A = arith.constant 0 : i32
      %dma_start3A_23 = tpu.memref_slice %arg15[%mul3A_0, %dma_start3A] : memref<10112x128xf32, #tpu.memory_space<vmem_shared>> -> memref<632x128xf32, #tpu.memory_space<vmem_shared>>
      tpu.enqueue_dma source(%arg4 : memref<632x128xf32, #tpu.memory_space<hbm>>) target(%dma_start3A_23 : memref<632x128xf32, #tpu.memory_space<vmem_shared>>) target_semaphore(%run_scoped3A : memref<!tpu.dma_semaphore, #tpu.memory_space<semaphore_mem>>)
      %dma_wait3A = arith.constant 0 : i32
      %dma_wait3A_24 = tpu.memref_slice %arg15[%mul3A_0, %dma_wait3A] : memref<10112x128xf32, #tpu.memory_space<vmem_shared>> -> memref<632x128xf32, #tpu.memory_space<vmem_shared>>
      tpu.wait_dma2 semaphore(%run_scoped3A : memref<!tpu.dma_semaphore, #tpu.memory_space<semaphore_mem>>) src(%arg4 : memref<632x128xf32, #tpu.memory_space<hbm>>) dst(%dma_wait3A_24 : memref<632x128xf32, #tpu.memory_space<vmem_shared>>)
      tpu.yield
    }) : () -> ()
    %barrier3A = arith.constant 0 : index
    tpu.barrier barrier_id(%barrier3A)
    %add3A = arith.constant 0 : i32
    %add3A_1 = arith.addi %add3A, %arg1 : i32
    %lt3A = arith.constant 2500 : i32
    %lt3A_2 = arith.cmpi slt, %add3A_1, %lt3A : i32
    %convert_element_type3A = arith.extui %lt3A_2 : i1 to i32
    %cond3A = arith.constant 0 : i32
    %cond3A_3 = arith.cmpi ne, %convert_element_type3A, %cond3A : i32
    scf.if %cond3A_3 {
      %add3A_23 = arith.constant 0 : i32
      %add3A_24 = arith.addi %add3A_23, %arg1 : i32
      %mul3A_25 = arith.constant 2 : i32
      %mul3A_26 = arith.muli %mul3A_25, %arg0 : i32
      "tpu.region"() ({
        %run_scoped3A = tpu.sem_alloc : memref<!tpu.dma_semaphore, #tpu.memory_space<semaphore_mem>>
        %dma_start3A_33 = arith.constant 0 : i32
        %dma_start3A_34 = tpu.memref_slice %arg3[%add3A_24, %mul3A_26, %dma_start3A_33] : memref<2500x4x128xi32, #tpu.memory_space<hbm>> -> memref<1x2x128xi32, #tpu.memory_space<hbm>>
        %dma_start3A_35 = tpu.memref_squeeze %dma_start3A_34 : memref<1x2x128xi32, #tpu.memory_space<hbm>> -> memref<2x128xi32, #tpu.memory_space<hbm>>
        %dma_start3A_36 = arith.constant 0 : i32
        %dma_start3A_37 = tpu.memref_slice %arg3[%add3A_24, %mul3A_26, %dma_start3A_36] : memref<2500x4x128xi32, #tpu.memory_space<hbm>> -> memref<1x2x128xi32, #tpu.memory_space<hbm>>
        %dma_start3A_38 = tpu.memref_squeeze %dma_start3A_37 : memref<1x2x128xi32, #tpu.memory_space<hbm>> -> memref<2x128xi32, #tpu.memory_space<hbm>>
        tpu.enqueue_dma source(%dma_start3A_38 : memref<2x128xi32, #tpu.memory_space<hbm>>) target(%arg6 : memref<2x128xi32, #tpu.memory_space<vmem>>) target_semaphore(%run_scoped3A : memref<!tpu.dma_semaphore, #tpu.memory_space<semaphore_mem>>)
        %dma_wait3A = arith.constant 0 : i32
        %dma_wait3A_39 = tpu.memref_slice %arg3[%add3A_24, %mul3A_26, %dma_wait3A] : memref<2500x4x128xi32, #tpu.memory_space<hbm>> -> memref<1x2x128xi32, #tpu.memory_space<hbm>>
        %dma_wait3A_40 = tpu.memref_squeeze %dma_wait3A_39 : memref<1x2x128xi32, #tpu.memory_space<hbm>> -> memref<2x128xi32, #tpu.memory_space<hbm>>
        %dma_wait3A_41 = arith.constant 0 : i32
        %dma_wait3A_42 = tpu.memref_slice %arg3[%add3A_24, %mul3A_26, %dma_wait3A_41] : memref<2500x4x128xi32, #tpu.memory_space<hbm>> -> memref<1x2x128xi32, #tpu.memory_space<hbm>>
        %dma_wait3A_43 = tpu.memref_squeeze %dma_wait3A_42 : memref<1x2x128xi32, #tpu.memory_space<hbm>> -> memref<2x128xi32, #tpu.memory_space<hbm>>
        tpu.wait_dma2 semaphore(%run_scoped3A : memref<!tpu.dma_semaphore, #tpu.memory_space<semaphore_mem>>) src(%dma_wait3A_43 : memref<2x128xi32, #tpu.memory_space<hbm>>) dst(%arg6 : memref<2x128xi32, #tpu.memory_space<vmem>>)
        tpu.yield
      }) : () -> ()
      %dma_start3A = arith.constant 0 : i32
      %dma_start3A_27 = arith.constant 0 : i32
      %dma_start3A_28 = tpu.memref_slice %arg6[%dma_start3A, %dma_start3A_27] : memref<2x128xi32, #tpu.memory_space<vmem>> -> memref<1x128xi32, #tpu.memory_space<vmem>>
      %dma_start3A_29 = tpu.memref_squeeze %dma_start3A_28 : memref<1x128xi32, #tpu.memory_space<vmem>> -> memref<128xi32, #tpu.memory_space<vmem>>
      %dma_start3A_30 = arith.constant 0 : i32
      %dma_start3A_31 = arith.constant 0 : i32
      %dma_start3A_32 = tpu.memref_slice %arg2[%dma_start3A_30, %dma_start3A_31] : memref<20000x128xf32, #tpu.memory_space<hbm>> -> memref<20000x128xf32, #tpu.memory_space<hbm>>
      tpu.enqueue_indirect_dma source(%dma_start3A_32 : memref<20000x128xf32, #tpu.memory_space<hbm>>) target(%arg9 : memref<128x128xf32, #tpu.memory_space<vmem>>) offsets(%dma_start3A_29 : memref<128xi32, #tpu.memory_space<vmem>>) semaphore(%arg12 : memref<!tpu.dma_semaphore, #tpu.memory_space<semaphore_mem>>)
    } else {
    }
    %add3A_4 = arith.constant 16 : i32
    %add3A_5 = arith.addi %add3A_4, %arg1 : i32
    %lt3A_6 = arith.constant 2500 : i32
    %lt3A_7 = arith.cmpi slt, %add3A_5, %lt3A_6 : i32
    %convert_element_type3A_8 = arith.extui %lt3A_7 : i1 to i32
    %cond3A_9 = arith.constant 0 : i32
    %cond3A_10 = arith.cmpi ne, %convert_element_type3A_8, %cond3A_9 : i32
    scf.if %cond3A_10 {
      %add3A_23 = arith.constant 16 : i32
      %add3A_24 = arith.addi %add3A_23, %arg1 : i32
      %mul3A_25 = arith.constant 2 : i32
      %mul3A_26 = arith.muli %mul3A_25, %arg0 : i32
      "tpu.region"() ({
        %run_scoped3A = tpu.sem_alloc : memref<!tpu.dma_semaphore, #tpu.memory_space<semaphore_mem>>
        %dma_start3A_33 = arith.constant 0 : i32
        %dma_start3A_34 = tpu.memref_slice %arg3[%add3A_24, %mul3A_26, %dma_start3A_33] : memref<2500x4x128xi32, #tpu.memory_space<hbm>> -> memref<1x2x128xi32, #tpu.memory_space<hbm>>
        %dma_start3A_35 = tpu.memref_squeeze %dma_start3A_34 : memref<1x2x128xi32, #tpu.memory_space<hbm>> -> memref<2x128xi32, #tpu.memory_space<hbm>>
        %dma_start3A_36 = arith.constant 0 : i32
        %dma_start3A_37 = tpu.memref_slice %arg3[%add3A_24, %mul3A_26, %dma_start3A_36] : memref<2500x4x128xi32, #tpu.memory_space<hbm>> -> memref<1x2x128xi32, #tpu.memory_space<hbm>>
        %dma_start3A_38 = tpu.memref_squeeze %dma_start3A_37 : memref<1x2x128xi32, #tpu.memory_space<hbm>> -> memref<2x128xi32, #tpu.memory_space<hbm>>
        tpu.enqueue_dma source(%dma_start3A_38 : memref<2x128xi32, #tpu.memory_space<hbm>>) target(%arg7 : memref<2x128xi32, #tpu.memory_space<vmem>>) target_semaphore(%run_scoped3A : memref<!tpu.dma_semaphore, #tpu.memory_space<semaphore_mem>>)
        %dma_wait3A = arith.constant 0 : i32
        %dma_wait3A_39 = tpu.memref_slice %arg3[%add3A_24, %mul3A_26, %dma_wait3A] : memref<2500x4x128xi32, #tpu.memory_space<hbm>> -> memref<1x2x128xi32, #tpu.memory_space<hbm>>
        %dma_wait3A_40 = tpu.memref_squeeze %dma_wait3A_39 : memref<1x2x128xi32, #tpu.memory_space<hbm>> -> memref<2x128xi32, #tpu.memory_space<hbm>>
        %dma_wait3A_41 = arith.constant 0 : i32
        %dma_wait3A_42 = tpu.memref_slice %arg3[%add3A_24, %mul3A_26, %dma_wait3A_41] : memref<2500x4x128xi32, #tpu.memory_space<hbm>> -> memref<1x2x128xi32, #tpu.memory_space<hbm>>
        %dma_wait3A_43 = tpu.memref_squeeze %dma_wait3A_42 : memref<1x2x128xi32, #tpu.memory_space<hbm>> -> memref<2x128xi32, #tpu.memory_space<hbm>>
        tpu.wait_dma2 semaphore(%run_scoped3A : memref<!tpu.dma_semaphore, #tpu.memory_space<semaphore_mem>>) src(%dma_wait3A_43 : memref<2x128xi32, #tpu.memory_space<hbm>>) dst(%arg7 : memref<2x128xi32, #tpu.memory_space<vmem>>)
        tpu.yield
      }) : () -> ()
      %dma_start3A = arith.constant 0 : i32
      %dma_start3A_27 = arith.constant 0 : i32
      %dma_start3A_28 = tpu.memref_slice %arg7[%dma_start3A, %dma_start3A_27] : memref<2x128xi32, #tpu.memory_space<vmem>> -> memref<1x128xi32, #tpu.memory_space<vmem>>
      %dma_start3A_29 = tpu.memref_squeeze %dma_start3A_28 : memref<1x128xi32, #tpu.memory_space<vmem>> -> memref<128xi32, #tpu.memory_space<vmem>>
      %dma_start3A_30 = arith.constant 0 : i32
      %dma_start3A_31 = arith.constant 0 : i32
      %dma_start3A_32 = tpu.memref_slice %arg2[%dma_start3A_30, %dma_start3A_31] : memref<20000x128xf32, #tpu.memory_space<hbm>> -> memref<20000x128xf32, #tpu.memory_space<hbm>>
      tpu.enqueue_indirect_dma source(%dma_start3A_32 : memref<20000x128xf32, #tpu.memory_space<hbm>>) target(%arg10 : memref<128x128xf32, #tpu.memory_space<vmem>>) offsets(%dma_start3A_29 : memref<128xi32, #tpu.memory_space<vmem>>) semaphore(%arg13 : memref<!tpu.dma_semaphore, #tpu.memory_space<semaphore_mem>>)
    } else {
    }
    %scan3A = arith.constant 0 : i32
    %scan3A_11 = arith.constant 53 : i32
    %scan3A_12 = arith.addi %scan3A, %scan3A_11 : i32
    %scan3A_13 = arith.constant 1 : i32
    scf.for %scan3A_23 = %scan3A to %scan3A_12 step %scan3A_13  : i32 {
      %mul3A_24 = arith.constant 3 : i32
      %mul3A_25 = arith.muli %mul3A_24, %scan3A_23 : i32
      %add3A_26 = arith.constant 2 : i32
      %add3A_27 = arith.addi %mul3A_25, %add3A_26 : i32
      %mul3A_28 = arith.constant 16 : i32
      %mul3A_29 = arith.muli %add3A_27, %mul3A_28 : i32
      %add3A_30 = arith.addi %mul3A_29, %arg1 : i32
      %lt3A_31 = arith.constant 2500 : i32
      %lt3A_32 = arith.cmpi slt, %add3A_30, %lt3A_31 : i32
      %convert_element_type3A_33 = arith.extui %lt3A_32 : i1 to i32
      %cond3A_34 = arith.constant 0 : i32
      %cond3A_35 = arith.cmpi ne, %convert_element_type3A_33, %cond3A_34 : i32
      scf.if %cond3A_35 {
        %mul3A_88 = arith.constant 16 : i32
        %mul3A_89 = arith.muli %add3A_27, %mul3A_88 : i32
        %add3A_90 = arith.addi %mul3A_89, %arg1 : i32
        %mul3A_91 = arith.constant 2 : i32
        %mul3A_92 = arith.muli %mul3A_91, %arg0 : i32
        "tpu.region"() ({
          %run_scoped3A = tpu.sem_alloc : memref<!tpu.dma_semaphore, #tpu.memory_space<semaphore_mem>>
          %dma_start3A_99 = arith.constant 0 : i32
          %dma_start3A_100 = tpu.memref_slice %arg3[%add3A_90, %mul3A_92, %dma_start3A_99] : memref<2500x4x128xi32, #tpu.memory_space<hbm>> -> memref<1x2x128xi32, #tpu.memory_space<hbm>>
          %dma_start3A_101 = tpu.memref_squeeze %dma_start3A_100 : memref<1x2x128xi32, #tpu.memory_space<hbm>> -> memref<2x128xi32, #tpu.memory_space<hbm>>
          %dma_start3A_102 = arith.constant 0 : i32
          %dma_start3A_103 = tpu.memref_slice %arg3[%add3A_90, %mul3A_92, %dma_start3A_102] : memref<2500x4x128xi32, #tpu.memory_space<hbm>> -> memref<1x2x128xi32, #tpu.memory_space<hbm>>
          %dma_start3A_104 = tpu.memref_squeeze %dma_start3A_103 : memref<1x2x128xi32, #tpu.memory_space<hbm>> -> memref<2x128xi32, #tpu.memory_space<hbm>>
          tpu.enqueue_dma source(%dma_start3A_104 : memref<2x128xi32, #tpu.memory_space<hbm>>) target(%arg8 : memref<2x128xi32, #tpu.memory_space<vmem>>) target_semaphore(%run_scoped3A : memref<!tpu.dma_semaphore, #tpu.memory_space<semaphore_mem>>)
          %dma_wait3A = arith.constant 0 : i32
          %dma_wait3A_105 = tpu.memref_slice %arg3[%add3A_90, %mul3A_92, %dma_wait3A] : memref<2500x4x128xi32, #tpu.memory_space<hbm>> -> memref<1x2x128xi32, #tpu.memory_space<hbm>>
          %dma_wait3A_106 = tpu.memref_squeeze %dma_wait3A_105 : memref<1x2x128xi32, #tpu.memory_space<hbm>> -> memref<2x128xi32, #tpu.memory_space<hbm>>
          %dma_wait3A_107 = arith.constant 0 : i32
          %dma_wait3A_108 = tpu.memref_slice %arg3[%add3A_90, %mul3A_92, %dma_wait3A_107] : memref<2500x4x128xi32, #tpu.memory_space<hbm>> -> memref<1x2x128xi32, #tpu.memory_space<hbm>>
          %dma_wait3A_109 = tpu.memref_squeeze %dma_wait3A_108 : memref<1x2x128xi32, #tpu.memory_space<hbm>> -> memref<2x128xi32, #tpu.memory_space<hbm>>
          tpu.wait_dma2 semaphore(%run_scoped3A : memref<!tpu.dma_semaphore, #tpu.memory_space<semaphore_mem>>) src(%dma_wait3A_109 : memref<2x128xi32, #tpu.memory_space<hbm>>) dst(%arg8 : memref<2x128xi32, #tpu.memory_space<vmem>>)
          tpu.yield
        }) : () -> ()
        %dma_start3A = arith.constant 0 : i32
        %dma_start3A_93 = arith.constant 0 : i32
        %dma_start3A_94 = tpu.memref_slice %arg8[%dma_start3A, %dma_start3A_93] : memref<2x128xi32, #tpu.memory_space<vmem>> -> memref<1x128xi32, #tpu.memory_space<vmem>>
        %dma_start3A_95 = tpu.memref_squeeze %dma_start3A_94 : memref<1x128xi32, #tpu.memory_space<vmem>> -> memref<128xi32, #tpu.memory_space<vmem>>
        %dma_start3A_96 = arith.constant 0 : i32
        %dma_start3A_97 = arith.constant 0 : i32
        %dma_start3A_98 = tpu.memref_slice %arg2[%dma_start3A_96, %dma_start3A_97] : memref<20000x128xf32, #tpu.memory_space<hbm>> -> memref<20000x128xf32, #tpu.memory_space<hbm>>
        tpu.enqueue_indirect_dma source(%dma_start3A_98 : memref<20000x128xf32, #tpu.memory_space<hbm>>) target(%arg11 : memref<128x128xf32, #tpu.memory_space<vmem>>) offsets(%dma_start3A_95 : memref<128xi32, #tpu.memory_space<vmem>>) semaphore(%arg14 : memref<!tpu.dma_semaphore, #tpu.memory_space<semaphore_mem>>)
      } else {
      }
      %mul3A_36 = arith.constant 16 : i32
      %mul3A_37 = arith.muli %mul3A_25, %mul3A_36 : i32
      %add3A_38 = arith.addi %mul3A_37, %arg1 : i32
      %lt3A_39 = arith.constant 2500 : i32
      %lt3A_40 = arith.cmpi slt, %add3A_38, %lt3A_39 : i32
      %convert_element_type3A_41 = arith.extui %lt3A_40 : i1 to i32
      %cond3A_42 = arith.constant 0 : i32
      %cond3A_43 = arith.cmpi ne, %convert_element_type3A_41, %cond3A_42 : i32
      scf.if %cond3A_43 {
        %dma_wait3A = arith.constant 0 : i32
        %dma_wait3A_88 = arith.constant 0 : i32
        %dma_wait3A_89 = tpu.memref_slice %arg6[%dma_wait3A, %dma_wait3A_88] : memref<2x128xi32, #tpu.memory_space<vmem>> -> memref<1x128xi32, #tpu.memory_space<vmem>>
        %dma_wait3A_90 = tpu.memref_squeeze %dma_wait3A_89 : memref<1x128xi32, #tpu.memory_space<vmem>> -> memref<128xi32, #tpu.memory_space<vmem>>
        %dma_wait3A_91 = arith.constant 0 : i32
        %dma_wait3A_92 = arith.constant 0 : i32
        %dma_wait3A_93 = tpu.memref_slice %arg2[%dma_wait3A_91, %dma_wait3A_92] : memref<20000x128xf32, #tpu.memory_space<hbm>> -> memref<20000x128xf32, #tpu.memory_space<hbm>>
        tpu.wait_indirect_dma semaphore(%arg12 : memref<!tpu.dma_semaphore, #tpu.memory_space<semaphore_mem>>) src(%dma_wait3A_93 : memref<20000x128xf32, #tpu.memory_space<hbm>>) dst(%arg9 : memref<128x128xf32, #tpu.memory_space<vmem>>)
        %run_scoped3A = arith.constant 1 : i32
        "tpu.region"() ({
          %run_scoped3A_94 = tpu.sem_alloc : memref<!tpu.dma_semaphore, #tpu.memory_space<semaphore_mem>>
          %dma_start3A = arith.constant 0 : i32
          %dma_start3A_95 = tpu.memref_slice %arg6[%run_scoped3A, %dma_start3A] : memref<2x128xi32, #tpu.memory_space<vmem>> -> memref<1x128xi32, #tpu.memory_space<vmem>>
          %dma_start3A_96 = tpu.memref_squeeze %dma_start3A_95 : memref<1x128xi32, #tpu.memory_space<vmem>> -> memref<128xi32, #tpu.memory_space<vmem>>
          %dma_start3A_97 = arith.constant 0 : i32
          %dma_start3A_98 = arith.constant 0 : i32
          %dma_start3A_99 = tpu.memref_slice %arg15[%dma_start3A_97, %dma_start3A_98] : memref<10112x128xf32, #tpu.memory_space<vmem_shared>> -> memref<10112x128xf32, #tpu.memory_space<vmem_shared>>
          tpu.enqueue_indirect_dma source(%arg9 : memref<128x128xf32, #tpu.memory_space<vmem>>) target(%dma_start3A_99 : memref<10112x128xf32, #tpu.memory_space<vmem_shared>>) offsets(%dma_start3A_96 : memref<128xi32, #tpu.memory_space<vmem>>) semaphore(%run_scoped3A_94 : memref<!tpu.dma_semaphore, #tpu.memory_space<semaphore_mem>>) {add = true}
          %dma_wait3A_100 = arith.constant 0 : i32
          %dma_wait3A_101 = tpu.memref_slice %arg6[%run_scoped3A, %dma_wait3A_100] : memref<2x128xi32, #tpu.memory_space<vmem>> -> memref<1x128xi32, #tpu.memory_space<vmem>>
          %dma_wait3A_102 = tpu.memref_squeeze %dma_wait3A_101 : memref<1x128xi32, #tpu.memory_space<vmem>> -> memref<128xi32, #tpu.memory_space<vmem>>
          %dma_wait3A_103 = arith.constant 0 : i32
          %dma_wait3A_104 = arith.constant 0 : i32
          %dma_wait3A_105 = tpu.memref_slice %arg15[%dma_wait3A_103, %dma_wait3A_104] : memref<10112x128xf32, #tpu.memory_space<vmem_shared>> -> memref<10112x128xf32, #tpu.memory_space<vmem_shared>>
          tpu.wait_indirect_dma semaphore(%run_scoped3A_94 : memref<!tpu.dma_semaphore, #tpu.memory_space<semaphore_mem>>) src(%arg9 : memref<128x128xf32, #tpu.memory_space<vmem>>) dst(%dma_wait3A_105 : memref<10112x128xf32, #tpu.memory_space<vmem_shared>>)
          tpu.yield
        }) : () -> ()
      } else {
      }
      %mul3A_44 = arith.constant 3 : i32
      %mul3A_45 = arith.muli %mul3A_44, %scan3A_23 : i32
      %add3A_46 = arith.constant 1 : i32
      %add3A_47 = arith.addi %mul3A_45, %add3A_46 : i32
      %add3A_48 = arith.constant 2 : i32
      %add3A_49 = arith.addi %add3A_47, %add3A_48 : i32
      %mul3A_50 = arith.constant 16 : i32
      %mul3A_51 = arith.muli %add3A_49, %mul3A_50 : i32
      %add3A_52 = arith.addi %mul3A_51, %arg1 : i32
      %lt3A_53 = arith.constant 2500 : i32
      %lt3A_54 = arith.cmpi slt, %add3A_52, %lt3A_53 : i32
      %convert_element_type3A_55 = arith.extui %lt3A_54 : i1 to i32
      %cond3A_56 = arith.constant 0 : i32
      %cond3A_57 = arith.cmpi ne, %convert_element_type3A_55, %cond3A_56 : i32
      scf.if %cond3A_57 {
        %mul3A_88 = arith.constant 16 : i32
        %mul3A_89 = arith.muli %add3A_49, %mul3A_88 : i32
        %add3A_90 = arith.addi %mul3A_89, %arg1 : i32
        %mul3A_91 = arith.constant 2 : i32
        %mul3A_92 = arith.muli %mul3A_91, %arg0 : i32
        "tpu.region"() ({
          %run_scoped3A = tpu.sem_alloc : memref<!tpu.dma_semaphore, #tpu.memory_space<semaphore_mem>>
          %dma_start3A_99 = arith.constant 0 : i32
          %dma_start3A_100 = tpu.memref_slice %arg3[%add3A_90, %mul3A_92, %dma_start3A_99] : memref<2500x4x128xi32, #tpu.memory_space<hbm>> -> memref<1x2x128xi32, #tpu.memory_space<hbm>>
          %dma_start3A_101 = tpu.memref_squeeze %dma_start3A_100 : memref<1x2x128xi32, #tpu.memory_space<hbm>> -> memref<2x128xi32, #tpu.memory_space<hbm>>
          %dma_start3A_102 = arith.constant 0 : i32
          %dma_start3A_103 = tpu.memref_slice %arg3[%add3A_90, %mul3A_92, %dma_start3A_102] : memref<2500x4x128xi32, #tpu.memory_space<hbm>> -> memref<1x2x128xi32, #tpu.memory_space<hbm>>
          %dma_start3A_104 = tpu.memref_squeeze %dma_start3A_103 : memref<1x2x128xi32, #tpu.memory_space<hbm>> -> memref<2x128xi32, #tpu.memory_space<hbm>>
          tpu.enqueue_dma source(%dma_start3A_104 : memref<2x128xi32, #tpu.memory_space<hbm>>) target(%arg6 : memref<2x128xi32, #tpu.memory_space<vmem>>) target_semaphore(%run_scoped3A : memref<!tpu.dma_semaphore, #tpu.memory_space<semaphore_mem>>)
          %dma_wait3A = arith.constant 0 : i32
          %dma_wait3A_105 = tpu.memref_slice %arg3[%add3A_90, %mul3A_92, %dma_wait3A] : memref<2500x4x128xi32, #tpu.memory_space<hbm>> -> memref<1x2x128xi32, #tpu.memory_space<hbm>>
          %dma_wait3A_106 = tpu.memref_squeeze %dma_wait3A_105 : memref<1x2x128xi32, #tpu.memory_space<hbm>> -> memref<2x128xi32, #tpu.memory_space<hbm>>
          %dma_wait3A_107 = arith.constant 0 : i32
          %dma_wait3A_108 = tpu.memref_slice %arg3[%add3A_90, %mul3A_92, %dma_wait3A_107] : memref<2500x4x128xi32, #tpu.memory_space<hbm>> -> memref<1x2x128xi32, #tpu.memory_space<hbm>>
          %dma_wait3A_109 = tpu.memref_squeeze %dma_wait3A_108 : memref<1x2x128xi32, #tpu.memory_space<hbm>> -> memref<2x128xi32, #tpu.memory_space<hbm>>
          tpu.wait_dma2 semaphore(%run_scoped3A : memref<!tpu.dma_semaphore, #tpu.memory_space<semaphore_mem>>) src(%dma_wait3A_109 : memref<2x128xi32, #tpu.memory_space<hbm>>) dst(%arg6 : memref<2x128xi32, #tpu.memory_space<vmem>>)
          tpu.yield
        }) : () -> ()
        %dma_start3A = arith.constant 0 : i32
        %dma_start3A_93 = arith.constant 0 : i32
        %dma_start3A_94 = tpu.memref_slice %arg6[%dma_start3A, %dma_start3A_93] : memref<2x128xi32, #tpu.memory_space<vmem>> -> memref<1x128xi32, #tpu.memory_space<vmem>>
        %dma_start3A_95 = tpu.memref_squeeze %dma_start3A_94 : memref<1x128xi32, #tpu.memory_space<vmem>> -> memref<128xi32, #tpu.memory_space<vmem>>
        %dma_start3A_96 = arith.constant 0 : i32
        %dma_start3A_97 = arith.constant 0 : i32
        %dma_start3A_98 = tpu.memref_slice %arg2[%dma_start3A_96, %dma_start3A_97] : memref<20000x128xf32, #tpu.memory_space<hbm>> -> memref<20000x128xf32, #tpu.memory_space<hbm>>
        tpu.enqueue_indirect_dma source(%dma_start3A_98 : memref<20000x128xf32, #tpu.memory_space<hbm>>) target(%arg9 : memref<128x128xf32, #tpu.memory_space<vmem>>) offsets(%dma_start3A_95 : memref<128xi32, #tpu.memory_space<vmem>>) semaphore(%arg12 : memref<!tpu.dma_semaphore, #tpu.memory_space<semaphore_mem>>)
      } else {
      }
      %mul3A_58 = arith.constant 16 : i32
      %mul3A_59 = arith.muli %add3A_47, %mul3A_58 : i32
      %add3A_60 = arith.addi %mul3A_59, %arg1 : i32
      %lt3A_61 = arith.constant 2500 : i32
      %lt3A_62 = arith.cmpi slt, %add3A_60, %lt3A_61 : i32
      %convert_element_type3A_63 = arith.extui %lt3A_62 : i1 to i32
      %cond3A_64 = arith.constant 0 : i32
      %cond3A_65 = arith.cmpi ne, %convert_element_type3A_63, %cond3A_64 : i32
      scf.if %cond3A_65 {
        %dma_wait3A = arith.constant 0 : i32
        %dma_wait3A_88 = arith.constant 0 : i32
        %dma_wait3A_89 = tpu.memref_slice %arg7[%dma_wait3A, %dma_wait3A_88] : memref<2x128xi32, #tpu.memory_space<vmem>> -> memref<1x128xi32, #tpu.memory_space<vmem>>
        %dma_wait3A_90 = tpu.memref_squeeze %dma_wait3A_89 : memref<1x128xi32, #tpu.memory_space<vmem>> -> memref<128xi32, #tpu.memory_space<vmem>>
        %dma_wait3A_91 = arith.constant 0 : i32
        %dma_wait3A_92 = arith.constant 0 : i32
        %dma_wait3A_93 = tpu.memref_slice %arg2[%dma_wait3A_91, %dma_wait3A_92] : memref<20000x128xf32, #tpu.memory_space<hbm>> -> memref<20000x128xf32, #tpu.memory_space<hbm>>
        tpu.wait_indirect_dma semaphore(%arg13 : memref<!tpu.dma_semaphore, #tpu.memory_space<semaphore_mem>>) src(%dma_wait3A_93 : memref<20000x128xf32, #tpu.memory_space<hbm>>) dst(%arg10 : memref<128x128xf32, #tpu.memory_space<vmem>>)
        %run_scoped3A = arith.constant 1 : i32
        "tpu.region"() ({
          %run_scoped3A_94 = tpu.sem_alloc : memref<!tpu.dma_semaphore, #tpu.memory_space<semaphore_mem>>
          %dma_start3A = arith.constant 0 : i32
          %dma_start3A_95 = tpu.memref_slice %arg7[%run_scoped3A, %dma_start3A] : memref<2x128xi32, #tpu.memory_space<vmem>> -> memref<1x128xi32, #tpu.memory_space<vmem>>
          %dma_start3A_96 = tpu.memref_squeeze %dma_start3A_95 : memref<1x128xi32, #tpu.memory_space<vmem>> -> memref<128xi32, #tpu.memory_space<vmem>>
          %dma_start3A_97 = arith.constant 0 : i32
          %dma_start3A_98 = arith.constant 0 : i32
          %dma_start3A_99 = tpu.memref_slice %arg15[%dma_start3A_97, %dma_start3A_98] : memref<10112x128xf32, #tpu.memory_space<vmem_shared>> -> memref<10112x128xf32, #tpu.memory_space<vmem_shared>>
          tpu.enqueue_indirect_dma source(%arg10 : memref<128x128xf32, #tpu.memory_space<vmem>>) target(%dma_start3A_99 : memref<10112x128xf32, #tpu.memory_space<vmem_shared>>) offsets(%dma_start3A_96 : memref<128xi32, #tpu.memory_space<vmem>>) semaphore(%run_scoped3A_94 : memref<!tpu.dma_semaphore, #tpu.memory_space<semaphore_mem>>) {add = true}
          %dma_wait3A_100 = arith.constant 0 : i32
          %dma_wait3A_101 = tpu.memref_slice %arg7[%run_scoped3A, %dma_wait3A_100] : memref<2x128xi32, #tpu.memory_space<vmem>> -> memref<1x128xi32, #tpu.memory_space<vmem>>
          %dma_wait3A_102 = tpu.memref_squeeze %dma_wait3A_101 : memref<1x128xi32, #tpu.memory_space<vmem>> -> memref<128xi32, #tpu.memory_space<vmem>>
          %dma_wait3A_103 = arith.constant 0 : i32
          %dma_wait3A_104 = arith.constant 0 : i32
          %dma_wait3A_105 = tpu.memref_slice %arg15[%dma_wait3A_103, %dma_wait3A_104] : memref<10112x128xf32, #tpu.memory_space<vmem_shared>> -> memref<10112x128xf32, #tpu.memory_space<vmem_shared>>
          tpu.wait_indirect_dma semaphore(%run_scoped3A_94 : memref<!tpu.dma_semaphore, #tpu.memory_space<semaphore_mem>>) src(%arg10 : memref<128x128xf32, #tpu.memory_space<vmem>>) dst(%dma_wait3A_105 : memref<10112x128xf32, #tpu.memory_space<vmem_shared>>)
          tpu.yield
        }) : () -> ()
      } else {
      }
      %mul3A_66 = arith.constant 3 : i32
      %mul3A_67 = arith.muli %mul3A_66, %scan3A_23 : i32
      %add3A_68 = arith.constant 2 : i32
      %add3A_69 = arith.addi %mul3A_67, %add3A_68 : i32
      %add3A_70 = arith.constant 2 : i32
      %add3A_71 = arith.addi %add3A_69, %add3A_70 : i32
      %mul3A_72 = arith.constant 16 : i32
      %mul3A_73 = arith.muli %add3A_71, %mul3A_72 : i32
      %add3A_74 = arith.addi %mul3A_73, %arg1 : i32
      %lt3A_75 = arith.constant 2500 : i32
      %lt3A_76 = arith.cmpi slt, %add3A_74, %lt3A_75 : i32
      %convert_element_type3A_77 = arith.extui %lt3A_76 : i1 to i32
      %cond3A_78 = arith.constant 0 : i32
      %cond3A_79 = arith.cmpi ne, %convert_element_type3A_77, %cond3A_78 : i32
      scf.if %cond3A_79 {
        %mul3A_88 = arith.constant 16 : i32
        %mul3A_89 = arith.muli %add3A_71, %mul3A_88 : i32
        %add3A_90 = arith.addi %mul3A_89, %arg1 : i32
        %mul3A_91 = arith.constant 2 : i32
        %mul3A_92 = arith.muli %mul3A_91, %arg0 : i32
        "tpu.region"() ({
          %run_scoped3A = tpu.sem_alloc : memref<!tpu.dma_semaphore, #tpu.memory_space<semaphore_mem>>
          %dma_start3A_99 = arith.constant 0 : i32
          %dma_start3A_100 = tpu.memref_slice %arg3[%add3A_90, %mul3A_92, %dma_start3A_99] : memref<2500x4x128xi32, #tpu.memory_space<hbm>> -> memref<1x2x128xi32, #tpu.memory_space<hbm>>
          %dma_start3A_101 = tpu.memref_squeeze %dma_start3A_100 : memref<1x2x128xi32, #tpu.memory_space<hbm>> -> memref<2x128xi32, #tpu.memory_space<hbm>>
          %dma_start3A_102 = arith.constant 0 : i32
          %dma_start3A_103 = tpu.memref_slice %arg3[%add3A_90, %mul3A_92, %dma_start3A_102] : memref<2500x4x128xi32, #tpu.memory_space<hbm>> -> memref<1x2x128xi32, #tpu.memory_space<hbm>>
          %dma_start3A_104 = tpu.memref_squeeze %dma_start3A_103 : memref<1x2x128xi32, #tpu.memory_space<hbm>> -> memref<2x128xi32, #tpu.memory_space<hbm>>
          tpu.enqueue_dma source(%dma_start3A_104 : memref<2x128xi32, #tpu.memory_space<hbm>>) target(%arg7 : memref<2x128xi32, #tpu.memory_space<vmem>>) target_semaphore(%run_scoped3A : memref<!tpu.dma_semaphore, #tpu.memory_space<semaphore_mem>>)
          %dma_wait3A = arith.constant 0 : i32
          %dma_wait3A_105 = tpu.memref_slice %arg3[%add3A_90, %mul3A_92, %dma_wait3A] : memref<2500x4x128xi32, #tpu.memory_space<hbm>> -> memref<1x2x128xi32, #tpu.memory_space<hbm>>
          %dma_wait3A_106 = tpu.memref_squeeze %dma_wait3A_105 : memref<1x2x128xi32, #tpu.memory_space<hbm>> -> memref<2x128xi32, #tpu.memory_space<hbm>>
          %dma_wait3A_107 = arith.constant 0 : i32
          %dma_wait3A_108 = tpu.memref_slice %arg3[%add3A_90, %mul3A_92, %dma_wait3A_107] : memref<2500x4x128xi32, #tpu.memory_space<hbm>> -> memref<1x2x128xi32, #tpu.memory_space<hbm>>
          %dma_wait3A_109 = tpu.memref_squeeze %dma_wait3A_108 : memref<1x2x128xi32, #tpu.memory_space<hbm>> -> memref<2x128xi32, #tpu.memory_space<hbm>>
          tpu.wait_dma2 semaphore(%run_scoped3A : memref<!tpu.dma_semaphore, #tpu.memory_space<semaphore_mem>>) src(%dma_wait3A_109 : memref<2x128xi32, #tpu.memory_space<hbm>>) dst(%arg7 : memref<2x128xi32, #tpu.memory_space<vmem>>)
          tpu.yield
        }) : () -> ()
        %dma_start3A = arith.constant 0 : i32
        %dma_start3A_93 = arith.constant 0 : i32
        %dma_start3A_94 = tpu.memref_slice %arg7[%dma_start3A, %dma_start3A_93] : memref<2x128xi32, #tpu.memory_space<vmem>> -> memref<1x128xi32, #tpu.memory_space<vmem>>
        %dma_start3A_95 = tpu.memref_squeeze %dma_start3A_94 : memref<1x128xi32, #tpu.memory_space<vmem>> -> memref<128xi32, #tpu.memory_space<vmem>>
        %dma_start3A_96 = arith.constant 0 : i32
        %dma_start3A_97 = arith.constant 0 : i32
        %dma_start3A_98 = tpu.memref_slice %arg2[%dma_start3A_96, %dma_start3A_97] : memref<20000x128xf32, #tpu.memory_space<hbm>> -> memref<20000x128xf32, #tpu.memory_space<hbm>>
        tpu.enqueue_indirect_dma source(%dma_start3A_98 : memref<20000x128xf32, #tpu.memory_space<hbm>>) target(%arg10 : memref<128x128xf32, #tpu.memory_space<vmem>>) offsets(%dma_start3A_95 : memref<128xi32, #tpu.memory_space<vmem>>) semaphore(%arg13 : memref<!tpu.dma_semaphore, #tpu.memory_space<semaphore_mem>>)
      } else {
      }
      %mul3A_80 = arith.constant 16 : i32
      %mul3A_81 = arith.muli %add3A_69, %mul3A_80 : i32
      %add3A_82 = arith.addi %mul3A_81, %arg1 : i32
      %lt3A_83 = arith.constant 2500 : i32
      %lt3A_84 = arith.cmpi slt, %add3A_82, %lt3A_83 : i32
      %convert_element_type3A_85 = arith.extui %lt3A_84 : i1 to i32
      %cond3A_86 = arith.constant 0 : i32
      %cond3A_87 = arith.cmpi ne, %convert_element_type3A_85, %cond3A_86 : i32
      scf.if %cond3A_87 {
        %dma_wait3A = arith.constant 0 : i32
        %dma_wait3A_88 = arith.constant 0 : i32
        %dma_wait3A_89 = tpu.memref_slice %arg8[%dma_wait3A, %dma_wait3A_88] : memref<2x128xi32, #tpu.memory_space<vmem>> -> memref<1x128xi32, #tpu.memory_space<vmem>>
        %dma_wait3A_90 = tpu.memref_squeeze %dma_wait3A_89 : memref<1x128xi32, #tpu.memory_space<vmem>> -> memref<128xi32, #tpu.memory_space<vmem>>
        %dma_wait3A_91 = arith.constant 0 : i32
        %dma_wait3A_92 = arith.constant 0 : i32
        %dma_wait3A_93 = tpu.memref_slice %arg2[%dma_wait3A_91, %dma_wait3A_92] : memref<20000x128xf32, #tpu.memory_space<hbm>> -> memref<20000x128xf32, #tpu.memory_space<hbm>>
        tpu.wait_indirect_dma semaphore(%arg14 : memref<!tpu.dma_semaphore, #tpu.memory_space<semaphore_mem>>) src(%dma_wait3A_93 : memref<20000x128xf32, #tpu.memory_space<hbm>>) dst(%arg11 : memref<128x128xf32, #tpu.memory_space<vmem>>)
        %run_scoped3A = arith.constant 1 : i32
        "tpu.region"() ({
          %run_scoped3A_94 = tpu.sem_alloc : memref<!tpu.dma_semaphore, #tpu.memory_space<semaphore_mem>>
          %dma_start3A = arith.constant 0 : i32
          %dma_start3A_95 = tpu.memref_slice %arg8[%run_scoped3A, %dma_start3A] : memref<2x128xi32, #tpu.memory_space<vmem>> -> memref<1x128xi32, #tpu.memory_space<vmem>>
          %dma_start3A_96 = tpu.memref_squeeze %dma_start3A_95 : memref<1x128xi32, #tpu.memory_space<vmem>> -> memref<128xi32, #tpu.memory_space<vmem>>
          %dma_start3A_97 = arith.constant 0 : i32
          %dma_start3A_98 = arith.constant 0 : i32
          %dma_start3A_99 = tpu.memref_slice %arg15[%dma_start3A_97, %dma_start3A_98] : memref<10112x128xf32, #tpu.memory_space<vmem_shared>> -> memref<10112x128xf32, #tpu.memory_space<vmem_shared>>
          tpu.enqueue_indirect_dma source(%arg11 : memref<128x128xf32, #tpu.memory_space<vmem>>) target(%dma_start3A_99 : memref<10112x128xf32, #tpu.memory_space<vmem_shared>>) offsets(%dma_start3A_96 : memref<128xi32, #tpu.memory_space<vmem>>) semaphore(%run_scoped3A_94 : memref<!tpu.dma_semaphore, #tpu.memory_space<semaphore_mem>>) {add = true}
          %dma_wait3A_100 = arith.constant 0 : i32
          %dma_wait3A_101 = tpu.memref_slice %arg8[%run_scoped3A, %dma_wait3A_100] : memref<2x128xi32, #tpu.memory_space<vmem>> -> memref<1x128xi32, #tpu.memory_space<vmem>>
          %dma_wait3A_102 = tpu.memref_squeeze %dma_wait3A_101 : memref<1x128xi32, #tpu.memory_space<vmem>> -> memref<128xi32, #tpu.memory_space<vmem>>
          %dma_wait3A_103 = arith.constant 0 : i32
          %dma_wait3A_104 = arith.constant 0 : i32
          %dma_wait3A_105 = tpu.memref_slice %arg15[%dma_wait3A_103, %dma_wait3A_104] : memref<10112x128xf32, #tpu.memory_space<vmem_shared>> -> memref<10112x128xf32, #tpu.memory_space<vmem_shared>>
          tpu.wait_indirect_dma semaphore(%run_scoped3A_94 : memref<!tpu.dma_semaphore, #tpu.memory_space<semaphore_mem>>) src(%arg11 : memref<128x128xf32, #tpu.memory_space<vmem>>) dst(%dma_wait3A_105 : memref<10112x128xf32, #tpu.memory_space<vmem_shared>>)
          tpu.yield
        }) : () -> ()
      } else {
      }
    }
    %scan3A_14 = arith.constant 53 : i32
    %barrier3A_15 = arith.constant 0 : index
    tpu.barrier barrier_id(%barrier3A_15)
    %mul3A_16 = arith.constant 10112 : i32
    %mul3A_17 = arith.muli %arg0, %mul3A_16 : i32
    %mul3A_18 = arith.constant 632 : i32
    %mul3A_19 = arith.muli %arg1, %mul3A_18 : i32
    %add3A_20 = arith.addi %mul3A_17, %mul3A_19 : i32
    %multiple_of3A = tpu.assume_multiple %add3A_20, 8 : i32
    %mul3A_21 = arith.constant 632 : i32
    %mul3A_22 = arith.muli %arg1, %mul3A_21 : i32
    "tpu.region"() ({
      %run_scoped3A = tpu.sem_alloc : memref<!tpu.dma_semaphore, #tpu.memory_space<semaphore_mem>>
      %dma_start3A = arith.constant 0 : i32
      %dma_start3A_23 = tpu.memref_slice %arg5[%multiple_of3A, %dma_start3A] : memref<20224x128xf32, #tpu.memory_space<hbm>> -> memref<632x128xf32, #tpu.memory_space<hbm>>
      %dma_start3A_24 = arith.constant 0 : i32
      %dma_start3A_25 = tpu.memref_slice %arg15[%mul3A_22, %dma_start3A_24] : memref<10112x128xf32, #tpu.memory_space<vmem_shared>> -> memref<632x128xf32, #tpu.memory_space<vmem_shared>>
      tpu.enqueue_dma source(%dma_start3A_25 : memref<632x128xf32, #tpu.memory_space<vmem_shared>>) target(%dma_start3A_23 : memref<632x128xf32, #tpu.memory_space<hbm>>) target_semaphore(%run_scoped3A : memref<!tpu.dma_semaphore, #tpu.memory_space<semaphore_mem>>)
      %dma_wait3A = arith.constant 0 : i32
      %dma_wait3A_26 = tpu.memref_slice %arg5[%multiple_of3A, %dma_wait3A] : memref<20224x128xf32, #tpu.memory_space<hbm>> -> memref<632x128xf32, #tpu.memory_space<hbm>>
      %dma_wait3A_27 = arith.constant 0 : i32
      %dma_wait3A_28 = tpu.memref_slice %arg15[%mul3A_22, %dma_wait3A_27] : memref<10112x128xf32, #tpu.memory_space<vmem_shared>> -> memref<632x128xf32, #tpu.memory_space<vmem_shared>>
      tpu.wait_dma2 semaphore(%run_scoped3A : memref<!tpu.dma_semaphore, #tpu.memory_space<semaphore_mem>>) src(%dma_wait3A_28 : memref<632x128xf32, #tpu.memory_space<vmem_shared>>) dst(%dma_wait3A_26 : memref<632x128xf32, #tpu.memory_space<hbm>>)
      tpu.yield
    }) : () -> ()
    return
  }
}

module attributes {stable_mosaic.version = 14 : i64} {
  func.func @_enc_body(%arg0: i32, %arg1: memref<1000x128xf32, #tpu.memory_space<vmem>>, %arg2: memref<128x256xf32, #tpu.memory_space<vmem>>, %arg3: memref<1x256xf32, #tpu.memory_space<vmem>>, %arg4: memref<256x128xf32, #tpu.memory_space<vmem>>, %arg5: memref<2x1000x128xf32, #tpu.memory_space<vmem>>, %arg6: memref<1000x256xf32, #tpu.memory_space<vmem>>, %arg7: memref<2x1000x128xf32, #tpu.memory_space<vmem>>, %arg8: memref<1000x128xf32, #tpu.memory_space<vmem>>) attributes {dimension_semantics = [#tpu.dimension_semantics<arbitrary>], iteration_bounds = array<i64: 10>, scalar_prefetch = 0 : i64, scratch_operands = 0 : i64, tpu.core_type = #tpu.core_type<tc>, window_params = [{transform_indices = @transform_0, window_bounds = array<i64: 1000, 128>}, {pipeline_mode = #tpu.pipeline_mode<synchronous>, transform_indices = @transform_1, window_bounds = array<i64: 128, 256>}, {pipeline_mode = #tpu.pipeline_mode<synchronous>, transform_indices = @transform_2, window_bounds = array<i64: 1, 256>}, {pipeline_mode = #tpu.pipeline_mode<synchronous>, transform_indices = @transform_3, window_bounds = array<i64: 256, 128>}, {transform_indices = @transform_4, window_bounds = array<i64: 2, 1000, 128>}, {transform_indices = @transform_5, window_bounds = array<i64: 1000, 256>}, {transform_indices = @transform_6, window_bounds = array<i64: 2, 1000, 128>}, {transform_indices = @transform_7, window_bounds = array<i64: 1000, 128>}]} {
    %get3A = arith.constant 0 : index
    %get3A_0 = arith.constant 0 : index
    %get3A_1 = vector.load %arg1[%get3A, %get3A_0] : memref<1000x128xf32, #tpu.memory_space<vmem>>, vector<1000x128xf32>
    %get3A_2 = arith.constant 0 : index
    %get3A_3 = arith.constant 0 : index
    %get3A_4 = vector.load %arg2[%get3A_2, %get3A_3] : memref<128x256xf32, #tpu.memory_space<vmem>>, vector<128x256xf32>
    %dot_general3A = arith.constant dense<0.000000e+00> : vector<1000x256xf32>
    %dot_general3A_5 = tpu.matmul %get3A_1, %get3A_4, %dot_general3A {dimension_numbers = #tpu.dot_dimension_numbers<[1], [0], [0], [1], [0, 0, 1, 1], [], []>, transpose_lhs_hint = false} : vector<1000x128xf32>, vector<128x256xf32>, vector<1000x256xf32> -> vector<1000x256xf32>
    %get3A_6 = arith.constant 0 : index
    %get3A_7 = arith.constant 0 : index
    %get3A_8 = vector.load %arg3[%get3A_6, %get3A_7] : memref<1x256xf32, #tpu.memory_space<vmem>>, vector<1x256xf32>
    %add3A = vector.broadcast %get3A_8 : vector<1x256xf32> to vector<1000x256xf32>
    %add3A_9 = arith.addf %dot_general3A_5, %add3A : vector<1000x256xf32>
    %swap3A = arith.constant 0 : index
    %swap3A_10 = arith.constant 0 : index
    %swap3A_11 = vector.load %arg6[%swap3A, %swap3A_10] : memref<1000x256xf32, #tpu.memory_space<vmem>>, vector<1000x256xf32>
    tpu.vector_store %arg6[%swap3A, %swap3A_10], %add3A_9 {strides = array<i32>} : memref<1000x256xf32, #tpu.memory_space<vmem>>, vector<1000x256xf32>,
    %get3A_12 = arith.constant 0 : index
    %get3A_13 = arith.constant 0 : index
    %get3A_14 = arith.constant 0 : index
    %get3A_15 = vector.load %arg5[%get3A_12, %get3A_13, %get3A_14] : memref<2x1000x128xf32, #tpu.memory_space<vmem>>, vector<2x1000x128xf32>
    %slice3A = vector.extract_strided_slice %get3A_15 {offsets = [0, 0, 0], sizes = [1, 1000, 1], strides = [1, 1, 1]} : vector<2x1000x128xf32> to vector<1x1000x1xf32>
    %squeeze3A = vector.shape_cast %slice3A : vector<1x1000x1xf32> to vector<1000x1xf32>
    %slice3A_16 = vector.extract_strided_slice %get3A_15 {offsets = [1, 0, 0], sizes = [1, 1000, 1], strides = [1, 1, 1]} : vector<2x1000x128xf32> to vector<1x1000x1xf32>
    %squeeze3A_17 = vector.shape_cast %slice3A_16 : vector<1x1000x1xf32> to vector<1000x1xf32>
    %add3A_18 = arith.addf %squeeze3A, %squeeze3A_17 : vector<1000x1xf32>
    %max3A = arith.constant 1.000000e+00 : f32
    %max3A_19 = vector.broadcast %max3A : f32 to vector<1000x1xf32>
    %max3A_20 = arith.maximumf %add3A_18, %max3A_19 : vector<1000x1xf32>
    %rsqrt3A = math.rsqrt %max3A_20 : vector<1000x1xf32>
    %mul3A = vector.broadcast %rsqrt3A : vector<1000x1xf32> to vector<1000x256xf32>
    %mul3A_21 = arith.mulf %add3A_9, %mul3A : vector<1000x256xf32>
    %slice3A_22 = vector.extract_strided_slice %mul3A_21 {offsets = [0, 0], sizes = [1000, 128], strides = [1, 1]} : vector<1000x256xf32> to vector<1000x128xf32>
    %swap3A_23 = arith.constant 0 : index
    %swap3A_24 = arith.constant 0 : index
    %swap3A_25 = arith.constant 0 : index
    %swap3A_26 = vector.load %arg7[%swap3A_23, %swap3A_24, %swap3A_25] : memref<2x1000x128xf32, #tpu.memory_space<vmem>>, vector<1x1000x128xf32>
    %swap3A_27 = vector.shape_cast %swap3A_26 : vector<1x1000x128xf32> to vector<1000x128xf32>
    %swap3A_28 = vector.shape_cast %slice3A_22 : vector<1000x128xf32> to vector<1x1000x128xf32>
    tpu.vector_store %arg7[%swap3A_23, %swap3A_24, %swap3A_25], %swap3A_28 {strides = array<i32>} : memref<2x1000x128xf32, #tpu.memory_space<vmem>>, vector<1x1000x128xf32>,
    %slice3A_29 = vector.extract_strided_slice %mul3A_21 {offsets = [0, 128], sizes = [1000, 128], strides = [1, 1]} : vector<1000x256xf32> to vector<1000x128xf32>
    %swap3A_30 = arith.constant 1 : index
    %swap3A_31 = arith.constant 0 : index
    %swap3A_32 = arith.constant 0 : index
    %swap3A_33 = vector.load %arg7[%swap3A_30, %swap3A_31, %swap3A_32] : memref<2x1000x128xf32, #tpu.memory_space<vmem>>, vector<1x1000x128xf32>
    %swap3A_34 = vector.shape_cast %swap3A_33 : vector<1x1000x128xf32> to vector<1000x128xf32>
    %swap3A_35 = vector.shape_cast %slice3A_29 : vector<1000x128xf32> to vector<1x1000x128xf32>
    tpu.vector_store %arg7[%swap3A_30, %swap3A_31, %swap3A_32], %swap3A_35 {strides = array<i32>} : memref<2x1000x128xf32, #tpu.memory_space<vmem>>, vector<1x1000x128xf32>,
    %get3A_36 = arith.constant 0 : index
    %get3A_37 = arith.constant 0 : index
    %get3A_38 = vector.load %arg4[%get3A_36, %get3A_37] : memref<256x128xf32, #tpu.memory_space<vmem>>, vector<256x128xf32>
    %dot_general3A_39 = arith.constant dense<0.000000e+00> : vector<1000x128xf32>
    %dot_general3A_40 = tpu.matmul %add3A_9, %get3A_38, %dot_general3A_39 {dimension_numbers = #tpu.dot_dimension_numbers<[1], [0], [0], [1], [0, 0, 1, 1], [], []>, transpose_lhs_hint = false} : vector<1000x256xf32>, vector<256x128xf32>, vector<1000x128xf32> -> vector<1000x128xf32>
    %swap3A_41 = arith.constant 0 : index
    %swap3A_42 = arith.constant 0 : index
    %swap3A_43 = vector.load %arg8[%swap3A_41, %swap3A_42] : memref<1000x128xf32, #tpu.memory_space<vmem>>, vector<1000x128xf32>
    tpu.vector_store %arg8[%swap3A_41, %swap3A_42], %dot_general3A_40 {strides = array<i32>} : memref<1000x128xf32, #tpu.memory_space<vmem>>, vector<1000x128xf32>,
    return
  }
  func.func @transform_0(%arg0: i32) -> (i32, i32) {
    %c0_i32 = arith.constant 0 : i32
    %c0_i32_0 = arith.constant 0 : i32
    return %arg0, %c0_i32 : i32, i32
  }
  func.func @transform_1(%arg0: i32) -> (i32, i32) {
    %c0_i32 = arith.constant 0 : i32
    %c0_i32_0 = arith.constant 0 : i32
    %c0_i32_1 = arith.constant 0 : i32
    return %c0_i32, %c0_i32_0 : i32, i32
  }
  func.func @transform_2(%arg0: i32) -> (i32, i32) {
    %c0_i32 = arith.constant 0 : i32
    %c0_i32_0 = arith.constant 0 : i32
    %c0_i32_1 = arith.constant 0 : i32
    return %c0_i32, %c0_i32_0 : i32, i32
  }
  func.func @transform_3(%arg0: i32) -> (i32, i32) {
    %c0_i32 = arith.constant 0 : i32
    %c0_i32_0 = arith.constant 0 : i32
    %c0_i32_1 = arith.constant 0 : i32
    return %c0_i32, %c0_i32_0 : i32, i32
  }
  func.func @transform_4(%arg0: i32) -> (i32, i32, i32) {
    %c0_i32 = arith.constant 0 : i32
    %c0_i32_0 = arith.constant 0 : i32
    %c0_i32_1 = arith.constant 0 : i32
    return %c0_i32, %arg0, %c0_i32_0 : i32, i32, i32
  }
  func.func @transform_5(%arg0: i32) -> (i32, i32) {
    %c0_i32 = arith.constant 0 : i32
    %c0_i32_0 = arith.constant 0 : i32
    return %arg0, %c0_i32 : i32, i32
  }
  func.func @transform_6(%arg0: i32) -> (i32, i32, i32) {
    %c0_i32 = arith.constant 0 : i32
    %c0_i32_0 = arith.constant 0 : i32
    %c0_i32_1 = arith.constant 0 : i32
    return %c0_i32, %arg0, %c0_i32_0 : i32, i32, i32
  }
  func.func @transform_7(%arg0: i32) -> (i32, i32) {
    %c0_i32 = arith.constant 0 : i32
    %c0_i32_0 = arith.constant 0 : i32
    return %arg0, %c0_i32 : i32, i32
  }
}

module attributes {stable_mosaic.version = 14 : i64} {
  func.func @_stats_body(%arg0: i32, %arg1: memref<1000x256xf32, #tpu.memory_space<vmem>>, %arg2: memref<2x1000x128xf32, #tpu.memory_space<vmem>>, %arg3: memref<2x1000x128xf32, #tpu.memory_space<vmem>>, %arg4: memref<1x256xf32, #tpu.memory_space<vmem>>, %arg5: memref<1000x256xf32, #tpu.memory_space<vmem>>, %arg6: memref<2x256xf32, #tpu.memory_space<vmem>>) attributes {dimension_semantics = [#tpu.dimension_semantics<arbitrary>], iteration_bounds = array<i64: 10>, scalar_prefetch = 0 : i64, scratch_operands = 0 : i64, tpu.core_type = #tpu.core_type<tc>, window_params = [{transform_indices = @transform_0, window_bounds = array<i64: 1000, 256>}, {transform_indices = @transform_1, window_bounds = array<i64: 2, 1000, 128>}, {transform_indices = @transform_2, window_bounds = array<i64: 2, 1000, 128>}, {pipeline_mode = #tpu.pipeline_mode<synchronous>, transform_indices = @transform_3, window_bounds = array<i64: 1, 256>}, {transform_indices = @transform_4, window_bounds = array<i64: 1000, 256>}, {pipeline_mode = #tpu.pipeline_mode<synchronous>, transform_indices = @transform_5, window_bounds = array<i64: 2, 256>}]} {
    %get3A = arith.constant 0 : index
    %get3A_0 = arith.constant 0 : index
    %get3A_1 = vector.load %arg1[%get3A, %get3A_0] : memref<1000x256xf32, #tpu.memory_space<vmem>>, vector<1000x256xf32>
    %get3A_2 = arith.constant 0 : index
    %get3A_3 = arith.constant 0 : index
    %get3A_4 = arith.constant 0 : index
    %get3A_5 = vector.load %arg2[%get3A_2, %get3A_3, %get3A_4] : memref<2x1000x128xf32, #tpu.memory_space<vmem>>, vector<1x1000x128xf32>
    %get3A_6 = vector.shape_cast %get3A_5 : vector<1x1000x128xf32> to vector<1000x128xf32>
    %get3A_7 = arith.constant 1 : index
    %get3A_8 = arith.constant 0 : index
    %get3A_9 = arith.constant 0 : index
    %get3A_10 = vector.load %arg2[%get3A_7, %get3A_8, %get3A_9] : memref<2x1000x128xf32, #tpu.memory_space<vmem>>, vector<1x1000x128xf32>
    %get3A_11 = vector.shape_cast %get3A_10 : vector<1x1000x128xf32> to vector<1000x128xf32>
    %concatenate3A = tpu.concatenate %get3A_6, %get3A_11 in 1 : vector<1000x128xf32>, vector<1000x128xf32> -> vector<1000x256xf32>
    %get3A_12 = arith.constant 0 : index
    %get3A_13 = arith.constant 0 : index
    %get3A_14 = vector.load %arg4[%get3A_12, %get3A_13] : memref<1x256xf32, #tpu.memory_space<vmem>>, vector<1x256xf32>
    %mul3A = vector.broadcast %get3A_14 : vector<1x256xf32> to vector<1000x256xf32>
    %mul3A_15 = arith.mulf %get3A_1, %mul3A : vector<1000x256xf32>
    %get3A_16 = arith.constant 0 : index
    %get3A_17 = arith.constant 0 : index
    %get3A_18 = arith.constant 0 : index
    %get3A_19 = vector.load %arg3[%get3A_16, %get3A_17, %get3A_18] : memref<2x1000x128xf32, #tpu.memory_space<vmem>>, vector<2x1000x128xf32>
    %slice3A = vector.extract_strided_slice %get3A_19 {offsets = [0, 0, 0], sizes = [1, 1000, 1], strides = [1, 1, 1]} : vector<2x1000x128xf32> to vector<1x1000x1xf32>
    %squeeze3A = vector.shape_cast %slice3A : vector<1x1000x1xf32> to vector<1000x1xf32>
    %slice3A_20 = vector.extract_strided_slice %get3A_19 {offsets = [1, 0, 0], sizes = [1, 1000, 1], strides = [1, 1, 1]} : vector<2x1000x128xf32> to vector<1x1000x1xf32>
    %squeeze3A_21 = vector.shape_cast %slice3A_20 : vector<1x1000x1xf32> to vector<1000x1xf32>
    %add3A = arith.addf %squeeze3A, %squeeze3A_21 : vector<1000x1xf32>
    %max3A = arith.constant 1.000000e+00 : f32
    %max3A_22 = vector.broadcast %max3A : f32 to vector<1000x1xf32>
    %max3A_23 = arith.maximumf %add3A, %max3A_22 : vector<1000x1xf32>
    %rsqrt3A = math.rsqrt %max3A_23 : vector<1000x1xf32>
    %mul3A_24 = vector.broadcast %rsqrt3A : vector<1000x1xf32> to vector<1000x256xf32>
    %mul3A_25 = arith.mulf %concatenate3A, %mul3A_24 : vector<1000x256xf32>
    %add3A_26 = arith.addf %mul3A_15, %mul3A_25 : vector<1000x256xf32>
    %swap3A = arith.constant 0 : index
    %swap3A_27 = arith.constant 0 : index
    %swap3A_28 = vector.load %arg5[%swap3A, %swap3A_27] : memref<1000x256xf32, #tpu.memory_space<vmem>>, vector<1000x256xf32>
    tpu.vector_store %arg5[%swap3A, %swap3A_27], %add3A_26 {strides = array<i32>} : memref<1000x256xf32, #tpu.memory_space<vmem>>, vector<1000x256xf32>,
    %reduce_sum3A = arith.constant dense<0.000000e+00> : vector<256xf32>
    %reduce_sum3A_29 = vector.multi_reduction <add>, %add3A_26, %reduce_sum3A [0] : vector<1000x256xf32> to vector<256xf32>
    %mul3A_30 = arith.mulf %add3A_26, %add3A_26 : vector<1000x256xf32>
    %reduce_sum3A_31 = arith.constant dense<0.000000e+00> : vector<256xf32>
    %reduce_sum3A_32 = vector.multi_reduction <add>, %mul3A_30, %reduce_sum3A_31 [0] : vector<1000x256xf32> to vector<256xf32>
    %stack3A = vector.shape_cast %reduce_sum3A_29 : vector<256xf32> to vector<1x256xf32>
    %stack3A_33 = vector.shape_cast %reduce_sum3A_32 : vector<256xf32> to vector<1x256xf32>
    %stack3A_34 = tpu.concatenate %stack3A, %stack3A_33 in 0 : vector<1x256xf32>, vector<1x256xf32> -> vector<2x256xf32>
    %eq3A = arith.constant 0 : i32
    %eq3A_35 = arith.cmpi eq, %arg0, %eq3A : i32
    %convert_element_type3A = arith.extui %eq3A_35 : i1 to i32
    %cond3A = arith.constant 0 : i32
    %cond3A_36 = arith.cmpi ne, %convert_element_type3A, %cond3A : i32
    scf.if %cond3A_36 {
      %swap3A_41 = arith.constant 0 : index
      %swap3A_42 = arith.constant 0 : index
      %swap3A_43 = vector.load %arg6[%swap3A_41, %swap3A_42] : memref<2x256xf32, #tpu.memory_space<vmem>>, vector<2x256xf32>
      tpu.vector_store %arg6[%swap3A_41, %swap3A_42], %stack3A_34 {strides = array<i32>} : memref<2x256xf32, #tpu.memory_space<vmem>>, vector<2x256xf32>,
    } else {
    }
    %gt3A = arith.constant 0 : i32
    %gt3A_37 = arith.cmpi sgt, %arg0, %gt3A : i32
    %convert_element_type3A_38 = arith.extui %gt3A_37 : i1 to i32
    %cond3A_39 = arith.constant 0 : i32
    %cond3A_40 = arith.cmpi ne, %convert_element_type3A_38, %cond3A_39 : i32
    scf.if %cond3A_40 {
      %get3A_41 = arith.constant 0 : index
      %get3A_42 = arith.constant 0 : index
      %get3A_43 = vector.load %arg6[%get3A_41, %get3A_42] : memref<2x256xf32, #tpu.memory_space<vmem>>, vector<2x256xf32>
      %add3A_44 = arith.addf %get3A_43, %stack3A_34 : vector<2x256xf32>
      %swap3A_45 = arith.constant 0 : index
      %swap3A_46 = arith.constant 0 : index
      %swap3A_47 = vector.load %arg6[%swap3A_45, %swap3A_46] : memref<2x256xf32, #tpu.memory_space<vmem>>, vector<2x256xf32>
      tpu.vector_store %arg6[%swap3A_45, %swap3A_46], %add3A_44 {strides = array<i32>} : memref<2x256xf32, #tpu.memory_space<vmem>>, vector<2x256xf32>,
    } else {
    }
    return
  }
  func.func @transform_0(%arg0: i32) -> (i32, i32) {
    %c0_i32 = arith.constant 0 : i32
    %c0_i32_0 = arith.constant 0 : i32
    return %arg0, %c0_i32 : i32, i32
  }
  func.func @transform_1(%arg0: i32) -> (i32, i32, i32) {
    %c0_i32 = arith.constant 0 : i32
    %c0_i32_0 = arith.constant 0 : i32
    %c0_i32_1 = arith.constant 0 : i32
    return %c0_i32, %arg0, %c0_i32_0 : i32, i32, i32
  }
  func.func @transform_2(%arg0: i32) -> (i32, i32, i32) {
    %c0_i32 = arith.constant 0 : i32
    %c0_i32_0 = arith.constant 0 : i32
    %c0_i32_1 = arith.constant 0 : i32
    return %c0_i32, %arg0, %c0_i32_0 : i32, i32, i32
  }
  func.func @transform_3(%arg0: i32) -> (i32, i32) {
    %c0_i32 = arith.constant 0 : i32
    %c0_i32_0 = arith.constant 0 : i32
    %c0_i32_1 = arith.constant 0 : i32
    return %c0_i32, %c0_i32_0 : i32, i32
  }
  func.func @transform_4(%arg0: i32) -> (i32, i32) {
    %c0_i32 = arith.constant 0 : i32
    %c0_i32_0 = arith.constant 0 : i32
    return %arg0, %c0_i32 : i32, i32
  }
  func.func @transform_5(%arg0: i32) -> (i32, i32) {
    %c0_i32 = arith.constant 0 : i32
    %c0_i32_0 = arith.constant 0 : i32
    %c0_i32_1 = arith.constant 0 : i32
    return %c0_i32, %c0_i32_0 : i32, i32
  }
}

module attributes {stable_mosaic.version = 14 : i64} {
  func.func @_layer_body(%arg0: i32, %arg1: memref<1000x256xf32, #tpu.memory_space<vmem>>, %arg2: memref<1000x256xf32, #tpu.memory_space<vmem>>, %arg3: memref<1x256xf32, #tpu.memory_space<vmem>>, %arg4: memref<1x256xf32, #tpu.memory_space<vmem>>, %arg5: memref<256x256xf32, #tpu.memory_space<vmem>>, %arg6: memref<1x256xf32, #tpu.memory_space<vmem>>, %arg7: memref<256x128xf32, #tpu.memory_space<vmem>>, %arg8: memref<2x1000x128xf32, #tpu.memory_space<vmem>>, %arg9: memref<1000x128xf32, #tpu.memory_space<vmem>>, %arg10: memref<1000x256xf32, #tpu.memory_space<vmem>>, %arg11: memref<2x1000x128xf32, #tpu.memory_space<vmem>>, %arg12: memref<1000x128xf32, #tpu.memory_space<vmem>>) attributes {dimension_semantics = [#tpu.dimension_semantics<arbitrary>], iteration_bounds = array<i64: 10>, scalar_prefetch = 0 : i64, scratch_operands = 0 : i64, tpu.core_type = #tpu.core_type<tc>, window_params = [{transform_indices = @transform_0, window_bounds = array<i64: 1000, 256>}, {transform_indices = @transform_1, window_bounds = array<i64: 1000, 256>}, {pipeline_mode = #tpu.pipeline_mode<synchronous>, transform_indices = @transform_2, window_bounds = array<i64: 1, 256>}, {pipeline_mode = #tpu.pipeline_mode<synchronous>, transform_indices = @transform_3, window_bounds = array<i64: 1, 256>}, {pipeline_mode = #tpu.pipeline_mode<synchronous>, transform_indices = @transform_4, window_bounds = array<i64: 256, 256>}, {pipeline_mode = #tpu.pipeline_mode<synchronous>, transform_indices = @transform_5, window_bounds = array<i64: 1, 256>}, {pipeline_mode = #tpu.pipeline_mode<synchronous>, transform_indices = @transform_6, window_bounds = array<i64: 256, 128>}, {transform_indices = @transform_7, window_bounds = array<i64: 2, 1000, 128>}, {transform_indices = @transform_8, window_bounds = array<i64: 1000, 128>}, {transform_indices = @transform_9, window_bounds = array<i64: 1000, 256>}, {transform_indices = @transform_10, window_bounds = array<i64: 2, 1000, 128>}, {transform_indices = @transform_11, window_bounds = array<i64: 1000, 128>}]} {
    %get3A = arith.constant 0 : index
    %get3A_0 = arith.constant 0 : index
    %get3A_1 = vector.load %arg1[%get3A, %get3A_0] : memref<1000x256xf32, #tpu.memory_space<vmem>>, vector<1000x256xf32>
    %get3A_2 = arith.constant 0 : index
    %get3A_3 = arith.constant 0 : index
    %get3A_4 = vector.load %arg3[%get3A_2, %get3A_3] : memref<1x256xf32, #tpu.memory_space<vmem>>, vector<1x256xf32>
    %mul3A = vector.broadcast %get3A_4 : vector<1x256xf32> to vector<1000x256xf32>
    %mul3A_5 = arith.mulf %get3A_1, %mul3A : vector<1000x256xf32>
    %get3A_6 = arith.constant 0 : index
    %get3A_7 = arith.constant 0 : index
    %get3A_8 = vector.load %arg4[%get3A_6, %get3A_7] : memref<1x256xf32, #tpu.memory_space<vmem>>, vector<1x256xf32>
    %add3A = vector.broadcast %get3A_8 : vector<1x256xf32> to vector<1000x256xf32>
    %add3A_9 = arith.addf %mul3A_5, %add3A : vector<1000x256xf32>
    %max3A = arith.constant 0.000000e+00 : f32
    %max3A_10 = vector.broadcast %max3A : f32 to vector<1000x256xf32>
    %max3A_11 = arith.maximumf %add3A_9, %max3A_10 : vector<1000x256xf32>
    %get3A_12 = arith.constant 0 : index
    %get3A_13 = arith.constant 0 : index
    %get3A_14 = vector.load %arg2[%get3A_12, %get3A_13] : memref<1000x256xf32, #tpu.memory_space<vmem>>, vector<1000x256xf32>
    %add3A_15 = arith.addf %max3A_11, %get3A_14 : vector<1000x256xf32>
    %get3A_16 = arith.constant 0 : index
    %get3A_17 = arith.constant 0 : index
    %get3A_18 = vector.load %arg5[%get3A_16, %get3A_17] : memref<256x256xf32, #tpu.memory_space<vmem>>, vector<256x256xf32>
    %dot_general3A = arith.constant dense<0.000000e+00> : vector<1000x256xf32>
    %dot_general3A_19 = tpu.matmul %add3A_15, %get3A_18, %dot_general3A {dimension_numbers = #tpu.dot_dimension_numbers<[1], [0], [0], [1], [0, 0, 1, 1], [], []>, transpose_lhs_hint = false} : vector<1000x256xf32>, vector<256x256xf32>, vector<1000x256xf32> -> vector<1000x256xf32>
    %get3A_20 = arith.constant 0 : index
    %get3A_21 = arith.constant 0 : index
    %get3A_22 = vector.load %arg6[%get3A_20, %get3A_21] : memref<1x256xf32, #tpu.memory_space<vmem>>, vector<1x256xf32>
    %add3A_23 = vector.broadcast %get3A_22 : vector<1x256xf32> to vector<1000x256xf32>
    %add3A_24 = arith.addf %dot_general3A_19, %add3A_23 : vector<1000x256xf32>
    %swap3A = arith.constant 0 : index
    %swap3A_25 = arith.constant 0 : index
    %swap3A_26 = vector.load %arg10[%swap3A, %swap3A_25] : memref<1000x256xf32, #tpu.memory_space<vmem>>, vector<1000x256xf32>
    tpu.vector_store %arg10[%swap3A, %swap3A_25], %add3A_24 {strides = array<i32>} : memref<1000x256xf32, #tpu.memory_space<vmem>>, vector<1000x256xf32>,
    %get3A_27 = arith.constant 0 : index
    %get3A_28 = arith.constant 0 : index
    %get3A_29 = arith.constant 0 : index
    %get3A_30 = vector.load %arg8[%get3A_27, %get3A_28, %get3A_29] : memref<2x1000x128xf32, #tpu.memory_space<vmem>>, vector<2x1000x128xf32>
    %slice3A = vector.extract_strided_slice %get3A_30 {offsets = [0, 0, 0], sizes = [1, 1000, 1], strides = [1, 1, 1]} : vector<2x1000x128xf32> to vector<1x1000x1xf32>
    %squeeze3A = vector.shape_cast %slice3A : vector<1x1000x1xf32> to vector<1000x1xf32>
    %slice3A_31 = vector.extract_strided_slice %get3A_30 {offsets = [1, 0, 0], sizes = [1, 1000, 1], strides = [1, 1, 1]} : vector<2x1000x128xf32> to vector<1x1000x1xf32>
    %squeeze3A_32 = vector.shape_cast %slice3A_31 : vector<1x1000x1xf32> to vector<1000x1xf32>
    %add3A_33 = arith.addf %squeeze3A, %squeeze3A_32 : vector<1000x1xf32>
    %max3A_34 = arith.constant 1.000000e+00 : f32
    %max3A_35 = vector.broadcast %max3A_34 : f32 to vector<1000x1xf32>
    %max3A_36 = arith.maximumf %add3A_33, %max3A_35 : vector<1000x1xf32>
    %rsqrt3A = math.rsqrt %max3A_36 : vector<1000x1xf32>
    %mul3A_37 = vector.broadcast %rsqrt3A : vector<1000x1xf32> to vector<1000x256xf32>
    %mul3A_38 = arith.mulf %add3A_24, %mul3A_37 : vector<1000x256xf32>
    %slice3A_39 = vector.extract_strided_slice %mul3A_38 {offsets = [0, 0], sizes = [1000, 128], strides = [1, 1]} : vector<1000x256xf32> to vector<1000x128xf32>
    %swap3A_40 = arith.constant 0 : index
    %swap3A_41 = arith.constant 0 : index
    %swap3A_42 = arith.constant 0 : index
    %swap3A_43 = vector.load %arg11[%swap3A_40, %swap3A_41, %swap3A_42] : memref<2x1000x128xf32, #tpu.memory_space<vmem>>, vector<1x1000x128xf32>
    %swap3A_44 = vector.shape_cast %swap3A_43 : vector<1x1000x128xf32> to vector<1000x128xf32>
    %swap3A_45 = vector.shape_cast %slice3A_39 : vector<1000x128xf32> to vector<1x1000x128xf32>
    tpu.vector_store %arg11[%swap3A_40, %swap3A_41, %swap3A_42], %swap3A_45 {strides = array<i32>} : memref<2x1000x128xf32, #tpu.memory_space<vmem>>, vector<1x1000x128xf32>,
    %slice3A_46 = vector.extract_strided_slice %mul3A_38 {offsets = [0, 128], sizes = [1000, 128], strides = [1, 1]} : vector<1000x256xf32> to vector<1000x128xf32>
    %swap3A_47 = arith.constant 1 : index
    %swap3A_48 = arith.constant 0 : index
    %swap3A_49 = arith.constant 0 : index
    %swap3A_50 = vector.load %arg11[%swap3A_47, %swap3A_48, %swap3A_49] : memref<2x1000x128xf32, #tpu.memory_space<vmem>>, vector<1x1000x128xf32>
    %swap3A_51 = vector.shape_cast %swap3A_50 : vector<1x1000x128xf32> to vector<1000x128xf32>
    %swap3A_52 = vector.shape_cast %slice3A_46 : vector<1000x128xf32> to vector<1x1000x128xf32>
    tpu.vector_store %arg11[%swap3A_47, %swap3A_48, %swap3A_49], %swap3A_52 {strides = array<i32>} : memref<2x1000x128xf32, #tpu.memory_space<vmem>>, vector<1x1000x128xf32>,
    %get3A_53 = arith.constant 0 : index
    %get3A_54 = arith.constant 0 : index
    %get3A_55 = vector.load %arg9[%get3A_53, %get3A_54] : memref<1000x128xf32, #tpu.memory_space<vmem>>, vector<1000x128xf32>
    %get3A_56 = arith.constant 0 : index
    %get3A_57 = arith.constant 0 : index
    %get3A_58 = vector.load %arg7[%get3A_56, %get3A_57] : memref<256x128xf32, #tpu.memory_space<vmem>>, vector<256x128xf32>
    %dot_general3A_59 = arith.constant dense<0.000000e+00> : vector<1000x128xf32>
    %dot_general3A_60 = tpu.matmul %add3A_24, %get3A_58, %dot_general3A_59 {dimension_numbers = #tpu.dot_dimension_numbers<[1], [0], [0], [1], [0, 0, 1, 1], [], []>, transpose_lhs_hint = false} : vector<1000x256xf32>, vector<256x128xf32>, vector<1000x128xf32> -> vector<1000x128xf32>
    %add3A_61 = arith.addf %get3A_55, %dot_general3A_60 : vector<1000x128xf32>
    %swap3A_62 = arith.constant 0 : index
    %swap3A_63 = arith.constant 0 : index
    %swap3A_64 = vector.load %arg12[%swap3A_62, %swap3A_63] : memref<1000x128xf32, #tpu.memory_space<vmem>>, vector<1000x128xf32>
    tpu.vector_store %arg12[%swap3A_62, %swap3A_63], %add3A_61 {strides = array<i32>} : memref<1000x128xf32, #tpu.memory_space<vmem>>, vector<1000x128xf32>,
    return
  }
  func.func @transform_0(%arg0: i32) -> (i32, i32) {
    %c0_i32 = arith.constant 0 : i32
    %c0_i32_0 = arith.constant 0 : i32
    return %arg0, %c0_i32 : i32, i32
  }
  func.func @transform_1(%arg0: i32) -> (i32, i32) {
    %c0_i32 = arith.constant 0 : i32
    %c0_i32_0 = arith.constant 0 : i32
    return %arg0, %c0_i32 : i32, i32
  }
  func.func @transform_2(%arg0: i32) -> (i32, i32) {
    %c0_i32 = arith.constant 0 : i32
    %c0_i32_0 = arith.constant 0 : i32
    %c0_i32_1 = arith.constant 0 : i32
    return %c0_i32, %c0_i32_0 : i32, i32
  }
  func.func @transform_3(%arg0: i32) -> (i32, i32) {
    %c0_i32 = arith.constant 0 : i32
    %c0_i32_0 = arith.constant 0 : i32
    %c0_i32_1 = arith.constant 0 : i32
    return %c0_i32, %c0_i32_0 : i32, i32
  }
  func.func @transform_4(%arg0: i32) -> (i32, i32) {
    %c0_i32 = arith.constant 0 : i32
    %c0_i32_0 = arith.constant 0 : i32
    %c0_i32_1 = arith.constant 0 : i32
    return %c0_i32, %c0_i32_0 : i32, i32
  }
  func.func @transform_5(%arg0: i32) -> (i32, i32) {
    %c0_i32 = arith.constant 0 : i32
    %c0_i32_0 = arith.constant 0 : i32
    %c0_i32_1 = arith.constant 0 : i32
    return %c0_i32, %c0_i32_0 : i32, i32
  }
  func.func @transform_6(%arg0: i32) -> (i32, i32) {
    %c0_i32 = arith.constant 0 : i32
    %c0_i32_0 = arith.constant 0 : i32
    %c0_i32_1 = arith.constant 0 : i32
    return %c0_i32, %c0_i32_0 : i32, i32
  }
  func.func @transform_7(%arg0: i32) -> (i32, i32, i32) {
    %c0_i32 = arith.constant 0 : i32
    %c0_i32_0 = arith.constant 0 : i32
    %c0_i32_1 = arith.constant 0 : i32
    return %c0_i32, %arg0, %c0_i32_0 : i32, i32, i32
  }
  func.func @transform_8(%arg0: i32) -> (i32, i32) {
    %c0_i32 = arith.constant 0 : i32
    %c0_i32_0 = arith.constant 0 : i32
    return %arg0, %c0_i32 : i32, i32
  }
  func.func @transform_9(%arg0: i32) -> (i32, i32) {
    %c0_i32 = arith.constant 0 : i32
    %c0_i32_0 = arith.constant 0 : i32
    return %arg0, %c0_i32 : i32, i32
  }
  func.func @transform_10(%arg0: i32) -> (i32, i32, i32) {
    %c0_i32 = arith.constant 0 : i32
    %c0_i32_0 = arith.constant 0 : i32
    %c0_i32_1 = arith.constant 0 : i32
    return %c0_i32, %arg0, %c0_i32_0 : i32, i32, i32
  }
  func.func @transform_11(%arg0: i32) -> (i32, i32) {
    %c0_i32 = arith.constant 0 : i32
    %c0_i32_0 = arith.constant 0 : i32
    return %arg0, %c0_i32 : i32, i32
  }
}

module attributes {stable_mosaic.version = 14 : i64} {
  func.func @_layer_body(%arg0: i32, %arg1: memref<1000x256xf32, #tpu.memory_space<vmem>>, %arg2: memref<1000x256xf32, #tpu.memory_space<vmem>>, %arg3: memref<1x256xf32, #tpu.memory_space<vmem>>, %arg4: memref<1x256xf32, #tpu.memory_space<vmem>>, %arg5: memref<256x256xf32, #tpu.memory_space<vmem>>, %arg6: memref<1x256xf32, #tpu.memory_space<vmem>>, %arg7: memref<256x128xf32, #tpu.memory_space<vmem>>, %arg8: memref<2x1000x128xf32, #tpu.memory_space<vmem>>, %arg9: memref<1000x128xf32, #tpu.memory_space<vmem>>, %arg10: memref<1000x256xf32, #tpu.memory_space<vmem>>, %arg11: memref<2x1000x128xf32, #tpu.memory_space<vmem>>, %arg12: memref<1000x128xf32, #tpu.memory_space<vmem>>) attributes {dimension_semantics = [#tpu.dimension_semantics<arbitrary>], iteration_bounds = array<i64: 10>, scalar_prefetch = 0 : i64, scratch_operands = 0 : i64, tpu.core_type = #tpu.core_type<tc>, window_params = [{transform_indices = @transform_0, window_bounds = array<i64: 1000, 256>}, {transform_indices = @transform_1, window_bounds = array<i64: 1000, 256>}, {pipeline_mode = #tpu.pipeline_mode<synchronous>, transform_indices = @transform_2, window_bounds = array<i64: 1, 256>}, {pipeline_mode = #tpu.pipeline_mode<synchronous>, transform_indices = @transform_3, window_bounds = array<i64: 1, 256>}, {pipeline_mode = #tpu.pipeline_mode<synchronous>, transform_indices = @transform_4, window_bounds = array<i64: 256, 256>}, {pipeline_mode = #tpu.pipeline_mode<synchronous>, transform_indices = @transform_5, window_bounds = array<i64: 1, 256>}, {pipeline_mode = #tpu.pipeline_mode<synchronous>, transform_indices = @transform_6, window_bounds = array<i64: 256, 128>}, {transform_indices = @transform_7, window_bounds = array<i64: 2, 1000, 128>}, {transform_indices = @transform_8, window_bounds = array<i64: 1000, 128>}, {transform_indices = @transform_9, window_bounds = array<i64: 1000, 256>}, {transform_indices = @transform_10, window_bounds = array<i64: 2, 1000, 128>}, {transform_indices = @transform_11, window_bounds = array<i64: 1000, 128>}]} {
    %get3A = arith.constant 0 : index
    %get3A_0 = arith.constant 0 : index
    %get3A_1 = vector.load %arg1[%get3A, %get3A_0] : memref<1000x256xf32, #tpu.memory_space<vmem>>, vector<1000x256xf32>
    %get3A_2 = arith.constant 0 : index
    %get3A_3 = arith.constant 0 : index
    %get3A_4 = vector.load %arg3[%get3A_2, %get3A_3] : memref<1x256xf32, #tpu.memory_space<vmem>>, vector<1x256xf32>
    %mul3A = vector.broadcast %get3A_4 : vector<1x256xf32> to vector<1000x256xf32>
    %mul3A_5 = arith.mulf %get3A_1, %mul3A : vector<1000x256xf32>
    %get3A_6 = arith.constant 0 : index
    %get3A_7 = arith.constant 0 : index
    %get3A_8 = vector.load %arg4[%get3A_6, %get3A_7] : memref<1x256xf32, #tpu.memory_space<vmem>>, vector<1x256xf32>
    %add3A = vector.broadcast %get3A_8 : vector<1x256xf32> to vector<1000x256xf32>
    %add3A_9 = arith.addf %mul3A_5, %add3A : vector<1000x256xf32>
    %max3A = arith.constant 0.000000e+00 : f32
    %max3A_10 = vector.broadcast %max3A : f32 to vector<1000x256xf32>
    %max3A_11 = arith.maximumf %add3A_9, %max3A_10 : vector<1000x256xf32>
    %get3A_12 = arith.constant 0 : index
    %get3A_13 = arith.constant 0 : index
    %get3A_14 = vector.load %arg2[%get3A_12, %get3A_13] : memref<1000x256xf32, #tpu.memory_space<vmem>>, vector<1000x256xf32>
    %add3A_15 = arith.addf %max3A_11, %get3A_14 : vector<1000x256xf32>
    %get3A_16 = arith.constant 0 : index
    %get3A_17 = arith.constant 0 : index
    %get3A_18 = vector.load %arg5[%get3A_16, %get3A_17] : memref<256x256xf32, #tpu.memory_space<vmem>>, vector<256x256xf32>
    %dot_general3A = arith.constant dense<0.000000e+00> : vector<1000x256xf32>
    %dot_general3A_19 = tpu.matmul %add3A_15, %get3A_18, %dot_general3A {dimension_numbers = #tpu.dot_dimension_numbers<[1], [0], [0], [1], [0, 0, 1, 1], [], []>, transpose_lhs_hint = false} : vector<1000x256xf32>, vector<256x256xf32>, vector<1000x256xf32> -> vector<1000x256xf32>
    %get3A_20 = arith.constant 0 : index
    %get3A_21 = arith.constant 0 : index
    %get3A_22 = vector.load %arg6[%get3A_20, %get3A_21] : memref<1x256xf32, #tpu.memory_space<vmem>>, vector<1x256xf32>
    %add3A_23 = vector.broadcast %get3A_22 : vector<1x256xf32> to vector<1000x256xf32>
    %add3A_24 = arith.addf %dot_general3A_19, %add3A_23 : vector<1000x256xf32>
    %swap3A = arith.constant 0 : index
    %swap3A_25 = arith.constant 0 : index
    %swap3A_26 = vector.load %arg10[%swap3A, %swap3A_25] : memref<1000x256xf32, #tpu.memory_space<vmem>>, vector<1000x256xf32>
    tpu.vector_store %arg10[%swap3A, %swap3A_25], %add3A_24 {strides = array<i32>} : memref<1000x256xf32, #tpu.memory_space<vmem>>, vector<1000x256xf32>,
    %get3A_27 = arith.constant 0 : index
    %get3A_28 = arith.constant 0 : index
    %get3A_29 = arith.constant 0 : index
    %get3A_30 = vector.load %arg8[%get3A_27, %get3A_28, %get3A_29] : memref<2x1000x128xf32, #tpu.memory_space<vmem>>, vector<2x1000x128xf32>
    %slice3A = vector.extract_strided_slice %get3A_30 {offsets = [0, 0, 0], sizes = [1, 1000, 1], strides = [1, 1, 1]} : vector<2x1000x128xf32> to vector<1x1000x1xf32>
    %squeeze3A = vector.shape_cast %slice3A : vector<1x1000x1xf32> to vector<1000x1xf32>
    %slice3A_31 = vector.extract_strided_slice %get3A_30 {offsets = [1, 0, 0], sizes = [1, 1000, 1], strides = [1, 1, 1]} : vector<2x1000x128xf32> to vector<1x1000x1xf32>
    %squeeze3A_32 = vector.shape_cast %slice3A_31 : vector<1x1000x1xf32> to vector<1000x1xf32>
    %add3A_33 = arith.addf %squeeze3A, %squeeze3A_32 : vector<1000x1xf32>
    %max3A_34 = arith.constant 1.000000e+00 : f32
    %max3A_35 = vector.broadcast %max3A_34 : f32 to vector<1000x1xf32>
    %max3A_36 = arith.maximumf %add3A_33, %max3A_35 : vector<1000x1xf32>
    %rsqrt3A = math.rsqrt %max3A_36 : vector<1000x1xf32>
    %mul3A_37 = vector.broadcast %rsqrt3A : vector<1000x1xf32> to vector<1000x256xf32>
    %mul3A_38 = arith.mulf %add3A_24, %mul3A_37 : vector<1000x256xf32>
    %slice3A_39 = vector.extract_strided_slice %mul3A_38 {offsets = [0, 0], sizes = [1000, 128], strides = [1, 1]} : vector<1000x256xf32> to vector<1000x128xf32>
    %swap3A_40 = arith.constant 0 : index
    %swap3A_41 = arith.constant 0 : index
    %swap3A_42 = arith.constant 0 : index
    %swap3A_43 = vector.load %arg11[%swap3A_40, %swap3A_41, %swap3A_42] : memref<2x1000x128xf32, #tpu.memory_space<vmem>>, vector<1x1000x128xf32>
    %swap3A_44 = vector.shape_cast %swap3A_43 : vector<1x1000x128xf32> to vector<1000x128xf32>
    %swap3A_45 = vector.shape_cast %slice3A_39 : vector<1000x128xf32> to vector<1x1000x128xf32>
    tpu.vector_store %arg11[%swap3A_40, %swap3A_41, %swap3A_42], %swap3A_45 {strides = array<i32>} : memref<2x1000x128xf32, #tpu.memory_space<vmem>>, vector<1x1000x128xf32>,
    %slice3A_46 = vector.extract_strided_slice %mul3A_38 {offsets = [0, 128], sizes = [1000, 128], strides = [1, 1]} : vector<1000x256xf32> to vector<1000x128xf32>
    %swap3A_47 = arith.constant 1 : index
    %swap3A_48 = arith.constant 0 : index
    %swap3A_49 = arith.constant 0 : index
    %swap3A_50 = vector.load %arg11[%swap3A_47, %swap3A_48, %swap3A_49] : memref<2x1000x128xf32, #tpu.memory_space<vmem>>, vector<1x1000x128xf32>
    %swap3A_51 = vector.shape_cast %swap3A_50 : vector<1x1000x128xf32> to vector<1000x128xf32>
    %swap3A_52 = vector.shape_cast %slice3A_46 : vector<1000x128xf32> to vector<1x1000x128xf32>
    tpu.vector_store %arg11[%swap3A_47, %swap3A_48, %swap3A_49], %swap3A_52 {strides = array<i32>} : memref<2x1000x128xf32, #tpu.memory_space<vmem>>, vector<1x1000x128xf32>,
    %get3A_53 = arith.constant 0 : index
    %get3A_54 = arith.constant 0 : index
    %get3A_55 = vector.load %arg9[%get3A_53, %get3A_54] : memref<1000x128xf32, #tpu.memory_space<vmem>>, vector<1000x128xf32>
    %get3A_56 = arith.constant 0 : index
    %get3A_57 = arith.constant 0 : index
    %get3A_58 = vector.load %arg7[%get3A_56, %get3A_57] : memref<256x128xf32, #tpu.memory_space<vmem>>, vector<256x128xf32>
    %dot_general3A_59 = arith.constant dense<0.000000e+00> : vector<1000x128xf32>
    %dot_general3A_60 = tpu.matmul %add3A_24, %get3A_58, %dot_general3A_59 {dimension_numbers = #tpu.dot_dimension_numbers<[1], [0], [0], [1], [0, 0, 1, 1], [], []>, transpose_lhs_hint = false} : vector<1000x256xf32>, vector<256x128xf32>, vector<1000x128xf32> -> vector<1000x128xf32>
    %add3A_61 = arith.addf %get3A_55, %dot_general3A_60 : vector<1000x128xf32>
    %swap3A_62 = arith.constant 0 : index
    %swap3A_63 = arith.constant 0 : index
    %swap3A_64 = vector.load %arg12[%swap3A_62, %swap3A_63] : memref<1000x128xf32, #tpu.memory_space<vmem>>, vector<1000x128xf32>
    tpu.vector_store %arg12[%swap3A_62, %swap3A_63], %add3A_61 {strides = array<i32>} : memref<1000x128xf32, #tpu.memory_space<vmem>>, vector<1000x128xf32>,
    return
  }
  func.func @transform_0(%arg0: i32) -> (i32, i32) {
    %c0_i32 = arith.constant 0 : i32
    %c0_i32_0 = arith.constant 0 : i32
    return %arg0, %c0_i32 : i32, i32
  }
  func.func @transform_1(%arg0: i32) -> (i32, i32) {
    %c0_i32 = arith.constant 0 : i32
    %c0_i32_0 = arith.constant 0 : i32
    return %arg0, %c0_i32 : i32, i32
  }
  func.func @transform_2(%arg0: i32) -> (i32, i32) {
    %c0_i32 = arith.constant 0 : i32
    %c0_i32_0 = arith.constant 0 : i32
    %c0_i32_1 = arith.constant 0 : i32
    return %c0_i32, %c0_i32_0 : i32, i32
  }
  func.func @transform_3(%arg0: i32) -> (i32, i32) {
    %c0_i32 = arith.constant 0 : i32
    %c0_i32_0 = arith.constant 0 : i32
    %c0_i32_1 = arith.constant 0 : i32
    return %c0_i32, %c0_i32_0 : i32, i32
  }
  func.func @transform_4(%arg0: i32) -> (i32, i32) {
    %c0_i32 = arith.constant 0 : i32
    %c0_i32_0 = arith.constant 0 : i32
    %c0_i32_1 = arith.constant 0 : i32
    return %c0_i32, %c0_i32_0 : i32, i32
  }
  func.func @transform_5(%arg0: i32) -> (i32, i32) {
    %c0_i32 = arith.constant 0 : i32
    %c0_i32_0 = arith.constant 0 : i32
    %c0_i32_1 = arith.constant 0 : i32
    return %c0_i32, %c0_i32_0 : i32, i32
  }
  func.func @transform_6(%arg0: i32) -> (i32, i32) {
    %c0_i32 = arith.constant 0 : i32
    %c0_i32_0 = arith.constant 0 : i32
    %c0_i32_1 = arith.constant 0 : i32
    return %c0_i32, %c0_i32_0 : i32, i32
  }
  func.func @transform_7(%arg0: i32) -> (i32, i32, i32) {
    %c0_i32 = arith.constant 0 : i32
    %c0_i32_0 = arith.constant 0 : i32
    %c0_i32_1 = arith.constant 0 : i32
    return %c0_i32, %arg0, %c0_i32_0 : i32, i32, i32
  }
  func.func @transform_8(%arg0: i32) -> (i32, i32) {
    %c0_i32 = arith.constant 0 : i32
    %c0_i32_0 = arith.constant 0 : i32
    return %arg0, %c0_i32 : i32, i32
  }
  func.func @transform_9(%arg0: i32) -> (i32, i32) {
    %c0_i32 = arith.constant 0 : i32
    %c0_i32_0 = arith.constant 0 : i32
    return %arg0, %c0_i32 : i32, i32
  }
  func.func @transform_10(%arg0: i32) -> (i32, i32, i32) {
    %c0_i32 = arith.constant 0 : i32
    %c0_i32_0 = arith.constant 0 : i32
    %c0_i32_1 = arith.constant 0 : i32
    return %c0_i32, %arg0, %c0_i32_0 : i32, i32, i32
  }
  func.func @transform_11(%arg0: i32) -> (i32, i32) {
    %c0_i32 = arith.constant 0 : i32
    %c0_i32_0 = arith.constant 0 : i32
    return %arg0, %c0_i32 : i32, i32
  }
}

</mosaic_0001>

<sc_bundles>
// kernel: kernel.16.cloned.1.call-start
scs
__scs_entry_jumppad:
0x0: {  	(pc) =	sbr.rel $0x88, $3  }
0x1: {  	(tag) =	ssettag $0x0;
	lr =	simm.s32 $0x1  }
0x2: {  	[smem:$0x3F96] =	sst lr;
	_ =	strace $0xD0000000  }
0x3: {  	_ = 	snop  }
0x4: {  	_ = 	snop  }
0x5: {  	_ = 	snop  }
0x6: {  	_ = 	snop  }
0x7: {  	_ = 	snop  }
__scs_overlays_trampoline_lowered:
0x8: {  	[smem:$0x3FA5] =	sst s0  }
0x9: {  	[smem:$0x3FA6] =	sst s1  }
0xa: {  	[smem:$0x3FA7] =	sst s2  }
0xb: {  	[smem:$0x3FA8] =	sst s3  }
0xc: {  	[smem:$0x3FA9] =	sst s4  }
0xd: {  	[smem:$0x3FAA] =	sst s5  }
0xe: {  	[smem:$0x3FAB] =	sst s6  }
0xf: {  	[smem:$0x3FAC] =	sst s7  }
0x10: {  	[smem:$0x3FAD] =	sst s8  }
0x11: {  	[smem:$0x3FAE] =	sst s9;
	s0 =	simm.s32 @!p0 $0x0  }
0x12: {  	s1 =	sld [smem:$0x3F94];
	s0 =	simm.s32 @p0 $0x1  }
0x13: {  	[smem:$0x3FAF] =	sst s0;
	s0 =	simm.s32 @!p1 $0x0  }
0x14: {  	s2 =	sld [smem:$0x3F93];
	s0 =	simm.s32 @p1 $0x1  }
0x15: {  	[smem:$0x3FB0] =	sst s0;
	s0 =	simm.s32 @!p2 $0x0  }
0x16: {  	s3 =	sld [smem:$0x3FDB];
	s0 =	simm.s32 @p2 $0x1  }
0x17: {  	s4 =	simm.s32 $0x1BF5;
	[smem:$0x3FB2] =	sst s0  }
0x18: {  	s0 =	sld [smem:$0x3F95];
	_ =	swait.ge [sflag:s4], $0x0  }
0x19: {  	s7 =	sld [smem:$0x3F96]  }
0x1a: {  	s8 =	sadd.s32 $0xFFFFE003, lr  }
0x1b: {  	s9 =	sadd.s32 $0xFFFFFEF7, lr;
	s5 =	simm.s32 $0xFFFFFFFF;
	p2 =	slt.u32 s8, $0xFFFFF086  }
0x1c: {  	p1 =	slt.u32 s9, $0xF7A;
	s5 =	simm.s32 @!p2 $0x0  }
0x1d: {  	s5 =	simm.s32 @p1 $0x1;
	p0 =	seq.s32 s7, s2  }
0x1e: {  	s7 =	smul.u32 @!p0 $0xF7A, s2;
	p2 =	seq.s32 @!p0 s5, $0x0  }
0x1f: {  	s9 =	smul.u32 $0xF7A, s1;
	s8 =	simm.s32 @!p0 $0x1BF5;
	p2 =	por !p2, p0  }
0x20: {  	[sflag:s8] =	ssyncset.s32 @!p0 $0xFFFFF086;
	s6 =	sadd.s32 @!p0 s3, s7;
	s7 =	simm.s32 @!p0 $0x108  }
0x21: {  	s3 =	sadd.s32 s3, s9;
	s6 =	sadd.s32 @!p0 $0x88, s6;
	s7 =	simm.s32 @p2 $0x1082  }
0x22: {  	[simem:s7], [sflag:s8] =	dma.local @!p0 [hbm:s6], $0xF7A  }
0x23: {  	s9 =	sor.u32 $0xD0000000, s2;
	s6 =	simm.s32 $0x108;
	_ =	swait.ge @!p0 [sflag:s8], $0x0  }
0x24: {  	s3 =	sadd.s32 $0x88, s3;
	s6 =	simm.s32 @!p1 $0x1082;
	[sflag:s4] =	ssyncset.s32 $0xFFFFF086  }
0x25: {  	[simem:s6], [sflag:s4] =	dma.local [hbm:s3], $0xF7A  }
0x26: {  	[smem:$0x3F96] =	sst s1;
	(tag) =	ssettag s2;
	_ =	strace s9  }
0x27: {  	s1 =	sld [smem:$0x3FA6]  }
0x28: {  	s2 =	sld [smem:$0x3FA7]  }
0x29: {  	s4 =	sld [smem:$0x3FA9]  }
0x2a: {  	p0 =	seq.s32 s5, $0x0;
	s5 =	sld [smem:$0x3FAA]  }
0x2b: {  	s6 =	sld [smem:$0x3FAB]  }
0x2c: {  	s7 =	sld [smem:$0x3FAC]  }
0x2d: {  	s3 =	simm.s32 $0x108;
	s8 =	sld [smem:$0x3FAD]  }
0x2e: {  	s3 =	simm.s32 @!p0 $0x1082;
	s9 =	sld [smem:$0x3FAE]  }
0x2f: {  	lr =	sadd.s32 s0, s3;
	s0 =	sld [smem:$0x3FA5]  }
0x30: {  	s3 =	sld [smem:$0x3FA8]  }
0x31: {  	[smem:$0x3FB1] =	sst s10  }
0x32: {  	s10 =	sld [smem:$0x3FAF];
	_ =	sdelay $0x3  }
0x33: {  	p0 =	seq.s32 s10, $0x1;
	s10 =	sld [smem:$0x3FB1];
	_ =	sdelay $0x3  }
0x34: {  	[smem:$0x3FB1] =	sst s10  }
0x35: {  	s10 =	sld [smem:$0x3FB0];
	_ =	sdelay $0x3  }
0x36: {  	p1 =	seq.s32 s10, $0x1;
	s10 =	sld [smem:$0x3FB1];
	_ =	sdelay $0x3  }
0x37: {  	[smem:$0x3FB1] =	sst s10  }
0x38: {  	s10 =	sld [smem:$0x3FB2]  }
0x39: {  	_ = 	snop;
	(pc) =	sbr.ind lr, $3  }
0x3a: {  	_ = 	snop  }
0x3b: {  	_ = 	snop  }
0x3c: {  	p2 =	seq.s32 s10, $0x1;
	s10 =	sld [smem:$0x3FB1]  }
0x3d: {  	_ =	shalt  }
0x3e: {  	_ =	shalt  }
0x3f: {  	_ =	shalt  }
0x40: {  	_ =	shalt  }
0x41: {  	_ =	shalt  }
0x42: {  	_ =	shalt  }
0x43: {  	_ =	shalt  }
0x44: {  	_ =	shalt  }
0x45: {  	_ =	shalt  }
0x46: {  	_ =	shalt  }
0x47: {  	_ =	shalt  }
0x48: {  	_ =	shalt  }
0x49: {  	_ =	shalt  }
0x4a: {  	_ =	shalt  }
0x4b: {  	_ =	shalt  }
0x4c: {  	_ =	shalt  }
0x4d: {  	_ =	shalt  }
0x4e: {  	_ =	shalt  }
0x4f: {  	_ =	shalt  }
0x50: {  	_ =	shalt  }
0x51: {  	_ =	shalt  }
0x52: {  	_ =	shalt  }
0x53: {  	_ =	shalt  }
0x54: {  	_ =	shalt  }
0x55: {  	_ =	shalt  }
0x56: {  	_ =	shalt  }
0x57: {  	_ =	shalt  }
0x58: {  	_ =	shalt  }
0x59: {  	_ =	shalt  }
0x5a: {  	_ =	shalt  }
0x5b: {  	_ =	shalt  }
0x5c: {  	_ =	shalt  }
0x5d: {  	_ =	shalt  }
0x5e: {  	_ =	shalt  }
0x5f: {  	_ =	shalt  }
0x60: {  	_ =	shalt  }
0x61: {  	_ =	shalt  }
0x62: {  	_ =	shalt  }
0x63: {  	_ =	shalt  }
0x64: {  	_ =	shalt  }
0x65: {  	_ =	shalt  }
0x66: {  	_ =	shalt  }
0x67: {  	_ =	shalt  }
0x68: {  	_ =	shalt  }
0x69: {  	_ =	shalt  }
0x6a: {  	_ =	shalt  }
0x6b: {  	_ =	shalt  }
0x6c: {  	_ =	shalt  }
0x6d: {  	_ =	shalt  }
0x6e: {  	_ =	shalt  }
0x6f: {  	_ =	shalt  }
0x70: {  	_ =	shalt  }
0x71: {  	_ =	shalt  }
0x72: {  	_ =	shalt  }
0x73: {  	_ =	shalt  }
0x74: {  	_ =	shalt  }
0x75: {  	_ =	shalt  }
0x76: {  	_ =	shalt  }
0x77: {  	_ =	shalt  }
0x78: {  	_ =	shalt  }
0x79: {  	_ =	shalt  }
0x7a: {  	_ =	shalt  }
0x7b: {  	_ =	shalt  }
0x7c: {  	_ =	shalt  }
0x7d: {  	_ =	shalt  }
0x7e: {  	_ =	shalt  }
0x7f: {  	_ =	shalt  }
0x80: {  	_ =	shalt  }
0x81: {  	_ =	shalt  }
0x82: {  	_ =	shalt  }
0x83: {  	_ =	shalt  }
0x84: {  	_ =	shalt  }
0x85: {  	_ =	shalt  }
0x86: {  	_ =	shalt  }
0x87: {  	_ =	shalt  }
.Lfunc_end0:
.L_simem_size_0:
called_computation_lowered:
.L_overlay_start_0:
0x88: {  	s2 =	sld [smem:$0x3FD9]  }
0x89: {  	s3 =	sld [smem:$0x3FFE];
	_ =	sdelay $0x1  }
0x8a: {  	s1 =	srdreg.scid  }
0x8b: {  	s0 =	sand.u32 $0x1, s1  }
0x8c: {  	s17 =	sshll.u32 s0, $0xA;
	s2 =	sadd.s32 s3, s2  }
0x8d: {  	s2 =	sadd.s32 s2, s17  }
0x8e: {  	[smem:$0x3FBD] =	sst s2  }
0x8f: {  	_ = 	snop  }
0x90: {  	s2 =	sld [smem:$0x3FD0];
	(tm) =	ssettm $0x1  }
0x91: {  	s18 =	sld [smem:$0x3FFB];
	_ =	sdelay $0x3  }
0x92: {  	_ =	strace s18  }
0x93: {  	s3 =	sld [smem:$0x3FFC];
	_ =	sdelay $0x3  }
0x94: {  	_ =	strace s3  }
0x95: {  	s3 =	sld [smem:$0x3FFD];
	_ =	sdelay $0x3  }
0x96: {  	_ =	strace s3  }
0x97: {  	_ =	strace $0x8FFFFFFF  }
0x98: {  	s19 =	sld [smem:$0x3FDB];
	_ =	sdelay $0x1  }
0x99: {  	s4 =	simm.s32 $_scs_section_size  }
0x9a: {  	s5 =	simm.s32 $_size__tile_overlayer_lowered;
	s6 =	simm.s32 $_tile_overlayer_lowered  }
0x9b: {  	s22 =	simm.s32 $0x1BFF;
	s21 =	sshll.u32 s6, $0x1;
	s3 =	sadd.s32 s4, s19  }
0x9c: {  	s7 =	simm.s32 $0x0;
	s20 =	sshll.u32 s5, $0x1;
	s5 =	sadd.s32 s21, s3  }
0x9d: {  	[timem:s7], [sflag:s22] =	dma.local [hbm:s5], s20  }
0x9e: {  	_ =	swait.ge [sflag:s22], s20  }
0x9f: {  	s4 =	ssub.s32 $0x0, s20;
	[sflag:s22] =	ssyncset.done $0x0  }
0xa0: {  	[sflag:s22] =	ssyncadd.s32 s4;
	_ =	sdelay $0x1  }
0xa1: {  	s23 =	simm.s32 $0x1B8B  }
0xa2: {  	_ =	swait.ge [sflag:s23], $0x1  }
0xa3: {  	[sflag:s23] =	ssyncset.done $0x0  }
0xa4: {  	s25 =	simm.s32 $0x1B8E;
	s24 =	sld [smem:$0x3FFE];
	[sflag:s23] =	ssyncadd.s32 $0xFFFFFFFF  }
0xa5: {  	s26 =	simm.s32 $execute0_lowered;
	[smem:$0x3FD2] =	sst s25  }
0xa6: {  	s5 =	sshll.u32 s26, $0x1;
	_ =	strace $0x80000046;
	[dreg:$0x1] =	wrdreg $0xFFFFFFFF  }
0xa7: {  	s28 =	simm.s32 $_size_execute0_lowered;
	s3 =	sadd.s32 s3, s5;
	[dreg:$0x0] =	wrdreg $0x0  }
0xa8: {  	s5 =	sshll.u32 s28, $0x1;
	[dreg:$0x2] =	wrdreg s3  }
0xa9: {  	[dreg:$0x3] =	wrdreg s5  }
0xaa: {  	[dreg:$0x4] =	wrdreg $0xC0  }
0xab: {  	_ =	task [dreg:s7], $0x5FFFF  }
0xac: {  	[dreg:$0x1] =	wrdreg $0xFFFFFFFF  }
0xad: {  	[dreg:$0x0] =	wrdreg $0x60  }
0xae: {  	[dreg:$0x2] =	wrdreg s24  }
0xaf: {  	[dreg:$0x3] =	wrdreg s2  }
0xb0: {  	[dreg:$0x4] =	wrdreg $0x68000  }
0xb1: {  	[dreg:$0x5] =	wrdreg $0x9  }
0xb2: {  	_ =	task.clear_ibuf [dreg:s7], $0x6FFFF;
	_ =	strace $0x90000046  }
0xb3: {  	s29 =	simm.s32 $0x9;
	_ =	strace $0x80000048  }
0xb4: {  	_ =	swait.ge [sflag:s29], $0x1  }
0xb5: {  	[sflag:s29] =	ssyncadd.s32 $0xFFFFFFFF  }
0xb6: {  	_ =	strace $0x90000048  }
0xb7: {  	_ =	sfence  }
0xb8: {  	s30 =	sld [smem:$0x0];
	_ =	sdelay $0x2  }
0xb9: {  	s31 =	sshll.u32 s1, $0xD;
	s1 =	sshrl.u32 s1, $0x2  }
0xba: {  	s3 =	sand.u32 $0x4000, s31;
	s1 =	sadd.s32 s1, s30  }
0xbb: {  	s0 =	sor.u32 s3, s0;
	s1 =	sshll.u32 s1, $0x11  }
0xbc: {  	s0 =	sor.u32 s1, s0  }
0xbd: {  	s0 =	sadd.s32 $0x8F2B, s0  }
0xbe: {  	[sflag:s0] =	ssyncadd.remote.s32 $0x1  }
0xbf: {  	_ =	sfence.sel $0xFFFF  }
0xc0: {  	[dreg:$0x0] =	wrdreg $0xFFFFFFFF;
	(pc) =	sbr.abs _section_cstart, $3  }
0xc1: {  	[dreg:$0x1] =	wrdreg $0xFFFFFFFF  }
0xc2: {  	_ =	task.clear_ibuf [dreg:s7], $0x2FFFF;
	_ =	strace $0x9FFFFFFF  }
0xc3: {  	(tm) =	ssettm $0x7FFFFFFF  }
tec
execute0_lowered:
.L_overlay_start_1:
0x0: {  	(tag) =	ssettag $0x1  }
0x1: {  	s6 =	rddreg [dreg:$0x0]  }
0x2: {  	s2 =	rddreg [dreg:$0x1]  }
0x3: {  	s0 =	srdreg.scid;
	s3 =	rddreg [dreg:$0x2]  }
0x4: {  	s4 =	simm.s32 $0x0;
	s5 =	sand.u32 $0x1, s0;
	s0 =	stileid.u32  }
0x5: {  	s14 =	simm.s32 $0x1;
	s15 =	simm.s32 $0x0;
	s8 =	smul.u32 $0x2780, s0  }
0x6: {  	[smem:$0x7FF] =	sst s4;
	s1 =	sshll.u32 s5, $0x4;
	s9 =	smul.u32 $0x27800, s5  }
0x7: {  	s26 =	ssub.s32 $0x2, s5;
	s10 =	smul.u32 $0x4F000, s0;
	s5 =	sadd.s32 $0xFC00, s6  }
0x8: {  	s30 =	smul.u32 $0xFFFFFFB0, s0;
	s31 =	sshll.u32 s0, $0x6;
	s1 =	sor.u32 s0, s1  }
0x9: {  	s28 =	sshrl.u32 s26, $0x1;
	s7 =	smul.u32 $0x500, s1;
	s1 =	rddreg [dreg:$0x3]  }
0xa: {  	_ =	strace $0x80000047;
	s8 =	sadd.s32 s8, s9;
	s29 =	sshrl.u32 s10, $0x2  }
0xb: {  	s12 =	ssub.s32 s26, s28;
	s11 =	sadd.s32 s8, s6;
	s13 =	sadd.s32 s29, s3  }
0xc: {  	s8 =	sadd.s32 $0x4E2, s30;
	s10 =	smax.u32 s12, $0x1;
	s12 =	simm.s32 $0x2  }
0xd: {  	s7 =	sadd.s32 s7, s6;
	s9 =	sadd.s32 $0x10400, s11;
	s11 =	sshrl.u32 s13, $0x3  }
0xe: {  	s13 =	simm.s32 $0x2800;
	s6 =	sadd.s32 $0x5C00, s7;
	s7 =	sor.u32 $0x1C02, s31  }
.LBB2_1:
0xf: {  	[tilespmem:s4], [sflag:$0x1] =	stream.linear.gather [hbm4b:s6+s4], $0x2800, $0x38;
	[tilespmem:$0x1A400] =	vst v63  }
0x10: {  	[spmem:s11], [sflag:s7] =	dma.local [hbm:s2], $0x2780  }
0x11: {  	_ =	swait.ge [sflag:s12], $0x2780  }
0x12: {  	[sflag:s12] =	ssyncset.done $0x0  }
0x13: {  	[sflag:s12] =	ssyncadd.s32 $0xFFFFD880  }
0x14: {  	[tilespmem:s13], [sflag:$0x2] =	stream.linear.gather [hbm4b:s5+s4], $0x4000, $0x38;
	[tilespmem:$0x1A400] =	vst v63  }
0x15: {  	_ =	swait.ge [sflag:s12], $0x4000  }
0x16: {  	[sflag:s12] =	ssyncset.done $0x0  }
0x17: {  	[sflag:s12] =	ssyncadd.s32 $0xFFFFC000  }
0x18: {  	_ =	swait.ge [sflag:s14], $0x2800  }
0x19: {  	[sflag:s14] =	ssyncset.done $0x0  }
0x1a: {  	[sflag:s14] =	ssyncadd.s32 $0xFFFFD800  }
0x1b: {  	s16 =	simm.s32 $0x0;
	s17 =	simm.s32 $0x0;
	[bflag:$0x0] =	sbarrier.arrive $0xFFFF  }
.LBB2_2:
0x1c: {  	p0 =	sle.u32 s8, s17  }
0x1d: {  	s17 =	sadd.s32 $0x1, s17;
	s18 =	simm.s32 @!p0 $0x80;
	s19 =	simm.s32 @!p0 $0x2800  }
0x1e: {  	[spmem:s3] =	stream.indirect.scatter.add.f32 @!p0 [tilespmem:s19], [sflag:$0x1], $0x80, s16, s18, $0xb8;
	[tilespmem:$0x1A400] =	vst v63  }
0x1f: {  	p0 =	sne.s32 s17, $0x50  }
.Ltmp0:
0x20: {  	_ = 	snop;
	(pc) =	sbr.rel @p0 .LBB2_2-.Ltmp0, $2  }
0x21: {  	_ =	sdelay $0x2  }
0x22: {  	s16 =	sadd.s32 $0x80, s16  }
0x23: {  	p0 =	sle.u32 s8, $0x0  }
0x24: {  	s17 =	simm.s32 @!p0 $0x1  }
0x25: {  	_ =	swait.ge @!p0 [sflag:s17], $0x4000  }
0x26: {  	s16 =	simm.s32 $0x1;
	[sflag:s17] =	ssyncset.done @!p0 $0x0  }
.LBB2_4:
0x27: {  	[sflag:s17] =	ssyncadd.s32 @!p0 $0xFFFFC000;
	s17 =	smov.u32 s16;
	s16 =	sadd.s32 $0x1, s16  }
0x28: {  	p1 =	sne.s32 s16, $0x50  }
.Ltmp1:
0x29: {  	(pc) =	sbr.rel @p1 .LBB2_4-.Ltmp1, $4  }
0x2a: {  	p0 =	sle.u32 s8, s17  }
0x2b: {  	s17 =	simm.s32 @!p0 $0x1  }
0x2c: {  	_ =	swait.ge @!p0 [sflag:s17], $0x4000  }
0x2d: {  	[sflag:s17] =	ssyncset.done @!p0 $0x0  }
0x2e: {  	s15 =	sadd.s32 $0x1, s15  }
0x2f: {  	[sflag:s17] =	ssyncadd.s32 @!p0 $0xFFFFC000;
	p0 =	sne.s32 s15, s10  }
.Ltmp2:
0x30: {  	[bflag:$0x0] =	sbarrier.arrive $0xFFFF;
	(pc) =	sbr.rel @p0 .LBB2_1-.Ltmp2, $4  }
0x31: {  	[hbm:s9], [sflag:s7] =	dma.local [spmem:s11], $0x2780  }
0x32: {  	_ =	swait.ge [sflag:s12], $0x2780  }
0x33: {  	[sflag:s12] =	ssyncset.done $0x0  }
0x34: {  	[sflag:s12] =	ssyncadd.s32 $0xFFFFD880  }
0x35: {  	_ =	sfence.sel $0x180000  }
0x36: {  	[bflag:$0x0] =	sbarrier.arrive $0xFFFF  }
0x37: {  	p0 =	sne.s32 s0, $0x0;
	_ =	strace $0x90000047  }
0x38: {  	s0 =	sadd.s32 @!p0 $0x100000, s1;
	[bflag:$0x2] =	sbarrier.arrive $0xFFFF  }
0x39: {  	[sflag:s0] =	ssyncadd.tile.s32 @!p0 $0x1;
	_ =	shalt  }
.Lfunc_end2:
_tile_overlayer_lowered:
.L_overlay_start_2:
0x3a: {  	(tag) =	ssettag $0x2  }
0x3b: {  	s0 =	rddreg [dreg:$0x0];
	s2 =	stileid.u32  }
0x3c: {  	s1 =	rddreg [dreg:$0x1];
	p0 =	sne.s32 s2, $0x0  }
0x3d: {  	s3 =	rddreg [dreg:$0x2];
	[bflag:$0x3] =	sbarrier.arrive $0xFFFF;
	s2 =	simm.s32 @!p0 $0x1C02  }
0x3e: {  	[timem:s3], [sflag:s2] =	dma.local @!p0 [hbm:s0], s1  }
0x3f: {  	s0 =	simm.s32 @!p0 $0x2  }
0x40: {  	_ =	swait.ge @!p0 [sflag:s0], s1  }
0x41: {  	s1 =	ssub.s32 @!p0 $0x0, s1;
	[sflag:s0] =	ssyncset.done @!p0 $0x0  }
0x42: {  	[sflag:s0] =	ssyncadd.s32 @!p0 s1  }
0x43: {  	[bflag:$0x3] =	sbarrier.arrive $0xFFFF  }
0x44: {  	_ =	shalt  }

// kernel: kernel.19.cloned.1.call-start
scs
__scs_entry_jumppad:
0x0: {  	(pc) =	sbr.rel $0x88, $3  }
0x1: {  	(tag) =	ssettag $0x0;
	lr =	simm.s32 $0x1  }
0x2: {  	[smem:$0x3F96] =	sst lr;
	_ =	strace $0xD0000000  }
0x3: {  	_ = 	snop  }
0x4: {  	_ = 	snop  }
0x5: {  	_ = 	snop  }
0x6: {  	_ = 	snop  }
0x7: {  	_ = 	snop  }
__scs_overlays_trampoline_lowered:
0x8: {  	[smem:$0x3FA5] =	sst s0  }
0x9: {  	[smem:$0x3FA6] =	sst s1  }
0xa: {  	[smem:$0x3FA7] =	sst s2  }
0xb: {  	[smem:$0x3FA8] =	sst s3  }
0xc: {  	[smem:$0x3FA9] =	sst s4  }
0xd: {  	[smem:$0x3FAA] =	sst s5  }
0xe: {  	[smem:$0x3FAB] =	sst s6  }
0xf: {  	[smem:$0x3FAC] =	sst s7  }
0x10: {  	[smem:$0x3FAD] =	sst s8  }
0x11: {  	[smem:$0x3FAE] =	sst s9;
	s0 =	simm.s32 @!p0 $0x0  }
0x12: {  	s1 =	sld [smem:$0x3F94];
	s0 =	simm.s32 @p0 $0x1  }
0x13: {  	[smem:$0x3FAF] =	sst s0;
	s0 =	simm.s32 @!p1 $0x0  }
0x14: {  	s2 =	sld [smem:$0x3F93];
	s0 =	simm.s32 @p1 $0x1  }
0x15: {  	[smem:$0x3FB0] =	sst s0;
	s0 =	simm.s32 @!p2 $0x0  }
0x16: {  	s3 =	sld [smem:$0x3FDB];
	s0 =	simm.s32 @p2 $0x1  }
0x17: {  	s4 =	simm.s32 $0x1BF5;
	[smem:$0x3FB2] =	sst s0  }
0x18: {  	s0 =	sld [smem:$0x3F95];
	_ =	swait.ge [sflag:s4], $0x0  }
0x19: {  	s7 =	sld [smem:$0x3F96]  }
0x1a: {  	s8 =	sadd.s32 $0xFFFFE003, lr  }
0x1b: {  	s9 =	sadd.s32 $0xFFFFFEF7, lr;
	s5 =	simm.s32 $0xFFFFFFFF;
	p2 =	slt.u32 s8, $0xFFFFF086  }
0x1c: {  	p1 =	slt.u32 s9, $0xF7A;
	s5 =	simm.s32 @!p2 $0x0  }
0x1d: {  	s5 =	simm.s32 @p1 $0x1;
	p0 =	seq.s32 s7, s2  }
0x1e: {  	s7 =	smul.u32 @!p0 $0xF7A, s2;
	p2 =	seq.s32 @!p0 s5, $0x0  }
0x1f: {  	s9 =	smul.u32 $0xF7A, s1;
	s8 =	simm.s32 @!p0 $0x1BF5;
	p2 =	por !p2, p0  }
0x20: {  	[sflag:s8] =	ssyncset.s32 @!p0 $0xFFFFF086;
	s6 =	sadd.s32 @!p0 s3, s7;
	s7 =	simm.s32 @!p0 $0x108  }
0x21: {  	s3 =	sadd.s32 s3, s9;
	s6 =	sadd.s32 @!p0 $0x88, s6;
	s7 =	simm.s32 @p2 $0x1082  }
0x22: {  	[simem:s7], [sflag:s8] =	dma.local @!p0 [hbm:s6], $0xF7A  }
0x23: {  	s9 =	sor.u32 $0xD0000000, s2;
	s6 =	simm.s32 $0x108;
	_ =	swait.ge @!p0 [sflag:s8], $0x0  }
0x24: {  	s3 =	sadd.s32 $0x88, s3;
	s6 =	simm.s32 @!p1 $0x1082;
	[sflag:s4] =	ssyncset.s32 $0xFFFFF086  }
0x25: {  	[simem:s6], [sflag:s4] =	dma.local [hbm:s3], $0xF7A  }
0x26: {  	[smem:$0x3F96] =	sst s1;
	(tag) =	ssettag s2;
	_ =	strace s9  }
0x27: {  	s1 =	sld [smem:$0x3FA6]  }
0x28: {  	s2 =	sld [smem:$0x3FA7]  }
0x29: {  	s4 =	sld [smem:$0x3FA9]  }
0x2a: {  	p0 =	seq.s32 s5, $0x0;
	s5 =	sld [smem:$0x3FAA]  }
0x2b: {  	s6 =	sld [smem:$0x3FAB]  }
0x2c: {  	s7 =	sld [smem:$0x3FAC]  }
0x2d: {  	s3 =	simm.s32 $0x108;
	s8 =	sld [smem:$0x3FAD]  }
0x2e: {  	s3 =	simm.s32 @!p0 $0x1082;
	s9 =	sld [smem:$0x3FAE]  }
0x2f: {  	lr =	sadd.s32 s0, s3;
	s0 =	sld [smem:$0x3FA5]  }
0x30: {  	s3 =	sld [smem:$0x3FA8]  }
0x31: {  	[smem:$0x3FB1] =	sst s10  }
0x32: {  	s10 =	sld [smem:$0x3FAF];
	_ =	sdelay $0x3  }
0x33: {  	p0 =	seq.s32 s10, $0x1;
	s10 =	sld [smem:$0x3FB1];
	_ =	sdelay $0x3  }
0x34: {  	[smem:$0x3FB1] =	sst s10  }
0x35: {  	s10 =	sld [smem:$0x3FB0];
	_ =	sdelay $0x3  }
0x36: {  	p1 =	seq.s32 s10, $0x1;
	s10 =	sld [smem:$0x3FB1];
	_ =	sdelay $0x3  }
0x37: {  	[smem:$0x3FB1] =	sst s10  }
0x38: {  	s10 =	sld [smem:$0x3FB2]  }
0x39: {  	_ = 	snop;
	(pc) =	sbr.ind lr, $3  }
0x3a: {  	_ = 	snop  }
0x3b: {  	_ = 	snop  }
0x3c: {  	p2 =	seq.s32 s10, $0x1;
	s10 =	sld [smem:$0x3FB1]  }
0x3d: {  	_ =	shalt  }
0x3e: {  	_ =	shalt  }
0x3f: {  	_ =	shalt  }
0x40: {  	_ =	shalt  }
0x41: {  	_ =	shalt  }
0x42: {  	_ =	shalt  }
0x43: {  	_ =	shalt  }
0x44: {  	_ =	shalt  }
0x45: {  	_ =	shalt  }
0x46: {  	_ =	shalt  }
0x47: {  	_ =	shalt  }
0x48: {  	_ =	shalt  }
0x49: {  	_ =	shalt  }
0x4a: {  	_ =	shalt  }
0x4b: {  	_ =	shalt  }
0x4c: {  	_ =	shalt  }
0x4d: {  	_ =	shalt  }
0x4e: {  	_ =	shalt  }
0x4f: {  	_ =	shalt  }
0x50: {  	_ =	shalt  }
0x51: {  	_ =	shalt  }
0x52: {  	_ =	shalt  }
0x53: {  	_ =	shalt  }
0x54: {  	_ =	shalt  }
0x55: {  	_ =	shalt  }
0x56: {  	_ =	shalt  }
0x57: {  	_ =	shalt  }
0x58: {  	_ =	shalt  }
0x59: {  	_ =	shalt  }
0x5a: {  	_ =	shalt  }
0x5b: {  	_ =	shalt  }
0x5c: {  	_ =	shalt  }
0x5d: {  	_ =	shalt  }
0x5e: {  	_ =	shalt  }
0x5f: {  	_ =	shalt  }
0x60: {  	_ =	shalt  }
0x61: {  	_ =	shalt  }
0x62: {  	_ =	shalt  }
0x63: {  	_ =	shalt  }
0x64: {  	_ =	shalt  }
0x65: {  	_ =	shalt  }
0x66: {  	_ =	shalt  }
0x67: {  	_ =	shalt  }
0x68: {  	_ =	shalt  }
0x69: {  	_ =	shalt  }
0x6a: {  	_ =	shalt  }
0x6b: {  	_ =	shalt  }
0x6c: {  	_ =	shalt  }
0x6d: {  	_ =	shalt  }
0x6e: {  	_ =	shalt  }
0x6f: {  	_ =	shalt  }
0x70: {  	_ =	shalt  }
0x71: {  	_ =	shalt  }
0x72: {  	_ =	shalt  }
0x73: {  	_ =	shalt  }
0x74: {  	_ =	shalt  }
0x75: {  	_ =	shalt  }
0x76: {  	_ =	shalt  }
0x77: {  	_ =	shalt  }
0x78: {  	_ =	shalt  }
0x79: {  	_ =	shalt  }
0x7a: {  	_ =	shalt  }
0x7b: {  	_ =	shalt  }
0x7c: {  	_ =	shalt  }
0x7d: {  	_ =	shalt  }
0x7e: {  	_ =	shalt  }
0x7f: {  	_ =	shalt  }
0x80: {  	_ =	shalt  }
0x81: {  	_ =	shalt  }
0x82: {  	_ =	shalt  }
0x83: {  	_ =	shalt  }
0x84: {  	_ =	shalt  }
0x85: {  	_ =	shalt  }
0x86: {  	_ =	shalt  }
0x87: {  	_ =	shalt  }
.Lfunc_end0:
.L_simem_size_0:
called_computation.1_lowered:
.L_overlay_start_0:
0x88: {  	s2 =	sld [smem:$0x3FD9]  }
0x89: {  	s3 =	sld [smem:$0x3FFE];
	_ =	sdelay $0x1  }
0x8a: {  	s1 =	srdreg.scid  }
0x8b: {  	s0 =	sand.u32 $0x1, s1  }
0x8c: {  	s17 =	sshll.u32 s0, $0xA;
	s2 =	sadd.s32 s3, s2  }
0x8d: {  	s2 =	sadd.s32 s2, s17  }
0x8e: {  	[smem:$0x3FBD] =	sst s2  }
0x8f: {  	_ = 	snop  }
0x90: {  	s2 =	sld [smem:$0x3FD0];
	(tm) =	ssettm $0x1  }
0x91: {  	s18 =	sld [smem:$0x3FFB];
	_ =	sdelay $0x3  }
0x92: {  	_ =	strace s18  }
0x93: {  	s3 =	sld [smem:$0x3FFC];
	_ =	sdelay $0x3  }
0x94: {  	_ =	strace s3  }
0x95: {  	s3 =	sld [smem:$0x3FFD];
	_ =	sdelay $0x3  }
0x96: {  	_ =	strace s3  }
0x97: {  	_ =	strace $0x8FFFFFFF  }
0x98: {  	s19 =	sld [smem:$0x3FDB];
	_ =	sdelay $0x1  }
0x99: {  	s4 =	simm.s32 $_scs_section_size  }
0x9a: {  	s5 =	simm.s32 $_size__tile_overlayer_lowered;
	s6 =	simm.s32 $_tile_overlayer_lowered  }
0x9b: {  	s22 =	simm.s32 $0x1BFF;
	s21 =	sshll.u32 s6, $0x1;
	s3 =	sadd.s32 s4, s19  }
0x9c: {  	s7 =	simm.s32 $0x0;
	s20 =	sshll.u32 s5, $0x1;
	s5 =	sadd.s32 s21, s3  }
0x9d: {  	[timem:s7], [sflag:s22] =	dma.local [hbm:s5], s20  }
0x9e: {  	_ =	swait.ge [sflag:s22], s20  }
0x9f: {  	s4 =	ssub.s32 $0x0, s20;
	[sflag:s22] =	ssyncset.done $0x0  }
0xa0: {  	[sflag:s22] =	ssyncadd.s32 s4;
	_ =	sdelay $0x1  }
0xa1: {  	s23 =	simm.s32 $0x1B8B  }
0xa2: {  	_ =	swait.ge [sflag:s23], $0x1  }
0xa3: {  	[sflag:s23] =	ssyncset.done $0x0  }
0xa4: {  	s25 =	simm.s32 $0x1B8E;
	s24 =	sld [smem:$0x3FFE];
	[sflag:s23] =	ssyncadd.s32 $0xFFFFFFFF  }
0xa5: {  	s26 =	simm.s32 $execute0_lowered;
	[smem:$0x3FD2] =	sst s25  }
0xa6: {  	s5 =	sshll.u32 s26, $0x1;
	_ =	strace $0x80000049;
	[dreg:$0x1] =	wrdreg $0xFFFFFFFF  }
0xa7: {  	s28 =	simm.s32 $_size_execute0_lowered;
	s3 =	sadd.s32 s3, s5;
	[dreg:$0x0] =	wrdreg $0x0  }
0xa8: {  	s5 =	sshll.u32 s28, $0x1;
	[dreg:$0x2] =	wrdreg s3  }
0xa9: {  	[dreg:$0x3] =	wrdreg s5  }
0xaa: {  	[dreg:$0x4] =	wrdreg $0xC0  }
0xab: {  	_ =	task [dreg:s7], $0x5FFFF  }
0xac: {  	[dreg:$0x1] =	wrdreg $0xFFFFFFFF  }
0xad: {  	[dreg:$0x0] =	wrdreg $0x60  }
0xae: {  	[dreg:$0x2] =	wrdreg s24  }
0xaf: {  	[dreg:$0x3] =	wrdreg s2  }
0xb0: {  	[dreg:$0x4] =	wrdreg $0xC3000  }
0xb1: {  	[dreg:$0x5] =	wrdreg $0x9  }
0xb2: {  	_ =	task.clear_ibuf [dreg:s7], $0x6FFFF;
	_ =	strace $0x90000049  }
0xb3: {  	s29 =	simm.s32 $0x9;
	_ =	strace $0x8000004B  }
0xb4: {  	_ =	swait.ge [sflag:s29], $0x1  }
0xb5: {  	[sflag:s29] =	ssyncadd.s32 $0xFFFFFFFF  }
0xb6: {  	_ =	strace $0x9000004B  }
0xb7: {  	_ =	sfence  }
0xb8: {  	s30 =	sld [smem:$0x0];
	_ =	sdelay $0x2  }
0xb9: {  	s31 =	sshll.u32 s1, $0xD;
	s1 =	sshrl.u32 s1, $0x2  }
0xba: {  	s3 =	sand.u32 $0x4000, s31;
	s1 =	sadd.s32 s1, s30  }
0xbb: {  	s0 =	sor.u32 s3, s0;
	s1 =	sshll.u32 s1, $0x11  }
0xbc: {  	s0 =	sor.u32 s1, s0  }
0xbd: {  	s0 =	sadd.s32 $0x8F2B, s0  }
0xbe: {  	[sflag:s0] =	ssyncadd.remote.s32 $0x1  }
0xbf: {  	_ =	sfence.sel $0xFFFF  }
0xc0: {  	[dreg:$0x0] =	wrdreg $0xFFFFFFFF;
	(pc) =	sbr.abs _section_cstart, $3  }
0xc1: {  	[dreg:$0x1] =	wrdreg $0xFFFFFFFF  }
0xc2: {  	_ =	task.clear_ibuf [dreg:s7], $0x2FFFF;
	_ =	strace $0x9FFFFFFF  }
0xc3: {  	(tm) =	ssettm $0x7FFFFFFF  }
tec
execute0_lowered:
.L_overlay_start_1:
0x0: {  	(tag) =	ssettag $0x1  }
0x1: {  	s6 =	rddreg [dreg:$0x0]  }
0x2: {  	s2 =	rddreg [dreg:$0x1];
	s1 =	srdreg.scid  }
0x3: {  	s0 =	stileid.u32;
	s3 =	rddreg [dreg:$0x2]  }
0x4: {  	s4 =	simm.s32 $0x0;
	s16 =	simm.s32 $0x100;
	s17 =	simm.s32 $0x4300  }
0x5: {  	s18 =	simm.s32 $0x0;
	s7 =	sand.u32 $0x1, s1;
	s1 =	rddreg [dreg:$0x3]  }
0x6: {  	s8 =	smul.u32 $0x2780, s0;
	[smem:$0x7FF] =	sst s4;
	s5 =	sadd.s32 $0x87600, s6  }
0x7: {  	s25 =	sadd.s32 $0x60400, s6;
	s26 =	smul.u32 $0x4F000, s0;
	s11 =	sshll.u32 s0, $0x6  }
0x8: {  	s30 =	ssub.s32 $0x9C4, s0;
	s31 =	ssub.s32 $0x9B4, s0;
	s9 =	smul.u32 $0x27800, s7  }
0x9: {  	_ =	strace $0x8000004A;
	s28 =	ssub.s32 $0x2, s7;
	[dreg:$0x4] =	wrdreg s30  }
0xa: {  	s12 =	sshll.u32 s7, $0x5;
	s7 =	sor.u32 $0x1C04, s11;
	[dreg:$0x5] =	wrdreg s31  }
0xb: {  	s29 =	sshrl.u32 s28, $0x1;
	s13 =	sor.u32 s12, s11;
	s11 =	sadd.s32 s11, s25  }
0xc: {  	s8 =	sadd.s32 s8, s9;
	s14 =	ssub.s32 s28, s29;
	s11 =	sadd.s32 s12, s11  }
0xd: {  	s10 =	sadd.s32 s8, s6;
	s6 =	sshrl.u32 s26, $0x2;
	s11 =	sadd.s32 $0x1000, s11  }
0xe: {  	s15 =	sadd.s32 s6, s3;
	s6 =	sadd.s32 s25, s13;
	s9 =	sadd.s32 $0x123A00, s10  }
0xf: {  	s10 =	smax.u32 s14, $0x1;
	s13 =	simm.s32 $0x4;
	s14 =	simm.s32 $0x80  }
0x10: {  	s8 =	sadd.s32 $0x400, s6;
	s12 =	sshrl.u32 s15, $0x3;
	s15 =	simm.s32 $0x300  }
.LBB2_1:
0x11: {  	[spmem:s12], [sflag:s7] =	dma.local [hbm:s2], $0x2780  }
0x12: {  	_ =	swait.ge [sflag:s13], $0x2780  }
0x13: {  	[sflag:s13] =	ssyncset.done $0x0  }
0x14: {  	[sflag:s13] =	ssyncadd.s32 $0xFFFFD880  }
0x15: {  	[bflag:$0x0] =	sbarrier.arrive $0xFFFF  }
0x16: {  	[tilespmem:s4], [sflag:$0x4] =	stream.linear.gather [hbm4b:s6+s4], $0x100, $0x38;
	[tilespmem:$0x1FF00] =	vst v63  }
0x17: {  	_ =	swait.ge [sflag:s13], $0x100  }
0x18: {  	[sflag:s13] =	ssyncset.done $0x0  }
0x19: {  	[sflag:s13] =	ssyncadd.s32 $0xFFFFFF00  }
0x1a: {  	[tilespmem:s15], [sflag:$0x1] =	stream.indirect.gather [hbm4b:s5+s14], $0x80, s4, s14, $0xb8;
	[tilespmem:$0x1FF00] =	vst v63  }
0x1b: {  	s19 =	sadd.s32 $0x0, s0  }
0x1c: {  	[tilespmem:s16], [sflag:$0x4] =	stream.linear.gather [hbm4b:s8+s4], $0x100, $0x38;
	[tilespmem:$0x1FF00] =	vst v63  }
0x1d: {  	s20 =	sadd.s32 $0x20, s19;
	_ =	swait.ge [sflag:s13], $0x100  }
0x1e: {  	p0 =	sgt.u32 s20, $0x9C3;
	[sflag:s13] =	ssyncset.done $0x0  }
0x1f: {  	s20 =	sadd.s32 @!p0 $0xFFFFF800, s11;
	[sflag:s13] =	ssyncadd.s32 $0xFFFFFF00  }
0x20: {  	[tilespmem:s17], [sflag:$0x2] =	stream.indirect.gather [hbm4b:s5+s14], $0x80, s16, s14, $0xb8;
	[tilespmem:$0x1FF00] =	vst v63  }
0x21: {  	s21 =	simm.s32 @!p0 $0x0;
	s22 =	simm.s32 @!p0 $0x200;
	s23 =	simm.s32 @!p0 $0x5  }
0x22: {  	[tilespmem:s22], [sflag:$0x5] =	stream.linear.gather @!p0 [hbm4b:s20+s21], $0x100, $0x38;
	[tilespmem:$0x1FF00] =	vst v63  }
0x23: {  	_ =	swait.ge @!p0 [sflag:s23], $0x100;
	p0 =	por p0, p0  }
0x24: {  	[sflag:s23] =	ssyncset.done @!p0 $0x0;
	s29 =	rddreg [dreg:$0x4];
	s21 =	simm.s32 @!p0 $0x80  }
0x25: {  	[sflag:s23] =	ssyncadd.s32 @!p0 $0xFFFFFF00;
	s23 =	simm.s32 @!p0 $0x8300;
	p1 =	sle.u32 s29, $0x0  }
0x26: {  	[tilespmem:s23], [sflag:$0x3] =	stream.indirect.gather @!p0 [hbm4b:s5+s21], $0x80, s22, s21, $0xb8;
	[tilespmem:$0x1FF00] =	vst v63  }
0x27: {  	s20 =	simm.s32 @!p1 $0x1  }
0x28: {  	_ =	swait.ge @!p1 [sflag:s20], $0x4000  }
0x29: {  	s22 =	simm.s32 @!p1 $0x5;
	[sflag:s20] =	ssyncset.done @!p1 $0x0  }
0x2a: {  	s24 =	simm.s32 @!p1 $0x300;
	[sflag:s20] =	ssyncadd.s32 @!p1 $0xFFFFC000;
	s20 =	simm.s32 @!p1 $0x80  }
0x2b: {  	[spmem:s3] =	stream.indirect.scatter.add.f32 @!p1 [tilespmem:s24], [sflag:$0x5], $0x80, s20, s20, $0xb8;
	[tilespmem:$0x1FF00] =	vst v63  }
0x2c: {  	s30 =	sadd.s32 $0x30, s19;
	_ =	swait.ge @!p1 [sflag:s22], $0x4000  }
0x2d: {  	p2 =	sgt.u32 s30, $0x9C3;
	[sflag:s22] =	ssyncset.done @!p1 $0x0  }
0x2e: {  	s20 =	sadd.s32 @!p2 $0xFFFFFC00, s11;
	[sflag:s22] =	ssyncadd.s32 @!p1 $0xFFFFC000;
	s22 =	simm.s32 @!p2 $0x0  }
0x2f: {  	[tilespmem:s22], [sflag:$0x5] =	stream.linear.gather @!p2 [hbm4b:s20+s22], $0x100, $0x38;
	[tilespmem:$0x1FF00] =	vst v63  }
0x30: {  	s20 =	simm.s32 @!p2 $0x5  }
0x31: {  	_ =	swait.ge @!p2 [sflag:s20], $0x100  }
0x32: {  	s25 =	simm.s32 @!p2 $0x300;
	[sflag:s20] =	ssyncset.done @!p2 $0x0;
	s31 =	rddreg [dreg:$0x5]  }
0x33: {  	[sflag:s20] =	ssyncadd.s32 @!p2 $0xFFFFFF00;
	s20 =	simm.s32 @!p2 $0x80;
	p1 =	sle.u32 s31, $0x0  }
0x34: {  	[tilespmem:s25], [sflag:$0x1] =	stream.indirect.gather @!p2 [hbm4b:s5+s20], $0x80, s22, s20, $0xb8;
	[tilespmem:$0x1FF00] =	vst v63  }
0x35: {  	s20 =	simm.s32 @!p1 $0x2  }
0x36: {  	s19 =	sadd.s32 $0x40, s19;
	_ =	swait.ge @!p1 [sflag:s20], $0x4000  }
0x37: {  	s22 =	simm.s32 @!p1 $0x4300;
	s24 =	simm.s32 @!p1 $0x80;
	[sflag:s20] =	ssyncset.done @!p1 $0x0  }
0x38: {  	s25 =	simm.s32 @!p1 $0x180;
	[sflag:s20] =	ssyncadd.s32 @!p1 $0xFFFFC000;
	s20 =	simm.s32 @!p1 $0x5  }
0x39: {  	[spmem:s3] =	stream.indirect.scatter.add.f32 @!p1 [tilespmem:s22], [sflag:$0x5], $0x80, s25, s24, $0xb8;
	[tilespmem:$0x1FF00] =	vst v63  }
0x3a: {  	p2 =	sgt.u32 s19, $0x9C3;
	_ =	swait.ge @!p1 [sflag:s20], $0x4000  }
0x3b: {  	s19 =	simm.s32 @!p2 $0x0;
	[sflag:s20] =	ssyncset.done @!p1 $0x0  }
0x3c: {  	s22 =	simm.s32 @!p2 $0x100;
	[sflag:s20] =	ssyncadd.s32 @!p1 $0xFFFFC000;
	s20 =	simm.s32 @!p2 $0x5  }
0x3d: {  	[tilespmem:s22], [sflag:$0x5] =	stream.linear.gather @!p2 [hbm4b:s11+s19], $0x100, $0x38;
	[tilespmem:$0x1FF00] =	vst v63  }
0x3e: {  	_ =	swait.ge @!p2 [sflag:s20], $0x100  }
0x3f: {  	s24 =	simm.s32 @!p2 $0x80;
	[sflag:s20] =	ssyncset.done @!p2 $0x0  }
0x40: {  	s25 =	simm.s32 @!p0 $0x3;
	s19 =	simm.s32 @!p2 $0x4300;
	[sflag:s20] =	ssyncadd.s32 @!p2 $0xFFFFFF00  }
0x41: {  	[tilespmem:s19], [sflag:$0x2] =	stream.indirect.gather @!p2 [hbm4b:s5+s24], $0x80, s22, s24, $0xb8;
	[tilespmem:$0x1FF00] =	vst v63  }
0x42: {  	s28 =	simm.s32 @!p0 $0x4;
	_ =	swait.ge @!p0 [sflag:s25], $0x4000  }
0x43: {  	s20 =	simm.s32 $0x30;
	s19 =	simm.s32 @!p0 $0x280;
	[sflag:s25] =	ssyncset.done @!p0 $0x0  }
0x44: {  	s22 =	simm.s32 $0x60;
	[sflag:s25] =	ssyncadd.s32 @!p0 $0xFFFFC000;
	s25 =	sadd.s32 $0x30, s0  }
0x45: {  	[spmem:s3] =	stream.indirect.scatter.add.f32 @!p0 [tilespmem:s23], [sflag:$0x4], $0x80, s19, s21, $0xb8;
	[tilespmem:$0x1FF00] =	vst v63  }
0x46: {  	s19 =	sadd.s32 $0xC00, s11;
	s26 =	sadd.s32 $0x20, s25;
	s21 =	sadd.s32 $0x40, s25  }
.LBB2_2:
0x47: {  	p2 =	sgt.u32 s26, $0x9C3;
	_ =	swait.ge @!p0 [sflag:s28], $0x4000  }
0x48: {  	s23 =	sadd.s32 @!p2 $0xFFFFF800, s19;
	s24 =	simm.s32 @!p2 $0x0;
	[sflag:s28] =	ssyncset.done @!p0 $0x0  }
0x49: {  	s29 =	simm.s32 @!p2 $0x200;
	s30 =	simm.s32 @!p2 $0x5;
	[sflag:s28] =	ssyncadd.s32 @!p0 $0xFFFFC000  }
0x4a: {  	[tilespmem:s29], [sflag:$0x5] =	stream.linear.gather @!p2 [hbm4b:s23+s24], $0x100, $0x38;
	[tilespmem:$0x1FF00] =	vst v63  }
0x4b: {  	p0 =	por p2, p2;
	_ =	swait.ge @!p2 [sflag:s30], $0x100  }
0x4c: {  	s23 =	simm.s32 @!p0 $0x80;
	[sflag:s30] =	ssyncset.done @!p0 $0x0;
	s28 =	rddreg [dreg:$0x4]  }
0x4d: {  	s24 =	simm.s32 @!p0 $0x8300;
	[sflag:s30] =	ssyncadd.s32 @!p0 $0xFFFFFF00;
	p2 =	sge.u32 s20, s28  }
0x4e: {  	[tilespmem:s24], [sflag:$0x3] =	stream.indirect.gather @!p0 [hbm4b:s5+s23], $0x80, s29, s23, $0xb8;
	[tilespmem:$0x1FF00] =	vst v63  }
0x4f: {  	s28 =	simm.s32 @!p2 $0x1  }
0x50: {  	_ =	swait.ge @!p2 [sflag:s28], $0x4000  }
0x51: {  	s29 =	simm.s32 @!p2 $0x5;
	[sflag:s28] =	ssyncset.done @!p2 $0x0  }
0x52: {  	s30 =	simm.s32 @!p2 $0x300;
	[sflag:s28] =	ssyncadd.s32 @!p2 $0xFFFFC000;
	s28 =	simm.s32 @!p2 $0x80  }
0x53: {  	[spmem:s3] =	stream.indirect.scatter.add.f32 @!p2 [tilespmem:s30], [sflag:$0x5], $0x80, s28, s28, $0xb8;
	[tilespmem:$0x1FF00] =	vst v63  }
0x54: {  	s25 =	sadd.s32 $0x30, s25;
	_ =	swait.ge @!p2 [sflag:s29], $0x4000  }
0x55: {  	p3 =	sgt.u32 s25, $0x9C3;
	[sflag:s29] =	ssyncset.done @!p2 $0x0  }
0x56: {  	s25 =	sadd.s32 @!p3 $0xFFFFFC00, s19;
	s28 =	simm.s32 @!p3 $0x0;
	[sflag:s29] =	ssyncadd.s32 @!p2 $0xFFFFC000  }
0x57: {  	[tilespmem:s28], [sflag:$0x5] =	stream.linear.gather @!p3 [hbm4b:s25+s28], $0x100, $0x38;
	[tilespmem:$0x1FF00] =	vst v63  }
0x58: {  	s25 =	simm.s32 @!p3 $0x5  }
0x59: {  	_ =	swait.ge @!p3 [sflag:s25], $0x100  }
0x5a: {  	s30 =	simm.s32 @!p3 $0x300;
	[sflag:s25] =	ssyncset.done @!p3 $0x0;
	s31 =	rddreg [dreg:$0x5]  }
0x5b: {  	[sflag:s25] =	ssyncadd.s32 @!p3 $0xFFFFFF00;
	s25 =	simm.s32 @!p3 $0x80;
	p2 =	sge.u32 s20, s31  }
0x5c: {  	[tilespmem:s30], [sflag:$0x1] =	stream.indirect.gather @!p3 [hbm4b:s5+s25], $0x80, s28, s25, $0xb8;
	[tilespmem:$0x1FF00] =	vst v63  }
0x5d: {  	s26 =	smov.u32 s22;
	s25 =	simm.s32 @!p2 $0x2  }
0x5e: {  	s20 =	smov.u32 s26;
	_ =	swait.ge @!p2 [sflag:s25], $0x4000  }
0x5f: {  	s26 =	simm.s32 @!p2 $0x4300;
	s28 =	simm.s32 @!p2 $0x80;
	[sflag:s25] =	ssyncset.done @!p2 $0x0  }
0x60: {  	s29 =	simm.s32 @!p2 $0x180;
	[sflag:s25] =	ssyncadd.s32 @!p2 $0xFFFFC000;
	s25 =	simm.s32 @!p2 $0x5  }
0x61: {  	[spmem:s3] =	stream.indirect.scatter.add.f32 @!p2 [tilespmem:s26], [sflag:$0x5], $0x80, s29, s28, $0xb8;
	[tilespmem:$0x1FF00] =	vst v63  }
0x62: {  	p3 =	sgt.u32 s21, $0x9C3;
	_ =	swait.ge @!p2 [sflag:s25], $0x4000  }
0x63: {  	s21 =	simm.s32 @!p3 $0x0;
	[sflag:s25] =	ssyncset.done @!p2 $0x0  }
0x64: {  	s26 =	simm.s32 @!p3 $0x100;
	[sflag:s25] =	ssyncadd.s32 @!p2 $0xFFFFC000;
	s25 =	simm.s32 @!p3 $0x5  }
0x65: {  	[tilespmem:s26], [sflag:$0x5] =	stream.linear.gather @!p3 [hbm4b:s19+s21], $0x100, $0x38;
	[tilespmem:$0x1FF00] =	vst v63  }
0x66: {  	s22 =	sadd.s32 $0x30, s22;
	_ =	swait.ge @!p3 [sflag:s25], $0x100  }
0x67: {  	p1 =	sne.s32 s22, $0x9F0;
	[sflag:s25] =	ssyncset.done @!p3 $0x0  }
0x68: {  	s28 =	simm.s32 @!p3 $0x80;
	s21 =	simm.s32 @!p3 $0x4300;
	[sflag:s25] =	ssyncadd.s32 @!p3 $0xFFFFFF00  }
0x69: {  	[tilespmem:s21], [sflag:$0x2] =	stream.indirect.gather @!p3 [hbm4b:s5+s28], $0x80, s26, s28, $0xb8;
	[tilespmem:$0x1FF00] =	vst v63  }
.Ltmp0:
0x6a: {  	s29 =	simm.s32 @!p0 $0x3;
	(pc) =	sbr.rel @p1 .LBB2_2-.Ltmp0, $4  }
0x6b: {  	s30 =	simm.s32 @!p0 $0x280;
	s19 =	sadd.s32 $0xC00, s19;
	_ =	swait.ge @!p0 [sflag:s29], $0x4000  }
0x6c: {  	s25 =	sadd.s32 s20, s0;
	s28 =	simm.s32 @!p0 $0x4;
	[sflag:s29] =	ssyncset.done @!p0 $0x0  }
0x6d: {  	s26 =	sadd.s32 $0x20, s25;
	s21 =	sadd.s32 $0x40, s25;
	[sflag:s29] =	ssyncadd.s32 @!p0 $0xFFFFC000  }
0x6e: {  	[spmem:s3] =	stream.indirect.scatter.add.f32 @!p0 [tilespmem:s24], [sflag:$0x4], $0x80, s30, s23, $0xb8;
	[tilespmem:$0x1FF00] =	vst v63  }
0x6f: {  	p1 =	sgt.u32 s26, $0x9C3;
	_ =	swait.ge @!p0 [sflag:s28], $0x4000  }
0x70: {  	s22 =	sadd.s32 @!p1 $0xFFFFF800, s19;
	s23 =	simm.s32 @!p1 $0x0;
	[sflag:s28] =	ssyncset.done @!p0 $0x0  }
0x71: {  	s24 =	simm.s32 @!p1 $0x200;
	s26 =	simm.s32 @!p1 $0x5;
	[sflag:s28] =	ssyncadd.s32 @!p0 $0xFFFFC000  }
0x72: {  	[tilespmem:s24], [sflag:$0x5] =	stream.linear.gather @!p1 [hbm4b:s22+s23], $0x100, $0x38;
	[tilespmem:$0x1FF00] =	vst v63  }
0x73: {  	p0 =	por p1, p1;
	_ =	swait.ge @!p1 [sflag:s26], $0x100  }
0x74: {  	s23 =	simm.s32 @!p0 $0x80;
	[sflag:s26] =	ssyncset.done @!p0 $0x0;
	s29 =	rddreg [dreg:$0x4]  }
0x75: {  	[sflag:s26] =	ssyncadd.s32 @!p0 $0xFFFFFF00;
	s26 =	simm.s32 @!p0 $0x8300;
	p1 =	sge.u32 s20, s29  }
0x76: {  	[tilespmem:s26], [sflag:$0x3] =	stream.indirect.gather @!p0 [hbm4b:s5+s23], $0x80, s24, s23, $0xb8;
	[tilespmem:$0x1FF00] =	vst v63  }
0x77: {  	s22 =	simm.s32 @!p1 $0x1  }
0x78: {  	_ =	swait.ge @!p1 [sflag:s22], $0x4000  }
0x79: {  	s24 =	simm.s32 @!p1 $0x5;
	[sflag:s22] =	ssyncset.done @!p1 $0x0  }
0x7a: {  	s28 =	simm.s32 @!p1 $0x300;
	[sflag:s22] =	ssyncadd.s32 @!p1 $0xFFFFC000;
	s22 =	simm.s32 @!p1 $0x80  }
0x7b: {  	[spmem:s3] =	stream.indirect.scatter.add.f32 @!p1 [tilespmem:s28], [sflag:$0x5], $0x80, s22, s22, $0xb8;
	[tilespmem:$0x1FF00] =	vst v63  }
0x7c: {  	s30 =	sadd.s32 $0x30, s25;
	_ =	swait.ge @!p1 [sflag:s24], $0x4000  }
0x7d: {  	p2 =	sgt.u32 s30, $0x9C3;
	[sflag:s24] =	ssyncset.done @!p1 $0x0  }
0x7e: {  	s22 =	sadd.s32 @!p2 $0xFFFFFC00, s19;
	[sflag:s24] =	ssyncadd.s32 @!p1 $0xFFFFC000;
	s24 =	simm.s32 @!p2 $0x0  }
0x7f: {  	[tilespmem:s24], [sflag:$0x5] =	stream.linear.gather @!p2 [hbm4b:s22+s24], $0x100, $0x38;
	[tilespmem:$0x1FF00] =	vst v63  }
0x80: {  	s22 =	simm.s32 @!p2 $0x5  }
0x81: {  	_ =	swait.ge @!p2 [sflag:s22], $0x100  }
0x82: {  	s28 =	simm.s32 @!p2 $0x300;
	[sflag:s22] =	ssyncset.done @!p2 $0x0;
	s31 =	rddreg [dreg:$0x5]  }
0x83: {  	[sflag:s22] =	ssyncadd.s32 @!p2 $0xFFFFFF00;
	s22 =	simm.s32 @!p2 $0x80;
	p1 =	sge.u32 s20, s31  }
0x84: {  	[tilespmem:s28], [sflag:$0x1] =	stream.indirect.gather @!p2 [hbm4b:s5+s22], $0x80, s24, s22, $0xb8;
	[tilespmem:$0x1FF00] =	vst v63  }
0x85: {  	s20 =	simm.s32 @!p1 $0x2  }
0x86: {  	_ =	swait.ge @!p1 [sflag:s20], $0x4000  }
0x87: {  	s22 =	simm.s32 @!p1 $0x4300;
	s24 =	simm.s32 @!p1 $0x80;
	[sflag:s20] =	ssyncset.done @!p1 $0x0  }
0x88: {  	s25 =	simm.s32 @!p1 $0x180;
	[sflag:s20] =	ssyncadd.s32 @!p1 $0xFFFFC000;
	s20 =	simm.s32 @!p1 $0x5  }
0x89: {  	[spmem:s3] =	stream.indirect.scatter.add.f32 @!p1 [tilespmem:s22], [sflag:$0x5], $0x80, s25, s24, $0xb8;
	[tilespmem:$0x1FF00] =	vst v63  }
0x8a: {  	p2 =	sgt.u32 s21, $0x9C3;
	_ =	swait.ge @!p1 [sflag:s20], $0x4000  }
0x8b: {  	s21 =	simm.s32 @!p2 $0x0;
	[sflag:s20] =	ssyncset.done @!p1 $0x0  }
0x8c: {  	s22 =	simm.s32 @!p2 $0x100;
	[sflag:s20] =	ssyncadd.s32 @!p1 $0xFFFFC000;
	s20 =	simm.s32 @!p2 $0x5  }
0x8d: {  	[tilespmem:s22], [sflag:$0x5] =	stream.linear.gather @!p2 [hbm4b:s19+s21], $0x100, $0x38;
	[tilespmem:$0x1FF00] =	vst v63  }
0x8e: {  	_ =	swait.ge @!p2 [sflag:s20], $0x100  }
0x8f: {  	s24 =	simm.s32 @!p0 $0x3;
	[sflag:s20] =	ssyncset.done @!p2 $0x0  }
0x90: {  	s19 =	simm.s32 @!p2 $0x4300;
	s21 =	simm.s32 @!p2 $0x80;
	[sflag:s20] =	ssyncadd.s32 @!p2 $0xFFFFFF00  }
0x91: {  	[tilespmem:s19], [sflag:$0x2] =	stream.indirect.gather @!p2 [hbm4b:s5+s21], $0x80, s22, s21, $0xb8;
	[tilespmem:$0x1FF00] =	vst v63  }
0x92: {  	_ =	swait.ge @!p0 [sflag:s24], $0x4000  }
0x93: {  	[sflag:s24] =	ssyncset.done @!p0 $0x0  }
0x94: {  	s20 =	simm.s32 @!p0 $0x4;
	s19 =	simm.s32 @!p0 $0x280;
	[sflag:s24] =	ssyncadd.s32 @!p0 $0xFFFFC000  }
0x95: {  	[spmem:s3] =	stream.indirect.scatter.add.f32 @!p0 [tilespmem:s26], [sflag:$0x4], $0x80, s19, s23, $0xb8;
	[tilespmem:$0x1FF00] =	vst v63  }
0x96: {  	_ =	swait.ge @!p0 [sflag:s20], $0x4000  }
0x97: {  	s18 =	sadd.s32 $0x1, s18;
	[sflag:s20] =	ssyncset.done @!p0 $0x0  }
0x98: {  	[sflag:s20] =	ssyncadd.s32 @!p0 $0xFFFFC000;
	p0 =	sne.s32 s18, s10  }
.Ltmp1:
0x99: {  	[bflag:$0x0] =	sbarrier.arrive $0xFFFF;
	(pc) =	sbr.rel @p0 .LBB2_1-.Ltmp1, $4  }
0x9a: {  	[hbm:s9], [sflag:s7] =	dma.local [spmem:s12], $0x2780  }
0x9b: {  	_ =	swait.ge [sflag:s13], $0x2780  }
0x9c: {  	[sflag:s13] =	ssyncset.done $0x0  }
0x9d: {  	[sflag:s13] =	ssyncadd.s32 $0xFFFFD880  }
0x9e: {  	_ =	sfence.sel $0x180000  }
0x9f: {  	[bflag:$0x0] =	sbarrier.arrive $0xFFFF  }
0xa0: {  	p0 =	sne.s32 s0, $0x0;
	_ =	strace $0x9000004A  }
0xa1: {  	s0 =	sadd.s32 @!p0 $0x100000, s1;
	[bflag:$0x2] =	sbarrier.arrive $0xFFFF  }
0xa2: {  	[sflag:s0] =	ssyncadd.tile.s32 @!p0 $0x1;
	_ =	shalt  }
.Lfunc_end2:
_tile_overlayer_lowered:
.L_overlay_start_2:
0xa3: {  	(tag) =	ssettag $0x2  }
0xa4: {  	s0 =	rddreg [dreg:$0x0];
	s2 =	stileid.u32  }
0xa5: {  	s1 =	rddreg [dreg:$0x1];
	p0 =	sne.s32 s2, $0x0  }
0xa6: {  	s3 =	rddreg [dreg:$0x2];
	[bflag:$0x3] =	sbarrier.arrive $0xFFFF;
	s2 =	simm.s32 @!p0 $0x1C04  }
0xa7: {  	[timem:s3], [sflag:s2] =	dma.local @!p0 [hbm:s0], s1  }
0xa8: {  	s0 =	simm.s32 @!p0 $0x4  }
0xa9: {  	_ =	swait.ge @!p0 [sflag:s0], s1  }
0xaa: {  	s1 =	ssub.s32 @!p0 $0x0, s1;
	[sflag:s0] =	ssyncset.done @!p0 $0x0  }
0xab: {  	[sflag:s0] =	ssyncadd.s32 @!p0 s1  }
0xac: {  	[bflag:$0x3] =	sbarrier.arrive $0xFFFF  }
0xad: {  	_ =	shalt  }

// kernel: kernel.22.cloned.1.call-start
scs
__scs_entry_jumppad:
0x0: {  	(pc) =	sbr.rel $0x88, $3  }
0x1: {  	(tag) =	ssettag $0x0;
	lr =	simm.s32 $0x1  }
0x2: {  	[smem:$0x3F96] =	sst lr;
	_ =	strace $0xD0000000  }
0x3: {  	_ = 	snop  }
0x4: {  	_ = 	snop  }
0x5: {  	_ = 	snop  }
0x6: {  	_ = 	snop  }
0x7: {  	_ = 	snop  }
__scs_overlays_trampoline_lowered:
0x8: {  	[smem:$0x3FA5] =	sst s0  }
0x9: {  	[smem:$0x3FA6] =	sst s1  }
0xa: {  	[smem:$0x3FA7] =	sst s2  }
0xb: {  	[smem:$0x3FA8] =	sst s3  }
0xc: {  	[smem:$0x3FA9] =	sst s4  }
0xd: {  	[smem:$0x3FAA] =	sst s5  }
0xe: {  	[smem:$0x3FAB] =	sst s6  }
0xf: {  	[smem:$0x3FAC] =	sst s7  }
0x10: {  	[smem:$0x3FAD] =	sst s8  }
0x11: {  	[smem:$0x3FAE] =	sst s9;
	s0 =	simm.s32 @!p0 $0x0  }
0x12: {  	s1 =	sld [smem:$0x3F94];
	s0 =	simm.s32 @p0 $0x1  }
0x13: {  	[smem:$0x3FAF] =	sst s0;
	s0 =	simm.s32 @!p1 $0x0  }
0x14: {  	s2 =	sld [smem:$0x3F93];
	s0 =	simm.s32 @p1 $0x1  }
0x15: {  	[smem:$0x3FB0] =	sst s0;
	s0 =	simm.s32 @!p2 $0x0  }
0x16: {  	s3 =	sld [smem:$0x3FDB];
	s0 =	simm.s32 @p2 $0x1  }
0x17: {  	s4 =	simm.s32 $0x1BF5;
	[smem:$0x3FB2] =	sst s0  }
0x18: {  	s0 =	sld [smem:$0x3F95];
	_ =	swait.ge [sflag:s4], $0x0  }
0x19: {  	s7 =	sld [smem:$0x3F96]  }
0x1a: {  	s8 =	sadd.s32 $0xFFFFE003, lr  }
0x1b: {  	s9 =	sadd.s32 $0xFFFFFEF7, lr;
	s5 =	simm.s32 $0xFFFFFFFF;
	p2 =	slt.u32 s8, $0xFFFFF086  }
0x1c: {  	p1 =	slt.u32 s9, $0xF7A;
	s5 =	simm.s32 @!p2 $0x0  }
0x1d: {  	s5 =	simm.s32 @p1 $0x1;
	p0 =	seq.s32 s7, s2  }
0x1e: {  	s7 =	smul.u32 @!p0 $0xF7A, s2;
	p2 =	seq.s32 @!p0 s5, $0x0  }
0x1f: {  	s9 =	smul.u32 $0xF7A, s1;
	s8 =	simm.s32 @!p0 $0x1BF5;
	p2 =	por !p2, p0  }
0x20: {  	[sflag:s8] =	ssyncset.s32 @!p0 $0xFFFFF086;
	s6 =	sadd.s32 @!p0 s3, s7;
	s7 =	simm.s32 @!p0 $0x108  }
0x21: {  	s3 =	sadd.s32 s3, s9;
	s6 =	sadd.s32 @!p0 $0x88, s6;
	s7 =	simm.s32 @p2 $0x1082  }
0x22: {  	[simem:s7], [sflag:s8] =	dma.local @!p0 [hbm:s6], $0xF7A  }
0x23: {  	s9 =	sor.u32 $0xD0000000, s2;
	s6 =	simm.s32 $0x108;
	_ =	swait.ge @!p0 [sflag:s8], $0x0  }
0x24: {  	s3 =	sadd.s32 $0x88, s3;
	s6 =	simm.s32 @!p1 $0x1082;
	[sflag:s4] =	ssyncset.s32 $0xFFFFF086  }
0x25: {  	[simem:s6], [sflag:s4] =	dma.local [hbm:s3], $0xF7A  }
0x26: {  	[smem:$0x3F96] =	sst s1;
	(tag) =	ssettag s2;
	_ =	strace s9  }
0x27: {  	s1 =	sld [smem:$0x3FA6]  }
0x28: {  	s2 =	sld [smem:$0x3FA7]  }
0x29: {  	s4 =	sld [smem:$0x3FA9]  }
0x2a: {  	p0 =	seq.s32 s5, $0x0;
	s5 =	sld [smem:$0x3FAA]  }
0x2b: {  	s6 =	sld [smem:$0x3FAB]  }
0x2c: {  	s7 =	sld [smem:$0x3FAC]  }
0x2d: {  	s3 =	simm.s32 $0x108;
	s8 =	sld [smem:$0x3FAD]  }
0x2e: {  	s3 =	simm.s32 @!p0 $0x1082;
	s9 =	sld [smem:$0x3FAE]  }
0x2f: {  	lr =	sadd.s32 s0, s3;
	s0 =	sld [smem:$0x3FA5]  }
0x30: {  	s3 =	sld [smem:$0x3FA8]  }
0x31: {  	[smem:$0x3FB1] =	sst s10  }
0x32: {  	s10 =	sld [smem:$0x3FAF];
	_ =	sdelay $0x3  }
0x33: {  	p0 =	seq.s32 s10, $0x1;
	s10 =	sld [smem:$0x3FB1];
	_ =	sdelay $0x3  }
0x34: {  	[smem:$0x3FB1] =	sst s10  }
0x35: {  	s10 =	sld [smem:$0x3FB0];
	_ =	sdelay $0x3  }
0x36: {  	p1 =	seq.s32 s10, $0x1;
	s10 =	sld [smem:$0x3FB1];
	_ =	sdelay $0x3  }
0x37: {  	[smem:$0x3FB1] =	sst s10  }
0x38: {  	s10 =	sld [smem:$0x3FB2]  }
0x39: {  	_ = 	snop;
	(pc) =	sbr.ind lr, $3  }
0x3a: {  	_ = 	snop  }
0x3b: {  	_ = 	snop  }
0x3c: {  	p2 =	seq.s32 s10, $0x1;
	s10 =	sld [smem:$0x3FB1]  }
0x3d: {  	_ =	shalt  }
0x3e: {  	_ =	shalt  }
0x3f: {  	_ =	shalt  }
0x40: {  	_ =	shalt  }
0x41: {  	_ =	shalt  }
0x42: {  	_ =	shalt  }
0x43: {  	_ =	shalt  }
0x44: {  	_ =	shalt  }
0x45: {  	_ =	shalt  }
0x46: {  	_ =	shalt  }
0x47: {  	_ =	shalt  }
0x48: {  	_ =	shalt  }
0x49: {  	_ =	shalt  }
0x4a: {  	_ =	shalt  }
0x4b: {  	_ =	shalt  }
0x4c: {  	_ =	shalt  }
0x4d: {  	_ =	shalt  }
0x4e: {  	_ =	shalt  }
0x4f: {  	_ =	shalt  }
0x50: {  	_ =	shalt  }
0x51: {  	_ =	shalt  }
0x52: {  	_ =	shalt  }
0x53: {  	_ =	shalt  }
0x54: {  	_ =	shalt  }
0x55: {  	_ =	shalt  }
0x56: {  	_ =	shalt  }
0x57: {  	_ =	shalt  }
0x58: {  	_ =	shalt  }
0x59: {  	_ =	shalt  }
0x5a: {  	_ =	shalt  }
0x5b: {  	_ =	shalt  }
0x5c: {  	_ =	shalt  }
0x5d: {  	_ =	shalt  }
0x5e: {  	_ =	shalt  }
0x5f: {  	_ =	shalt  }
0x60: {  	_ =	shalt  }
0x61: {  	_ =	shalt  }
0x62: {  	_ =	shalt  }
0x63: {  	_ =	shalt  }
0x64: {  	_ =	shalt  }
0x65: {  	_ =	shalt  }
0x66: {  	_ =	shalt  }
0x67: {  	_ =	shalt  }
0x68: {  	_ =	shalt  }
0x69: {  	_ =	shalt  }
0x6a: {  	_ =	shalt  }
0x6b: {  	_ =	shalt  }
0x6c: {  	_ =	shalt  }
0x6d: {  	_ =	shalt  }
0x6e: {  	_ =	shalt  }
0x6f: {  	_ =	shalt  }
0x70: {  	_ =	shalt  }
0x71: {  	_ =	shalt  }
0x72: {  	_ =	shalt  }
0x73: {  	_ =	shalt  }
0x74: {  	_ =	shalt  }
0x75: {  	_ =	shalt  }
0x76: {  	_ =	shalt  }
0x77: {  	_ =	shalt  }
0x78: {  	_ =	shalt  }
0x79: {  	_ =	shalt  }
0x7a: {  	_ =	shalt  }
0x7b: {  	_ =	shalt  }
0x7c: {  	_ =	shalt  }
0x7d: {  	_ =	shalt  }
0x7e: {  	_ =	shalt  }
0x7f: {  	_ =	shalt  }
0x80: {  	_ =	shalt  }
0x81: {  	_ =	shalt  }
0x82: {  	_ =	shalt  }
0x83: {  	_ =	shalt  }
0x84: {  	_ =	shalt  }
0x85: {  	_ =	shalt  }
0x86: {  	_ =	shalt  }
0x87: {  	_ =	shalt  }
.Lfunc_end0:
.L_simem_size_0:
called_computation.2_lowered:
.L_overlay_start_0:
0x88: {  	s2 =	sld [smem:$0x3FD9]  }
0x89: {  	s3 =	sld [smem:$0x3FFE];
	_ =	sdelay $0x1  }
0x8a: {  	s1 =	srdreg.scid  }
0x8b: {  	s0 =	sand.u32 $0x1, s1  }
0x8c: {  	s17 =	sshll.u32 s0, $0xA;
	s2 =	sadd.s32 s3, s2  }
0x8d: {  	s2 =	sadd.s32 s2, s17  }
0x8e: {  	[smem:$0x3FBD] =	sst s2  }
0x8f: {  	_ = 	snop  }
0x90: {  	s2 =	sld [smem:$0x3FD0];
	(tm) =	ssettm $0x1  }
0x91: {  	s18 =	sld [smem:$0x3FFB];
	_ =	sdelay $0x3  }
0x92: {  	_ =	strace s18  }
0x93: {  	s3 =	sld [smem:$0x3FFC];
	_ =	sdelay $0x3  }
0x94: {  	_ =	strace s3  }
0x95: {  	s3 =	sld [smem:$0x3FFD];
	_ =	sdelay $0x3  }
0x96: {  	_ =	strace s3  }
0x97: {  	_ =	strace $0x8FFFFFFF  }
0x98: {  	s19 =	sld [smem:$0x3FDB];
	_ =	sdelay $0x1  }
0x99: {  	s4 =	simm.s32 $_scs_section_size  }
0x9a: {  	s5 =	simm.s32 $_size__tile_overlayer_lowered;
	s6 =	simm.s32 $_tile_overlayer_lowered  }
0x9b: {  	s22 =	simm.s32 $0x1BFF;
	s21 =	sshll.u32 s6, $0x1;
	s3 =	sadd.s32 s4, s19  }
0x9c: {  	s7 =	simm.s32 $0x0;
	s20 =	sshll.u32 s5, $0x1;
	s5 =	sadd.s32 s21, s3  }
0x9d: {  	[timem:s7], [sflag:s22] =	dma.local [hbm:s5], s20  }
0x9e: {  	_ =	swait.ge [sflag:s22], s20  }
0x9f: {  	s4 =	ssub.s32 $0x0, s20;
	[sflag:s22] =	ssyncset.done $0x0  }
0xa0: {  	[sflag:s22] =	ssyncadd.s32 s4;
	_ =	sdelay $0x1  }
0xa1: {  	s23 =	simm.s32 $0x1B8B  }
0xa2: {  	_ =	swait.ge [sflag:s23], $0x1  }
0xa3: {  	[sflag:s23] =	ssyncset.done $0x0  }
0xa4: {  	s25 =	simm.s32 $0x1B8E;
	s24 =	sld [smem:$0x3FFE];
	[sflag:s23] =	ssyncadd.s32 $0xFFFFFFFF  }
0xa5: {  	s26 =	simm.s32 $execute0_lowered;
	[smem:$0x3FD2] =	sst s25  }
0xa6: {  	s5 =	sshll.u32 s26, $0x1;
	_ =	strace $0x8000004C;
	[dreg:$0x1] =	wrdreg $0xFFFFFFFF  }
0xa7: {  	s28 =	simm.s32 $_size_execute0_lowered;
	s3 =	sadd.s32 s3, s5;
	[dreg:$0x0] =	wrdreg $0x0  }
0xa8: {  	s5 =	sshll.u32 s28, $0x1;
	[dreg:$0x2] =	wrdreg s3  }
0xa9: {  	[dreg:$0x3] =	wrdreg s5  }
0xaa: {  	[dreg:$0x4] =	wrdreg $0xC0  }
0xab: {  	_ =	task [dreg:s7], $0x5FFFF  }
0xac: {  	[dreg:$0x1] =	wrdreg $0xFFFFFFFF  }
0xad: {  	[dreg:$0x0] =	wrdreg $0x60  }
0xae: {  	[dreg:$0x2] =	wrdreg s24  }
0xaf: {  	[dreg:$0x3] =	wrdreg s2  }
0xb0: {  	[dreg:$0x4] =	wrdreg $0xC3000  }
0xb1: {  	[dreg:$0x5] =	wrdreg $0x9  }
0xb2: {  	_ =	task.clear_ibuf [dreg:s7], $0x6FFFF;
	_ =	strace $0x9000004C  }
0xb3: {  	s29 =	simm.s32 $0x9;
	_ =	strace $0x8000004E  }
0xb4: {  	_ =	swait.ge [sflag:s29], $0x1  }
0xb5: {  	[sflag:s29] =	ssyncadd.s32 $0xFFFFFFFF  }
0xb6: {  	_ =	strace $0x9000004E  }
0xb7: {  	_ =	sfence  }
0xb8: {  	s30 =	sld [smem:$0x0];
	_ =	sdelay $0x2  }
0xb9: {  	s31 =	sshll.u32 s1, $0xD;
	s1 =	sshrl.u32 s1, $0x2  }
0xba: {  	s3 =	sand.u32 $0x4000, s31;
	s1 =	sadd.s32 s1, s30  }
0xbb: {  	s0 =	sor.u32 s3, s0;
	s1 =	sshll.u32 s1, $0x11  }
0xbc: {  	s0 =	sor.u32 s1, s0  }
0xbd: {  	s0 =	sadd.s32 $0x8F2B, s0  }
0xbe: {  	[sflag:s0] =	ssyncadd.remote.s32 $0x1  }
0xbf: {  	_ =	sfence.sel $0xFFFF  }
0xc0: {  	[dreg:$0x0] =	wrdreg $0xFFFFFFFF;
	(pc) =	sbr.abs _section_cstart, $3  }
0xc1: {  	[dreg:$0x1] =	wrdreg $0xFFFFFFFF  }
0xc2: {  	_ =	task.clear_ibuf [dreg:s7], $0x2FFFF;
	_ =	strace $0x9FFFFFFF  }
0xc3: {  	(tm) =	ssettm $0x7FFFFFFF  }
tec
execute0_lowered:
.L_overlay_start_1:
0x0: {  	(tag) =	ssettag $0x1  }
0x1: {  	s6 =	rddreg [dreg:$0x0]  }
0x2: {  	s2 =	rddreg [dreg:$0x1];
	s1 =	srdreg.scid  }
0x3: {  	s0 =	stileid.u32;
	s3 =	rddreg [dreg:$0x2]  }
0x4: {  	s4 =	simm.s32 $0x0;
	s16 =	simm.s32 $0x100;
	s17 =	simm.s32 $0x4300  }
0x5: {  	s18 =	simm.s32 $0x0;
	s7 =	sand.u32 $0x1, s1;
	s1 =	rddreg [dreg:$0x3]  }
0x6: {  	s8 =	smul.u32 $0x2780, s0;
	[smem:$0x7FF] =	sst s4;
	s5 =	sadd.s32 $0x123A00, s6  }
0x7: {  	s25 =	sadd.s32 $0x60400, s6;
	s26 =	smul.u32 $0x4F000, s0;
	s11 =	sshll.u32 s0, $0x6  }
0x8: {  	s30 =	ssub.s32 $0x9C4, s0;
	s31 =	ssub.s32 $0x9B4, s0;
	s9 =	smul.u32 $0x27800, s7  }
0x9: {  	_ =	strace $0x8000004D;
	s28 =	ssub.s32 $0x2, s7;
	[dreg:$0x4] =	wrdreg s30  }
0xa: {  	s12 =	sshll.u32 s7, $0x5;
	s7 =	sor.u32 $0x1C04, s11;
	[dreg:$0x5] =	wrdreg s31  }
0xb: {  	s29 =	sshrl.u32 s28, $0x1;
	s13 =	sor.u32 s12, s11;
	s11 =	sadd.s32 s11, s25  }
0xc: {  	s8 =	sadd.s32 s8, s9;
	s14 =	ssub.s32 s28, s29;
	s11 =	sadd.s32 s12, s11  }
0xd: {  	s10 =	sadd.s32 s8, s6;
	s6 =	sshrl.u32 s26, $0x2;
	s11 =	sadd.s32 $0x1000, s11  }
0xe: {  	s15 =	sadd.s32 s6, s3;
	s6 =	sadd.s32 s25, s13;
	s9 =	sadd.s32 $0x171C00, s10  }
0xf: {  	s10 =	smax.u32 s14, $0x1;
	s13 =	simm.s32 $0x4;
	s14 =	simm.s32 $0x80  }
0x10: {  	s8 =	sadd.s32 $0x400, s6;
	s12 =	sshrl.u32 s15, $0x3;
	s15 =	simm.s32 $0x300  }
.LBB2_1:
0x11: {  	[spmem:s12], [sflag:s7] =	dma.local [hbm:s2], $0x2780  }
0x12: {  	_ =	swait.ge [sflag:s13], $0x2780  }
0x13: {  	[sflag:s13] =	ssyncset.done $0x0  }
0x14: {  	[sflag:s13] =	ssyncadd.s32 $0xFFFFD880  }
0x15: {  	[bflag:$0x0] =	sbarrier.arrive $0xFFFF  }
0x16: {  	[tilespmem:s4], [sflag:$0x4] =	stream.linear.gather [hbm4b:s6+s4], $0x100, $0x38;
	[tilespmem:$0x1FF00] =	vst v63  }
0x17: {  	_ =	swait.ge [sflag:s13], $0x100  }
0x18: {  	[sflag:s13] =	ssyncset.done $0x0  }
0x19: {  	[sflag:s13] =	ssyncadd.s32 $0xFFFFFF00  }
0x1a: {  	[tilespmem:s15], [sflag:$0x1] =	stream.indirect.gather [hbm4b:s5+s14], $0x80, s4, s14, $0xb8;
	[tilespmem:$0x1FF00] =	vst v63  }
0x1b: {  	s19 =	sadd.s32 $0x0, s0  }
0x1c: {  	[tilespmem:s16], [sflag:$0x4] =	stream.linear.gather [hbm4b:s8+s4], $0x100, $0x38;
	[tilespmem:$0x1FF00] =	vst v63  }
0x1d: {  	s20 =	sadd.s32 $0x20, s19;
	_ =	swait.ge [sflag:s13], $0x100  }
0x1e: {  	p0 =	sgt.u32 s20, $0x9C3;
	[sflag:s13] =	ssyncset.done $0x0  }
0x1f: {  	s20 =	sadd.s32 @!p0 $0xFFFFF800, s11;
	[sflag:s13] =	ssyncadd.s32 $0xFFFFFF00  }
0x20: {  	[tilespmem:s17], [sflag:$0x2] =	stream.indirect.gather [hbm4b:s5+s14], $0x80, s16, s14, $0xb8;
	[tilespmem:$0x1FF00] =	vst v63  }
0x21: {  	s21 =	simm.s32 @!p0 $0x0;
	s22 =	simm.s32 @!p0 $0x200;
	s23 =	simm.s32 @!p0 $0x5  }
0x22: {  	[tilespmem:s22], [sflag:$0x5] =	stream.linear.gather @!p0 [hbm4b:s20+s21], $0x100, $0x38;
	[tilespmem:$0x1FF00] =	vst v63  }
0x23: {  	_ =	swait.ge @!p0 [sflag:s23], $0x100;
	p0 =	por p0, p0  }
0x24: {  	[sflag:s23] =	ssyncset.done @!p0 $0x0;
	s29 =	rddreg [dreg:$0x4];
	s21 =	simm.s32 @!p0 $0x80  }
0x25: {  	[sflag:s23] =	ssyncadd.s32 @!p0 $0xFFFFFF00;
	s23 =	simm.s32 @!p0 $0x8300;
	p1 =	sle.u32 s29, $0x0  }
0x26: {  	[tilespmem:s23], [sflag:$0x3] =	stream.indirect.gather @!p0 [hbm4b:s5+s21], $0x80, s22, s21, $0xb8;
	[tilespmem:$0x1FF00] =	vst v63  }
0x27: {  	s20 =	simm.s32 @!p1 $0x1  }
0x28: {  	_ =	swait.ge @!p1 [sflag:s20], $0x4000  }
0x29: {  	s22 =	simm.s32 @!p1 $0x5;
	[sflag:s20] =	ssyncset.done @!p1 $0x0  }
0x2a: {  	s24 =	simm.s32 @!p1 $0x300;
	[sflag:s20] =	ssyncadd.s32 @!p1 $0xFFFFC000;
	s20 =	simm.s32 @!p1 $0x80  }
0x2b: {  	[spmem:s3] =	stream.indirect.scatter.add.f32 @!p1 [tilespmem:s24], [sflag:$0x5], $0x80, s20, s20, $0xb8;
	[tilespmem:$0x1FF00] =	vst v63  }
0x2c: {  	s30 =	sadd.s32 $0x30, s19;
	_ =	swait.ge @!p1 [sflag:s22], $0x4000  }
0x2d: {  	p2 =	sgt.u32 s30, $0x9C3;
	[sflag:s22] =	ssyncset.done @!p1 $0x0  }
0x2e: {  	s20 =	sadd.s32 @!p2 $0xFFFFFC00, s11;
	[sflag:s22] =	ssyncadd.s32 @!p1 $0xFFFFC000;
	s22 =	simm.s32 @!p2 $0x0  }
0x2f: {  	[tilespmem:s22], [sflag:$0x5] =	stream.linear.gather @!p2 [hbm4b:s20+s22], $0x100, $0x38;
	[tilespmem:$0x1FF00] =	vst v63  }
0x30: {  	s20 =	simm.s32 @!p2 $0x5  }
0x31: {  	_ =	swait.ge @!p2 [sflag:s20], $0x100  }
0x32: {  	s25 =	simm.s32 @!p2 $0x300;
	[sflag:s20] =	ssyncset.done @!p2 $0x0;
	s31 =	rddreg [dreg:$0x5]  }
0x33: {  	[sflag:s20] =	ssyncadd.s32 @!p2 $0xFFFFFF00;
	s20 =	simm.s32 @!p2 $0x80;
	p1 =	sle.u32 s31, $0x0  }
0x34: {  	[tilespmem:s25], [sflag:$0x1] =	stream.indirect.gather @!p2 [hbm4b:s5+s20], $0x80, s22, s20, $0xb8;
	[tilespmem:$0x1FF00] =	vst v63  }
0x35: {  	s20 =	simm.s32 @!p1 $0x2  }
0x36: {  	s19 =	sadd.s32 $0x40, s19;
	_ =	swait.ge @!p1 [sflag:s20], $0x4000  }
0x37: {  	s22 =	simm.s32 @!p1 $0x4300;
	s24 =	simm.s32 @!p1 $0x80;
	[sflag:s20] =	ssyncset.done @!p1 $0x0  }
0x38: {  	s25 =	simm.s32 @!p1 $0x180;
	[sflag:s20] =	ssyncadd.s32 @!p1 $0xFFFFC000;
	s20 =	simm.s32 @!p1 $0x5  }
0x39: {  	[spmem:s3] =	stream.indirect.scatter.add.f32 @!p1 [tilespmem:s22], [sflag:$0x5], $0x80, s25, s24, $0xb8;
	[tilespmem:$0x1FF00] =	vst v63  }
0x3a: {  	p2 =	sgt.u32 s19, $0x9C3;
	_ =	swait.ge @!p1 [sflag:s20], $0x4000  }
0x3b: {  	s19 =	simm.s32 @!p2 $0x0;
	[sflag:s20] =	ssyncset.done @!p1 $0x0  }
0x3c: {  	s22 =	simm.s32 @!p2 $0x100;
	[sflag:s20] =	ssyncadd.s32 @!p1 $0xFFFFC000;
	s20 =	simm.s32 @!p2 $0x5  }
0x3d: {  	[tilespmem:s22], [sflag:$0x5] =	stream.linear.gather @!p2 [hbm4b:s11+s19], $0x100, $0x38;
	[tilespmem:$0x1FF00] =	vst v63  }
0x3e: {  	_ =	swait.ge @!p2 [sflag:s20], $0x100  }
0x3f: {  	s24 =	simm.s32 @!p2 $0x80;
	[sflag:s20] =	ssyncset.done @!p2 $0x0  }
0x40: {  	s25 =	simm.s32 @!p0 $0x3;
	s19 =	simm.s32 @!p2 $0x4300;
	[sflag:s20] =	ssyncadd.s32 @!p2 $0xFFFFFF00  }
0x41: {  	[tilespmem:s19], [sflag:$0x2] =	stream.indirect.gather @!p2 [hbm4b:s5+s24], $0x80, s22, s24, $0xb8;
	[tilespmem:$0x1FF00] =	vst v63  }
0x42: {  	s28 =	simm.s32 @!p0 $0x4;
	_ =	swait.ge @!p0 [sflag:s25], $0x4000  }
0x43: {  	s20 =	simm.s32 $0x30;
	s19 =	simm.s32 @!p0 $0x280;
	[sflag:s25] =	ssyncset.done @!p0 $0x0  }
0x44: {  	s22 =	simm.s32 $0x60;
	[sflag:s25] =	ssyncadd.s32 @!p0 $0xFFFFC000;
	s25 =	sadd.s32 $0x30, s0  }
0x45: {  	[spmem:s3] =	stream.indirect.scatter.add.f32 @!p0 [tilespmem:s23], [sflag:$0x4], $0x80, s19, s21, $0xb8;
	[tilespmem:$0x1FF00] =	vst v63  }
0x46: {  	s19 =	sadd.s32 $0xC00, s11;
	s26 =	sadd.s32 $0x20, s25;
	s21 =	sadd.s32 $0x40, s25  }
.LBB2_2:
0x47: {  	p2 =	sgt.u32 s26, $0x9C3;
	_ =	swait.ge @!p0 [sflag:s28], $0x4000  }
0x48: {  	s23 =	sadd.s32 @!p2 $0xFFFFF800, s19;
	s24 =	simm.s32 @!p2 $0x0;
	[sflag:s28] =	ssyncset.done @!p0 $0x0  }
0x49: {  	s29 =	simm.s32 @!p2 $0x200;
	s30 =	simm.s32 @!p2 $0x5;
	[sflag:s28] =	ssyncadd.s32 @!p0 $0xFFFFC000  }
0x4a: {  	[tilespmem:s29], [sflag:$0x5] =	stream.linear.gather @!p2 [hbm4b:s23+s24], $0x100, $0x38;
	[tilespmem:$0x1FF00] =	vst v63  }
0x4b: {  	p0 =	por p2, p2;
	_ =	swait.ge @!p2 [sflag:s30], $0x100  }
0x4c: {  	s23 =	simm.s32 @!p0 $0x80;
	[sflag:s30] =	ssyncset.done @!p0 $0x0;
	s28 =	rddreg [dreg:$0x4]  }
0x4d: {  	s24 =	simm.s32 @!p0 $0x8300;
	[sflag:s30] =	ssyncadd.s32 @!p0 $0xFFFFFF00;
	p2 =	sge.u32 s20, s28  }
0x4e: {  	[tilespmem:s24], [sflag:$0x3] =	stream.indirect.gather @!p0 [hbm4b:s5+s23], $0x80, s29, s23, $0xb8;
	[tilespmem:$0x1FF00] =	vst v63  }
0x4f: {  	s28 =	simm.s32 @!p2 $0x1  }
0x50: {  	_ =	swait.ge @!p2 [sflag:s28], $0x4000  }
0x51: {  	s29 =	simm.s32 @!p2 $0x5;
	[sflag:s28] =	ssyncset.done @!p2 $0x0  }
0x52: {  	s30 =	simm.s32 @!p2 $0x300;
	[sflag:s28] =	ssyncadd.s32 @!p2 $0xFFFFC000;
	s28 =	simm.s32 @!p2 $0x80  }
0x53: {  	[spmem:s3] =	stream.indirect.scatter.add.f32 @!p2 [tilespmem:s30], [sflag:$0x5], $0x80, s28, s28, $0xb8;
	[tilespmem:$0x1FF00] =	vst v63  }
0x54: {  	s25 =	sadd.s32 $0x30, s25;
	_ =	swait.ge @!p2 [sflag:s29], $0x4000  }
0x55: {  	p3 =	sgt.u32 s25, $0x9C3;
	[sflag:s29] =	ssyncset.done @!p2 $0x0  }
0x56: {  	s25 =	sadd.s32 @!p3 $0xFFFFFC00, s19;
	s28 =	simm.s32 @!p3 $0x0;
	[sflag:s29] =	ssyncadd.s32 @!p2 $0xFFFFC000  }
0x57: {  	[tilespmem:s28], [sflag:$0x5] =	stream.linear.gather @!p3 [hbm4b:s25+s28], $0x100, $0x38;
	[tilespmem:$0x1FF00] =	vst v63  }
0x58: {  	s25 =	simm.s32 @!p3 $0x5  }
0x59: {  	_ =	swait.ge @!p3 [sflag:s25], $0x100  }
0x5a: {  	s30 =	simm.s32 @!p3 $0x300;
	[sflag:s25] =	ssyncset.done @!p3 $0x0;
	s31 =	rddreg [dreg:$0x5]  }
0x5b: {  	[sflag:s25] =	ssyncadd.s32 @!p3 $0xFFFFFF00;
	s25 =	simm.s32 @!p3 $0x80;
	p2 =	sge.u32 s20, s31  }
0x5c: {  	[tilespmem:s30], [sflag:$0x1] =	stream.indirect.gather @!p3 [hbm4b:s5+s25], $0x80, s28, s25, $0xb8;
	[tilespmem:$0x1FF00] =	vst v63  }
0x5d: {  	s26 =	smov.u32 s22;
	s25 =	simm.s32 @!p2 $0x2  }
0x5e: {  	s20 =	smov.u32 s26;
	_ =	swait.ge @!p2 [sflag:s25], $0x4000  }
0x5f: {  	s26 =	simm.s32 @!p2 $0x4300;
	s28 =	simm.s32 @!p2 $0x80;
	[sflag:s25] =	ssyncset.done @!p2 $0x0  }
0x60: {  	s29 =	simm.s32 @!p2 $0x180;
	[sflag:s25] =	ssyncadd.s32 @!p2 $0xFFFFC000;
	s25 =	simm.s32 @!p2 $0x5  }
0x61: {  	[spmem:s3] =	stream.indirect.scatter.add.f32 @!p2 [tilespmem:s26], [sflag:$0x5], $0x80, s29, s28, $0xb8;
	[tilespmem:$0x1FF00] =	vst v63  }
0x62: {  	p3 =	sgt.u32 s21, $0x9C3;
	_ =	swait.ge @!p2 [sflag:s25], $0x4000  }
0x63: {  	s21 =	simm.s32 @!p3 $0x0;
	[sflag:s25] =	ssyncset.done @!p2 $0x0  }
0x64: {  	s26 =	simm.s32 @!p3 $0x100;
	[sflag:s25] =	ssyncadd.s32 @!p2 $0xFFFFC000;
	s25 =	simm.s32 @!p3 $0x5  }
0x65: {  	[tilespmem:s26], [sflag:$0x5] =	stream.linear.gather @!p3 [hbm4b:s19+s21], $0x100, $0x38;
	[tilespmem:$0x1FF00] =	vst v63  }
0x66: {  	s22 =	sadd.s32 $0x30, s22;
	_ =	swait.ge @!p3 [sflag:s25], $0x100  }
0x67: {  	p1 =	sne.s32 s22, $0x9F0;
	[sflag:s25] =	ssyncset.done @!p3 $0x0  }
0x68: {  	s28 =	simm.s32 @!p3 $0x80;
	s21 =	simm.s32 @!p3 $0x4300;
	[sflag:s25] =	ssyncadd.s32 @!p3 $0xFFFFFF00  }
0x69: {  	[tilespmem:s21], [sflag:$0x2] =	stream.indirect.gather @!p3 [hbm4b:s5+s28], $0x80, s26, s28, $0xb8;
	[tilespmem:$0x1FF00] =	vst v63  }
.Ltmp0:
0x6a: {  	s29 =	simm.s32 @!p0 $0x3;
	(pc) =	sbr.rel @p1 .LBB2_2-.Ltmp0, $4  }
0x6b: {  	s30 =	simm.s32 @!p0 $0x280;
	s19 =	sadd.s32 $0xC00, s19;
	_ =	swait.ge @!p0 [sflag:s29], $0x4000  }
0x6c: {  	s25 =	sadd.s32 s20, s0;
	s28 =	simm.s32 @!p0 $0x4;
	[sflag:s29] =	ssyncset.done @!p0 $0x0  }
0x6d: {  	s26 =	sadd.s32 $0x20, s25;
	s21 =	sadd.s32 $0x40, s25;
	[sflag:s29] =	ssyncadd.s32 @!p0 $0xFFFFC000  }
0x6e: {  	[spmem:s3] =	stream.indirect.scatter.add.f32 @!p0 [tilespmem:s24], [sflag:$0x4], $0x80, s30, s23, $0xb8;
	[tilespmem:$0x1FF00] =	vst v63  }
0x6f: {  	p1 =	sgt.u32 s26, $0x9C3;
	_ =	swait.ge @!p0 [sflag:s28], $0x4000  }
0x70: {  	s22 =	sadd.s32 @!p1 $0xFFFFF800, s19;
	s23 =	simm.s32 @!p1 $0x0;
	[sflag:s28] =	ssyncset.done @!p0 $0x0  }
0x71: {  	s24 =	simm.s32 @!p1 $0x200;
	s26 =	simm.s32 @!p1 $0x5;
	[sflag:s28] =	ssyncadd.s32 @!p0 $0xFFFFC000  }
0x72: {  	[tilespmem:s24], [sflag:$0x5] =	stream.linear.gather @!p1 [hbm4b:s22+s23], $0x100, $0x38;
	[tilespmem:$0x1FF00] =	vst v63  }
0x73: {  	p0 =	por p1, p1;
	_ =	swait.ge @!p1 [sflag:s26], $0x100  }
0x74: {  	s23 =	simm.s32 @!p0 $0x80;
	[sflag:s26] =	ssyncset.done @!p0 $0x0;
	s29 =	rddreg [dreg:$0x4]  }
0x75: {  	[sflag:s26] =	ssyncadd.s32 @!p0 $0xFFFFFF00;
	s26 =	simm.s32 @!p0 $0x8300;
	p1 =	sge.u32 s20, s29  }
0x76: {  	[tilespmem:s26], [sflag:$0x3] =	stream.indirect.gather @!p0 [hbm4b:s5+s23], $0x80, s24, s23, $0xb8;
	[tilespmem:$0x1FF00] =	vst v63  }
0x77: {  	s22 =	simm.s32 @!p1 $0x1  }
0x78: {  	_ =	swait.ge @!p1 [sflag:s22], $0x4000  }
0x79: {  	s24 =	simm.s32 @!p1 $0x5;
	[sflag:s22] =	ssyncset.done @!p1 $0x0  }
0x7a: {  	s28 =	simm.s32 @!p1 $0x300;
	[sflag:s22] =	ssyncadd.s32 @!p1 $0xFFFFC000;
	s22 =	simm.s32 @!p1 $0x80  }
0x7b: {  	[spmem:s3] =	stream.indirect.scatter.add.f32 @!p1 [tilespmem:s28], [sflag:$0x5], $0x80, s22, s22, $0xb8;
	[tilespmem:$0x1FF00] =	vst v63  }
0x7c: {  	s30 =	sadd.s32 $0x30, s25;
	_ =	swait.ge @!p1 [sflag:s24], $0x4000  }
0x7d: {  	p2 =	sgt.u32 s30, $0x9C3;
	[sflag:s24] =	ssyncset.done @!p1 $0x0  }
0x7e: {  	s22 =	sadd.s32 @!p2 $0xFFFFFC00, s19;
	[sflag:s24] =	ssyncadd.s32 @!p1 $0xFFFFC000;
	s24 =	simm.s32 @!p2 $0x0  }
0x7f: {  	[tilespmem:s24], [sflag:$0x5] =	stream.linear.gather @!p2 [hbm4b:s22+s24], $0x100, $0x38;
	[tilespmem:$0x1FF00] =	vst v63  }
0x80: {  	s22 =	simm.s32 @!p2 $0x5  }
0x81: {  	_ =	swait.ge @!p2 [sflag:s22], $0x100  }
0x82: {  	s28 =	simm.s32 @!p2 $0x300;
	[sflag:s22] =	ssyncset.done @!p2 $0x0;
	s31 =	rddreg [dreg:$0x5]  }
0x83: {  	[sflag:s22] =	ssyncadd.s32 @!p2 $0xFFFFFF00;
	s22 =	simm.s32 @!p2 $0x80;
	p1 =	sge.u32 s20, s31  }
0x84: {  	[tilespmem:s28], [sflag:$0x1] =	stream.indirect.gather @!p2 [hbm4b:s5+s22], $0x80, s24, s22, $0xb8;
	[tilespmem:$0x1FF00] =	vst v63  }
0x85: {  	s20 =	simm.s32 @!p1 $0x2  }
0x86: {  	_ =	swait.ge @!p1 [sflag:s20], $0x4000  }
0x87: {  	s22 =	simm.s32 @!p1 $0x4300;
	s24 =	simm.s32 @!p1 $0x80;
	[sflag:s20] =	ssyncset.done @!p1 $0x0  }
0x88: {  	s25 =	simm.s32 @!p1 $0x180;
	[sflag:s20] =	ssyncadd.s32 @!p1 $0xFFFFC000;
	s20 =	simm.s32 @!p1 $0x5  }
0x89: {  	[spmem:s3] =	stream.indirect.scatter.add.f32 @!p1 [tilespmem:s22], [sflag:$0x5], $0x80, s25, s24, $0xb8;
	[tilespmem:$0x1FF00] =	vst v63  }
0x8a: {  	p2 =	sgt.u32 s21, $0x9C3;
	_ =	swait.ge @!p1 [sflag:s20], $0x4000  }
0x8b: {  	s21 =	simm.s32 @!p2 $0x0;
	[sflag:s20] =	ssyncset.done @!p1 $0x0  }
0x8c: {  	s22 =	simm.s32 @!p2 $0x100;
	[sflag:s20] =	ssyncadd.s32 @!p1 $0xFFFFC000;
	s20 =	simm.s32 @!p2 $0x5  }
0x8d: {  	[tilespmem:s22], [sflag:$0x5] =	stream.linear.gather @!p2 [hbm4b:s19+s21], $0x100, $0x38;
	[tilespmem:$0x1FF00] =	vst v63  }
0x8e: {  	_ =	swait.ge @!p2 [sflag:s20], $0x100  }
0x8f: {  	s24 =	simm.s32 @!p0 $0x3;
	[sflag:s20] =	ssyncset.done @!p2 $0x0  }
0x90: {  	s19 =	simm.s32 @!p2 $0x4300;
	s21 =	simm.s32 @!p2 $0x80;
	[sflag:s20] =	ssyncadd.s32 @!p2 $0xFFFFFF00  }
0x91: {  	[tilespmem:s19], [sflag:$0x2] =	stream.indirect.gather @!p2 [hbm4b:s5+s21], $0x80, s22, s21, $0xb8;
	[tilespmem:$0x1FF00] =	vst v63  }
0x92: {  	_ =	swait.ge @!p0 [sflag:s24], $0x4000  }
0x93: {  	[sflag:s24] =	ssyncset.done @!p0 $0x0  }
0x94: {  	s20 =	simm.s32 @!p0 $0x4;
	s19 =	simm.s32 @!p0 $0x280;
	[sflag:s24] =	ssyncadd.s32 @!p0 $0xFFFFC000  }
0x95: {  	[spmem:s3] =	stream.indirect.scatter.add.f32 @!p0 [tilespmem:s26], [sflag:$0x4], $0x80, s19, s23, $0xb8;
	[tilespmem:$0x1FF00] =	vst v63  }
0x96: {  	_ =	swait.ge @!p0 [sflag:s20], $0x4000  }
0x97: {  	s18 =	sadd.s32 $0x1, s18;
	[sflag:s20] =	ssyncset.done @!p0 $0x0  }
0x98: {  	[sflag:s20] =	ssyncadd.s32 @!p0 $0xFFFFC000;
	p0 =	sne.s32 s18, s10  }
.Ltmp1:
0x99: {  	[bflag:$0x0] =	sbarrier.arrive $0xFFFF;
	(pc) =	sbr.rel @p0 .LBB2_1-.Ltmp1, $4  }
0x9a: {  	[hbm:s9], [sflag:s7] =	dma.local [spmem:s12], $0x2780  }
0x9b: {  	_ =	swait.ge [sflag:s13], $0x2780  }
0x9c: {  	[sflag:s13] =	ssyncset.done $0x0  }
0x9d: {  	[sflag:s13] =	ssyncadd.s32 $0xFFFFD880  }
0x9e: {  	_ =	sfence.sel $0x180000  }
0x9f: {  	[bflag:$0x0] =	sbarrier.arrive $0xFFFF  }
0xa0: {  	p0 =	sne.s32 s0, $0x0;
	_ =	strace $0x9000004D  }
0xa1: {  	s0 =	sadd.s32 @!p0 $0x100000, s1;
	[bflag:$0x2] =	sbarrier.arrive $0xFFFF  }
0xa2: {  	[sflag:s0] =	ssyncadd.tile.s32 @!p0 $0x1;
	_ =	shalt  }
.Lfunc_end2:
_tile_overlayer_lowered:
.L_overlay_start_2:
0xa3: {  	(tag) =	ssettag $0x2  }
0xa4: {  	s0 =	rddreg [dreg:$0x0];
	s2 =	stileid.u32  }
0xa5: {  	s1 =	rddreg [dreg:$0x1];
	p0 =	sne.s32 s2, $0x0  }
0xa6: {  	s3 =	rddreg [dreg:$0x2];
	[bflag:$0x3] =	sbarrier.arrive $0xFFFF;
	s2 =	simm.s32 @!p0 $0x1C04  }
0xa7: {  	[timem:s3], [sflag:s2] =	dma.local @!p0 [hbm:s0], s1  }
0xa8: {  	s0 =	simm.s32 @!p0 $0x4  }
0xa9: {  	_ =	swait.ge @!p0 [sflag:s0], s1  }
0xaa: {  	s1 =	ssub.s32 @!p0 $0x0, s1;
	[sflag:s0] =	ssyncset.done @!p0 $0x0  }
0xab: {  	[sflag:s0] =	ssyncadd.s32 @!p0 s1  }
0xac: {  	[bflag:$0x3] =	sbarrier.arrive $0xFFFF  }
0xad: {  	_ =	shalt  }

// kernel: kernel.25.cloned.1.call-start
scs
__scs_entry_jumppad:
0x0: {  	(pc) =	sbr.rel $0x88, $3  }
0x1: {  	(tag) =	ssettag $0x0;
	lr =	simm.s32 $0x1  }
0x2: {  	[smem:$0x3F96] =	sst lr;
	_ =	strace $0xD0000000  }
0x3: {  	_ = 	snop  }
0x4: {  	_ = 	snop  }
0x5: {  	_ = 	snop  }
0x6: {  	_ = 	snop  }
0x7: {  	_ = 	snop  }
__scs_overlays_trampoline_lowered:
0x8: {  	[smem:$0x3FA5] =	sst s0  }
0x9: {  	[smem:$0x3FA6] =	sst s1  }
0xa: {  	[smem:$0x3FA7] =	sst s2  }
0xb: {  	[smem:$0x3FA8] =	sst s3  }
0xc: {  	[smem:$0x3FA9] =	sst s4  }
0xd: {  	[smem:$0x3FAA] =	sst s5  }
0xe: {  	[smem:$0x3FAB] =	sst s6  }
0xf: {  	[smem:$0x3FAC] =	sst s7  }
0x10: {  	[smem:$0x3FAD] =	sst s8  }
0x11: {  	[smem:$0x3FAE] =	sst s9;
	s0 =	simm.s32 @!p0 $0x0  }
0x12: {  	s1 =	sld [smem:$0x3F94];
	s0 =	simm.s32 @p0 $0x1  }
0x13: {  	[smem:$0x3FAF] =	sst s0;
	s0 =	simm.s32 @!p1 $0x0  }
0x14: {  	s2 =	sld [smem:$0x3F93];
	s0 =	simm.s32 @p1 $0x1  }
0x15: {  	[smem:$0x3FB0] =	sst s0;
	s0 =	simm.s32 @!p2 $0x0  }
0x16: {  	s3 =	sld [smem:$0x3FDB];
	s0 =	simm.s32 @p2 $0x1  }
0x17: {  	s4 =	simm.s32 $0x1BF5;
	[smem:$0x3FB2] =	sst s0  }
0x18: {  	s0 =	sld [smem:$0x3F95];
	_ =	swait.ge [sflag:s4], $0x0  }
0x19: {  	s7 =	sld [smem:$0x3F96]  }
0x1a: {  	s8 =	sadd.s32 $0xFFFFE003, lr  }
0x1b: {  	s9 =	sadd.s32 $0xFFFFFEF7, lr;
	s5 =	simm.s32 $0xFFFFFFFF;
	p2 =	slt.u32 s8, $0xFFFFF086  }
0x1c: {  	p1 =	slt.u32 s9, $0xF7A;
	s5 =	simm.s32 @!p2 $0x0  }
0x1d: {  	s5 =	simm.s32 @p1 $0x1;
	p0 =	seq.s32 s7, s2  }
0x1e: {  	s7 =	smul.u32 @!p0 $0xF7A, s2;
	p2 =	seq.s32 @!p0 s5, $0x0  }
0x1f: {  	s9 =	smul.u32 $0xF7A, s1;
	s8 =	simm.s32 @!p0 $0x1BF5;
	p2 =	por !p2, p0  }
0x20: {  	[sflag:s8] =	ssyncset.s32 @!p0 $0xFFFFF086;
	s6 =	sadd.s32 @!p0 s3, s7;
	s7 =	simm.s32 @!p0 $0x108  }
0x21: {  	s3 =	sadd.s32 s3, s9;
	s6 =	sadd.s32 @!p0 $0x88, s6;
	s7 =	simm.s32 @p2 $0x1082  }
0x22: {  	[simem:s7], [sflag:s8] =	dma.local @!p0 [hbm:s6], $0xF7A  }
0x23: {  	s9 =	sor.u32 $0xD0000000, s2;
	s6 =	simm.s32 $0x108;
	_ =	swait.ge @!p0 [sflag:s8], $0x0  }
0x24: {  	s3 =	sadd.s32 $0x88, s3;
	s6 =	simm.s32 @!p1 $0x1082;
	[sflag:s4] =	ssyncset.s32 $0xFFFFF086  }
0x25: {  	[simem:s6], [sflag:s4] =	dma.local [hbm:s3], $0xF7A  }
0x26: {  	[smem:$0x3F96] =	sst s1;
	(tag) =	ssettag s2;
	_ =	strace s9  }
0x27: {  	s1 =	sld [smem:$0x3FA6]  }
0x28: {  	s2 =	sld [smem:$0x3FA7]  }
0x29: {  	s4 =	sld [smem:$0x3FA9]  }
0x2a: {  	p0 =	seq.s32 s5, $0x0;
	s5 =	sld [smem:$0x3FAA]  }
0x2b: {  	s6 =	sld [smem:$0x3FAB]  }
0x2c: {  	s7 =	sld [smem:$0x3FAC]  }
0x2d: {  	s3 =	simm.s32 $0x108;
	s8 =	sld [smem:$0x3FAD]  }
0x2e: {  	s3 =	simm.s32 @!p0 $0x1082;
	s9 =	sld [smem:$0x3FAE]  }
0x2f: {  	lr =	sadd.s32 s0, s3;
	s0 =	sld [smem:$0x3FA5]  }
0x30: {  	s3 =	sld [smem:$0x3FA8]  }
0x31: {  	[smem:$0x3FB1] =	sst s10  }
0x32: {  	s10 =	sld [smem:$0x3FAF];
	_ =	sdelay $0x3  }
0x33: {  	p0 =	seq.s32 s10, $0x1;
	s10 =	sld [smem:$0x3FB1];
	_ =	sdelay $0x3  }
0x34: {  	[smem:$0x3FB1] =	sst s10  }
0x35: {  	s10 =	sld [smem:$0x3FB0];
	_ =	sdelay $0x3  }
0x36: {  	p1 =	seq.s32 s10, $0x1;
	s10 =	sld [smem:$0x3FB1];
	_ =	sdelay $0x3  }
0x37: {  	[smem:$0x3FB1] =	sst s10  }
0x38: {  	s10 =	sld [smem:$0x3FB2]  }
0x39: {  	_ = 	snop;
	(pc) =	sbr.ind lr, $3  }
0x3a: {  	_ = 	snop  }
0x3b: {  	_ = 	snop  }
0x3c: {  	p2 =	seq.s32 s10, $0x1;
	s10 =	sld [smem:$0x3FB1]  }
0x3d: {  	_ =	shalt  }
0x3e: {  	_ =	shalt  }
0x3f: {  	_ =	shalt  }
0x40: {  	_ =	shalt  }
0x41: {  	_ =	shalt  }
0x42: {  	_ =	shalt  }
0x43: {  	_ =	shalt  }
0x44: {  	_ =	shalt  }
0x45: {  	_ =	shalt  }
0x46: {  	_ =	shalt  }
0x47: {  	_ =	shalt  }
0x48: {  	_ =	shalt  }
0x49: {  	_ =	shalt  }
0x4a: {  	_ =	shalt  }
0x4b: {  	_ =	shalt  }
0x4c: {  	_ =	shalt  }
0x4d: {  	_ =	shalt  }
0x4e: {  	_ =	shalt  }
0x4f: {  	_ =	shalt  }
0x50: {  	_ =	shalt  }
0x51: {  	_ =	shalt  }
0x52: {  	_ =	shalt  }
0x53: {  	_ =	shalt  }
0x54: {  	_ =	shalt  }
0x55: {  	_ =	shalt  }
0x56: {  	_ =	shalt  }
0x57: {  	_ =	shalt  }
0x58: {  	_ =	shalt  }
0x59: {  	_ =	shalt  }
0x5a: {  	_ =	shalt  }
0x5b: {  	_ =	shalt  }
0x5c: {  	_ =	shalt  }
0x5d: {  	_ =	shalt  }
0x5e: {  	_ =	shalt  }
0x5f: {  	_ =	shalt  }
0x60: {  	_ =	shalt  }
0x61: {  	_ =	shalt  }
0x62: {  	_ =	shalt  }
0x63: {  	_ =	shalt  }
0x64: {  	_ =	shalt  }
0x65: {  	_ =	shalt  }
0x66: {  	_ =	shalt  }
0x67: {  	_ =	shalt  }
0x68: {  	_ =	shalt  }
0x69: {  	_ =	shalt  }
0x6a: {  	_ =	shalt  }
0x6b: {  	_ =	shalt  }
0x6c: {  	_ =	shalt  }
0x6d: {  	_ =	shalt  }
0x6e: {  	_ =	shalt  }
0x6f: {  	_ =	shalt  }
0x70: {  	_ =	shalt  }
0x71: {  	_ =	shalt  }
0x72: {  	_ =	shalt  }
0x73: {  	_ =	shalt  }
0x74: {  	_ =	shalt  }
0x75: {  	_ =	shalt  }
0x76: {  	_ =	shalt  }
0x77: {  	_ =	shalt  }
0x78: {  	_ =	shalt  }
0x79: {  	_ =	shalt  }
0x7a: {  	_ =	shalt  }
0x7b: {  	_ =	shalt  }
0x7c: {  	_ =	shalt  }
0x7d: {  	_ =	shalt  }
0x7e: {  	_ =	shalt  }
0x7f: {  	_ =	shalt  }
0x80: {  	_ =	shalt  }
0x81: {  	_ =	shalt  }
0x82: {  	_ =	shalt  }
0x83: {  	_ =	shalt  }
0x84: {  	_ =	shalt  }
0x85: {  	_ =	shalt  }
0x86: {  	_ =	shalt  }
0x87: {  	_ =	shalt  }
.Lfunc_end0:
.L_simem_size_0:
called_computation.3_lowered:
.L_overlay_start_0:
0x88: {  	s2 =	sld [smem:$0x3FD9]  }
0x89: {  	s3 =	sld [smem:$0x3FFE];
	_ =	sdelay $0x1  }
0x8a: {  	s1 =	srdreg.scid  }
0x8b: {  	s0 =	sand.u32 $0x1, s1  }
0x8c: {  	s17 =	sshll.u32 s0, $0xA;
	s2 =	sadd.s32 s3, s2  }
0x8d: {  	s2 =	sadd.s32 s2, s17  }
0x8e: {  	[smem:$0x3FBD] =	sst s2  }
0x8f: {  	_ = 	snop  }
0x90: {  	s2 =	sld [smem:$0x3FD0];
	(tm) =	ssettm $0x1  }
0x91: {  	s18 =	sld [smem:$0x3FFB];
	_ =	sdelay $0x3  }
0x92: {  	_ =	strace s18  }
0x93: {  	s3 =	sld [smem:$0x3FFC];
	_ =	sdelay $0x3  }
0x94: {  	_ =	strace s3  }
0x95: {  	s3 =	sld [smem:$0x3FFD];
	_ =	sdelay $0x3  }
0x96: {  	_ =	strace s3  }
0x97: {  	_ =	strace $0x8FFFFFFF  }
0x98: {  	s19 =	sld [smem:$0x3FDB];
	_ =	sdelay $0x1  }
0x99: {  	s4 =	simm.s32 $_scs_section_size  }
0x9a: {  	s5 =	simm.s32 $_size__tile_overlayer_lowered;
	s6 =	simm.s32 $_tile_overlayer_lowered  }
0x9b: {  	s22 =	simm.s32 $0x1BFF;
	s21 =	sshll.u32 s6, $0x1;
	s3 =	sadd.s32 s4, s19  }
0x9c: {  	s7 =	simm.s32 $0x0;
	s20 =	sshll.u32 s5, $0x1;
	s5 =	sadd.s32 s21, s3  }
0x9d: {  	[timem:s7], [sflag:s22] =	dma.local [hbm:s5], s20  }
0x9e: {  	_ =	swait.ge [sflag:s22], s20  }
0x9f: {  	s4 =	ssub.s32 $0x0, s20;
	[sflag:s22] =	ssyncset.done $0x0  }
0xa0: {  	[sflag:s22] =	ssyncadd.s32 s4;
	_ =	sdelay $0x1  }
0xa1: {  	s23 =	simm.s32 $0x1B8B  }
0xa2: {  	_ =	swait.ge [sflag:s23], $0x1  }
0xa3: {  	[sflag:s23] =	ssyncset.done $0x0  }
0xa4: {  	s25 =	simm.s32 $0x1B8E;
	s24 =	sld [smem:$0x3FFE];
	[sflag:s23] =	ssyncadd.s32 $0xFFFFFFFF  }
0xa5: {  	s26 =	simm.s32 $execute0_lowered;
	[smem:$0x3FD2] =	sst s25  }
0xa6: {  	s5 =	sshll.u32 s26, $0x1;
	_ =	strace $0x8000004F;
	[dreg:$0x1] =	wrdreg $0xFFFFFFFF  }
0xa7: {  	s28 =	simm.s32 $_size_execute0_lowered;
	s3 =	sadd.s32 s3, s5;
	[dreg:$0x0] =	wrdreg $0x0  }
0xa8: {  	s5 =	sshll.u32 s28, $0x1;
	[dreg:$0x2] =	wrdreg s3  }
0xa9: {  	[dreg:$0x3] =	wrdreg s5  }
0xaa: {  	[dreg:$0x4] =	wrdreg $0xC0  }
0xab: {  	_ =	task [dreg:s7], $0x5FFFF  }
0xac: {  	[dreg:$0x1] =	wrdreg $0xFFFFFFFF  }
0xad: {  	[dreg:$0x0] =	wrdreg $0x60  }
0xae: {  	[dreg:$0x2] =	wrdreg s24  }
0xaf: {  	[dreg:$0x3] =	wrdreg s2  }
0xb0: {  	[dreg:$0x4] =	wrdreg $0xC3000  }
0xb1: {  	[dreg:$0x5] =	wrdreg $0x9  }
0xb2: {  	_ =	task.clear_ibuf [dreg:s7], $0x6FFFF;
	_ =	strace $0x9000004F  }
0xb3: {  	s29 =	simm.s32 $0x9;
	_ =	strace $0x80000051  }
0xb4: {  	_ =	swait.ge [sflag:s29], $0x1  }
0xb5: {  	[sflag:s29] =	ssyncadd.s32 $0xFFFFFFFF  }
0xb6: {  	_ =	strace $0x90000051  }
0xb7: {  	_ =	sfence  }
0xb8: {  	s30 =	sld [smem:$0x0];
	_ =	sdelay $0x2  }
0xb9: {  	s31 =	sshll.u32 s1, $0xD;
	s1 =	sshrl.u32 s1, $0x2  }
0xba: {  	s3 =	sand.u32 $0x4000, s31;
	s1 =	sadd.s32 s1, s30  }
0xbb: {  	s0 =	sor.u32 s3, s0;
	s1 =	sshll.u32 s1, $0x11  }
0xbc: {  	s0 =	sor.u32 s1, s0  }
0xbd: {  	s0 =	sadd.s32 $0x8F2B, s0  }
0xbe: {  	[sflag:s0] =	ssyncadd.remote.s32 $0x1  }
0xbf: {  	_ =	sfence.sel $0xFFFF  }
0xc0: {  	[dreg:$0x0] =	wrdreg $0xFFFFFFFF;
	(pc) =	sbr.abs _section_cstart, $3  }
0xc1: {  	[dreg:$0x1] =	wrdreg $0xFFFFFFFF  }
0xc2: {  	_ =	task.clear_ibuf [dreg:s7], $0x2FFFF;
	_ =	strace $0x9FFFFFFF  }
0xc3: {  	(tm) =	ssettm $0x7FFFFFFF  }
tec
execute0_lowered:
.L_overlay_start_1:
0x0: {  	(tag) =	ssettag $0x1  }
0x1: {  	s6 =	rddreg [dreg:$0x0]  }
0x2: {  	s2 =	rddreg [dreg:$0x1];
	s1 =	srdreg.scid  }
0x3: {  	s0 =	stileid.u32;
	s3 =	rddreg [dreg:$0x2]  }
0x4: {  	s4 =	simm.s32 $0x0;
	s16 =	simm.s32 $0x100;
	s17 =	simm.s32 $0x4300  }
0x5: {  	s18 =	simm.s32 $0x0;
	s7 =	sand.u32 $0x1, s1;
	s1 =	rddreg [dreg:$0x3]  }
0x6: {  	s8 =	smul.u32 $0x2780, s0;
	[smem:$0x7FF] =	sst s4;
	s5 =	sadd.s32 $0x123A00, s6  }
0x7: {  	s25 =	sadd.s32 $0x60400, s6;
	s26 =	smul.u32 $0x4F000, s0;
	s11 =	sshll.u32 s0, $0x6  }
0x8: {  	s30 =	ssub.s32 $0x9C4, s0;
	s31 =	ssub.s32 $0x9B4, s0;
	s9 =	smul.u32 $0x27800, s7  }
0x9: {  	_ =	strace $0x80000050;
	s28 =	ssub.s32 $0x2, s7;
	[dreg:$0x4] =	wrdreg s30  }
0xa: {  	s12 =	sshll.u32 s7, $0x5;
	s7 =	sor.u32 $0x1C04, s11;
	[dreg:$0x5] =	wrdreg s31  }
0xb: {  	s29 =	sshrl.u32 s28, $0x1;
	s13 =	sor.u32 s12, s11;
	s11 =	sadd.s32 s11, s25  }
0xc: {  	s8 =	sadd.s32 s8, s9;
	s14 =	ssub.s32 s28, s29;
	s11 =	sadd.s32 s12, s11  }
0xd: {  	s10 =	sadd.s32 s8, s6;
	s6 =	sshrl.u32 s26, $0x2;
	s11 =	sadd.s32 $0x1000, s11  }
0xe: {  	s15 =	sadd.s32 s6, s3;
	s6 =	sadd.s32 s25, s13;
	s9 =	sadd.s32 $0x171C00, s10  }
0xf: {  	s10 =	smax.u32 s14, $0x1;
	s13 =	simm.s32 $0x4;
	s14 =	simm.s32 $0x80  }
0x10: {  	s8 =	sadd.s32 $0x400, s6;
	s12 =	sshrl.u32 s15, $0x3;
	s15 =	simm.s32 $0x300  }
.LBB2_1:
0x11: {  	[spmem:s12], [sflag:s7] =	dma.local [hbm:s2], $0x2780  }
0x12: {  	_ =	swait.ge [sflag:s13], $0x2780  }
0x13: {  	[sflag:s13] =	ssyncset.done $0x0  }
0x14: {  	[sflag:s13] =	ssyncadd.s32 $0xFFFFD880  }
0x15: {  	[bflag:$0x0] =	sbarrier.arrive $0xFFFF  }
0x16: {  	[tilespmem:s4], [sflag:$0x4] =	stream.linear.gather [hbm4b:s6+s4], $0x100, $0x38;
	[tilespmem:$0x1FF00] =	vst v63  }
0x17: {  	_ =	swait.ge [sflag:s13], $0x100  }
0x18: {  	[sflag:s13] =	ssyncset.done $0x0  }
0x19: {  	[sflag:s13] =	ssyncadd.s32 $0xFFFFFF00  }
0x1a: {  	[tilespmem:s15], [sflag:$0x1] =	stream.indirect.gather [hbm4b:s5+s14], $0x80, s4, s14, $0xb8;
	[tilespmem:$0x1FF00] =	vst v63  }
0x1b: {  	s19 =	sadd.s32 $0x0, s0  }
0x1c: {  	[tilespmem:s16], [sflag:$0x4] =	stream.linear.gather [hbm4b:s8+s4], $0x100, $0x38;
	[tilespmem:$0x1FF00] =	vst v63  }
0x1d: {  	s20 =	sadd.s32 $0x20, s19;
	_ =	swait.ge [sflag:s13], $0x100  }
0x1e: {  	p0 =	sgt.u32 s20, $0x9C3;
	[sflag:s13] =	ssyncset.done $0x0  }
0x1f: {  	s20 =	sadd.s32 @!p0 $0xFFFFF800, s11;
	[sflag:s13] =	ssyncadd.s32 $0xFFFFFF00  }
0x20: {  	[tilespmem:s17], [sflag:$0x2] =	stream.indirect.gather [hbm4b:s5+s14], $0x80, s16, s14, $0xb8;
	[tilespmem:$0x1FF00] =	vst v63  }
0x21: {  	s21 =	simm.s32 @!p0 $0x0;
	s22 =	simm.s32 @!p0 $0x200;
	s23 =	simm.s32 @!p0 $0x5  }
0x22: {  	[tilespmem:s22], [sflag:$0x5] =	stream.linear.gather @!p0 [hbm4b:s20+s21], $0x100, $0x38;
	[tilespmem:$0x1FF00] =	vst v63  }
0x23: {  	_ =	swait.ge @!p0 [sflag:s23], $0x100;
	p0 =	por p0, p0  }
0x24: {  	[sflag:s23] =	ssyncset.done @!p0 $0x0;
	s29 =	rddreg [dreg:$0x4];
	s21 =	simm.s32 @!p0 $0x80  }
0x25: {  	[sflag:s23] =	ssyncadd.s32 @!p0 $0xFFFFFF00;
	s23 =	simm.s32 @!p0 $0x8300;
	p1 =	sle.u32 s29, $0x0  }
0x26: {  	[tilespmem:s23], [sflag:$0x3] =	stream.indirect.gather @!p0 [hbm4b:s5+s21], $0x80, s22, s21, $0xb8;
	[tilespmem:$0x1FF00] =	vst v63  }
0x27: {  	s20 =	simm.s32 @!p1 $0x1  }
0x28: {  	_ =	swait.ge @!p1 [sflag:s20], $0x4000  }
0x29: {  	s22 =	simm.s32 @!p1 $0x5;
	[sflag:s20] =	ssyncset.done @!p1 $0x0  }
0x2a: {  	s24 =	simm.s32 @!p1 $0x300;
	[sflag:s20] =	ssyncadd.s32 @!p1 $0xFFFFC000;
	s20 =	simm.s32 @!p1 $0x80  }
0x2b: {  	[spmem:s3] =	stream.indirect.scatter.add.f32 @!p1 [tilespmem:s24], [sflag:$0x5], $0x80, s20, s20, $0xb8;
	[tilespmem:$0x1FF00] =	vst v63  }
0x2c: {  	s30 =	sadd.s32 $0x30, s19;
	_ =	swait.ge @!p1 [sflag:s22], $0x4000  }
0x2d: {  	p2 =	sgt.u32 s30, $0x9C3;
	[sflag:s22] =	ssyncset.done @!p1 $0x0  }
0x2e: {  	s20 =	sadd.s32 @!p2 $0xFFFFFC00, s11;
	[sflag:s22] =	ssyncadd.s32 @!p1 $0xFFFFC000;
	s22 =	simm.s32 @!p2 $0x0  }
0x2f: {  	[tilespmem:s22], [sflag:$0x5] =	stream.linear.gather @!p2 [hbm4b:s20+s22], $0x100, $0x38;
	[tilespmem:$0x1FF00] =	vst v63  }
0x30: {  	s20 =	simm.s32 @!p2 $0x5  }
0x31: {  	_ =	swait.ge @!p2 [sflag:s20], $0x100  }
0x32: {  	s25 =	simm.s32 @!p2 $0x300;
	[sflag:s20] =	ssyncset.done @!p2 $0x0;
	s31 =	rddreg [dreg:$0x5]  }
0x33: {  	[sflag:s20] =	ssyncadd.s32 @!p2 $0xFFFFFF00;
	s20 =	simm.s32 @!p2 $0x80;
	p1 =	sle.u32 s31, $0x0  }
0x34: {  	[tilespmem:s25], [sflag:$0x1] =	stream.indirect.gather @!p2 [hbm4b:s5+s20], $0x80, s22, s20, $0xb8;
	[tilespmem:$0x1FF00] =	vst v63  }
0x35: {  	s20 =	simm.s32 @!p1 $0x2  }
0x36: {  	s19 =	sadd.s32 $0x40, s19;
	_ =	swait.ge @!p1 [sflag:s20], $0x4000  }
0x37: {  	s22 =	simm.s32 @!p1 $0x4300;
	s24 =	simm.s32 @!p1 $0x80;
	[sflag:s20] =	ssyncset.done @!p1 $0x0  }
0x38: {  	s25 =	simm.s32 @!p1 $0x180;
	[sflag:s20] =	ssyncadd.s32 @!p1 $0xFFFFC000;
	s20 =	simm.s32 @!p1 $0x5  }
0x39: {  	[spmem:s3] =	stream.indirect.scatter.add.f32 @!p1 [tilespmem:s22], [sflag:$0x5], $0x80, s25, s24, $0xb8;
	[tilespmem:$0x1FF00] =	vst v63  }
0x3a: {  	p2 =	sgt.u32 s19, $0x9C3;
	_ =	swait.ge @!p1 [sflag:s20], $0x4000  }
0x3b: {  	s19 =	simm.s32 @!p2 $0x0;
	[sflag:s20] =	ssyncset.done @!p1 $0x0  }
0x3c: {  	s22 =	simm.s32 @!p2 $0x100;
	[sflag:s20] =	ssyncadd.s32 @!p1 $0xFFFFC000;
	s20 =	simm.s32 @!p2 $0x5  }
0x3d: {  	[tilespmem:s22], [sflag:$0x5] =	stream.linear.gather @!p2 [hbm4b:s11+s19], $0x100, $0x38;
	[tilespmem:$0x1FF00] =	vst v63  }
0x3e: {  	_ =	swait.ge @!p2 [sflag:s20], $0x100  }
0x3f: {  	s24 =	simm.s32 @!p2 $0x80;
	[sflag:s20] =	ssyncset.done @!p2 $0x0  }
0x40: {  	s25 =	simm.s32 @!p0 $0x3;
	s19 =	simm.s32 @!p2 $0x4300;
	[sflag:s20] =	ssyncadd.s32 @!p2 $0xFFFFFF00  }
0x41: {  	[tilespmem:s19], [sflag:$0x2] =	stream.indirect.gather @!p2 [hbm4b:s5+s24], $0x80, s22, s24, $0xb8;
	[tilespmem:$0x1FF00] =	vst v63  }
0x42: {  	s28 =	simm.s32 @!p0 $0x4;
	_ =	swait.ge @!p0 [sflag:s25], $0x4000  }
0x43: {  	s20 =	simm.s32 $0x30;
	s19 =	simm.s32 @!p0 $0x280;
	[sflag:s25] =	ssyncset.done @!p0 $0x0  }
0x44: {  	s22 =	simm.s32 $0x60;
	[sflag:s25] =	ssyncadd.s32 @!p0 $0xFFFFC000;
	s25 =	sadd.s32 $0x30, s0  }
0x45: {  	[spmem:s3] =	stream.indirect.scatter.add.f32 @!p0 [tilespmem:s23], [sflag:$0x4], $0x80, s19, s21, $0xb8;
	[tilespmem:$0x1FF00] =	vst v63  }
0x46: {  	s19 =	sadd.s32 $0xC00, s11;
	s26 =	sadd.s32 $0x20, s25;
	s21 =	sadd.s32 $0x40, s25  }
.LBB2_2:
0x47: {  	p2 =	sgt.u32 s26, $0x9C3;
	_ =	swait.ge @!p0 [sflag:s28], $0x4000  }
0x48: {  	s23 =	sadd.s32 @!p2 $0xFFFFF800, s19;
	s24 =	simm.s32 @!p2 $0x0;
	[sflag:s28] =	ssyncset.done @!p0 $0x0  }
0x49: {  	s29 =	simm.s32 @!p2 $0x200;
	s30 =	simm.s32 @!p2 $0x5;
	[sflag:s28] =	ssyncadd.s32 @!p0 $0xFFFFC000  }
0x4a: {  	[tilespmem:s29], [sflag:$0x5] =	stream.linear.gather @!p2 [hbm4b:s23+s24], $0x100, $0x38;
	[tilespmem:$0x1FF00] =	vst v63  }
0x4b: {  	p0 =	por p2, p2;
	_ =	swait.ge @!p2 [sflag:s30], $0x100  }
0x4c: {  	s23 =	simm.s32 @!p0 $0x80;
	[sflag:s30] =	ssyncset.done @!p0 $0x0;
	s28 =	rddreg [dreg:$0x4]  }
0x4d: {  	s24 =	simm.s32 @!p0 $0x8300;
	[sflag:s30] =	ssyncadd.s32 @!p0 $0xFFFFFF00;
	p2 =	sge.u32 s20, s28  }
0x4e: {  	[tilespmem:s24], [sflag:$0x3] =	stream.indirect.gather @!p0 [hbm4b:s5+s23], $0x80, s29, s23, $0xb8;
	[tilespmem:$0x1FF00] =	vst v63  }
0x4f: {  	s28 =	simm.s32 @!p2 $0x1  }
0x50: {  	_ =	swait.ge @!p2 [sflag:s28], $0x4000  }
0x51: {  	s29 =	simm.s32 @!p2 $0x5;
	[sflag:s28] =	ssyncset.done @!p2 $0x0  }
0x52: {  	s30 =	simm.s32 @!p2 $0x300;
	[sflag:s28] =	ssyncadd.s32 @!p2 $0xFFFFC000;
	s28 =	simm.s32 @!p2 $0x80  }
0x53: {  	[spmem:s3] =	stream.indirect.scatter.add.f32 @!p2 [tilespmem:s30], [sflag:$0x5], $0x80, s28, s28, $0xb8;
	[tilespmem:$0x1FF00] =	vst v63  }
0x54: {  	s25 =	sadd.s32 $0x30, s25;
	_ =	swait.ge @!p2 [sflag:s29], $0x4000  }
0x55: {  	p3 =	sgt.u32 s25, $0x9C3;
	[sflag:s29] =	ssyncset.done @!p2 $0x0  }
0x56: {  	s25 =	sadd.s32 @!p3 $0xFFFFFC00, s19;
	s28 =	simm.s32 @!p3 $0x0;
	[sflag:s29] =	ssyncadd.s32 @!p2 $0xFFFFC000  }
0x57: {  	[tilespmem:s28], [sflag:$0x5] =	stream.linear.gather @!p3 [hbm4b:s25+s28], $0x100, $0x38;
	[tilespmem:$0x1FF00] =	vst v63  }
0x58: {  	s25 =	simm.s32 @!p3 $0x5  }
0x59: {  	_ =	swait.ge @!p3 [sflag:s25], $0x100  }
0x5a: {  	s30 =	simm.s32 @!p3 $0x300;
	[sflag:s25] =	ssyncset.done @!p3 $0x0;
	s31 =	rddreg [dreg:$0x5]  }
0x5b: {  	[sflag:s25] =	ssyncadd.s32 @!p3 $0xFFFFFF00;
	s25 =	simm.s32 @!p3 $0x80;
	p2 =	sge.u32 s20, s31  }
0x5c: {  	[tilespmem:s30], [sflag:$0x1] =	stream.indirect.gather @!p3 [hbm4b:s5+s25], $0x80, s28, s25, $0xb8;
	[tilespmem:$0x1FF00] =	vst v63  }
0x5d: {  	s26 =	smov.u32 s22;
	s25 =	simm.s32 @!p2 $0x2  }
0x5e: {  	s20 =	smov.u32 s26;
	_ =	swait.ge @!p2 [sflag:s25], $0x4000  }
0x5f: {  	s26 =	simm.s32 @!p2 $0x4300;
	s28 =	simm.s32 @!p2 $0x80;
	[sflag:s25] =	ssyncset.done @!p2 $0x0  }
0x60: {  	s29 =	simm.s32 @!p2 $0x180;
	[sflag:s25] =	ssyncadd.s32 @!p2 $0xFFFFC000;
	s25 =	simm.s32 @!p2 $0x5  }
0x61: {  	[spmem:s3] =	stream.indirect.scatter.add.f32 @!p2 [tilespmem:s26], [sflag:$0x5], $0x80, s29, s28, $0xb8;
	[tilespmem:$0x1FF00] =	vst v63  }
0x62: {  	p3 =	sgt.u32 s21, $0x9C3;
	_ =	swait.ge @!p2 [sflag:s25], $0x4000  }
0x63: {  	s21 =	simm.s32 @!p3 $0x0;
	[sflag:s25] =	ssyncset.done @!p2 $0x0  }
0x64: {  	s26 =	simm.s32 @!p3 $0x100;
	[sflag:s25] =	ssyncadd.s32 @!p2 $0xFFFFC000;
	s25 =	simm.s32 @!p3 $0x5  }
0x65: {  	[tilespmem:s26], [sflag:$0x5] =	stream.linear.gather @!p3 [hbm4b:s19+s21], $0x100, $0x38;
	[tilespmem:$0x1FF00] =	vst v63  }
0x66: {  	s22 =	sadd.s32 $0x30, s22;
	_ =	swait.ge @!p3 [sflag:s25], $0x100  }
0x67: {  	p1 =	sne.s32 s22, $0x9F0;
	[sflag:s25] =	ssyncset.done @!p3 $0x0  }
0x68: {  	s28 =	simm.s32 @!p3 $0x80;
	s21 =	simm.s32 @!p3 $0x4300;
	[sflag:s25] =	ssyncadd.s32 @!p3 $0xFFFFFF00  }
0x69: {  	[tilespmem:s21], [sflag:$0x2] =	stream.indirect.gather @!p3 [hbm4b:s5+s28], $0x80, s26, s28, $0xb8;
	[tilespmem:$0x1FF00] =	vst v63  }
.Ltmp0:
0x6a: {  	s29 =	simm.s32 @!p0 $0x3;
	(pc) =	sbr.rel @p1 .LBB2_2-.Ltmp0, $4  }
0x6b: {  	s30 =	simm.s32 @!p0 $0x280;
	s19 =	sadd.s32 $0xC00, s19;
	_ =	swait.ge @!p0 [sflag:s29], $0x4000  }
0x6c: {  	s25 =	sadd.s32 s20, s0;
	s28 =	simm.s32 @!p0 $0x4;
	[sflag:s29] =	ssyncset.done @!p0 $0x0  }
0x6d: {  	s26 =	sadd.s32 $0x20, s25;
	s21 =	sadd.s32 $0x40, s25;
	[sflag:s29] =	ssyncadd.s32 @!p0 $0xFFFFC000  }
0x6e: {  	[spmem:s3] =	stream.indirect.scatter.add.f32 @!p0 [tilespmem:s24], [sflag:$0x4], $0x80, s30, s23, $0xb8;
	[tilespmem:$0x1FF00] =	vst v63  }
0x6f: {  	p1 =	sgt.u32 s26, $0x9C3;
	_ =	swait.ge @!p0 [sflag:s28], $0x4000  }
0x70: {  	s22 =	sadd.s32 @!p1 $0xFFFFF800, s19;
	s23 =	simm.s32 @!p1 $0x0;
	[sflag:s28] =	ssyncset.done @!p0 $0x0  }
0x71: {  	s24 =	simm.s32 @!p1 $0x200;
	s26 =	simm.s32 @!p1 $0x5;
	[sflag:s28] =	ssyncadd.s32 @!p0 $0xFFFFC000  }
0x72: {  	[tilespmem:s24], [sflag:$0x5] =	stream.linear.gather @!p1 [hbm4b:s22+s23], $0x100, $0x38;
	[tilespmem:$0x1FF00] =	vst v63  }
0x73: {  	p0 =	por p1, p1;
	_ =	swait.ge @!p1 [sflag:s26], $0x100  }
0x74: {  	s23 =	simm.s32 @!p0 $0x80;
	[sflag:s26] =	ssyncset.done @!p0 $0x0;
	s29 =	rddreg [dreg:$0x4]  }
0x75: {  	[sflag:s26] =	ssyncadd.s32 @!p0 $0xFFFFFF00;
	s26 =	simm.s32 @!p0 $0x8300;
	p1 =	sge.u32 s20, s29  }
0x76: {  	[tilespmem:s26], [sflag:$0x3] =	stream.indirect.gather @!p0 [hbm4b:s5+s23], $0x80, s24, s23, $0xb8;
	[tilespmem:$0x1FF00] =	vst v63  }
0x77: {  	s22 =	simm.s32 @!p1 $0x1  }
0x78: {  	_ =	swait.ge @!p1 [sflag:s22], $0x4000  }
0x79: {  	s24 =	simm.s32 @!p1 $0x5;
	[sflag:s22] =	ssyncset.done @!p1 $0x0  }
0x7a: {  	s28 =	simm.s32 @!p1 $0x300;
	[sflag:s22] =	ssyncadd.s32 @!p1 $0xFFFFC000;
	s22 =	simm.s32 @!p1 $0x80  }
0x7b: {  	[spmem:s3] =	stream.indirect.scatter.add.f32 @!p1 [tilespmem:s28], [sflag:$0x5], $0x80, s22, s22, $0xb8;
	[tilespmem:$0x1FF00] =	vst v63  }
0x7c: {  	s30 =	sadd.s32 $0x30, s25;
	_ =	swait.ge @!p1 [sflag:s24], $0x4000  }
0x7d: {  	p2 =	sgt.u32 s30, $0x9C3;
	[sflag:s24] =	ssyncset.done @!p1 $0x0  }
0x7e: {  	s22 =	sadd.s32 @!p2 $0xFFFFFC00, s19;
	[sflag:s24] =	ssyncadd.s32 @!p1 $0xFFFFC000;
	s24 =	simm.s32 @!p2 $0x0  }
0x7f: {  	[tilespmem:s24], [sflag:$0x5] =	stream.linear.gather @!p2 [hbm4b:s22+s24], $0x100, $0x38;
	[tilespmem:$0x1FF00] =	vst v63  }
0x80: {  	s22 =	simm.s32 @!p2 $0x5  }
0x81: {  	_ =	swait.ge @!p2 [sflag:s22], $0x100  }
0x82: {  	s28 =	simm.s32 @!p2 $0x300;
	[sflag:s22] =	ssyncset.done @!p2 $0x0;
	s31 =	rddreg [dreg:$0x5]  }
0x83: {  	[sflag:s22] =	ssyncadd.s32 @!p2 $0xFFFFFF00;
	s22 =	simm.s32 @!p2 $0x80;
	p1 =	sge.u32 s20, s31  }
0x84: {  	[tilespmem:s28], [sflag:$0x1] =	stream.indirect.gather @!p2 [hbm4b:s5+s22], $0x80, s24, s22, $0xb8;
	[tilespmem:$0x1FF00] =	vst v63  }
0x85: {  	s20 =	simm.s32 @!p1 $0x2  }
0x86: {  	_ =	swait.ge @!p1 [sflag:s20], $0x4000  }
0x87: {  	s22 =	simm.s32 @!p1 $0x4300;
	s24 =	simm.s32 @!p1 $0x80;
	[sflag:s20] =	ssyncset.done @!p1 $0x0  }
0x88: {  	s25 =	simm.s32 @!p1 $0x180;
	[sflag:s20] =	ssyncadd.s32 @!p1 $0xFFFFC000;
	s20 =	simm.s32 @!p1 $0x5  }
0x89: {  	[spmem:s3] =	stream.indirect.scatter.add.f32 @!p1 [tilespmem:s22], [sflag:$0x5], $0x80, s25, s24, $0xb8;
	[tilespmem:$0x1FF00] =	vst v63  }
0x8a: {  	p2 =	sgt.u32 s21, $0x9C3;
	_ =	swait.ge @!p1 [sflag:s20], $0x4000  }
0x8b: {  	s21 =	simm.s32 @!p2 $0x0;
	[sflag:s20] =	ssyncset.done @!p1 $0x0  }
0x8c: {  	s22 =	simm.s32 @!p2 $0x100;
	[sflag:s20] =	ssyncadd.s32 @!p1 $0xFFFFC000;
	s20 =	simm.s32 @!p2 $0x5  }
0x8d: {  	[tilespmem:s22], [sflag:$0x5] =	stream.linear.gather @!p2 [hbm4b:s19+s21], $0x100, $0x38;
	[tilespmem:$0x1FF00] =	vst v63  }
0x8e: {  	_ =	swait.ge @!p2 [sflag:s20], $0x100  }
0x8f: {  	s24 =	simm.s32 @!p0 $0x3;
	[sflag:s20] =	ssyncset.done @!p2 $0x0  }
0x90: {  	s19 =	simm.s32 @!p2 $0x4300;
	s21 =	simm.s32 @!p2 $0x80;
	[sflag:s20] =	ssyncadd.s32 @!p2 $0xFFFFFF00  }
0x91: {  	[tilespmem:s19], [sflag:$0x2] =	stream.indirect.gather @!p2 [hbm4b:s5+s21], $0x80, s22, s21, $0xb8;
	[tilespmem:$0x1FF00] =	vst v63  }
0x92: {  	_ =	swait.ge @!p0 [sflag:s24], $0x4000  }
0x93: {  	[sflag:s24] =	ssyncset.done @!p0 $0x0  }
0x94: {  	s20 =	simm.s32 @!p0 $0x4;
	s19 =	simm.s32 @!p0 $0x280;
	[sflag:s24] =	ssyncadd.s32 @!p0 $0xFFFFC000  }
0x95: {  	[spmem:s3] =	stream.indirect.scatter.add.f32 @!p0 [tilespmem:s26], [sflag:$0x4], $0x80, s19, s23, $0xb8;
	[tilespmem:$0x1FF00] =	vst v63  }
0x96: {  	_ =	swait.ge @!p0 [sflag:s20], $0x4000  }
0x97: {  	s18 =	sadd.s32 $0x1, s18;
	[sflag:s20] =	ssyncset.done @!p0 $0x0  }
0x98: {  	[sflag:s20] =	ssyncadd.s32 @!p0 $0xFFFFC000;
	p0 =	sne.s32 s18, s10  }
.Ltmp1:
0x99: {  	[bflag:$0x0] =	sbarrier.arrive $0xFFFF;
	(pc) =	sbr.rel @p0 .LBB2_1-.Ltmp1, $4  }
0x9a: {  	[hbm:s9], [sflag:s7] =	dma.local [spmem:s12], $0x2780  }
0x9b: {  	_ =	swait.ge [sflag:s13], $0x2780  }
0x9c: {  	[sflag:s13] =	ssyncset.done $0x0  }
0x9d: {  	[sflag:s13] =	ssyncadd.s32 $0xFFFFD880  }
0x9e: {  	_ =	sfence.sel $0x180000  }
0x9f: {  	[bflag:$0x0] =	sbarrier.arrive $0xFFFF  }
0xa0: {  	p0 =	sne.s32 s0, $0x0;
	_ =	strace $0x90000050  }
0xa1: {  	s0 =	sadd.s32 @!p0 $0x100000, s1;
	[bflag:$0x2] =	sbarrier.arrive $0xFFFF  }
0xa2: {  	[sflag:s0] =	ssyncadd.tile.s32 @!p0 $0x1;
	_ =	shalt  }
.Lfunc_end2:
_tile_overlayer_lowered:
.L_overlay_start_2:
0xa3: {  	(tag) =	ssettag $0x2  }
0xa4: {  	s0 =	rddreg [dreg:$0x0];
	s2 =	stileid.u32  }
0xa5: {  	s1 =	rddreg [dreg:$0x1];
	p0 =	sne.s32 s2, $0x0  }
0xa6: {  	s3 =	rddreg [dreg:$0x2];
	[bflag:$0x3] =	sbarrier.arrive $0xFFFF;
	s2 =	simm.s32 @!p0 $0x1C04  }
0xa7: {  	[timem:s3], [sflag:s2] =	dma.local @!p0 [hbm:s0], s1  }
0xa8: {  	s0 =	simm.s32 @!p0 $0x4  }
0xa9: {  	_ =	swait.ge @!p0 [sflag:s0], s1  }
0xaa: {  	s1 =	ssub.s32 @!p0 $0x0, s1;
	[sflag:s0] =	ssyncset.done @!p0 $0x0  }
0xab: {  	[sflag:s0] =	ssyncadd.s32 @!p0 s1  }
0xac: {  	[bflag:$0x3] =	sbarrier.arrive $0xFFFF  }
0xad: {  	_ =	shalt  }

// kernel: kernel.28.cloned.1.call-start
scs
__scs_entry_jumppad:
0x0: {  	(pc) =	sbr.rel $0x88, $3  }
0x1: {  	(tag) =	ssettag $0x0;
	lr =	simm.s32 $0x1  }
0x2: {  	[smem:$0x3F96] =	sst lr;
	_ =	strace $0xD0000000  }
0x3: {  	_ = 	snop  }
0x4: {  	_ = 	snop  }
0x5: {  	_ = 	snop  }
0x6: {  	_ = 	snop  }
0x7: {  	_ = 	snop  }
__scs_overlays_trampoline_lowered:
0x8: {  	[smem:$0x3FA5] =	sst s0  }
0x9: {  	[smem:$0x3FA6] =	sst s1  }
0xa: {  	[smem:$0x3FA7] =	sst s2  }
0xb: {  	[smem:$0x3FA8] =	sst s3  }
0xc: {  	[smem:$0x3FA9] =	sst s4  }
0xd: {  	[smem:$0x3FAA] =	sst s5  }
0xe: {  	[smem:$0x3FAB] =	sst s6  }
0xf: {  	[smem:$0x3FAC] =	sst s7  }
0x10: {  	[smem:$0x3FAD] =	sst s8  }
0x11: {  	[smem:$0x3FAE] =	sst s9;
	s0 =	simm.s32 @!p0 $0x0  }
0x12: {  	s1 =	sld [smem:$0x3F94];
	s0 =	simm.s32 @p0 $0x1  }
0x13: {  	[smem:$0x3FAF] =	sst s0;
	s0 =	simm.s32 @!p1 $0x0  }
0x14: {  	s2 =	sld [smem:$0x3F93];
	s0 =	simm.s32 @p1 $0x1  }
0x15: {  	[smem:$0x3FB0] =	sst s0;
	s0 =	simm.s32 @!p2 $0x0  }
0x16: {  	s3 =	sld [smem:$0x3FDB];
	s0 =	simm.s32 @p2 $0x1  }
0x17: {  	s4 =	simm.s32 $0x1BF5;
	[smem:$0x3FB2] =	sst s0  }
0x18: {  	s0 =	sld [smem:$0x3F95];
	_ =	swait.ge [sflag:s4], $0x0  }
0x19: {  	s7 =	sld [smem:$0x3F96]  }
0x1a: {  	s8 =	sadd.s32 $0xFFFFE003, lr  }
0x1b: {  	s9 =	sadd.s32 $0xFFFFFEF7, lr;
	s5 =	simm.s32 $0xFFFFFFFF;
	p2 =	slt.u32 s8, $0xFFFFF086  }
0x1c: {  	p1 =	slt.u32 s9, $0xF7A;
	s5 =	simm.s32 @!p2 $0x0  }
0x1d: {  	s5 =	simm.s32 @p1 $0x1;
	p0 =	seq.s32 s7, s2  }
0x1e: {  	s7 =	smul.u32 @!p0 $0xF7A, s2;
	p2 =	seq.s32 @!p0 s5, $0x0  }
0x1f: {  	s9 =	smul.u32 $0xF7A, s1;
	s8 =	simm.s32 @!p0 $0x1BF5;
	p2 =	por !p2, p0  }
0x20: {  	[sflag:s8] =	ssyncset.s32 @!p0 $0xFFFFF086;
	s6 =	sadd.s32 @!p0 s3, s7;
	s7 =	simm.s32 @!p0 $0x108  }
0x21: {  	s3 =	sadd.s32 s3, s9;
	s6 =	sadd.s32 @!p0 $0x88, s6;
	s7 =	simm.s32 @p2 $0x1082  }
0x22: {  	[simem:s7], [sflag:s8] =	dma.local @!p0 [hbm:s6], $0xF7A  }
0x23: {  	s9 =	sor.u32 $0xD0000000, s2;
	s6 =	simm.s32 $0x108;
	_ =	swait.ge @!p0 [sflag:s8], $0x0  }
0x24: {  	s3 =	sadd.s32 $0x88, s3;
	s6 =	simm.s32 @!p1 $0x1082;
	[sflag:s4] =	ssyncset.s32 $0xFFFFF086  }
0x25: {  	[simem:s6], [sflag:s4] =	dma.local [hbm:s3], $0xF7A  }
0x26: {  	[smem:$0x3F96] =	sst s1;
	(tag) =	ssettag s2;
	_ =	strace s9  }
0x27: {  	s1 =	sld [smem:$0x3FA6]  }
0x28: {  	s2 =	sld [smem:$0x3FA7]  }
0x29: {  	s4 =	sld [smem:$0x3FA9]  }
0x2a: {  	p0 =	seq.s32 s5, $0x0;
	s5 =	sld [smem:$0x3FAA]  }
0x2b: {  	s6 =	sld [smem:$0x3FAB]  }
0x2c: {  	s7 =	sld [smem:$0x3FAC]  }
0x2d: {  	s3 =	simm.s32 $0x108;
	s8 =	sld [smem:$0x3FAD]  }
0x2e: {  	s3 =	simm.s32 @!p0 $0x1082;
	s9 =	sld [smem:$0x3FAE]  }
0x2f: {  	lr =	sadd.s32 s0, s3;
	s0 =	sld [smem:$0x3FA5]  }
0x30: {  	s3 =	sld [smem:$0x3FA8]  }
0x31: {  	[smem:$0x3FB1] =	sst s10  }
0x32: {  	s10 =	sld [smem:$0x3FAF];
	_ =	sdelay $0x3  }
0x33: {  	p0 =	seq.s32 s10, $0x1;
	s10 =	sld [smem:$0x3FB1];
	_ =	sdelay $0x3  }
0x34: {  	[smem:$0x3FB1] =	sst s10  }
0x35: {  	s10 =	sld [smem:$0x3FB0];
	_ =	sdelay $0x3  }
0x36: {  	p1 =	seq.s32 s10, $0x1;
	s10 =	sld [smem:$0x3FB1];
	_ =	sdelay $0x3  }
0x37: {  	[smem:$0x3FB1] =	sst s10  }
0x38: {  	s10 =	sld [smem:$0x3FB2]  }
0x39: {  	_ = 	snop;
	(pc) =	sbr.ind lr, $3  }
0x3a: {  	_ = 	snop  }
0x3b: {  	_ = 	snop  }
0x3c: {  	p2 =	seq.s32 s10, $0x1;
	s10 =	sld [smem:$0x3FB1]  }
0x3d: {  	_ =	shalt  }
0x3e: {  	_ =	shalt  }
0x3f: {  	_ =	shalt  }
0x40: {  	_ =	shalt  }
0x41: {  	_ =	shalt  }
0x42: {  	_ =	shalt  }
0x43: {  	_ =	shalt  }
0x44: {  	_ =	shalt  }
0x45: {  	_ =	shalt  }
0x46: {  	_ =	shalt  }
0x47: {  	_ =	shalt  }
0x48: {  	_ =	shalt  }
0x49: {  	_ =	shalt  }
0x4a: {  	_ =	shalt  }
0x4b: {  	_ =	shalt  }
0x4c: {  	_ =	shalt  }
0x4d: {  	_ =	shalt  }
0x4e: {  	_ =	shalt  }
0x4f: {  	_ =	shalt  }
0x50: {  	_ =	shalt  }
0x51: {  	_ =	shalt  }
0x52: {  	_ =	shalt  }
0x53: {  	_ =	shalt  }
0x54: {  	_ =	shalt  }
0x55: {  	_ =	shalt  }
0x56: {  	_ =	shalt  }
0x57: {  	_ =	shalt  }
0x58: {  	_ =	shalt  }
0x59: {  	_ =	shalt  }
0x5a: {  	_ =	shalt  }
0x5b: {  	_ =	shalt  }
0x5c: {  	_ =	shalt  }
0x5d: {  	_ =	shalt  }
0x5e: {  	_ =	shalt  }
0x5f: {  	_ =	shalt  }
0x60: {  	_ =	shalt  }
0x61: {  	_ =	shalt  }
0x62: {  	_ =	shalt  }
0x63: {  	_ =	shalt  }
0x64: {  	_ =	shalt  }
0x65: {  	_ =	shalt  }
0x66: {  	_ =	shalt  }
0x67: {  	_ =	shalt  }
0x68: {  	_ =	shalt  }
0x69: {  	_ =	shalt  }
0x6a: {  	_ =	shalt  }
0x6b: {  	_ =	shalt  }
0x6c: {  	_ =	shalt  }
0x6d: {  	_ =	shalt  }
0x6e: {  	_ =	shalt  }
0x6f: {  	_ =	shalt  }
0x70: {  	_ =	shalt  }
0x71: {  	_ =	shalt  }
0x72: {  	_ =	shalt  }
0x73: {  	_ =	shalt  }
0x74: {  	_ =	shalt  }
0x75: {  	_ =	shalt  }
0x76: {  	_ =	shalt  }
0x77: {  	_ =	shalt  }
0x78: {  	_ =	shalt  }
0x79: {  	_ =	shalt  }
0x7a: {  	_ =	shalt  }
0x7b: {  	_ =	shalt  }
0x7c: {  	_ =	shalt  }
0x7d: {  	_ =	shalt  }
0x7e: {  	_ =	shalt  }
0x7f: {  	_ =	shalt  }
0x80: {  	_ =	shalt  }
0x81: {  	_ =	shalt  }
0x82: {  	_ =	shalt  }
0x83: {  	_ =	shalt  }
0x84: {  	_ =	shalt  }
0x85: {  	_ =	shalt  }
0x86: {  	_ =	shalt  }
0x87: {  	_ =	shalt  }
.Lfunc_end0:
.L_simem_size_0:
called_computation.4_lowered:
.L_overlay_start_0:
0x88: {  	s2 =	sld [smem:$0x3FD9]  }
0x89: {  	s3 =	sld [smem:$0x3FFE];
	_ =	sdelay $0x1  }
0x8a: {  	s1 =	srdreg.scid  }
0x8b: {  	s0 =	sand.u32 $0x1, s1  }
0x8c: {  	s17 =	sshll.u32 s0, $0xA;
	s2 =	sadd.s32 s3, s2  }
0x8d: {  	s2 =	sadd.s32 s2, s17  }
0x8e: {  	[smem:$0x3FBD] =	sst s2  }
0x8f: {  	_ = 	snop  }
0x90: {  	s2 =	sld [smem:$0x3FD0];
	(tm) =	ssettm $0x1  }
0x91: {  	s18 =	sld [smem:$0x3FFB];
	_ =	sdelay $0x3  }
0x92: {  	_ =	strace s18  }
0x93: {  	s3 =	sld [smem:$0x3FFC];
	_ =	sdelay $0x3  }
0x94: {  	_ =	strace s3  }
0x95: {  	s3 =	sld [smem:$0x3FFD];
	_ =	sdelay $0x3  }
0x96: {  	_ =	strace s3  }
0x97: {  	_ =	strace $0x8FFFFFFF  }
0x98: {  	s19 =	sld [smem:$0x3FDB];
	_ =	sdelay $0x1  }
0x99: {  	s4 =	simm.s32 $_scs_section_size  }
0x9a: {  	s5 =	simm.s32 $_size__tile_overlayer_lowered;
	s6 =	simm.s32 $_tile_overlayer_lowered  }
0x9b: {  	s22 =	simm.s32 $0x1BFF;
	s21 =	sshll.u32 s6, $0x1;
	s3 =	sadd.s32 s4, s19  }
0x9c: {  	s7 =	simm.s32 $0x0;
	s20 =	sshll.u32 s5, $0x1;
	s5 =	sadd.s32 s21, s3  }
0x9d: {  	[timem:s7], [sflag:s22] =	dma.local [hbm:s5], s20  }
0x9e: {  	_ =	swait.ge [sflag:s22], s20  }
0x9f: {  	s4 =	ssub.s32 $0x0, s20;
	[sflag:s22] =	ssyncset.done $0x0  }
0xa0: {  	[sflag:s22] =	ssyncadd.s32 s4;
	_ =	sdelay $0x1  }
0xa1: {  	s23 =	simm.s32 $0x1B8B  }
0xa2: {  	_ =	swait.ge [sflag:s23], $0x1  }
0xa3: {  	[sflag:s23] =	ssyncset.done $0x0  }
0xa4: {  	s25 =	simm.s32 $0x1B8E;
	s24 =	sld [smem:$0x3FFE];
	[sflag:s23] =	ssyncadd.s32 $0xFFFFFFFF  }
0xa5: {  	s26 =	simm.s32 $execute0_lowered;
	[smem:$0x3FD2] =	sst s25  }
0xa6: {  	s5 =	sshll.u32 s26, $0x1;
	_ =	strace $0x80000052;
	[dreg:$0x1] =	wrdreg $0xFFFFFFFF  }
0xa7: {  	s28 =	simm.s32 $_size_execute0_lowered;
	s3 =	sadd.s32 s3, s5;
	[dreg:$0x0] =	wrdreg $0x0  }
0xa8: {  	s5 =	sshll.u32 s28, $0x1;
	[dreg:$0x2] =	wrdreg s3  }
0xa9: {  	[dreg:$0x3] =	wrdreg s5  }
0xaa: {  	[dreg:$0x4] =	wrdreg $0xC0  }
0xab: {  	_ =	task [dreg:s7], $0x5FFFF  }
0xac: {  	[dreg:$0x1] =	wrdreg $0xFFFFFFFF  }
0xad: {  	[dreg:$0x0] =	wrdreg $0x60  }
0xae: {  	[dreg:$0x2] =	wrdreg s24  }
0xaf: {  	[dreg:$0x3] =	wrdreg s2  }
0xb0: {  	[dreg:$0x4] =	wrdreg $0xC3000  }
0xb1: {  	[dreg:$0x5] =	wrdreg $0x9  }
0xb2: {  	_ =	task.clear_ibuf [dreg:s7], $0x6FFFF;
	_ =	strace $0x90000052  }
0xb3: {  	s29 =	simm.s32 $0x9;
	_ =	strace $0x80000054  }
0xb4: {  	_ =	swait.ge [sflag:s29], $0x1  }
0xb5: {  	[sflag:s29] =	ssyncadd.s32 $0xFFFFFFFF  }
0xb6: {  	_ =	strace $0x90000054  }
0xb7: {  	_ =	sfence  }
0xb8: {  	s30 =	sld [smem:$0x0];
	_ =	sdelay $0x2  }
0xb9: {  	s31 =	sshll.u32 s1, $0xD;
	s1 =	sshrl.u32 s1, $0x2  }
0xba: {  	s3 =	sand.u32 $0x4000, s31;
	s1 =	sadd.s32 s1, s30  }
0xbb: {  	s0 =	sor.u32 s3, s0;
	s1 =	sshll.u32 s1, $0x11  }
0xbc: {  	s0 =	sor.u32 s1, s0  }
0xbd: {  	s0 =	sadd.s32 $0x8F2B, s0  }
0xbe: {  	[sflag:s0] =	ssyncadd.remote.s32 $0x1  }
0xbf: {  	_ =	sfence.sel $0xFFFF  }
0xc0: {  	[dreg:$0x0] =	wrdreg $0xFFFFFFFF;
	(pc) =	sbr.abs _section_cstart, $3  }
0xc1: {  	[dreg:$0x1] =	wrdreg $0xFFFFFFFF  }
0xc2: {  	_ =	task.clear_ibuf [dreg:s7], $0x2FFFF;
	_ =	strace $0x9FFFFFFF  }
0xc3: {  	(tm) =	ssettm $0x7FFFFFFF  }
tec
execute0_lowered:
.L_overlay_start_1:
0x0: {  	(tag) =	ssettag $0x1  }
0x1: {  	s6 =	rddreg [dreg:$0x0]  }
0x2: {  	s2 =	rddreg [dreg:$0x1];
	s1 =	srdreg.scid  }
0x3: {  	s0 =	stileid.u32;
	s3 =	rddreg [dreg:$0x2]  }
0x4: {  	s4 =	simm.s32 $0x0;
	s16 =	simm.s32 $0x100;
	s17 =	simm.s32 $0x4300  }
0x5: {  	s18 =	simm.s32 $0x0;
	s7 =	sand.u32 $0x1, s1;
	s1 =	rddreg [dreg:$0x3]  }
0x6: {  	s8 =	smul.u32 $0x2780, s0;
	[smem:$0x7FF] =	sst s4;
	s5 =	sadd.s32 $0x123A00, s6  }
0x7: {  	s25 =	sadd.s32 $0x60400, s6;
	s26 =	smul.u32 $0x4F000, s0;
	s11 =	sshll.u32 s0, $0x6  }
0x8: {  	s30 =	ssub.s32 $0x9C4, s0;
	s31 =	ssub.s32 $0x9B4, s0;
	s9 =	smul.u32 $0x27800, s7  }
0x9: {  	_ =	strace $0x80000053;
	s28 =	ssub.s32 $0x2, s7;
	[dreg:$0x4] =	wrdreg s30  }
0xa: {  	s12 =	sshll.u32 s7, $0x5;
	s7 =	sor.u32 $0x1C04, s11;
	[dreg:$0x5] =	wrdreg s31  }
0xb: {  	s29 =	sshrl.u32 s28, $0x1;
	s13 =	sor.u32 s12, s11;
	s11 =	sadd.s32 s11, s25  }
0xc: {  	s8 =	sadd.s32 s8, s9;
	s14 =	ssub.s32 s28, s29;
	s11 =	sadd.s32 s12, s11  }
0xd: {  	s10 =	sadd.s32 s8, s6;
	s6 =	sshrl.u32 s26, $0x2;
	s11 =	sadd.s32 $0x1000, s11  }
0xe: {  	s15 =	sadd.s32 s6, s3;
	s6 =	sadd.s32 s25, s13;
	s9 =	sadd.s32 $0x171C00, s10  }
0xf: {  	s10 =	smax.u32 s14, $0x1;
	s13 =	simm.s32 $0x4;
	s14 =	simm.s32 $0x80  }
0x10: {  	s8 =	sadd.s32 $0x400, s6;
	s12 =	sshrl.u32 s15, $0x3;
	s15 =	simm.s32 $0x300  }
.LBB2_1:
0x11: {  	[spmem:s12], [sflag:s7] =	dma.local [hbm:s2], $0x2780  }
0x12: {  	_ =	swait.ge [sflag:s13], $0x2780  }
0x13: {  	[sflag:s13] =	ssyncset.done $0x0  }
0x14: {  	[sflag:s13] =	ssyncadd.s32 $0xFFFFD880  }
0x15: {  	[bflag:$0x0] =	sbarrier.arrive $0xFFFF  }
0x16: {  	[tilespmem:s4], [sflag:$0x4] =	stream.linear.gather [hbm4b:s6+s4], $0x100, $0x38;
	[tilespmem:$0x1FF00] =	vst v63  }
0x17: {  	_ =	swait.ge [sflag:s13], $0x100  }
0x18: {  	[sflag:s13] =	ssyncset.done $0x0  }
0x19: {  	[sflag:s13] =	ssyncadd.s32 $0xFFFFFF00  }
0x1a: {  	[tilespmem:s15], [sflag:$0x1] =	stream.indirect.gather [hbm4b:s5+s14], $0x80, s4, s14, $0xb8;
	[tilespmem:$0x1FF00] =	vst v63  }
0x1b: {  	s19 =	sadd.s32 $0x0, s0  }
0x1c: {  	[tilespmem:s16], [sflag:$0x4] =	stream.linear.gather [hbm4b:s8+s4], $0x100, $0x38;
	[tilespmem:$0x1FF00] =	vst v63  }
0x1d: {  	s20 =	sadd.s32 $0x20, s19;
	_ =	swait.ge [sflag:s13], $0x100  }
0x1e: {  	p0 =	sgt.u32 s20, $0x9C3;
	[sflag:s13] =	ssyncset.done $0x0  }
0x1f: {  	s20 =	sadd.s32 @!p0 $0xFFFFF800, s11;
	[sflag:s13] =	ssyncadd.s32 $0xFFFFFF00  }
0x20: {  	[tilespmem:s17], [sflag:$0x2] =	stream.indirect.gather [hbm4b:s5+s14], $0x80, s16, s14, $0xb8;
	[tilespmem:$0x1FF00] =	vst v63  }
0x21: {  	s21 =	simm.s32 @!p0 $0x0;
	s22 =	simm.s32 @!p0 $0x200;
	s23 =	simm.s32 @!p0 $0x5  }
0x22: {  	[tilespmem:s22], [sflag:$0x5] =	stream.linear.gather @!p0 [hbm4b:s20+s21], $0x100, $0x38;
	[tilespmem:$0x1FF00] =	vst v63  }
0x23: {  	_ =	swait.ge @!p0 [sflag:s23], $0x100;
	p0 =	por p0, p0  }
0x24: {  	[sflag:s23] =	ssyncset.done @!p0 $0x0;
	s29 =	rddreg [dreg:$0x4];
	s21 =	simm.s32 @!p0 $0x80  }
0x25: {  	[sflag:s23] =	ssyncadd.s32 @!p0 $0xFFFFFF00;
	s23 =	simm.s32 @!p0 $0x8300;
	p1 =	sle.u32 s29, $0x0  }
0x26: {  	[tilespmem:s23], [sflag:$0x3] =	stream.indirect.gather @!p0 [hbm4b:s5+s21], $0x80, s22, s21, $0xb8;
	[tilespmem:$0x1FF00] =	vst v63  }
0x27: {  	s20 =	simm.s32 @!p1 $0x1  }
0x28: {  	_ =	swait.ge @!p1 [sflag:s20], $0x4000  }
0x29: {  	s22 =	simm.s32 @!p1 $0x5;
	[sflag:s20] =	ssyncset.done @!p1 $0x0  }
0x2a: {  	s24 =	simm.s32 @!p1 $0x300;
	[sflag:s20] =	ssyncadd.s32 @!p1 $0xFFFFC000;
	s20 =	simm.s32 @!p1 $0x80  }
0x2b: {  	[spmem:s3] =	stream.indirect.scatter.add.f32 @!p1 [tilespmem:s24], [sflag:$0x5], $0x80, s20, s20, $0xb8;
	[tilespmem:$0x1FF00] =	vst v63  }
0x2c: {  	s30 =	sadd.s32 $0x30, s19;
	_ =	swait.ge @!p1 [sflag:s22], $0x4000  }
0x2d: {  	p2 =	sgt.u32 s30, $0x9C3;
	[sflag:s22] =	ssyncset.done @!p1 $0x0  }
0x2e: {  	s20 =	sadd.s32 @!p2 $0xFFFFFC00, s11;
	[sflag:s22] =	ssyncadd.s32 @!p1 $0xFFFFC000;
	s22 =	simm.s32 @!p2 $0x0  }
0x2f: {  	[tilespmem:s22], [sflag:$0x5] =	stream.linear.gather @!p2 [hbm4b:s20+s22], $0x100, $0x38;
	[tilespmem:$0x1FF00] =	vst v63  }
0x30: {  	s20 =	simm.s32 @!p2 $0x5  }
0x31: {  	_ =	swait.ge @!p2 [sflag:s20], $0x100  }
0x32: {  	s25 =	simm.s32 @!p2 $0x300;
	[sflag:s20] =	ssyncset.done @!p2 $0x0;
	s31 =	rddreg [dreg:$0x5]  }
0x33: {  	[sflag:s20] =	ssyncadd.s32 @!p2 $0xFFFFFF00;
	s20 =	simm.s32 @!p2 $0x80;
	p1 =	sle.u32 s31, $0x0  }
0x34: {  	[tilespmem:s25], [sflag:$0x1] =	stream.indirect.gather @!p2 [hbm4b:s5+s20], $0x80, s22, s20, $0xb8;
	[tilespmem:$0x1FF00] =	vst v63  }
0x35: {  	s20 =	simm.s32 @!p1 $0x2  }
0x36: {  	s19 =	sadd.s32 $0x40, s19;
	_ =	swait.ge @!p1 [sflag:s20], $0x4000  }
0x37: {  	s22 =	simm.s32 @!p1 $0x4300;
	s24 =	simm.s32 @!p1 $0x80;
	[sflag:s20] =	ssyncset.done @!p1 $0x0  }
0x38: {  	s25 =	simm.s32 @!p1 $0x180;
	[sflag:s20] =	ssyncadd.s32 @!p1 $0xFFFFC000;
	s20 =	simm.s32 @!p1 $0x5  }
0x39: {  	[spmem:s3] =	stream.indirect.scatter.add.f32 @!p1 [tilespmem:s22], [sflag:$0x5], $0x80, s25, s24, $0xb8;
	[tilespmem:$0x1FF00] =	vst v63  }
0x3a: {  	p2 =	sgt.u32 s19, $0x9C3;
	_ =	swait.ge @!p1 [sflag:s20], $0x4000  }
0x3b: {  	s19 =	simm.s32 @!p2 $0x0;
	[sflag:s20] =	ssyncset.done @!p1 $0x0  }
0x3c: {  	s22 =	simm.s32 @!p2 $0x100;
	[sflag:s20] =	ssyncadd.s32 @!p1 $0xFFFFC000;
	s20 =	simm.s32 @!p2 $0x5  }
0x3d: {  	[tilespmem:s22], [sflag:$0x5] =	stream.linear.gather @!p2 [hbm4b:s11+s19], $0x100, $0x38;
	[tilespmem:$0x1FF00] =	vst v63  }
0x3e: {  	_ =	swait.ge @!p2 [sflag:s20], $0x100  }
0x3f: {  	s24 =	simm.s32 @!p2 $0x80;
	[sflag:s20] =	ssyncset.done @!p2 $0x0  }
0x40: {  	s25 =	simm.s32 @!p0 $0x3;
	s19 =	simm.s32 @!p2 $0x4300;
	[sflag:s20] =	ssyncadd.s32 @!p2 $0xFFFFFF00  }
0x41: {  	[tilespmem:s19], [sflag:$0x2] =	stream.indirect.gather @!p2 [hbm4b:s5+s24], $0x80, s22, s24, $0xb8;
	[tilespmem:$0x1FF00] =	vst v63  }
0x42: {  	s28 =	simm.s32 @!p0 $0x4;
	_ =	swait.ge @!p0 [sflag:s25], $0x4000  }
0x43: {  	s20 =	simm.s32 $0x30;
	s19 =	simm.s32 @!p0 $0x280;
	[sflag:s25] =	ssyncset.done @!p0 $0x0  }
0x44: {  	s22 =	simm.s32 $0x60;
	[sflag:s25] =	ssyncadd.s32 @!p0 $0xFFFFC000;
	s25 =	sadd.s32 $0x30, s0  }
0x45: {  	[spmem:s3] =	stream.indirect.scatter.add.f32 @!p0 [tilespmem:s23], [sflag:$0x4], $0x80, s19, s21, $0xb8;
	[tilespmem:$0x1FF00] =	vst v63  }
0x46: {  	s19 =	sadd.s32 $0xC00, s11;
	s26 =	sadd.s32 $0x20, s25;
	s21 =	sadd.s32 $0x40, s25  }
.LBB2_2:
0x47: {  	p2 =	sgt.u32 s26, $0x9C3;
	_ =	swait.ge @!p0 [sflag:s28], $0x4000  }
0x48: {  	s23 =	sadd.s32 @!p2 $0xFFFFF800, s19;
	s24 =	simm.s32 @!p2 $0x0;
	[sflag:s28] =	ssyncset.done @!p0 $0x0  }
0x49: {  	s29 =	simm.s32 @!p2 $0x200;
	s30 =	simm.s32 @!p2 $0x5;
	[sflag:s28] =	ssyncadd.s32 @!p0 $0xFFFFC000  }
0x4a: {  	[tilespmem:s29], [sflag:$0x5] =	stream.linear.gather @!p2 [hbm4b:s23+s24], $0x100, $0x38;
	[tilespmem:$0x1FF00] =	vst v63  }
0x4b: {  	p0 =	por p2, p2;
	_ =	swait.ge @!p2 [sflag:s30], $0x100  }
0x4c: {  	s23 =	simm.s32 @!p0 $0x80;
	[sflag:s30] =	ssyncset.done @!p0 $0x0;
	s28 =	rddreg [dreg:$0x4]  }
0x4d: {  	s24 =	simm.s32 @!p0 $0x8300;
	[sflag:s30] =	ssyncadd.s32 @!p0 $0xFFFFFF00;
	p2 =	sge.u32 s20, s28  }
0x4e: {  	[tilespmem:s24], [sflag:$0x3] =	stream.indirect.gather @!p0 [hbm4b:s5+s23], $0x80, s29, s23, $0xb8;
	[tilespmem:$0x1FF00] =	vst v63  }
0x4f: {  	s28 =	simm.s32 @!p2 $0x1  }
0x50: {  	_ =	swait.ge @!p2 [sflag:s28], $0x4000  }
0x51: {  	s29 =	simm.s32 @!p2 $0x5;
	[sflag:s28] =	ssyncset.done @!p2 $0x0  }
0x52: {  	s30 =	simm.s32 @!p2 $0x300;
	[sflag:s28] =	ssyncadd.s32 @!p2 $0xFFFFC000;
	s28 =	simm.s32 @!p2 $0x80  }
0x53: {  	[spmem:s3] =	stream.indirect.scatter.add.f32 @!p2 [tilespmem:s30], [sflag:$0x5], $0x80, s28, s28, $0xb8;
	[tilespmem:$0x1FF00] =	vst v63  }
0x54: {  	s25 =	sadd.s32 $0x30, s25;
	_ =	swait.ge @!p2 [sflag:s29], $0x4000  }
0x55: {  	p3 =	sgt.u32 s25, $0x9C3;
	[sflag:s29] =	ssyncset.done @!p2 $0x0  }
0x56: {  	s25 =	sadd.s32 @!p3 $0xFFFFFC00, s19;
	s28 =	simm.s32 @!p3 $0x0;
	[sflag:s29] =	ssyncadd.s32 @!p2 $0xFFFFC000  }
0x57: {  	[tilespmem:s28], [sflag:$0x5] =	stream.linear.gather @!p3 [hbm4b:s25+s28], $0x100, $0x38;
	[tilespmem:$0x1FF00] =	vst v63  }
0x58: {  	s25 =	simm.s32 @!p3 $0x5  }
0x59: {  	_ =	swait.ge @!p3 [sflag:s25], $0x100  }
0x5a: {  	s30 =	simm.s32 @!p3 $0x300;
	[sflag:s25] =	ssyncset.done @!p3 $0x0;
	s31 =	rddreg [dreg:$0x5]  }
0x5b: {  	[sflag:s25] =	ssyncadd.s32 @!p3 $0xFFFFFF00;
	s25 =	simm.s32 @!p3 $0x80;
	p2 =	sge.u32 s20, s31  }
0x5c: {  	[tilespmem:s30], [sflag:$0x1] =	stream.indirect.gather @!p3 [hbm4b:s5+s25], $0x80, s28, s25, $0xb8;
	[tilespmem:$0x1FF00] =	vst v63  }
0x5d: {  	s26 =	smov.u32 s22;
	s25 =	simm.s32 @!p2 $0x2  }
0x5e: {  	s20 =	smov.u32 s26;
	_ =	swait.ge @!p2 [sflag:s25], $0x4000  }
0x5f: {  	s26 =	simm.s32 @!p2 $0x4300;
	s28 =	simm.s32 @!p2 $0x80;
	[sflag:s25] =	ssyncset.done @!p2 $0x0  }
0x60: {  	s29 =	simm.s32 @!p2 $0x180;
	[sflag:s25] =	ssyncadd.s32 @!p2 $0xFFFFC000;
	s25 =	simm.s32 @!p2 $0x5  }
0x61: {  	[spmem:s3] =	stream.indirect.scatter.add.f32 @!p2 [tilespmem:s26], [sflag:$0x5], $0x80, s29, s28, $0xb8;
	[tilespmem:$0x1FF00] =	vst v63  }
0x62: {  	p3 =	sgt.u32 s21, $0x9C3;
	_ =	swait.ge @!p2 [sflag:s25], $0x4000  }
0x63: {  	s21 =	simm.s32 @!p3 $0x0;
	[sflag:s25] =	ssyncset.done @!p2 $0x0  }
0x64: {  	s26 =	simm.s32 @!p3 $0x100;
	[sflag:s25] =	ssyncadd.s32 @!p2 $0xFFFFC000;
	s25 =	simm.s32 @!p3 $0x5  }
0x65: {  	[tilespmem:s26], [sflag:$0x5] =	stream.linear.gather @!p3 [hbm4b:s19+s21], $0x100, $0x38;
	[tilespmem:$0x1FF00] =	vst v63  }
0x66: {  	s22 =	sadd.s32 $0x30, s22;
	_ =	swait.ge @!p3 [sflag:s25], $0x100  }
0x67: {  	p1 =	sne.s32 s22, $0x9F0;
	[sflag:s25] =	ssyncset.done @!p3 $0x0  }
0x68: {  	s28 =	simm.s32 @!p3 $0x80;
	s21 =	simm.s32 @!p3 $0x4300;
	[sflag:s25] =	ssyncadd.s32 @!p3 $0xFFFFFF00  }
0x69: {  	[tilespmem:s21], [sflag:$0x2] =	stream.indirect.gather @!p3 [hbm4b:s5+s28], $0x80, s26, s28, $0xb8;
	[tilespmem:$0x1FF00] =	vst v63  }
.Ltmp0:
0x6a: {  	s29 =	simm.s32 @!p0 $0x3;
	(pc) =	sbr.rel @p1 .LBB2_2-.Ltmp0, $4  }
0x6b: {  	s30 =	simm.s32 @!p0 $0x280;
	s19 =	sadd.s32 $0xC00, s19;
	_ =	swait.ge @!p0 [sflag:s29], $0x4000  }
0x6c: {  	s25 =	sadd.s32 s20, s0;
	s28 =	simm.s32 @!p0 $0x4;
	[sflag:s29] =	ssyncset.done @!p0 $0x0  }
0x6d: {  	s26 =	sadd.s32 $0x20, s25;
	s21 =	sadd.s32 $0x40, s25;
	[sflag:s29] =	ssyncadd.s32 @!p0 $0xFFFFC000  }
0x6e: {  	[spmem:s3] =	stream.indirect.scatter.add.f32 @!p0 [tilespmem:s24], [sflag:$0x4], $0x80, s30, s23, $0xb8;
	[tilespmem:$0x1FF00] =	vst v63  }
0x6f: {  	p1 =	sgt.u32 s26, $0x9C3;
	_ =	swait.ge @!p0 [sflag:s28], $0x4000  }
0x70: {  	s22 =	sadd.s32 @!p1 $0xFFFFF800, s19;
	s23 =	simm.s32 @!p1 $0x0;
	[sflag:s28] =	ssyncset.done @!p0 $0x0  }
0x71: {  	s24 =	simm.s32 @!p1 $0x200;
	s26 =	simm.s32 @!p1 $0x5;
	[sflag:s28] =	ssyncadd.s32 @!p0 $0xFFFFC000  }
0x72: {  	[tilespmem:s24], [sflag:$0x5] =	stream.linear.gather @!p1 [hbm4b:s22+s23], $0x100, $0x38;
	[tilespmem:$0x1FF00] =	vst v63  }
0x73: {  	p0 =	por p1, p1;
	_ =	swait.ge @!p1 [sflag:s26], $0x100  }
0x74: {  	s23 =	simm.s32 @!p0 $0x80;
	[sflag:s26] =	ssyncset.done @!p0 $0x0;
	s29 =	rddreg [dreg:$0x4]  }
0x75: {  	[sflag:s26] =	ssyncadd.s32 @!p0 $0xFFFFFF00;
	s26 =	simm.s32 @!p0 $0x8300;
	p1 =	sge.u32 s20, s29  }
0x76: {  	[tilespmem:s26], [sflag:$0x3] =	stream.indirect.gather @!p0 [hbm4b:s5+s23], $0x80, s24, s23, $0xb8;
	[tilespmem:$0x1FF00] =	vst v63  }
0x77: {  	s22 =	simm.s32 @!p1 $0x1  }
0x78: {  	_ =	swait.ge @!p1 [sflag:s22], $0x4000  }
0x79: {  	s24 =	simm.s32 @!p1 $0x5;
	[sflag:s22] =	ssyncset.done @!p1 $0x0  }
0x7a: {  	s28 =	simm.s32 @!p1 $0x300;
	[sflag:s22] =	ssyncadd.s32 @!p1 $0xFFFFC000;
	s22 =	simm.s32 @!p1 $0x80  }
0x7b: {  	[spmem:s3] =	stream.indirect.scatter.add.f32 @!p1 [tilespmem:s28], [sflag:$0x5], $0x80, s22, s22, $0xb8;
	[tilespmem:$0x1FF00] =	vst v63  }
0x7c: {  	s30 =	sadd.s32 $0x30, s25;
	_ =	swait.ge @!p1 [sflag:s24], $0x4000  }
0x7d: {  	p2 =	sgt.u32 s30, $0x9C3;
	[sflag:s24] =	ssyncset.done @!p1 $0x0  }
0x7e: {  	s22 =	sadd.s32 @!p2 $0xFFFFFC00, s19;
	[sflag:s24] =	ssyncadd.s32 @!p1 $0xFFFFC000;
	s24 =	simm.s32 @!p2 $0x0  }
0x7f: {  	[tilespmem:s24], [sflag:$0x5] =	stream.linear.gather @!p2 [hbm4b:s22+s24], $0x100, $0x38;
	[tilespmem:$0x1FF00] =	vst v63  }
0x80: {  	s22 =	simm.s32 @!p2 $0x5  }
0x81: {  	_ =	swait.ge @!p2 [sflag:s22], $0x100  }
0x82: {  	s28 =	simm.s32 @!p2 $0x300;
	[sflag:s22] =	ssyncset.done @!p2 $0x0;
	s31 =	rddreg [dreg:$0x5]  }
0x83: {  	[sflag:s22] =	ssyncadd.s32 @!p2 $0xFFFFFF00;
	s22 =	simm.s32 @!p2 $0x80;
	p1 =	sge.u32 s20, s31  }
0x84: {  	[tilespmem:s28], [sflag:$0x1] =	stream.indirect.gather @!p2 [hbm4b:s5+s22], $0x80, s24, s22, $0xb8;
	[tilespmem:$0x1FF00] =	vst v63  }
0x85: {  	s20 =	simm.s32 @!p1 $0x2  }
0x86: {  	_ =	swait.ge @!p1 [sflag:s20], $0x4000  }
0x87: {  	s22 =	simm.s32 @!p1 $0x4300;
	s24 =	simm.s32 @!p1 $0x80;
	[sflag:s20] =	ssyncset.done @!p1 $0x0  }
0x88: {  	s25 =	simm.s32 @!p1 $0x180;
	[sflag:s20] =	ssyncadd.s32 @!p1 $0xFFFFC000;
	s20 =	simm.s32 @!p1 $0x5  }
0x89: {  	[spmem:s3] =	stream.indirect.scatter.add.f32 @!p1 [tilespmem:s22], [sflag:$0x5], $0x80, s25, s24, $0xb8;
	[tilespmem:$0x1FF00] =	vst v63  }
0x8a: {  	p2 =	sgt.u32 s21, $0x9C3;
	_ =	swait.ge @!p1 [sflag:s20], $0x4000  }
0x8b: {  	s21 =	simm.s32 @!p2 $0x0;
	[sflag:s20] =	ssyncset.done @!p1 $0x0  }
0x8c: {  	s22 =	simm.s32 @!p2 $0x100;
	[sflag:s20] =	ssyncadd.s32 @!p1 $0xFFFFC000;
	s20 =	simm.s32 @!p2 $0x5  }
0x8d: {  	[tilespmem:s22], [sflag:$0x5] =	stream.linear.gather @!p2 [hbm4b:s19+s21], $0x100, $0x38;
	[tilespmem:$0x1FF00] =	vst v63  }
0x8e: {  	_ =	swait.ge @!p2 [sflag:s20], $0x100  }
0x8f: {  	s24 =	simm.s32 @!p0 $0x3;
	[sflag:s20] =	ssyncset.done @!p2 $0x0  }
0x90: {  	s19 =	simm.s32 @!p2 $0x4300;
	s21 =	simm.s32 @!p2 $0x80;
	[sflag:s20] =	ssyncadd.s32 @!p2 $0xFFFFFF00  }
0x91: {  	[tilespmem:s19], [sflag:$0x2] =	stream.indirect.gather @!p2 [hbm4b:s5+s21], $0x80, s22, s21, $0xb8;
	[tilespmem:$0x1FF00] =	vst v63  }
0x92: {  	_ =	swait.ge @!p0 [sflag:s24], $0x4000  }
0x93: {  	[sflag:s24] =	ssyncset.done @!p0 $0x0  }
0x94: {  	s20 =	simm.s32 @!p0 $0x4;
	s19 =	simm.s32 @!p0 $0x280;
	[sflag:s24] =	ssyncadd.s32 @!p0 $0xFFFFC000  }
0x95: {  	[spmem:s3] =	stream.indirect.scatter.add.f32 @!p0 [tilespmem:s26], [sflag:$0x4], $0x80, s19, s23, $0xb8;
	[tilespmem:$0x1FF00] =	vst v63  }
0x96: {  	_ =	swait.ge @!p0 [sflag:s20], $0x4000  }
0x97: {  	s18 =	sadd.s32 $0x1, s18;
	[sflag:s20] =	ssyncset.done @!p0 $0x0  }
0x98: {  	[sflag:s20] =	ssyncadd.s32 @!p0 $0xFFFFC000;
	p0 =	sne.s32 s18, s10  }
.Ltmp1:
0x99: {  	[bflag:$0x0] =	sbarrier.arrive $0xFFFF;
	(pc) =	sbr.rel @p0 .LBB2_1-.Ltmp1, $4  }
0x9a: {  	[hbm:s9], [sflag:s7] =	dma.local [spmem:s12], $0x2780  }
0x9b: {  	_ =	swait.ge [sflag:s13], $0x2780  }
0x9c: {  	[sflag:s13] =	ssyncset.done $0x0  }
0x9d: {  	[sflag:s13] =	ssyncadd.s32 $0xFFFFD880  }
0x9e: {  	_ =	sfence.sel $0x180000  }
0x9f: {  	[bflag:$0x0] =	sbarrier.arrive $0xFFFF  }
0xa0: {  	p0 =	sne.s32 s0, $0x0;
	_ =	strace $0x90000053  }
0xa1: {  	s0 =	sadd.s32 @!p0 $0x100000, s1;
	[bflag:$0x2] =	sbarrier.arrive $0xFFFF  }
0xa2: {  	[sflag:s0] =	ssyncadd.tile.s32 @!p0 $0x1;
	_ =	shalt  }
.Lfunc_end2:
_tile_overlayer_lowered:
.L_overlay_start_2:
0xa3: {  	(tag) =	ssettag $0x2  }
0xa4: {  	s0 =	rddreg [dreg:$0x0];
	s2 =	stileid.u32  }
0xa5: {  	s1 =	rddreg [dreg:$0x1];
	p0 =	sne.s32 s2, $0x0  }
0xa6: {  	s3 =	rddreg [dreg:$0x2];
	[bflag:$0x3] =	sbarrier.arrive $0xFFFF;
	s2 =	simm.s32 @!p0 $0x1C04  }
0xa7: {  	[timem:s3], [sflag:s2] =	dma.local @!p0 [hbm:s0], s1  }
0xa8: {  	s0 =	simm.s32 @!p0 $0x4  }
0xa9: {  	_ =	swait.ge @!p0 [sflag:s0], s1  }
0xaa: {  	s1 =	ssub.s32 @!p0 $0x0, s1;
	[sflag:s0] =	ssyncset.done @!p0 $0x0  }
0xab: {  	[sflag:s0] =	ssyncadd.s32 @!p0 s1  }
0xac: {  	[bflag:$0x3] =	sbarrier.arrive $0xFFFF  }
0xad: {  	_ =	shalt  }

</sc_bundles>
